<compile_context>
chip_gen: v7x
topology: tpu7x:2x2x1
jax: 0.10.2.dev20260603
libtpu: 0.0.44.dev20260713+nightly
codegen_flags: <defaults>
</compile_context>

<pallas_src>
import functools

import jax
import jax.numpy as jnp
from jax import lax
from jax.experimental import pallas as pl
from jax.experimental.pallas import tpu as pltpu
from jax.experimental.pallas import tpu_sc as plsc

_VOCAB1 = 1000001
_D = 8
_B = 16384
_H1 = 64
_H2 = 32

_CHUNK = 128
_LANES = 16

_RBLK = 131072
_RGRID = (_VOCAB1 + _RBLK - 1) // _RBLK
_FLAT = _RGRID * _RBLK * _D


def _reformat_body(tabt_ref, out_ref):
    x = tabt_ref[...]
    out_ref[...] = x.reshape(_D, _RBLK // 128, 128).transpose(1, 0, 2).reshape(
        _RBLK * _D
    )


def _reformat(tabt):
    return pl.pallas_call(
        _reformat_body,
        grid=(_RGRID,),
        in_specs=[pl.BlockSpec((_D, _RBLK), lambda i: (0, i))],
        out_specs=pl.BlockSpec((_RBLK * _D,), lambda i: (i,)),
        out_shape=jax.ShapeDtypeStruct((_FLAT,), jnp.float32),
    )(tabt)


def _gather_fn():
    info = plsc.get_sparse_core_info()
    nc, ns = info.num_cores, info.num_subcores
    nw = nc * ns
    b_per_w = _B // nw
    n_elem = b_per_w * _D
    n_chunks = n_elem // _CHUNK
    mesh = plsc.VectorSubcoreMesh(core_axis_name="c", subcore_axis_name="s")

    @functools.partial(
        pl.kernel,
        mesh=mesh,
        out_type=jax.ShapeDtypeStruct((_D * _B,), jnp.float32),
        scratch_types=[
            pltpu.VMEM((b_per_w,), jnp.int32),
            pltpu.VMEM((n_elem,), jnp.int32),
            pltpu.VMEM((n_elem,), jnp.float32),
            pltpu.SemaphoreType.DMA,
        ],
    )
    def gather(idx_hbm, tab_hbm, out_hbm, idx_v, pos_v, rows_v, sem):
        wid = lax.axis_index("s") * nc + lax.axis_index("c")
        base = wid * b_per_w
        pltpu.sync_copy(idx_hbm.at[pl.ds(base, b_per_w)], idx_v)
        for c in range(b_per_w // _LANES):
            v = idx_v[pl.ds(c * _LANES, _LANES)]
            p0 = lax.shift_left(lax.shift_right_logical(v, 7), 10) + lax.bitwise_and(
                v, 127
            )
            for j in range(_D):
                pos_v[pl.ds(j * b_per_w + c * _LANES, _LANES)] = p0 + j * 128
        copies = []
        for c in range(n_chunks):
            copies.append(
                pltpu.async_copy(
                    tab_hbm.at[pos_v.at[pl.ds(c * _CHUNK, _CHUNK)]],
                    rows_v.at[pl.ds(c * _CHUNK, _CHUNK)],
                    sem,
                )
            )
        for cp in copies:
            cp.wait()
        outs = []
        for j in range(_D):
            outs.append(
                pltpu.async_copy(
                    rows_v.at[pl.ds(j * b_per_w, b_per_w)],
                    out_hbm.at[pl.ds(j * _B + base, b_per_w)],
                    sem,
                )
            )
        for cp in outs:
            cp.wait()

    return gather


_gather = _gather_fn()


def _mlp_body(embt_ref, w1t_ref, b1_ref, w2t_ref, b2_ref, outt_ref):
    embt = embt_ref[...]
    h = jnp.dot(w1t_ref[...], embt, preferred_element_type=jnp.float32)
    h = jnp.maximum(h + b1_ref[...], 0.0)
    o = jnp.dot(w2t_ref[...], h, preferred_element_type=jnp.float32)
    outt_ref[...] = o + b2_ref[...]


def _mlp(embt, w1t, b1, w2t, b2):
    nblk = 8
    bn = _B // nblk
    return pl.pallas_call(
        _mlp_body,
        grid=(nblk,),
        in_specs=[
            pl.BlockSpec((_D, bn), lambda i: (0, i)),
            pl.BlockSpec((_H1, _D), lambda i: (0, 0)),
            pl.BlockSpec((_H1, 1), lambda i: (0, 0)),
            pl.BlockSpec((_H2, _H1), lambda i: (0, 0)),
            pl.BlockSpec((_H2, 1), lambda i: (0, 0)),
        ],
        out_specs=pl.BlockSpec((_H2, bn), lambda i: (0, i)),
        out_shape=jax.ShapeDtypeStruct((_H2, _B), jnp.float32),
    )(embt, w1t, b1, w2t, b2)


def kernel(indices, table, W1, b1, W2, b2):
    tab_flat = _reformat(table.T)
    embt = _gather(indices.astype(jnp.int32), tab_flat).reshape(_D, _B)
    outt = _mlp(
        embt,
        W1.T,
        b1.reshape(_H1, 1),
        W2.T,
        b2.reshape(_H2, 1),
    )
    return outt.T

# --- scband reference (transcript-rebuilt; emitter-appended) ---
"""Pipeline reference for scband-candidate-model-29841432772853 (READ-ONLY COPY).

The authoritative reference and input builder live on the scoring server;
editing this copy changes nothing except your own understanding.
"""

import jax, jax.numpy as jnp
import numpy as np

VOCAB = 1000000
EMBED_DIM = 8
BATCH = 16384
LAYER_SIZES = [64, 32]

def setup_inputs(seed: int = 0) -> dict:
    key = jax.random.key(seed)
    k_idx, k_tab, k_w1, k_b1, k_w2, k_b2 = jax.random.split(key, 6)
    indices = jax.random.randint(k_idx, (BATCH,), 0, VOCAB + 1, dtype=jnp.int64 if jax.config.jax_enable_x64 else jnp.int32)
    # Embedding table: (len(unique_items) + 1, item_embed_dim), uniform init like keras 'uniform'
    table = jax.random.uniform(k_tab, (VOCAB + 1, EMBED_DIM), dtype=jnp.float32, minval=-0.05, maxval=0.05)
    # Dense layers: Dense(64, relu), Dense(32)
    W1 = jax.random.normal(k_w1, (EMBED_DIM, LAYER_SIZES[0]), dtype=jnp.float32) * (1.0 / np.sqrt(EMBED_DIM))
    b1 = jnp.zeros((LAYER_SIZES[0],), dtype=jnp.float32)
    W2 = jax.random.normal(k_w2, (LAYER_SIZES[0], LAYER_SIZES[1]), dtype=jnp.float32) * (1.0 / np.sqrt(LAYER_SIZES[0]))
    b2 = jnp.zeros((LAYER_SIZES[1],), dtype=jnp.float32)
    return {"indices": indices, "table": table, "W1": W1, "b1": b1, "W2": W2, "b2": b2}

def reference(indices, table, W1, b1, W2, b2):
    # ItemModel: StringLookup (modeled as precomputed integer ids) -> Embedding lookup
    emb = jnp.take(table, indices, axis=0)  # [B, 8]
    # tf.concat([emb], axis=1) is identity
    feature_embedding = emb
    # dense_layers: Dense(64, relu) -> Dense(32)
    h = jax.nn.relu(feature_embedding @ W1 + b1)
    out = h @ W2 + b2
    return out

if __name__ == "__main__":
    import jax
    _d = setup_inputs()
    print(jax.jit(kernel)(*tuple(_d.values())))

</pallas_src>

<mosaic_0001>
#map = affine_map<(d0, d1) -> (0)>
module attributes {stable_mosaic.version = 14 : i64} {
  func.func @gather(%arg0: i32, %arg1: i32, %arg2: memref<16384xi32, #tpu.memory_space<hbm>>, %arg3: memref<8388608xf32, #tpu.memory_space<hbm>>, %arg4: memref<131072xf32, #tpu.memory_space<hbm>>, %arg5: memref<512xi32, #tpu.memory_space<vmem>>, %arg6: memref<4096xi32, #tpu.memory_space<vmem>>, %arg7: memref<4096xf32, #tpu.memory_space<vmem>>, %arg8: memref<!tpu.dma_semaphore, #tpu.memory_space<semaphore_mem>>) attributes {dimension_semantics = [#tpu.dimension_semantics<core_parallel>, #tpu.dimension_semantics<subcore_parallel>], iteration_bounds = array<i64: 2, 16>, scalar_prefetch = 0 : i64, scratch_operands = 4 : i64, tpu.core_type = #tpu.core_type<sc_vector_subcore>, window_params = [{transform_indices = #map}, {transform_indices = #map}, {transform_indices = #map}]} {
    %mul3A = arith.constant 2 : i32
    %mul3A_0 = arith.muli %arg1, %mul3A : i32
    %add3A = arith.addi %mul3A_0, %arg0 : i32
    %mul3A_1 = arith.constant 512 : i32
    %mul3A_2 = arith.muli %add3A, %mul3A_1 : i32
    "tpu.region"() ({
      %run_scoped3A = tpu.sem_alloc : memref<!tpu.dma_semaphore, #tpu.memory_space<semaphore_mem>>
      %dma_start3A_2700 = tpu.memref_slice %arg2[%mul3A_2] : memref<16384xi32, #tpu.memory_space<hbm>> -> memref<512xi32, #tpu.memory_space<hbm>>
      %dma_start3A_2701 = tpu.memref_slice %arg2[%mul3A_2] : memref<16384xi32, #tpu.memory_space<hbm>> -> memref<512xi32, #tpu.memory_space<hbm>>
      tpu.enqueue_dma source(%dma_start3A_2701 : memref<512xi32, #tpu.memory_space<hbm>>) target(%arg5 : memref<512xi32, #tpu.memory_space<vmem>>) target_semaphore(%run_scoped3A : memref<!tpu.dma_semaphore, #tpu.memory_space<semaphore_mem>>)
      %dma_wait3A_2702 = tpu.memref_slice %arg2[%mul3A_2] : memref<16384xi32, #tpu.memory_space<hbm>> -> memref<512xi32, #tpu.memory_space<hbm>>
      %dma_wait3A_2703 = tpu.memref_slice %arg2[%mul3A_2] : memref<16384xi32, #tpu.memory_space<hbm>> -> memref<512xi32, #tpu.memory_space<hbm>>
      tpu.wait_dma2 semaphore(%run_scoped3A : memref<!tpu.dma_semaphore, #tpu.memory_space<semaphore_mem>>) src(%dma_wait3A_2703 : memref<512xi32, #tpu.memory_space<hbm>>) dst(%arg5 : memref<512xi32, #tpu.memory_space<vmem>>)
      tpu.yield
    }) : () -> ()
    %get3A = arith.constant 0 : index
    %get3A_3 = tpu.vector_load %arg5[%get3A] {strides = array<i32>} : memref<512xi32, #tpu.memory_space<vmem>>, vector<16xi32>,
    %get3A_4 = vector.shape_cast %get3A_3 : vector<16xi32> to vector<16xi32>
    %shift_right_logical3A = arith.constant 7 : i32
    %shift_right_logical3A_5 = vector.broadcast %shift_right_logical3A : i32 to vector<16xi32>
    %shift_right_logical3A_6 = arith.shrui %get3A_4, %shift_right_logical3A_5 : vector<16xi32>
    %shift_left3A = arith.constant 10 : i32
    %shift_left3A_7 = vector.broadcast %shift_left3A : i32 to vector<16xi32>
    %shift_left3A_8 = arith.shli %shift_right_logical3A_6, %shift_left3A_7 : vector<16xi32>
    %and3A = arith.constant 127 : i32
    %and3A_9 = vector.broadcast %and3A : i32 to vector<16xi32>
    %and3A_10 = arith.andi %get3A_4, %and3A_9 : vector<16xi32>
    %add3A_11 = arith.addi %shift_left3A_8, %and3A_10 : vector<16xi32>
    %add3A_12 = arith.constant 0 : i32
    %add3A_13 = vector.broadcast %add3A_12 : i32 to vector<16xi32>
    %add3A_14 = arith.addi %add3A_11, %add3A_13 : vector<16xi32>
    %swap3A = arith.constant 0 : index
    %swap3A_15 = tpu.vector_load %arg6[%swap3A] {strides = array<i32>} : memref<4096xi32, #tpu.memory_space<vmem>>, vector<16xi32>,
    %swap3A_16 = vector.shape_cast %swap3A_15 : vector<16xi32> to vector<16xi32>
    %swap3A_17 = vector.shape_cast %add3A_14 : vector<16xi32> to vector<16xi32>
    tpu.vector_store %arg6[%swap3A], %swap3A_17 {strides = array<i32>} : memref<4096xi32, #tpu.memory_space<vmem>>, vector<16xi32>,
    %add3A_18 = arith.constant 128 : i32
    %add3A_19 = vector.broadcast %add3A_18 : i32 to vector<16xi32>
    %add3A_20 = arith.addi %add3A_11, %add3A_19 : vector<16xi32>
    %swap3A_21 = arith.constant 512 : index
    %swap3A_22 = tpu.vector_load %arg6[%swap3A_21] {strides = array<i32>} : memref<4096xi32, #tpu.memory_space<vmem>>, vector<16xi32>,
    %swap3A_23 = vector.shape_cast %swap3A_22 : vector<16xi32> to vector<16xi32>
    %swap3A_24 = vector.shape_cast %add3A_20 : vector<16xi32> to vector<16xi32>
    tpu.vector_store %arg6[%swap3A_21], %swap3A_24 {strides = array<i32>} : memref<4096xi32, #tpu.memory_space<vmem>>, vector<16xi32>,
    %add3A_25 = arith.constant 256 : i32
    %add3A_26 = vector.broadcast %add3A_25 : i32 to vector<16xi32>
    %add3A_27 = arith.addi %add3A_11, %add3A_26 : vector<16xi32>
    %swap3A_28 = arith.constant 1024 : index
    %swap3A_29 = tpu.vector_load %arg6[%swap3A_28] {strides = array<i32>} : memref<4096xi32, #tpu.memory_space<vmem>>, vector<16xi32>,
    %swap3A_30 = vector.shape_cast %swap3A_29 : vector<16xi32> to vector<16xi32>
    %swap3A_31 = vector.shape_cast %add3A_27 : vector<16xi32> to vector<16xi32>
    tpu.vector_store %arg6[%swap3A_28], %swap3A_31 {strides = array<i32>} : memref<4096xi32, #tpu.memory_space<vmem>>, vector<16xi32>,
    %add3A_32 = arith.constant 384 : i32
    %add3A_33 = vector.broadcast %add3A_32 : i32 to vector<16xi32>
    %add3A_34 = arith.addi %add3A_11, %add3A_33 : vector<16xi32>
    %swap3A_35 = arith.constant 1536 : index
    %swap3A_36 = tpu.vector_load %arg6[%swap3A_35] {strides = array<i32>} : memref<4096xi32, #tpu.memory_space<vmem>>, vector<16xi32>,
    %swap3A_37 = vector.shape_cast %swap3A_36 : vector<16xi32> to vector<16xi32>
    %swap3A_38 = vector.shape_cast %add3A_34 : vector<16xi32> to vector<16xi32>
    tpu.vector_store %arg6[%swap3A_35], %swap3A_38 {strides = array<i32>} : memref<4096xi32, #tpu.memory_space<vmem>>, vector<16xi32>,
    %add3A_39 = arith.constant 512 : i32
    %add3A_40 = vector.broadcast %add3A_39 : i32 to vector<16xi32>
    %add3A_41 = arith.addi %add3A_11, %add3A_40 : vector<16xi32>
    %swap3A_42 = arith.constant 2048 : index
    %swap3A_43 = tpu.vector_load %arg6[%swap3A_42] {strides = array<i32>} : memref<4096xi32, #tpu.memory_space<vmem>>, vector<16xi32>,
    %swap3A_44 = vector.shape_cast %swap3A_43 : vector<16xi32> to vector<16xi32>
    %swap3A_45 = vector.shape_cast %add3A_41 : vector<16xi32> to vector<16xi32>
    tpu.vector_store %arg6[%swap3A_42], %swap3A_45 {strides = array<i32>} : memref<4096xi32, #tpu.memory_space<vmem>>, vector<16xi32>,
    %add3A_46 = arith.constant 640 : i32
    %add3A_47 = vector.broadcast %add3A_46 : i32 to vector<16xi32>
    %add3A_48 = arith.addi %add3A_11, %add3A_47 : vector<16xi32>
    %swap3A_49 = arith.constant 2560 : index
    %swap3A_50 = tpu.vector_load %arg6[%swap3A_49] {strides = array<i32>} : memref<4096xi32, #tpu.memory_space<vmem>>, vector<16xi32>,
    %swap3A_51 = vector.shape_cast %swap3A_50 : vector<16xi32> to vector<16xi32>
    %swap3A_52 = vector.shape_cast %add3A_48 : vector<16xi32> to vector<16xi32>
    tpu.vector_store %arg6[%swap3A_49], %swap3A_52 {strides = array<i32>} : memref<4096xi32, #tpu.memory_space<vmem>>, vector<16xi32>,
    %add3A_53 = arith.constant 768 : i32
    %add3A_54 = vector.broadcast %add3A_53 : i32 to vector<16xi32>
    %add3A_55 = arith.addi %add3A_11, %add3A_54 : vector<16xi32>
    %swap3A_56 = arith.constant 3072 : index
    %swap3A_57 = tpu.vector_load %arg6[%swap3A_56] {strides = array<i32>} : memref<4096xi32, #tpu.memory_space<vmem>>, vector<16xi32>,
    %swap3A_58 = vector.shape_cast %swap3A_57 : vector<16xi32> to vector<16xi32>
    %swap3A_59 = vector.shape_cast %add3A_55 : vector<16xi32> to vector<16xi32>
    tpu.vector_store %arg6[%swap3A_56], %swap3A_59 {strides = array<i32>} : memref<4096xi32, #tpu.memory_space<vmem>>, vector<16xi32>,
    %add3A_60 = arith.constant 896 : i32
    %add3A_61 = vector.broadcast %add3A_60 : i32 to vector<16xi32>
    %add3A_62 = arith.addi %add3A_11, %add3A_61 : vector<16xi32>
    %swap3A_63 = arith.constant 3584 : index
    %swap3A_64 = tpu.vector_load %arg6[%swap3A_63] {strides = array<i32>} : memref<4096xi32, #tpu.memory_space<vmem>>, vector<16xi32>,
    %swap3A_65 = vector.shape_cast %swap3A_64 : vector<16xi32> to vector<16xi32>
    %swap3A_66 = vector.shape_cast %add3A_62 : vector<16xi32> to vector<16xi32>
    tpu.vector_store %arg6[%swap3A_63], %swap3A_66 {strides = array<i32>} : memref<4096xi32, #tpu.memory_space<vmem>>, vector<16xi32>,
    %get3A_67 = arith.constant 16 : index
    %get3A_68 = tpu.vector_load %arg5[%get3A_67] {strides = array<i32>} : memref<512xi32, #tpu.memory_space<vmem>>, vector<16xi32>,
    %get3A_69 = vector.shape_cast %get3A_68 : vector<16xi32> to vector<16xi32>
    %shift_right_logical3A_70 = arith.constant 7 : i32
    %shift_right_logical3A_71 = vector.broadcast %shift_right_logical3A_70 : i32 to vector<16xi32>
    %shift_right_logical3A_72 = arith.shrui %get3A_69, %shift_right_logical3A_71 : vector<16xi32>
    %shift_left3A_73 = arith.constant 10 : i32
    %shift_left3A_74 = vector.broadcast %shift_left3A_73 : i32 to vector<16xi32>
    %shift_left3A_75 = arith.shli %shift_right_logical3A_72, %shift_left3A_74 : vector<16xi32>
    %and3A_76 = arith.constant 127 : i32
    %and3A_77 = vector.broadcast %and3A_76 : i32 to vector<16xi32>
    %and3A_78 = arith.andi %get3A_69, %and3A_77 : vector<16xi32>
    %add3A_79 = arith.addi %shift_left3A_75, %and3A_78 : vector<16xi32>
    %add3A_80 = arith.constant 0 : i32
    %add3A_81 = vector.broadcast %add3A_80 : i32 to vector<16xi32>
    %add3A_82 = arith.addi %add3A_79, %add3A_81 : vector<16xi32>
    %swap3A_83 = arith.constant 16 : index
    %swap3A_84 = tpu.vector_load %arg6[%swap3A_83] {strides = array<i32>} : memref<4096xi32, #tpu.memory_space<vmem>>, vector<16xi32>,
    %swap3A_85 = vector.shape_cast %swap3A_84 : vector<16xi32> to vector<16xi32>
    %swap3A_86 = vector.shape_cast %add3A_82 : vector<16xi32> to vector<16xi32>
    tpu.vector_store %arg6[%swap3A_83], %swap3A_86 {strides = array<i32>} : memref<4096xi32, #tpu.memory_space<vmem>>, vector<16xi32>,
    %add3A_87 = arith.constant 128 : i32
    %add3A_88 = vector.broadcast %add3A_87 : i32 to vector<16xi32>
    %add3A_89 = arith.addi %add3A_79, %add3A_88 : vector<16xi32>
    %swap3A_90 = arith.constant 528 : index
    %swap3A_91 = tpu.vector_load %arg6[%swap3A_90] {strides = array<i32>} : memref<4096xi32, #tpu.memory_space<vmem>>, vector<16xi32>,
    %swap3A_92 = vector.shape_cast %swap3A_91 : vector<16xi32> to vector<16xi32>
    %swap3A_93 = vector.shape_cast %add3A_89 : vector<16xi32> to vector<16xi32>
    tpu.vector_store %arg6[%swap3A_90], %swap3A_93 {strides = array<i32>} : memref<4096xi32, #tpu.memory_space<vmem>>, vector<16xi32>,
    %add3A_94 = arith.constant 256 : i32
    %add3A_95 = vector.broadcast %add3A_94 : i32 to vector<16xi32>
    %add3A_96 = arith.addi %add3A_79, %add3A_95 : vector<16xi32>
    %swap3A_97 = arith.constant 1040 : index
    %swap3A_98 = tpu.vector_load %arg6[%swap3A_97] {strides = array<i32>} : memref<4096xi32, #tpu.memory_space<vmem>>, vector<16xi32>,
    %swap3A_99 = vector.shape_cast %swap3A_98 : vector<16xi32> to vector<16xi32>
    %swap3A_100 = vector.shape_cast %add3A_96 : vector<16xi32> to vector<16xi32>
    tpu.vector_store %arg6[%swap3A_97], %swap3A_100 {strides = array<i32>} : memref<4096xi32, #tpu.memory_space<vmem>>, vector<16xi32>,
    %add3A_101 = arith.constant 384 : i32
    %add3A_102 = vector.broadcast %add3A_101 : i32 to vector<16xi32>
    %add3A_103 = arith.addi %add3A_79, %add3A_102 : vector<16xi32>
    %swap3A_104 = arith.constant 1552 : index
    %swap3A_105 = tpu.vector_load %arg6[%swap3A_104] {strides = array<i32>} : memref<4096xi32, #tpu.memory_space<vmem>>, vector<16xi32>,
    %swap3A_106 = vector.shape_cast %swap3A_105 : vector<16xi32> to vector<16xi32>
    %swap3A_107 = vector.shape_cast %add3A_103 : vector<16xi32> to vector<16xi32>
    tpu.vector_store %arg6[%swap3A_104], %swap3A_107 {strides = array<i32>} : memref<4096xi32, #tpu.memory_space<vmem>>, vector<16xi32>,
    %add3A_108 = arith.constant 512 : i32
    %add3A_109 = vector.broadcast %add3A_108 : i32 to vector<16xi32>
    %add3A_110 = arith.addi %add3A_79, %add3A_109 : vector<16xi32>
    %swap3A_111 = arith.constant 2064 : index
    %swap3A_112 = tpu.vector_load %arg6[%swap3A_111] {strides = array<i32>} : memref<4096xi32, #tpu.memory_space<vmem>>, vector<16xi32>,
    %swap3A_113 = vector.shape_cast %swap3A_112 : vector<16xi32> to vector<16xi32>
    %swap3A_114 = vector.shape_cast %add3A_110 : vector<16xi32> to vector<16xi32>
    tpu.vector_store %arg6[%swap3A_111], %swap3A_114 {strides = array<i32>} : memref<4096xi32, #tpu.memory_space<vmem>>, vector<16xi32>,
    %add3A_115 = arith.constant 640 : i32
    %add3A_116 = vector.broadcast %add3A_115 : i32 to vector<16xi32>
    %add3A_117 = arith.addi %add3A_79, %add3A_116 : vector<16xi32>
    %swap3A_118 = arith.constant 2576 : index
    %swap3A_119 = tpu.vector_load %arg6[%swap3A_118] {strides = array<i32>} : memref<4096xi32, #tpu.memory_space<vmem>>, vector<16xi32>,
    %swap3A_120 = vector.shape_cast %swap3A_119 : vector<16xi32> to vector<16xi32>
    %swap3A_121 = vector.shape_cast %add3A_117 : vector<16xi32> to vector<16xi32>
    tpu.vector_store %arg6[%swap3A_118], %swap3A_121 {strides = array<i32>} : memref<4096xi32, #tpu.memory_space<vmem>>, vector<16xi32>,
    %add3A_122 = arith.constant 768 : i32
    %add3A_123 = vector.broadcast %add3A_122 : i32 to vector<16xi32>
    %add3A_124 = arith.addi %add3A_79, %add3A_123 : vector<16xi32>
    %swap3A_125 = arith.constant 3088 : index
    %swap3A_126 = tpu.vector_load %arg6[%swap3A_125] {strides = array<i32>} : memref<4096xi32, #tpu.memory_space<vmem>>, vector<16xi32>,
    %swap3A_127 = vector.shape_cast %swap3A_126 : vector<16xi32> to vector<16xi32>
    %swap3A_128 = vector.shape_cast %add3A_124 : vector<16xi32> to vector<16xi32>
    tpu.vector_store %arg6[%swap3A_125], %swap3A_128 {strides = array<i32>} : memref<4096xi32, #tpu.memory_space<vmem>>, vector<16xi32>,
    %add3A_129 = arith.constant 896 : i32
    %add3A_130 = vector.broadcast %add3A_129 : i32 to vector<16xi32>
    %add3A_131 = arith.addi %add3A_79, %add3A_130 : vector<16xi32>
    %swap3A_132 = arith.constant 3600 : index
    %swap3A_133 = tpu.vector_load %arg6[%swap3A_132] {strides = array<i32>} : memref<4096xi32, #tpu.memory_space<vmem>>, vector<16xi32>,
    %swap3A_134 = vector.shape_cast %swap3A_133 : vector<16xi32> to vector<16xi32>
    %swap3A_135 = vector.shape_cast %add3A_131 : vector<16xi32> to vector<16xi32>
    tpu.vector_store %arg6[%swap3A_132], %swap3A_135 {strides = array<i32>} : memref<4096xi32, #tpu.memory_space<vmem>>, vector<16xi32>,
    %get3A_136 = arith.constant 32 : index
    %get3A_137 = tpu.vector_load %arg5[%get3A_136] {strides = array<i32>} : memref<512xi32, #tpu.memory_space<vmem>>, vector<16xi32>,
    %get3A_138 = vector.shape_cast %get3A_137 : vector<16xi32> to vector<16xi32>
    %shift_right_logical3A_139 = arith.constant 7 : i32
    %shift_right_logical3A_140 = vector.broadcast %shift_right_logical3A_139 : i32 to vector<16xi32>
    %shift_right_logical3A_141 = arith.shrui %get3A_138, %shift_right_logical3A_140 : vector<16xi32>
    %shift_left3A_142 = arith.constant 10 : i32
    %shift_left3A_143 = vector.broadcast %shift_left3A_142 : i32 to vector<16xi32>
    %shift_left3A_144 = arith.shli %shift_right_logical3A_141, %shift_left3A_143 : vector<16xi32>
    %and3A_145 = arith.constant 127 : i32
    %and3A_146 = vector.broadcast %and3A_145 : i32 to vector<16xi32>
    %and3A_147 = arith.andi %get3A_138, %and3A_146 : vector<16xi32>
    %add3A_148 = arith.addi %shift_left3A_144, %and3A_147 : vector<16xi32>
    %add3A_149 = arith.constant 0 : i32
    %add3A_150 = vector.broadcast %add3A_149 : i32 to vector<16xi32>
    %add3A_151 = arith.addi %add3A_148, %add3A_150 : vector<16xi32>
    %swap3A_152 = arith.constant 32 : index
    %swap3A_153 = tpu.vector_load %arg6[%swap3A_152] {strides = array<i32>} : memref<4096xi32, #tpu.memory_space<vmem>>, vector<16xi32>,
    %swap3A_154 = vector.shape_cast %swap3A_153 : vector<16xi32> to vector<16xi32>
    %swap3A_155 = vector.shape_cast %add3A_151 : vector<16xi32> to vector<16xi32>
    tpu.vector_store %arg6[%swap3A_152], %swap3A_155 {strides = array<i32>} : memref<4096xi32, #tpu.memory_space<vmem>>, vector<16xi32>,
    %add3A_156 = arith.constant 128 : i32
    %add3A_157 = vector.broadcast %add3A_156 : i32 to vector<16xi32>
    %add3A_158 = arith.addi %add3A_148, %add3A_157 : vector<16xi32>
    %swap3A_159 = arith.constant 544 : index
    %swap3A_160 = tpu.vector_load %arg6[%swap3A_159] {strides = array<i32>} : memref<4096xi32, #tpu.memory_space<vmem>>, vector<16xi32>,
    %swap3A_161 = vector.shape_cast %swap3A_160 : vector<16xi32> to vector<16xi32>
    %swap3A_162 = vector.shape_cast %add3A_158 : vector<16xi32> to vector<16xi32>
    tpu.vector_store %arg6[%swap3A_159], %swap3A_162 {strides = array<i32>} : memref<4096xi32, #tpu.memory_space<vmem>>, vector<16xi32>,
    %add3A_163 = arith.constant 256 : i32
    %add3A_164 = vector.broadcast %add3A_163 : i32 to vector<16xi32>
    %add3A_165 = arith.addi %add3A_148, %add3A_164 : vector<16xi32>
    %swap3A_166 = arith.constant 1056 : index
    %swap3A_167 = tpu.vector_load %arg6[%swap3A_166] {strides = array<i32>} : memref<4096xi32, #tpu.memory_space<vmem>>, vector<16xi32>,
    %swap3A_168 = vector.shape_cast %swap3A_167 : vector<16xi32> to vector<16xi32>
    %swap3A_169 = vector.shape_cast %add3A_165 : vector<16xi32> to vector<16xi32>
    tpu.vector_store %arg6[%swap3A_166], %swap3A_169 {strides = array<i32>} : memref<4096xi32, #tpu.memory_space<vmem>>, vector<16xi32>,
    %add3A_170 = arith.constant 384 : i32
    %add3A_171 = vector.broadcast %add3A_170 : i32 to vector<16xi32>
    %add3A_172 = arith.addi %add3A_148, %add3A_171 : vector<16xi32>
    %swap3A_173 = arith.constant 1568 : index
    %swap3A_174 = tpu.vector_load %arg6[%swap3A_173] {strides = array<i32>} : memref<4096xi32, #tpu.memory_space<vmem>>, vector<16xi32>,
    %swap3A_175 = vector.shape_cast %swap3A_174 : vector<16xi32> to vector<16xi32>
    %swap3A_176 = vector.shape_cast %add3A_172 : vector<16xi32> to vector<16xi32>
    tpu.vector_store %arg6[%swap3A_173], %swap3A_176 {strides = array<i32>} : memref<4096xi32, #tpu.memory_space<vmem>>, vector<16xi32>,
    %add3A_177 = arith.constant 512 : i32
    %add3A_178 = vector.broadcast %add3A_177 : i32 to vector<16xi32>
    %add3A_179 = arith.addi %add3A_148, %add3A_178 : vector<16xi32>
    %swap3A_180 = arith.constant 2080 : index
    %swap3A_181 = tpu.vector_load %arg6[%swap3A_180] {strides = array<i32>} : memref<4096xi32, #tpu.memory_space<vmem>>, vector<16xi32>,
    %swap3A_182 = vector.shape_cast %swap3A_181 : vector<16xi32> to vector<16xi32>
    %swap3A_183 = vector.shape_cast %add3A_179 : vector<16xi32> to vector<16xi32>
    tpu.vector_store %arg6[%swap3A_180], %swap3A_183 {strides = array<i32>} : memref<4096xi32, #tpu.memory_space<vmem>>, vector<16xi32>,
    %add3A_184 = arith.constant 640 : i32
    %add3A_185 = vector.broadcast %add3A_184 : i32 to vector<16xi32>
    %add3A_186 = arith.addi %add3A_148, %add3A_185 : vector<16xi32>
    %swap3A_187 = arith.constant 2592 : index
    %swap3A_188 = tpu.vector_load %arg6[%swap3A_187] {strides = array<i32>} : memref<4096xi32, #tpu.memory_space<vmem>>, vector<16xi32>,
    %swap3A_189 = vector.shape_cast %swap3A_188 : vector<16xi32> to vector<16xi32>
    %swap3A_190 = vector.shape_cast %add3A_186 : vector<16xi32> to vector<16xi32>
    tpu.vector_store %arg6[%swap3A_187], %swap3A_190 {strides = array<i32>} : memref<4096xi32, #tpu.memory_space<vmem>>, vector<16xi32>,
    %add3A_191 = arith.constant 768 : i32
    %add3A_192 = vector.broadcast %add3A_191 : i32 to vector<16xi32>
    %add3A_193 = arith.addi %add3A_148, %add3A_192 : vector<16xi32>
    %swap3A_194 = arith.constant 3104 : index
    %swap3A_195 = tpu.vector_load %arg6[%swap3A_194] {strides = array<i32>} : memref<4096xi32, #tpu.memory_space<vmem>>, vector<16xi32>,
    %swap3A_196 = vector.shape_cast %swap3A_195 : vector<16xi32> to vector<16xi32>
    %swap3A_197 = vector.shape_cast %add3A_193 : vector<16xi32> to vector<16xi32>
    tpu.vector_store %arg6[%swap3A_194], %swap3A_197 {strides = array<i32>} : memref<4096xi32, #tpu.memory_space<vmem>>, vector<16xi32>,
    %add3A_198 = arith.constant 896 : i32
    %add3A_199 = vector.broadcast %add3A_198 : i32 to vector<16xi32>
    %add3A_200 = arith.addi %add3A_148, %add3A_199 : vector<16xi32>
    %swap3A_201 = arith.constant 3616 : index
    %swap3A_202 = tpu.vector_load %arg6[%swap3A_201] {strides = array<i32>} : memref<4096xi32, #tpu.memory_space<vmem>>, vector<16xi32>,
    %swap3A_203 = vector.shape_cast %swap3A_202 : vector<16xi32> to vector<16xi32>
    %swap3A_204 = vector.shape_cast %add3A_200 : vector<16xi32> to vector<16xi32>
    tpu.vector_store %arg6[%swap3A_201], %swap3A_204 {strides = array<i32>} : memref<4096xi32, #tpu.memory_space<vmem>>, vector<16xi32>,
    %get3A_205 = arith.constant 48 : index
    %get3A_206 = tpu.vector_load %arg5[%get3A_205] {strides = array<i32>} : memref<512xi32, #tpu.memory_space<vmem>>, vector<16xi32>,
    %get3A_207 = vector.shape_cast %get3A_206 : vector<16xi32> to vector<16xi32>
    %shift_right_logical3A_208 = arith.constant 7 : i32
    %shift_right_logical3A_209 = vector.broadcast %shift_right_logical3A_208 : i32 to vector<16xi32>
    %shift_right_logical3A_210 = arith.shrui %get3A_207, %shift_right_logical3A_209 : vector<16xi32>
    %shift_left3A_211 = arith.constant 10 : i32
    %shift_left3A_212 = vector.broadcast %shift_left3A_211 : i32 to vector<16xi32>
    %shift_left3A_213 = arith.shli %shift_right_logical3A_210, %shift_left3A_212 : vector<16xi32>
    %and3A_214 = arith.constant 127 : i32
    %and3A_215 = vector.broadcast %and3A_214 : i32 to vector<16xi32>
    %and3A_216 = arith.andi %get3A_207, %and3A_215 : vector<16xi32>
    %add3A_217 = arith.addi %shift_left3A_213, %and3A_216 : vector<16xi32>
    %add3A_218 = arith.constant 0 : i32
    %add3A_219 = vector.broadcast %add3A_218 : i32 to vector<16xi32>
    %add3A_220 = arith.addi %add3A_217, %add3A_219 : vector<16xi32>
    %swap3A_221 = arith.constant 48 : index
    %swap3A_222 = tpu.vector_load %arg6[%swap3A_221] {strides = array<i32>} : memref<4096xi32, #tpu.memory_space<vmem>>, vector<16xi32>,
    %swap3A_223 = vector.shape_cast %swap3A_222 : vector<16xi32> to vector<16xi32>
    %swap3A_224 = vector.shape_cast %add3A_220 : vector<16xi32> to vector<16xi32>
    tpu.vector_store %arg6[%swap3A_221], %swap3A_224 {strides = array<i32>} : memref<4096xi32, #tpu.memory_space<vmem>>, vector<16xi32>,
    %add3A_225 = arith.constant 128 : i32
    %add3A_226 = vector.broadcast %add3A_225 : i32 to vector<16xi32>
    %add3A_227 = arith.addi %add3A_217, %add3A_226 : vector<16xi32>
    %swap3A_228 = arith.constant 560 : index
    %swap3A_229 = tpu.vector_load %arg6[%swap3A_228] {strides = array<i32>} : memref<4096xi32, #tpu.memory_space<vmem>>, vector<16xi32>,
    %swap3A_230 = vector.shape_cast %swap3A_229 : vector<16xi32> to vector<16xi32>
    %swap3A_231 = vector.shape_cast %add3A_227 : vector<16xi32> to vector<16xi32>
    tpu.vector_store %arg6[%swap3A_228], %swap3A_231 {strides = array<i32>} : memref<4096xi32, #tpu.memory_space<vmem>>, vector<16xi32>,
    %add3A_232 = arith.constant 256 : i32
    %add3A_233 = vector.broadcast %add3A_232 : i32 to vector<16xi32>
    %add3A_234 = arith.addi %add3A_217, %add3A_233 : vector<16xi32>
    %swap3A_235 = arith.constant 1072 : index
    %swap3A_236 = tpu.vector_load %arg6[%swap3A_235] {strides = array<i32>} : memref<4096xi32, #tpu.memory_space<vmem>>, vector<16xi32>,
    %swap3A_237 = vector.shape_cast %swap3A_236 : vector<16xi32> to vector<16xi32>
    %swap3A_238 = vector.shape_cast %add3A_234 : vector<16xi32> to vector<16xi32>
    tpu.vector_store %arg6[%swap3A_235], %swap3A_238 {strides = array<i32>} : memref<4096xi32, #tpu.memory_space<vmem>>, vector<16xi32>,
    %add3A_239 = arith.constant 384 : i32
    %add3A_240 = vector.broadcast %add3A_239 : i32 to vector<16xi32>
    %add3A_241 = arith.addi %add3A_217, %add3A_240 : vector<16xi32>
    %swap3A_242 = arith.constant 1584 : index
    %swap3A_243 = tpu.vector_load %arg6[%swap3A_242] {strides = array<i32>} : memref<4096xi32, #tpu.memory_space<vmem>>, vector<16xi32>,
    %swap3A_244 = vector.shape_cast %swap3A_243 : vector<16xi32> to vector<16xi32>
    %swap3A_245 = vector.shape_cast %add3A_241 : vector<16xi32> to vector<16xi32>
    tpu.vector_store %arg6[%swap3A_242], %swap3A_245 {strides = array<i32>} : memref<4096xi32, #tpu.memory_space<vmem>>, vector<16xi32>,
    %add3A_246 = arith.constant 512 : i32
    %add3A_247 = vector.broadcast %add3A_246 : i32 to vector<16xi32>
    %add3A_248 = arith.addi %add3A_217, %add3A_247 : vector<16xi32>
    %swap3A_249 = arith.constant 2096 : index
    %swap3A_250 = tpu.vector_load %arg6[%swap3A_249] {strides = array<i32>} : memref<4096xi32, #tpu.memory_space<vmem>>, vector<16xi32>,
    %swap3A_251 = vector.shape_cast %swap3A_250 : vector<16xi32> to vector<16xi32>
    %swap3A_252 = vector.shape_cast %add3A_248 : vector<16xi32> to vector<16xi32>
    tpu.vector_store %arg6[%swap3A_249], %swap3A_252 {strides = array<i32>} : memref<4096xi32, #tpu.memory_space<vmem>>, vector<16xi32>,
    %add3A_253 = arith.constant 640 : i32
    %add3A_254 = vector.broadcast %add3A_253 : i32 to vector<16xi32>
    %add3A_255 = arith.addi %add3A_217, %add3A_254 : vector<16xi32>
    %swap3A_256 = arith.constant 2608 : index
    %swap3A_257 = tpu.vector_load %arg6[%swap3A_256] {strides = array<i32>} : memref<4096xi32, #tpu.memory_space<vmem>>, vector<16xi32>,
    %swap3A_258 = vector.shape_cast %swap3A_257 : vector<16xi32> to vector<16xi32>
    %swap3A_259 = vector.shape_cast %add3A_255 : vector<16xi32> to vector<16xi32>
    tpu.vector_store %arg6[%swap3A_256], %swap3A_259 {strides = array<i32>} : memref<4096xi32, #tpu.memory_space<vmem>>, vector<16xi32>,
    %add3A_260 = arith.constant 768 : i32
    %add3A_261 = vector.broadcast %add3A_260 : i32 to vector<16xi32>
    %add3A_262 = arith.addi %add3A_217, %add3A_261 : vector<16xi32>
    %swap3A_263 = arith.constant 3120 : index
    %swap3A_264 = tpu.vector_load %arg6[%swap3A_263] {strides = array<i32>} : memref<4096xi32, #tpu.memory_space<vmem>>, vector<16xi32>,
    %swap3A_265 = vector.shape_cast %swap3A_264 : vector<16xi32> to vector<16xi32>
    %swap3A_266 = vector.shape_cast %add3A_262 : vector<16xi32> to vector<16xi32>
    tpu.vector_store %arg6[%swap3A_263], %swap3A_266 {strides = array<i32>} : memref<4096xi32, #tpu.memory_space<vmem>>, vector<16xi32>,
    %add3A_267 = arith.constant 896 : i32
    %add3A_268 = vector.broadcast %add3A_267 : i32 to vector<16xi32>
    %add3A_269 = arith.addi %add3A_217, %add3A_268 : vector<16xi32>
    %swap3A_270 = arith.constant 3632 : index
    %swap3A_271 = tpu.vector_load %arg6[%swap3A_270] {strides = array<i32>} : memref<4096xi32, #tpu.memory_space<vmem>>, vector<16xi32>,
    %swap3A_272 = vector.shape_cast %swap3A_271 : vector<16xi32> to vector<16xi32>
    %swap3A_273 = vector.shape_cast %add3A_269 : vector<16xi32> to vector<16xi32>
    tpu.vector_store %arg6[%swap3A_270], %swap3A_273 {strides = array<i32>} : memref<4096xi32, #tpu.memory_space<vmem>>, vector<16xi32>,
    %get3A_274 = arith.constant 64 : index
    %get3A_275 = tpu.vector_load %arg5[%get3A_274] {strides = array<i32>} : memref<512xi32, #tpu.memory_space<vmem>>, vector<16xi32>,
    %get3A_276 = vector.shape_cast %get3A_275 : vector<16xi32> to vector<16xi32>
    %shift_right_logical3A_277 = arith.constant 7 : i32
    %shift_right_logical3A_278 = vector.broadcast %shift_right_logical3A_277 : i32 to vector<16xi32>
    %shift_right_logical3A_279 = arith.shrui %get3A_276, %shift_right_logical3A_278 : vector<16xi32>
    %shift_left3A_280 = arith.constant 10 : i32
    %shift_left3A_281 = vector.broadcast %shift_left3A_280 : i32 to vector<16xi32>
    %shift_left3A_282 = arith.shli %shift_right_logical3A_279, %shift_left3A_281 : vector<16xi32>
    %and3A_283 = arith.constant 127 : i32
    %and3A_284 = vector.broadcast %and3A_283 : i32 to vector<16xi32>
    %and3A_285 = arith.andi %get3A_276, %and3A_284 : vector<16xi32>
    %add3A_286 = arith.addi %shift_left3A_282, %and3A_285 : vector<16xi32>
    %add3A_287 = arith.constant 0 : i32
    %add3A_288 = vector.broadcast %add3A_287 : i32 to vector<16xi32>
    %add3A_289 = arith.addi %add3A_286, %add3A_288 : vector<16xi32>
    %swap3A_290 = arith.constant 64 : index
    %swap3A_291 = tpu.vector_load %arg6[%swap3A_290] {strides = array<i32>} : memref<4096xi32, #tpu.memory_space<vmem>>, vector<16xi32>,
    %swap3A_292 = vector.shape_cast %swap3A_291 : vector<16xi32> to vector<16xi32>
    %swap3A_293 = vector.shape_cast %add3A_289 : vector<16xi32> to vector<16xi32>
    tpu.vector_store %arg6[%swap3A_290], %swap3A_293 {strides = array<i32>} : memref<4096xi32, #tpu.memory_space<vmem>>, vector<16xi32>,
    %add3A_294 = arith.constant 128 : i32
    %add3A_295 = vector.broadcast %add3A_294 : i32 to vector<16xi32>
    %add3A_296 = arith.addi %add3A_286, %add3A_295 : vector<16xi32>
    %swap3A_297 = arith.constant 576 : index
    %swap3A_298 = tpu.vector_load %arg6[%swap3A_297] {strides = array<i32>} : memref<4096xi32, #tpu.memory_space<vmem>>, vector<16xi32>,
    %swap3A_299 = vector.shape_cast %swap3A_298 : vector<16xi32> to vector<16xi32>
    %swap3A_300 = vector.shape_cast %add3A_296 : vector<16xi32> to vector<16xi32>
    tpu.vector_store %arg6[%swap3A_297], %swap3A_300 {strides = array<i32>} : memref<4096xi32, #tpu.memory_space<vmem>>, vector<16xi32>,
    %add3A_301 = arith.constant 256 : i32
    %add3A_302 = vector.broadcast %add3A_301 : i32 to vector<16xi32>
    %add3A_303 = arith.addi %add3A_286, %add3A_302 : vector<16xi32>
    %swap3A_304 = arith.constant 1088 : index
    %swap3A_305 = tpu.vector_load %arg6[%swap3A_304] {strides = array<i32>} : memref<4096xi32, #tpu.memory_space<vmem>>, vector<16xi32>,
    %swap3A_306 = vector.shape_cast %swap3A_305 : vector<16xi32> to vector<16xi32>
    %swap3A_307 = vector.shape_cast %add3A_303 : vector<16xi32> to vector<16xi32>
    tpu.vector_store %arg6[%swap3A_304], %swap3A_307 {strides = array<i32>} : memref<4096xi32, #tpu.memory_space<vmem>>, vector<16xi32>,
    %add3A_308 = arith.constant 384 : i32
    %add3A_309 = vector.broadcast %add3A_308 : i32 to vector<16xi32>
    %add3A_310 = arith.addi %add3A_286, %add3A_309 : vector<16xi32>
    %swap3A_311 = arith.constant 1600 : index
    %swap3A_312 = tpu.vector_load %arg6[%swap3A_311] {strides = array<i32>} : memref<4096xi32, #tpu.memory_space<vmem>>, vector<16xi32>,
    %swap3A_313 = vector.shape_cast %swap3A_312 : vector<16xi32> to vector<16xi32>
    %swap3A_314 = vector.shape_cast %add3A_310 : vector<16xi32> to vector<16xi32>
    tpu.vector_store %arg6[%swap3A_311], %swap3A_314 {strides = array<i32>} : memref<4096xi32, #tpu.memory_space<vmem>>, vector<16xi32>,
    %add3A_315 = arith.constant 512 : i32
    %add3A_316 = vector.broadcast %add3A_315 : i32 to vector<16xi32>
    %add3A_317 = arith.addi %add3A_286, %add3A_316 : vector<16xi32>
    %swap3A_318 = arith.constant 2112 : index
    %swap3A_319 = tpu.vector_load %arg6[%swap3A_318] {strides = array<i32>} : memref<4096xi32, #tpu.memory_space<vmem>>, vector<16xi32>,
    %swap3A_320 = vector.shape_cast %swap3A_319 : vector<16xi32> to vector<16xi32>
    %swap3A_321 = vector.shape_cast %add3A_317 : vector<16xi32> to vector<16xi32>
    tpu.vector_store %arg6[%swap3A_318], %swap3A_321 {strides = array<i32>} : memref<4096xi32, #tpu.memory_space<vmem>>, vector<16xi32>,
    %add3A_322 = arith.constant 640 : i32
    %add3A_323 = vector.broadcast %add3A_322 : i32 to vector<16xi32>
    %add3A_324 = arith.addi %add3A_286, %add3A_323 : vector<16xi32>
    %swap3A_325 = arith.constant 2624 : index
    %swap3A_326 = tpu.vector_load %arg6[%swap3A_325] {strides = array<i32>} : memref<4096xi32, #tpu.memory_space<vmem>>, vector<16xi32>,
    %swap3A_327 = vector.shape_cast %swap3A_326 : vector<16xi32> to vector<16xi32>
    %swap3A_328 = vector.shape_cast %add3A_324 : vector<16xi32> to vector<16xi32>
    tpu.vector_store %arg6[%swap3A_325], %swap3A_328 {strides = array<i32>} : memref<4096xi32, #tpu.memory_space<vmem>>, vector<16xi32>,
    %add3A_329 = arith.constant 768 : i32
    %add3A_330 = vector.broadcast %add3A_329 : i32 to vector<16xi32>
    %add3A_331 = arith.addi %add3A_286, %add3A_330 : vector<16xi32>
    %swap3A_332 = arith.constant 3136 : index
    %swap3A_333 = tpu.vector_load %arg6[%swap3A_332] {strides = array<i32>} : memref<4096xi32, #tpu.memory_space<vmem>>, vector<16xi32>,
    %swap3A_334 = vector.shape_cast %swap3A_333 : vector<16xi32> to vector<16xi32>
    %swap3A_335 = vector.shape_cast %add3A_331 : vector<16xi32> to vector<16xi32>
    tpu.vector_store %arg6[%swap3A_332], %swap3A_335 {strides = array<i32>} : memref<4096xi32, #tpu.memory_space<vmem>>, vector<16xi32>,
    %add3A_336 = arith.constant 896 : i32
    %add3A_337 = vector.broadcast %add3A_336 : i32 to vector<16xi32>
    %add3A_338 = arith.addi %add3A_286, %add3A_337 : vector<16xi32>
    %swap3A_339 = arith.constant 3648 : index
    %swap3A_340 = tpu.vector_load %arg6[%swap3A_339] {strides = array<i32>} : memref<4096xi32, #tpu.memory_space<vmem>>, vector<16xi32>,
    %swap3A_341 = vector.shape_cast %swap3A_340 : vector<16xi32> to vector<16xi32>
    %swap3A_342 = vector.shape_cast %add3A_338 : vector<16xi32> to vector<16xi32>
    tpu.vector_store %arg6[%swap3A_339], %swap3A_342 {strides = array<i32>} : memref<4096xi32, #tpu.memory_space<vmem>>, vector<16xi32>,
    %get3A_343 = arith.constant 80 : index
    %get3A_344 = tpu.vector_load %arg5[%get3A_343] {strides = array<i32>} : memref<512xi32, #tpu.memory_space<vmem>>, vector<16xi32>,
    %get3A_345 = vector.shape_cast %get3A_344 : vector<16xi32> to vector<16xi32>
    %shift_right_logical3A_346 = arith.constant 7 : i32
    %shift_right_logical3A_347 = vector.broadcast %shift_right_logical3A_346 : i32 to vector<16xi32>
    %shift_right_logical3A_348 = arith.shrui %get3A_345, %shift_right_logical3A_347 : vector<16xi32>
    %shift_left3A_349 = arith.constant 10 : i32
    %shift_left3A_350 = vector.broadcast %shift_left3A_349 : i32 to vector<16xi32>
    %shift_left3A_351 = arith.shli %shift_right_logical3A_348, %shift_left3A_350 : vector<16xi32>
    %and3A_352 = arith.constant 127 : i32
    %and3A_353 = vector.broadcast %and3A_352 : i32 to vector<16xi32>
    %and3A_354 = arith.andi %get3A_345, %and3A_353 : vector<16xi32>
    %add3A_355 = arith.addi %shift_left3A_351, %and3A_354 : vector<16xi32>
    %add3A_356 = arith.constant 0 : i32
    %add3A_357 = vector.broadcast %add3A_356 : i32 to vector<16xi32>
    %add3A_358 = arith.addi %add3A_355, %add3A_357 : vector<16xi32>
    %swap3A_359 = arith.constant 80 : index
    %swap3A_360 = tpu.vector_load %arg6[%swap3A_359] {strides = array<i32>} : memref<4096xi32, #tpu.memory_space<vmem>>, vector<16xi32>,
    %swap3A_361 = vector.shape_cast %swap3A_360 : vector<16xi32> to vector<16xi32>
    %swap3A_362 = vector.shape_cast %add3A_358 : vector<16xi32> to vector<16xi32>
    tpu.vector_store %arg6[%swap3A_359], %swap3A_362 {strides = array<i32>} : memref<4096xi32, #tpu.memory_space<vmem>>, vector<16xi32>,
    %add3A_363 = arith.constant 128 : i32
    %add3A_364 = vector.broadcast %add3A_363 : i32 to vector<16xi32>
    %add3A_365 = arith.addi %add3A_355, %add3A_364 : vector<16xi32>
    %swap3A_366 = arith.constant 592 : index
    %swap3A_367 = tpu.vector_load %arg6[%swap3A_366] {strides = array<i32>} : memref<4096xi32, #tpu.memory_space<vmem>>, vector<16xi32>,
    %swap3A_368 = vector.shape_cast %swap3A_367 : vector<16xi32> to vector<16xi32>
    %swap3A_369 = vector.shape_cast %add3A_365 : vector<16xi32> to vector<16xi32>
    tpu.vector_store %arg6[%swap3A_366], %swap3A_369 {strides = array<i32>} : memref<4096xi32, #tpu.memory_space<vmem>>, vector<16xi32>,
    %add3A_370 = arith.constant 256 : i32
    %add3A_371 = vector.broadcast %add3A_370 : i32 to vector<16xi32>
    %add3A_372 = arith.addi %add3A_355, %add3A_371 : vector<16xi32>
    %swap3A_373 = arith.constant 1104 : index
    %swap3A_374 = tpu.vector_load %arg6[%swap3A_373] {strides = array<i32>} : memref<4096xi32, #tpu.memory_space<vmem>>, vector<16xi32>,
    %swap3A_375 = vector.shape_cast %swap3A_374 : vector<16xi32> to vector<16xi32>
    %swap3A_376 = vector.shape_cast %add3A_372 : vector<16xi32> to vector<16xi32>
    tpu.vector_store %arg6[%swap3A_373], %swap3A_376 {strides = array<i32>} : memref<4096xi32, #tpu.memory_space<vmem>>, vector<16xi32>,
    %add3A_377 = arith.constant 384 : i32
    %add3A_378 = vector.broadcast %add3A_377 : i32 to vector<16xi32>
    %add3A_379 = arith.addi %add3A_355, %add3A_378 : vector<16xi32>
    %swap3A_380 = arith.constant 1616 : index
    %swap3A_381 = tpu.vector_load %arg6[%swap3A_380] {strides = array<i32>} : memref<4096xi32, #tpu.memory_space<vmem>>, vector<16xi32>,
    %swap3A_382 = vector.shape_cast %swap3A_381 : vector<16xi32> to vector<16xi32>
    %swap3A_383 = vector.shape_cast %add3A_379 : vector<16xi32> to vector<16xi32>
    tpu.vector_store %arg6[%swap3A_380], %swap3A_383 {strides = array<i32>} : memref<4096xi32, #tpu.memory_space<vmem>>, vector<16xi32>,
    %add3A_384 = arith.constant 512 : i32
    %add3A_385 = vector.broadcast %add3A_384 : i32 to vector<16xi32>
    %add3A_386 = arith.addi %add3A_355, %add3A_385 : vector<16xi32>
    %swap3A_387 = arith.constant 2128 : index
    %swap3A_388 = tpu.vector_load %arg6[%swap3A_387] {strides = array<i32>} : memref<4096xi32, #tpu.memory_space<vmem>>, vector<16xi32>,
    %swap3A_389 = vector.shape_cast %swap3A_388 : vector<16xi32> to vector<16xi32>
    %swap3A_390 = vector.shape_cast %add3A_386 : vector<16xi32> to vector<16xi32>
    tpu.vector_store %arg6[%swap3A_387], %swap3A_390 {strides = array<i32>} : memref<4096xi32, #tpu.memory_space<vmem>>, vector<16xi32>,
    %add3A_391 = arith.constant 640 : i32
    %add3A_392 = vector.broadcast %add3A_391 : i32 to vector<16xi32>
    %add3A_393 = arith.addi %add3A_355, %add3A_392 : vector<16xi32>
    %swap3A_394 = arith.constant 2640 : index
    %swap3A_395 = tpu.vector_load %arg6[%swap3A_394] {strides = array<i32>} : memref<4096xi32, #tpu.memory_space<vmem>>, vector<16xi32>,
    %swap3A_396 = vector.shape_cast %swap3A_395 : vector<16xi32> to vector<16xi32>
    %swap3A_397 = vector.shape_cast %add3A_393 : vector<16xi32> to vector<16xi32>
    tpu.vector_store %arg6[%swap3A_394], %swap3A_397 {strides = array<i32>} : memref<4096xi32, #tpu.memory_space<vmem>>, vector<16xi32>,
    %add3A_398 = arith.constant 768 : i32
    %add3A_399 = vector.broadcast %add3A_398 : i32 to vector<16xi32>
    %add3A_400 = arith.addi %add3A_355, %add3A_399 : vector<16xi32>
    %swap3A_401 = arith.constant 3152 : index
    %swap3A_402 = tpu.vector_load %arg6[%swap3A_401] {strides = array<i32>} : memref<4096xi32, #tpu.memory_space<vmem>>, vector<16xi32>,
    %swap3A_403 = vector.shape_cast %swap3A_402 : vector<16xi32> to vector<16xi32>
    %swap3A_404 = vector.shape_cast %add3A_400 : vector<16xi32> to vector<16xi32>
    tpu.vector_store %arg6[%swap3A_401], %swap3A_404 {strides = array<i32>} : memref<4096xi32, #tpu.memory_space<vmem>>, vector<16xi32>,
    %add3A_405 = arith.constant 896 : i32
    %add3A_406 = vector.broadcast %add3A_405 : i32 to vector<16xi32>
    %add3A_407 = arith.addi %add3A_355, %add3A_406 : vector<16xi32>
    %swap3A_408 = arith.constant 3664 : index
    %swap3A_409 = tpu.vector_load %arg6[%swap3A_408] {strides = array<i32>} : memref<4096xi32, #tpu.memory_space<vmem>>, vector<16xi32>,
    %swap3A_410 = vector.shape_cast %swap3A_409 : vector<16xi32> to vector<16xi32>
    %swap3A_411 = vector.shape_cast %add3A_407 : vector<16xi32> to vector<16xi32>
    tpu.vector_store %arg6[%swap3A_408], %swap3A_411 {strides = array<i32>} : memref<4096xi32, #tpu.memory_space<vmem>>, vector<16xi32>,
    %get3A_412 = arith.constant 96 : index
    %get3A_413 = tpu.vector_load %arg5[%get3A_412] {strides = array<i32>} : memref<512xi32, #tpu.memory_space<vmem>>, vector<16xi32>,
    %get3A_414 = vector.shape_cast %get3A_413 : vector<16xi32> to vector<16xi32>
    %shift_right_logical3A_415 = arith.constant 7 : i32
    %shift_right_logical3A_416 = vector.broadcast %shift_right_logical3A_415 : i32 to vector<16xi32>
    %shift_right_logical3A_417 = arith.shrui %get3A_414, %shift_right_logical3A_416 : vector<16xi32>
    %shift_left3A_418 = arith.constant 10 : i32
    %shift_left3A_419 = vector.broadcast %shift_left3A_418 : i32 to vector<16xi32>
    %shift_left3A_420 = arith.shli %shift_right_logical3A_417, %shift_left3A_419 : vector<16xi32>
    %and3A_421 = arith.constant 127 : i32
    %and3A_422 = vector.broadcast %and3A_421 : i32 to vector<16xi32>
    %and3A_423 = arith.andi %get3A_414, %and3A_422 : vector<16xi32>
    %add3A_424 = arith.addi %shift_left3A_420, %and3A_423 : vector<16xi32>
    %add3A_425 = arith.constant 0 : i32
    %add3A_426 = vector.broadcast %add3A_425 : i32 to vector<16xi32>
    %add3A_427 = arith.addi %add3A_424, %add3A_426 : vector<16xi32>
    %swap3A_428 = arith.constant 96 : index
    %swap3A_429 = tpu.vector_load %arg6[%swap3A_428] {strides = array<i32>} : memref<4096xi32, #tpu.memory_space<vmem>>, vector<16xi32>,
    %swap3A_430 = vector.shape_cast %swap3A_429 : vector<16xi32> to vector<16xi32>
    %swap3A_431 = vector.shape_cast %add3A_427 : vector<16xi32> to vector<16xi32>
    tpu.vector_store %arg6[%swap3A_428], %swap3A_431 {strides = array<i32>} : memref<4096xi32, #tpu.memory_space<vmem>>, vector<16xi32>,
    %add3A_432 = arith.constant 128 : i32
    %add3A_433 = vector.broadcast %add3A_432 : i32 to vector<16xi32>
    %add3A_434 = arith.addi %add3A_424, %add3A_433 : vector<16xi32>
    %swap3A_435 = arith.constant 608 : index
    %swap3A_436 = tpu.vector_load %arg6[%swap3A_435] {strides = array<i32>} : memref<4096xi32, #tpu.memory_space<vmem>>, vector<16xi32>,
    %swap3A_437 = vector.shape_cast %swap3A_436 : vector<16xi32> to vector<16xi32>
    %swap3A_438 = vector.shape_cast %add3A_434 : vector<16xi32> to vector<16xi32>
    tpu.vector_store %arg6[%swap3A_435], %swap3A_438 {strides = array<i32>} : memref<4096xi32, #tpu.memory_space<vmem>>, vector<16xi32>,
    %add3A_439 = arith.constant 256 : i32
    %add3A_440 = vector.broadcast %add3A_439 : i32 to vector<16xi32>
    %add3A_441 = arith.addi %add3A_424, %add3A_440 : vector<16xi32>
    %swap3A_442 = arith.constant 1120 : index
    %swap3A_443 = tpu.vector_load %arg6[%swap3A_442] {strides = array<i32>} : memref<4096xi32, #tpu.memory_space<vmem>>, vector<16xi32>,
    %swap3A_444 = vector.shape_cast %swap3A_443 : vector<16xi32> to vector<16xi32>
    %swap3A_445 = vector.shape_cast %add3A_441 : vector<16xi32> to vector<16xi32>
    tpu.vector_store %arg6[%swap3A_442], %swap3A_445 {strides = array<i32>} : memref<4096xi32, #tpu.memory_space<vmem>>, vector<16xi32>,
    %add3A_446 = arith.constant 384 : i32
    %add3A_447 = vector.broadcast %add3A_446 : i32 to vector<16xi32>
    %add3A_448 = arith.addi %add3A_424, %add3A_447 : vector<16xi32>
    %swap3A_449 = arith.constant 1632 : index
    %swap3A_450 = tpu.vector_load %arg6[%swap3A_449] {strides = array<i32>} : memref<4096xi32, #tpu.memory_space<vmem>>, vector<16xi32>,
    %swap3A_451 = vector.shape_cast %swap3A_450 : vector<16xi32> to vector<16xi32>
    %swap3A_452 = vector.shape_cast %add3A_448 : vector<16xi32> to vector<16xi32>
    tpu.vector_store %arg6[%swap3A_449], %swap3A_452 {strides = array<i32>} : memref<4096xi32, #tpu.memory_space<vmem>>, vector<16xi32>,
    %add3A_453 = arith.constant 512 : i32
    %add3A_454 = vector.broadcast %add3A_453 : i32 to vector<16xi32>
    %add3A_455 = arith.addi %add3A_424, %add3A_454 : vector<16xi32>
    %swap3A_456 = arith.constant 2144 : index
    %swap3A_457 = tpu.vector_load %arg6[%swap3A_456] {strides = array<i32>} : memref<4096xi32, #tpu.memory_space<vmem>>, vector<16xi32>,
    %swap3A_458 = vector.shape_cast %swap3A_457 : vector<16xi32> to vector<16xi32>
    %swap3A_459 = vector.shape_cast %add3A_455 : vector<16xi32> to vector<16xi32>
    tpu.vector_store %arg6[%swap3A_456], %swap3A_459 {strides = array<i32>} : memref<4096xi32, #tpu.memory_space<vmem>>, vector<16xi32>,
    %add3A_460 = arith.constant 640 : i32
    %add3A_461 = vector.broadcast %add3A_460 : i32 to vector<16xi32>
    %add3A_462 = arith.addi %add3A_424, %add3A_461 : vector<16xi32>
    %swap3A_463 = arith.constant 2656 : index
    %swap3A_464 = tpu.vector_load %arg6[%swap3A_463] {strides = array<i32>} : memref<4096xi32, #tpu.memory_space<vmem>>, vector<16xi32>,
    %swap3A_465 = vector.shape_cast %swap3A_464 : vector<16xi32> to vector<16xi32>
    %swap3A_466 = vector.shape_cast %add3A_462 : vector<16xi32> to vector<16xi32>
    tpu.vector_store %arg6[%swap3A_463], %swap3A_466 {strides = array<i32>} : memref<4096xi32, #tpu.memory_space<vmem>>, vector<16xi32>,
    %add3A_467 = arith.constant 768 : i32
    %add3A_468 = vector.broadcast %add3A_467 : i32 to vector<16xi32>
    %add3A_469 = arith.addi %add3A_424, %add3A_468 : vector<16xi32>
    %swap3A_470 = arith.constant 3168 : index
    %swap3A_471 = tpu.vector_load %arg6[%swap3A_470] {strides = array<i32>} : memref<4096xi32, #tpu.memory_space<vmem>>, vector<16xi32>,
    %swap3A_472 = vector.shape_cast %swap3A_471 : vector<16xi32> to vector<16xi32>
    %swap3A_473 = vector.shape_cast %add3A_469 : vector<16xi32> to vector<16xi32>
    tpu.vector_store %arg6[%swap3A_470], %swap3A_473 {strides = array<i32>} : memref<4096xi32, #tpu.memory_space<vmem>>, vector<16xi32>,
    %add3A_474 = arith.constant 896 : i32
    %add3A_475 = vector.broadcast %add3A_474 : i32 to vector<16xi32>
    %add3A_476 = arith.addi %add3A_424, %add3A_475 : vector<16xi32>
    %swap3A_477 = arith.constant 3680 : index
    %swap3A_478 = tpu.vector_load %arg6[%swap3A_477] {strides = array<i32>} : memref<4096xi32, #tpu.memory_space<vmem>>, vector<16xi32>,
    %swap3A_479 = vector.shape_cast %swap3A_478 : vector<16xi32> to vector<16xi32>
    %swap3A_480 = vector.shape_cast %add3A_476 : vector<16xi32> to vector<16xi32>
    tpu.vector_store %arg6[%swap3A_477], %swap3A_480 {strides = array<i32>} : memref<4096xi32, #tpu.memory_space<vmem>>, vector<16xi32>,
    %get3A_481 = arith.constant 112 : index
    %get3A_482 = tpu.vector_load %arg5[%get3A_481] {strides = array<i32>} : memref<512xi32, #tpu.memory_space<vmem>>, vector<16xi32>,
    %get3A_483 = vector.shape_cast %get3A_482 : vector<16xi32> to vector<16xi32>
    %shift_right_logical3A_484 = arith.constant 7 : i32
    %shift_right_logical3A_485 = vector.broadcast %shift_right_logical3A_484 : i32 to vector<16xi32>
    %shift_right_logical3A_486 = arith.shrui %get3A_483, %shift_right_logical3A_485 : vector<16xi32>
    %shift_left3A_487 = arith.constant 10 : i32
    %shift_left3A_488 = vector.broadcast %shift_left3A_487 : i32 to vector<16xi32>
    %shift_left3A_489 = arith.shli %shift_right_logical3A_486, %shift_left3A_488 : vector<16xi32>
    %and3A_490 = arith.constant 127 : i32
    %and3A_491 = vector.broadcast %and3A_490 : i32 to vector<16xi32>
    %and3A_492 = arith.andi %get3A_483, %and3A_491 : vector<16xi32>
    %add3A_493 = arith.addi %shift_left3A_489, %and3A_492 : vector<16xi32>
    %add3A_494 = arith.constant 0 : i32
    %add3A_495 = vector.broadcast %add3A_494 : i32 to vector<16xi32>
    %add3A_496 = arith.addi %add3A_493, %add3A_495 : vector<16xi32>
    %swap3A_497 = arith.constant 112 : index
    %swap3A_498 = tpu.vector_load %arg6[%swap3A_497] {strides = array<i32>} : memref<4096xi32, #tpu.memory_space<vmem>>, vector<16xi32>,
    %swap3A_499 = vector.shape_cast %swap3A_498 : vector<16xi32> to vector<16xi32>
    %swap3A_500 = vector.shape_cast %add3A_496 : vector<16xi32> to vector<16xi32>
    tpu.vector_store %arg6[%swap3A_497], %swap3A_500 {strides = array<i32>} : memref<4096xi32, #tpu.memory_space<vmem>>, vector<16xi32>,
    %add3A_501 = arith.constant 128 : i32
    %add3A_502 = vector.broadcast %add3A_501 : i32 to vector<16xi32>
    %add3A_503 = arith.addi %add3A_493, %add3A_502 : vector<16xi32>
    %swap3A_504 = arith.constant 624 : index
    %swap3A_505 = tpu.vector_load %arg6[%swap3A_504] {strides = array<i32>} : memref<4096xi32, #tpu.memory_space<vmem>>, vector<16xi32>,
    %swap3A_506 = vector.shape_cast %swap3A_505 : vector<16xi32> to vector<16xi32>
    %swap3A_507 = vector.shape_cast %add3A_503 : vector<16xi32> to vector<16xi32>
    tpu.vector_store %arg6[%swap3A_504], %swap3A_507 {strides = array<i32>} : memref<4096xi32, #tpu.memory_space<vmem>>, vector<16xi32>,
    %add3A_508 = arith.constant 256 : i32
    %add3A_509 = vector.broadcast %add3A_508 : i32 to vector<16xi32>
    %add3A_510 = arith.addi %add3A_493, %add3A_509 : vector<16xi32>
    %swap3A_511 = arith.constant 1136 : index
    %swap3A_512 = tpu.vector_load %arg6[%swap3A_511] {strides = array<i32>} : memref<4096xi32, #tpu.memory_space<vmem>>, vector<16xi32>,
    %swap3A_513 = vector.shape_cast %swap3A_512 : vector<16xi32> to vector<16xi32>
    %swap3A_514 = vector.shape_cast %add3A_510 : vector<16xi32> to vector<16xi32>
    tpu.vector_store %arg6[%swap3A_511], %swap3A_514 {strides = array<i32>} : memref<4096xi32, #tpu.memory_space<vmem>>, vector<16xi32>,
    %add3A_515 = arith.constant 384 : i32
    %add3A_516 = vector.broadcast %add3A_515 : i32 to vector<16xi32>
    %add3A_517 = arith.addi %add3A_493, %add3A_516 : vector<16xi32>
    %swap3A_518 = arith.constant 1648 : index
    %swap3A_519 = tpu.vector_load %arg6[%swap3A_518] {strides = array<i32>} : memref<4096xi32, #tpu.memory_space<vmem>>, vector<16xi32>,
    %swap3A_520 = vector.shape_cast %swap3A_519 : vector<16xi32> to vector<16xi32>
    %swap3A_521 = vector.shape_cast %add3A_517 : vector<16xi32> to vector<16xi32>
    tpu.vector_store %arg6[%swap3A_518], %swap3A_521 {strides = array<i32>} : memref<4096xi32, #tpu.memory_space<vmem>>, vector<16xi32>,
    %add3A_522 = arith.constant 512 : i32
    %add3A_523 = vector.broadcast %add3A_522 : i32 to vector<16xi32>
    %add3A_524 = arith.addi %add3A_493, %add3A_523 : vector<16xi32>
    %swap3A_525 = arith.constant 2160 : index
    %swap3A_526 = tpu.vector_load %arg6[%swap3A_525] {strides = array<i32>} : memref<4096xi32, #tpu.memory_space<vmem>>, vector<16xi32>,
    %swap3A_527 = vector.shape_cast %swap3A_526 : vector<16xi32> to vector<16xi32>
    %swap3A_528 = vector.shape_cast %add3A_524 : vector<16xi32> to vector<16xi32>
    tpu.vector_store %arg6[%swap3A_525], %swap3A_528 {strides = array<i32>} : memref<4096xi32, #tpu.memory_space<vmem>>, vector<16xi32>,
    %add3A_529 = arith.constant 640 : i32
    %add3A_530 = vector.broadcast %add3A_529 : i32 to vector<16xi32>
    %add3A_531 = arith.addi %add3A_493, %add3A_530 : vector<16xi32>
    %swap3A_532 = arith.constant 2672 : index
    %swap3A_533 = tpu.vector_load %arg6[%swap3A_532] {strides = array<i32>} : memref<4096xi32, #tpu.memory_space<vmem>>, vector<16xi32>,
    %swap3A_534 = vector.shape_cast %swap3A_533 : vector<16xi32> to vector<16xi32>
    %swap3A_535 = vector.shape_cast %add3A_531 : vector<16xi32> to vector<16xi32>
    tpu.vector_store %arg6[%swap3A_532], %swap3A_535 {strides = array<i32>} : memref<4096xi32, #tpu.memory_space<vmem>>, vector<16xi32>,
    %add3A_536 = arith.constant 768 : i32
    %add3A_537 = vector.broadcast %add3A_536 : i32 to vector<16xi32>
    %add3A_538 = arith.addi %add3A_493, %add3A_537 : vector<16xi32>
    %swap3A_539 = arith.constant 3184 : index
    %swap3A_540 = tpu.vector_load %arg6[%swap3A_539] {strides = array<i32>} : memref<4096xi32, #tpu.memory_space<vmem>>, vector<16xi32>,
    %swap3A_541 = vector.shape_cast %swap3A_540 : vector<16xi32> to vector<16xi32>
    %swap3A_542 = vector.shape_cast %add3A_538 : vector<16xi32> to vector<16xi32>
    tpu.vector_store %arg6[%swap3A_539], %swap3A_542 {strides = array<i32>} : memref<4096xi32, #tpu.memory_space<vmem>>, vector<16xi32>,
    %add3A_543 = arith.constant 896 : i32
    %add3A_544 = vector.broadcast %add3A_543 : i32 to vector<16xi32>
    %add3A_545 = arith.addi %add3A_493, %add3A_544 : vector<16xi32>
    %swap3A_546 = arith.constant 3696 : index
    %swap3A_547 = tpu.vector_load %arg6[%swap3A_546] {strides = array<i32>} : memref<4096xi32, #tpu.memory_space<vmem>>, vector<16xi32>,
    %swap3A_548 = vector.shape_cast %swap3A_547 : vector<16xi32> to vector<16xi32>
    %swap3A_549 = vector.shape_cast %add3A_545 : vector<16xi32> to vector<16xi32>
    tpu.vector_store %arg6[%swap3A_546], %swap3A_549 {strides = array<i32>} : memref<4096xi32, #tpu.memory_space<vmem>>, vector<16xi32>,
    %get3A_550 = arith.constant 128 : index
    %get3A_551 = tpu.vector_load %arg5[%get3A_550] {strides = array<i32>} : memref<512xi32, #tpu.memory_space<vmem>>, vector<16xi32>,
    %get3A_552 = vector.shape_cast %get3A_551 : vector<16xi32> to vector<16xi32>
    %shift_right_logical3A_553 = arith.constant 7 : i32
    %shift_right_logical3A_554 = vector.broadcast %shift_right_logical3A_553 : i32 to vector<16xi32>
    %shift_right_logical3A_555 = arith.shrui %get3A_552, %shift_right_logical3A_554 : vector<16xi32>
    %shift_left3A_556 = arith.constant 10 : i32
    %shift_left3A_557 = vector.broadcast %shift_left3A_556 : i32 to vector<16xi32>
    %shift_left3A_558 = arith.shli %shift_right_logical3A_555, %shift_left3A_557 : vector<16xi32>
    %and3A_559 = arith.constant 127 : i32
    %and3A_560 = vector.broadcast %and3A_559 : i32 to vector<16xi32>
    %and3A_561 = arith.andi %get3A_552, %and3A_560 : vector<16xi32>
    %add3A_562 = arith.addi %shift_left3A_558, %and3A_561 : vector<16xi32>
    %add3A_563 = arith.constant 0 : i32
    %add3A_564 = vector.broadcast %add3A_563 : i32 to vector<16xi32>
    %add3A_565 = arith.addi %add3A_562, %add3A_564 : vector<16xi32>
    %swap3A_566 = arith.constant 128 : index
    %swap3A_567 = tpu.vector_load %arg6[%swap3A_566] {strides = array<i32>} : memref<4096xi32, #tpu.memory_space<vmem>>, vector<16xi32>,
    %swap3A_568 = vector.shape_cast %swap3A_567 : vector<16xi32> to vector<16xi32>
    %swap3A_569 = vector.shape_cast %add3A_565 : vector<16xi32> to vector<16xi32>
    tpu.vector_store %arg6[%swap3A_566], %swap3A_569 {strides = array<i32>} : memref<4096xi32, #tpu.memory_space<vmem>>, vector<16xi32>,
    %add3A_570 = arith.constant 128 : i32
    %add3A_571 = vector.broadcast %add3A_570 : i32 to vector<16xi32>
    %add3A_572 = arith.addi %add3A_562, %add3A_571 : vector<16xi32>
    %swap3A_573 = arith.constant 640 : index
    %swap3A_574 = tpu.vector_load %arg6[%swap3A_573] {strides = array<i32>} : memref<4096xi32, #tpu.memory_space<vmem>>, vector<16xi32>,
    %swap3A_575 = vector.shape_cast %swap3A_574 : vector<16xi32> to vector<16xi32>
    %swap3A_576 = vector.shape_cast %add3A_572 : vector<16xi32> to vector<16xi32>
    tpu.vector_store %arg6[%swap3A_573], %swap3A_576 {strides = array<i32>} : memref<4096xi32, #tpu.memory_space<vmem>>, vector<16xi32>,
    %add3A_577 = arith.constant 256 : i32
    %add3A_578 = vector.broadcast %add3A_577 : i32 to vector<16xi32>
    %add3A_579 = arith.addi %add3A_562, %add3A_578 : vector<16xi32>
    %swap3A_580 = arith.constant 1152 : index
    %swap3A_581 = tpu.vector_load %arg6[%swap3A_580] {strides = array<i32>} : memref<4096xi32, #tpu.memory_space<vmem>>, vector<16xi32>,
    %swap3A_582 = vector.shape_cast %swap3A_581 : vector<16xi32> to vector<16xi32>
    %swap3A_583 = vector.shape_cast %add3A_579 : vector<16xi32> to vector<16xi32>
    tpu.vector_store %arg6[%swap3A_580], %swap3A_583 {strides = array<i32>} : memref<4096xi32, #tpu.memory_space<vmem>>, vector<16xi32>,
    %add3A_584 = arith.constant 384 : i32
    %add3A_585 = vector.broadcast %add3A_584 : i32 to vector<16xi32>
    %add3A_586 = arith.addi %add3A_562, %add3A_585 : vector<16xi32>
    %swap3A_587 = arith.constant 1664 : index
    %swap3A_588 = tpu.vector_load %arg6[%swap3A_587] {strides = array<i32>} : memref<4096xi32, #tpu.memory_space<vmem>>, vector<16xi32>,
    %swap3A_589 = vector.shape_cast %swap3A_588 : vector<16xi32> to vector<16xi32>
    %swap3A_590 = vector.shape_cast %add3A_586 : vector<16xi32> to vector<16xi32>
    tpu.vector_store %arg6[%swap3A_587], %swap3A_590 {strides = array<i32>} : memref<4096xi32, #tpu.memory_space<vmem>>, vector<16xi32>,
    %add3A_591 = arith.constant 512 : i32
    %add3A_592 = vector.broadcast %add3A_591 : i32 to vector<16xi32>
    %add3A_593 = arith.addi %add3A_562, %add3A_592 : vector<16xi32>
    %swap3A_594 = arith.constant 2176 : index
    %swap3A_595 = tpu.vector_load %arg6[%swap3A_594] {strides = array<i32>} : memref<4096xi32, #tpu.memory_space<vmem>>, vector<16xi32>,
    %swap3A_596 = vector.shape_cast %swap3A_595 : vector<16xi32> to vector<16xi32>
    %swap3A_597 = vector.shape_cast %add3A_593 : vector<16xi32> to vector<16xi32>
    tpu.vector_store %arg6[%swap3A_594], %swap3A_597 {strides = array<i32>} : memref<4096xi32, #tpu.memory_space<vmem>>, vector<16xi32>,
    %add3A_598 = arith.constant 640 : i32
    %add3A_599 = vector.broadcast %add3A_598 : i32 to vector<16xi32>
    %add3A_600 = arith.addi %add3A_562, %add3A_599 : vector<16xi32>
    %swap3A_601 = arith.constant 2688 : index
    %swap3A_602 = tpu.vector_load %arg6[%swap3A_601] {strides = array<i32>} : memref<4096xi32, #tpu.memory_space<vmem>>, vector<16xi32>,
    %swap3A_603 = vector.shape_cast %swap3A_602 : vector<16xi32> to vector<16xi32>
    %swap3A_604 = vector.shape_cast %add3A_600 : vector<16xi32> to vector<16xi32>
    tpu.vector_store %arg6[%swap3A_601], %swap3A_604 {strides = array<i32>} : memref<4096xi32, #tpu.memory_space<vmem>>, vector<16xi32>,
    %add3A_605 = arith.constant 768 : i32
    %add3A_606 = vector.broadcast %add3A_605 : i32 to vector<16xi32>
    %add3A_607 = arith.addi %add3A_562, %add3A_606 : vector<16xi32>
    %swap3A_608 = arith.constant 3200 : index
    %swap3A_609 = tpu.vector_load %arg6[%swap3A_608] {strides = array<i32>} : memref<4096xi32, #tpu.memory_space<vmem>>, vector<16xi32>,
    %swap3A_610 = vector.shape_cast %swap3A_609 : vector<16xi32> to vector<16xi32>
    %swap3A_611 = vector.shape_cast %add3A_607 : vector<16xi32> to vector<16xi32>
    tpu.vector_store %arg6[%swap3A_608], %swap3A_611 {strides = array<i32>} : memref<4096xi32, #tpu.memory_space<vmem>>, vector<16xi32>,
    %add3A_612 = arith.constant 896 : i32
    %add3A_613 = vector.broadcast %add3A_612 : i32 to vector<16xi32>
    %add3A_614 = arith.addi %add3A_562, %add3A_613 : vector<16xi32>
    %swap3A_615 = arith.constant 3712 : index
    %swap3A_616 = tpu.vector_load %arg6[%swap3A_615] {strides = array<i32>} : memref<4096xi32, #tpu.memory_space<vmem>>, vector<16xi32>,
    %swap3A_617 = vector.shape_cast %swap3A_616 : vector<16xi32> to vector<16xi32>
    %swap3A_618 = vector.shape_cast %add3A_614 : vector<16xi32> to vector<16xi32>
    tpu.vector_store %arg6[%swap3A_615], %swap3A_618 {strides = array<i32>} : memref<4096xi32, #tpu.memory_space<vmem>>, vector<16xi32>,
    %get3A_619 = arith.constant 144 : index
    %get3A_620 = tpu.vector_load %arg5[%get3A_619] {strides = array<i32>} : memref<512xi32, #tpu.memory_space<vmem>>, vector<16xi32>,
    %get3A_621 = vector.shape_cast %get3A_620 : vector<16xi32> to vector<16xi32>
    %shift_right_logical3A_622 = arith.constant 7 : i32
    %shift_right_logical3A_623 = vector.broadcast %shift_right_logical3A_622 : i32 to vector<16xi32>
    %shift_right_logical3A_624 = arith.shrui %get3A_621, %shift_right_logical3A_623 : vector<16xi32>
    %shift_left3A_625 = arith.constant 10 : i32
    %shift_left3A_626 = vector.broadcast %shift_left3A_625 : i32 to vector<16xi32>
    %shift_left3A_627 = arith.shli %shift_right_logical3A_624, %shift_left3A_626 : vector<16xi32>
    %and3A_628 = arith.constant 127 : i32
    %and3A_629 = vector.broadcast %and3A_628 : i32 to vector<16xi32>
    %and3A_630 = arith.andi %get3A_621, %and3A_629 : vector<16xi32>
    %add3A_631 = arith.addi %shift_left3A_627, %and3A_630 : vector<16xi32>
    %add3A_632 = arith.constant 0 : i32
    %add3A_633 = vector.broadcast %add3A_632 : i32 to vector<16xi32>
    %add3A_634 = arith.addi %add3A_631, %add3A_633 : vector<16xi32>
    %swap3A_635 = arith.constant 144 : index
    %swap3A_636 = tpu.vector_load %arg6[%swap3A_635] {strides = array<i32>} : memref<4096xi32, #tpu.memory_space<vmem>>, vector<16xi32>,
    %swap3A_637 = vector.shape_cast %swap3A_636 : vector<16xi32> to vector<16xi32>
    %swap3A_638 = vector.shape_cast %add3A_634 : vector<16xi32> to vector<16xi32>
    tpu.vector_store %arg6[%swap3A_635], %swap3A_638 {strides = array<i32>} : memref<4096xi32, #tpu.memory_space<vmem>>, vector<16xi32>,
    %add3A_639 = arith.constant 128 : i32
    %add3A_640 = vector.broadcast %add3A_639 : i32 to vector<16xi32>
    %add3A_641 = arith.addi %add3A_631, %add3A_640 : vector<16xi32>
    %swap3A_642 = arith.constant 656 : index
    %swap3A_643 = tpu.vector_load %arg6[%swap3A_642] {strides = array<i32>} : memref<4096xi32, #tpu.memory_space<vmem>>, vector<16xi32>,
    %swap3A_644 = vector.shape_cast %swap3A_643 : vector<16xi32> to vector<16xi32>
    %swap3A_645 = vector.shape_cast %add3A_641 : vector<16xi32> to vector<16xi32>
    tpu.vector_store %arg6[%swap3A_642], %swap3A_645 {strides = array<i32>} : memref<4096xi32, #tpu.memory_space<vmem>>, vector<16xi32>,
    %add3A_646 = arith.constant 256 : i32
    %add3A_647 = vector.broadcast %add3A_646 : i32 to vector<16xi32>
    %add3A_648 = arith.addi %add3A_631, %add3A_647 : vector<16xi32>
    %swap3A_649 = arith.constant 1168 : index
    %swap3A_650 = tpu.vector_load %arg6[%swap3A_649] {strides = array<i32>} : memref<4096xi32, #tpu.memory_space<vmem>>, vector<16xi32>,
    %swap3A_651 = vector.shape_cast %swap3A_650 : vector<16xi32> to vector<16xi32>
    %swap3A_652 = vector.shape_cast %add3A_648 : vector<16xi32> to vector<16xi32>
    tpu.vector_store %arg6[%swap3A_649], %swap3A_652 {strides = array<i32>} : memref<4096xi32, #tpu.memory_space<vmem>>, vector<16xi32>,
    %add3A_653 = arith.constant 384 : i32
    %add3A_654 = vector.broadcast %add3A_653 : i32 to vector<16xi32>
    %add3A_655 = arith.addi %add3A_631, %add3A_654 : vector<16xi32>
    %swap3A_656 = arith.constant 1680 : index
    %swap3A_657 = tpu.vector_load %arg6[%swap3A_656] {strides = array<i32>} : memref<4096xi32, #tpu.memory_space<vmem>>, vector<16xi32>,
    %swap3A_658 = vector.shape_cast %swap3A_657 : vector<16xi32> to vector<16xi32>
    %swap3A_659 = vector.shape_cast %add3A_655 : vector<16xi32> to vector<16xi32>
    tpu.vector_store %arg6[%swap3A_656], %swap3A_659 {strides = array<i32>} : memref<4096xi32, #tpu.memory_space<vmem>>, vector<16xi32>,
    %add3A_660 = arith.constant 512 : i32
    %add3A_661 = vector.broadcast %add3A_660 : i32 to vector<16xi32>
    %add3A_662 = arith.addi %add3A_631, %add3A_661 : vector<16xi32>
    %swap3A_663 = arith.constant 2192 : index
    %swap3A_664 = tpu.vector_load %arg6[%swap3A_663] {strides = array<i32>} : memref<4096xi32, #tpu.memory_space<vmem>>, vector<16xi32>,
    %swap3A_665 = vector.shape_cast %swap3A_664 : vector<16xi32> to vector<16xi32>
    %swap3A_666 = vector.shape_cast %add3A_662 : vector<16xi32> to vector<16xi32>
    tpu.vector_store %arg6[%swap3A_663], %swap3A_666 {strides = array<i32>} : memref<4096xi32, #tpu.memory_space<vmem>>, vector<16xi32>,
    %add3A_667 = arith.constant 640 : i32
    %add3A_668 = vector.broadcast %add3A_667 : i32 to vector<16xi32>
    %add3A_669 = arith.addi %add3A_631, %add3A_668 : vector<16xi32>
    %swap3A_670 = arith.constant 2704 : index
    %swap3A_671 = tpu.vector_load %arg6[%swap3A_670] {strides = array<i32>} : memref<4096xi32, #tpu.memory_space<vmem>>, vector<16xi32>,
    %swap3A_672 = vector.shape_cast %swap3A_671 : vector<16xi32> to vector<16xi32>
    %swap3A_673 = vector.shape_cast %add3A_669 : vector<16xi32> to vector<16xi32>
    tpu.vector_store %arg6[%swap3A_670], %swap3A_673 {strides = array<i32>} : memref<4096xi32, #tpu.memory_space<vmem>>, vector<16xi32>,
    %add3A_674 = arith.constant 768 : i32
    %add3A_675 = vector.broadcast %add3A_674 : i32 to vector<16xi32>
    %add3A_676 = arith.addi %add3A_631, %add3A_675 : vector<16xi32>
    %swap3A_677 = arith.constant 3216 : index
    %swap3A_678 = tpu.vector_load %arg6[%swap3A_677] {strides = array<i32>} : memref<4096xi32, #tpu.memory_space<vmem>>, vector<16xi32>,
    %swap3A_679 = vector.shape_cast %swap3A_678 : vector<16xi32> to vector<16xi32>
    %swap3A_680 = vector.shape_cast %add3A_676 : vector<16xi32> to vector<16xi32>
    tpu.vector_store %arg6[%swap3A_677], %swap3A_680 {strides = array<i32>} : memref<4096xi32, #tpu.memory_space<vmem>>, vector<16xi32>,
    %add3A_681 = arith.constant 896 : i32
    %add3A_682 = vector.broadcast %add3A_681 : i32 to vector<16xi32>
    %add3A_683 = arith.addi %add3A_631, %add3A_682 : vector<16xi32>
    %swap3A_684 = arith.constant 3728 : index
    %swap3A_685 = tpu.vector_load %arg6[%swap3A_684] {strides = array<i32>} : memref<4096xi32, #tpu.memory_space<vmem>>, vector<16xi32>,
    %swap3A_686 = vector.shape_cast %swap3A_685 : vector<16xi32> to vector<16xi32>
    %swap3A_687 = vector.shape_cast %add3A_683 : vector<16xi32> to vector<16xi32>
    tpu.vector_store %arg6[%swap3A_684], %swap3A_687 {strides = array<i32>} : memref<4096xi32, #tpu.memory_space<vmem>>, vector<16xi32>,
    %get3A_688 = arith.constant 160 : index
    %get3A_689 = tpu.vector_load %arg5[%get3A_688] {strides = array<i32>} : memref<512xi32, #tpu.memory_space<vmem>>, vector<16xi32>,
    %get3A_690 = vector.shape_cast %get3A_689 : vector<16xi32> to vector<16xi32>
    %shift_right_logical3A_691 = arith.constant 7 : i32
    %shift_right_logical3A_692 = vector.broadcast %shift_right_logical3A_691 : i32 to vector<16xi32>
    %shift_right_logical3A_693 = arith.shrui %get3A_690, %shift_right_logical3A_692 : vector<16xi32>
    %shift_left3A_694 = arith.constant 10 : i32
    %shift_left3A_695 = vector.broadcast %shift_left3A_694 : i32 to vector<16xi32>
    %shift_left3A_696 = arith.shli %shift_right_logical3A_693, %shift_left3A_695 : vector<16xi32>
    %and3A_697 = arith.constant 127 : i32
    %and3A_698 = vector.broadcast %and3A_697 : i32 to vector<16xi32>
    %and3A_699 = arith.andi %get3A_690, %and3A_698 : vector<16xi32>
    %add3A_700 = arith.addi %shift_left3A_696, %and3A_699 : vector<16xi32>
    %add3A_701 = arith.constant 0 : i32
    %add3A_702 = vector.broadcast %add3A_701 : i32 to vector<16xi32>
    %add3A_703 = arith.addi %add3A_700, %add3A_702 : vector<16xi32>
    %swap3A_704 = arith.constant 160 : index
    %swap3A_705 = tpu.vector_load %arg6[%swap3A_704] {strides = array<i32>} : memref<4096xi32, #tpu.memory_space<vmem>>, vector<16xi32>,
    %swap3A_706 = vector.shape_cast %swap3A_705 : vector<16xi32> to vector<16xi32>
    %swap3A_707 = vector.shape_cast %add3A_703 : vector<16xi32> to vector<16xi32>
    tpu.vector_store %arg6[%swap3A_704], %swap3A_707 {strides = array<i32>} : memref<4096xi32, #tpu.memory_space<vmem>>, vector<16xi32>,
    %add3A_708 = arith.constant 128 : i32
    %add3A_709 = vector.broadcast %add3A_708 : i32 to vector<16xi32>
    %add3A_710 = arith.addi %add3A_700, %add3A_709 : vector<16xi32>
    %swap3A_711 = arith.constant 672 : index
    %swap3A_712 = tpu.vector_load %arg6[%swap3A_711] {strides = array<i32>} : memref<4096xi32, #tpu.memory_space<vmem>>, vector<16xi32>,
    %swap3A_713 = vector.shape_cast %swap3A_712 : vector<16xi32> to vector<16xi32>
    %swap3A_714 = vector.shape_cast %add3A_710 : vector<16xi32> to vector<16xi32>
    tpu.vector_store %arg6[%swap3A_711], %swap3A_714 {strides = array<i32>} : memref<4096xi32, #tpu.memory_space<vmem>>, vector<16xi32>,
    %add3A_715 = arith.constant 256 : i32
    %add3A_716 = vector.broadcast %add3A_715 : i32 to vector<16xi32>
    %add3A_717 = arith.addi %add3A_700, %add3A_716 : vector<16xi32>
    %swap3A_718 = arith.constant 1184 : index
    %swap3A_719 = tpu.vector_load %arg6[%swap3A_718] {strides = array<i32>} : memref<4096xi32, #tpu.memory_space<vmem>>, vector<16xi32>,
    %swap3A_720 = vector.shape_cast %swap3A_719 : vector<16xi32> to vector<16xi32>
    %swap3A_721 = vector.shape_cast %add3A_717 : vector<16xi32> to vector<16xi32>
    tpu.vector_store %arg6[%swap3A_718], %swap3A_721 {strides = array<i32>} : memref<4096xi32, #tpu.memory_space<vmem>>, vector<16xi32>,
    %add3A_722 = arith.constant 384 : i32
    %add3A_723 = vector.broadcast %add3A_722 : i32 to vector<16xi32>
    %add3A_724 = arith.addi %add3A_700, %add3A_723 : vector<16xi32>
    %swap3A_725 = arith.constant 1696 : index
    %swap3A_726 = tpu.vector_load %arg6[%swap3A_725] {strides = array<i32>} : memref<4096xi32, #tpu.memory_space<vmem>>, vector<16xi32>,
    %swap3A_727 = vector.shape_cast %swap3A_726 : vector<16xi32> to vector<16xi32>
    %swap3A_728 = vector.shape_cast %add3A_724 : vector<16xi32> to vector<16xi32>
    tpu.vector_store %arg6[%swap3A_725], %swap3A_728 {strides = array<i32>} : memref<4096xi32, #tpu.memory_space<vmem>>, vector<16xi32>,
    %add3A_729 = arith.constant 512 : i32
    %add3A_730 = vector.broadcast %add3A_729 : i32 to vector<16xi32>
    %add3A_731 = arith.addi %add3A_700, %add3A_730 : vector<16xi32>
    %swap3A_732 = arith.constant 2208 : index
    %swap3A_733 = tpu.vector_load %arg6[%swap3A_732] {strides = array<i32>} : memref<4096xi32, #tpu.memory_space<vmem>>, vector<16xi32>,
    %swap3A_734 = vector.shape_cast %swap3A_733 : vector<16xi32> to vector<16xi32>
    %swap3A_735 = vector.shape_cast %add3A_731 : vector<16xi32> to vector<16xi32>
    tpu.vector_store %arg6[%swap3A_732], %swap3A_735 {strides = array<i32>} : memref<4096xi32, #tpu.memory_space<vmem>>, vector<16xi32>,
    %add3A_736 = arith.constant 640 : i32
    %add3A_737 = vector.broadcast %add3A_736 : i32 to vector<16xi32>
    %add3A_738 = arith.addi %add3A_700, %add3A_737 : vector<16xi32>
    %swap3A_739 = arith.constant 2720 : index
    %swap3A_740 = tpu.vector_load %arg6[%swap3A_739] {strides = array<i32>} : memref<4096xi32, #tpu.memory_space<vmem>>, vector<16xi32>,
    %swap3A_741 = vector.shape_cast %swap3A_740 : vector<16xi32> to vector<16xi32>
    %swap3A_742 = vector.shape_cast %add3A_738 : vector<16xi32> to vector<16xi32>
    tpu.vector_store %arg6[%swap3A_739], %swap3A_742 {strides = array<i32>} : memref<4096xi32, #tpu.memory_space<vmem>>, vector<16xi32>,
    %add3A_743 = arith.constant 768 : i32
    %add3A_744 = vector.broadcast %add3A_743 : i32 to vector<16xi32>
    %add3A_745 = arith.addi %add3A_700, %add3A_744 : vector<16xi32>
    %swap3A_746 = arith.constant 3232 : index
    %swap3A_747 = tpu.vector_load %arg6[%swap3A_746] {strides = array<i32>} : memref<4096xi32, #tpu.memory_space<vmem>>, vector<16xi32>,
    %swap3A_748 = vector.shape_cast %swap3A_747 : vector<16xi32> to vector<16xi32>
    %swap3A_749 = vector.shape_cast %add3A_745 : vector<16xi32> to vector<16xi32>
    tpu.vector_store %arg6[%swap3A_746], %swap3A_749 {strides = array<i32>} : memref<4096xi32, #tpu.memory_space<vmem>>, vector<16xi32>,
    %add3A_750 = arith.constant 896 : i32
    %add3A_751 = vector.broadcast %add3A_750 : i32 to vector<16xi32>
    %add3A_752 = arith.addi %add3A_700, %add3A_751 : vector<16xi32>
    %swap3A_753 = arith.constant 3744 : index
    %swap3A_754 = tpu.vector_load %arg6[%swap3A_753] {strides = array<i32>} : memref<4096xi32, #tpu.memory_space<vmem>>, vector<16xi32>,
    %swap3A_755 = vector.shape_cast %swap3A_754 : vector<16xi32> to vector<16xi32>
    %swap3A_756 = vector.shape_cast %add3A_752 : vector<16xi32> to vector<16xi32>
    tpu.vector_store %arg6[%swap3A_753], %swap3A_756 {strides = array<i32>} : memref<4096xi32, #tpu.memory_space<vmem>>, vector<16xi32>,
    %get3A_757 = arith.constant 176 : index
    %get3A_758 = tpu.vector_load %arg5[%get3A_757] {strides = array<i32>} : memref<512xi32, #tpu.memory_space<vmem>>, vector<16xi32>,
    %get3A_759 = vector.shape_cast %get3A_758 : vector<16xi32> to vector<16xi32>
    %shift_right_logical3A_760 = arith.constant 7 : i32
    %shift_right_logical3A_761 = vector.broadcast %shift_right_logical3A_760 : i32 to vector<16xi32>
    %shift_right_logical3A_762 = arith.shrui %get3A_759, %shift_right_logical3A_761 : vector<16xi32>
    %shift_left3A_763 = arith.constant 10 : i32
    %shift_left3A_764 = vector.broadcast %shift_left3A_763 : i32 to vector<16xi32>
    %shift_left3A_765 = arith.shli %shift_right_logical3A_762, %shift_left3A_764 : vector<16xi32>
    %and3A_766 = arith.constant 127 : i32
    %and3A_767 = vector.broadcast %and3A_766 : i32 to vector<16xi32>
    %and3A_768 = arith.andi %get3A_759, %and3A_767 : vector<16xi32>
    %add3A_769 = arith.addi %shift_left3A_765, %and3A_768 : vector<16xi32>
    %add3A_770 = arith.constant 0 : i32
    %add3A_771 = vector.broadcast %add3A_770 : i32 to vector<16xi32>
    %add3A_772 = arith.addi %add3A_769, %add3A_771 : vector<16xi32>
    %swap3A_773 = arith.constant 176 : index
    %swap3A_774 = tpu.vector_load %arg6[%swap3A_773] {strides = array<i32>} : memref<4096xi32, #tpu.memory_space<vmem>>, vector<16xi32>,
    %swap3A_775 = vector.shape_cast %swap3A_774 : vector<16xi32> to vector<16xi32>
    %swap3A_776 = vector.shape_cast %add3A_772 : vector<16xi32> to vector<16xi32>
    tpu.vector_store %arg6[%swap3A_773], %swap3A_776 {strides = array<i32>} : memref<4096xi32, #tpu.memory_space<vmem>>, vector<16xi32>,
    %add3A_777 = arith.constant 128 : i32
    %add3A_778 = vector.broadcast %add3A_777 : i32 to vector<16xi32>
    %add3A_779 = arith.addi %add3A_769, %add3A_778 : vector<16xi32>
    %swap3A_780 = arith.constant 688 : index
    %swap3A_781 = tpu.vector_load %arg6[%swap3A_780] {strides = array<i32>} : memref<4096xi32, #tpu.memory_space<vmem>>, vector<16xi32>,
    %swap3A_782 = vector.shape_cast %swap3A_781 : vector<16xi32> to vector<16xi32>
    %swap3A_783 = vector.shape_cast %add3A_779 : vector<16xi32> to vector<16xi32>
    tpu.vector_store %arg6[%swap3A_780], %swap3A_783 {strides = array<i32>} : memref<4096xi32, #tpu.memory_space<vmem>>, vector<16xi32>,
    %add3A_784 = arith.constant 256 : i32
    %add3A_785 = vector.broadcast %add3A_784 : i32 to vector<16xi32>
    %add3A_786 = arith.addi %add3A_769, %add3A_785 : vector<16xi32>
    %swap3A_787 = arith.constant 1200 : index
    %swap3A_788 = tpu.vector_load %arg6[%swap3A_787] {strides = array<i32>} : memref<4096xi32, #tpu.memory_space<vmem>>, vector<16xi32>,
    %swap3A_789 = vector.shape_cast %swap3A_788 : vector<16xi32> to vector<16xi32>
    %swap3A_790 = vector.shape_cast %add3A_786 : vector<16xi32> to vector<16xi32>
    tpu.vector_store %arg6[%swap3A_787], %swap3A_790 {strides = array<i32>} : memref<4096xi32, #tpu.memory_space<vmem>>, vector<16xi32>,
    %add3A_791 = arith.constant 384 : i32
    %add3A_792 = vector.broadcast %add3A_791 : i32 to vector<16xi32>
    %add3A_793 = arith.addi %add3A_769, %add3A_792 : vector<16xi32>
    %swap3A_794 = arith.constant 1712 : index
    %swap3A_795 = tpu.vector_load %arg6[%swap3A_794] {strides = array<i32>} : memref<4096xi32, #tpu.memory_space<vmem>>, vector<16xi32>,
    %swap3A_796 = vector.shape_cast %swap3A_795 : vector<16xi32> to vector<16xi32>
    %swap3A_797 = vector.shape_cast %add3A_793 : vector<16xi32> to vector<16xi32>
    tpu.vector_store %arg6[%swap3A_794], %swap3A_797 {strides = array<i32>} : memref<4096xi32, #tpu.memory_space<vmem>>, vector<16xi32>,
    %add3A_798 = arith.constant 512 : i32
    %add3A_799 = vector.broadcast %add3A_798 : i32 to vector<16xi32>
    %add3A_800 = arith.addi %add3A_769, %add3A_799 : vector<16xi32>
    %swap3A_801 = arith.constant 2224 : index
    %swap3A_802 = tpu.vector_load %arg6[%swap3A_801] {strides = array<i32>} : memref<4096xi32, #tpu.memory_space<vmem>>, vector<16xi32>,
    %swap3A_803 = vector.shape_cast %swap3A_802 : vector<16xi32> to vector<16xi32>
    %swap3A_804 = vector.shape_cast %add3A_800 : vector<16xi32> to vector<16xi32>
    tpu.vector_store %arg6[%swap3A_801], %swap3A_804 {strides = array<i32>} : memref<4096xi32, #tpu.memory_space<vmem>>, vector<16xi32>,
    %add3A_805 = arith.constant 640 : i32
    %add3A_806 = vector.broadcast %add3A_805 : i32 to vector<16xi32>
    %add3A_807 = arith.addi %add3A_769, %add3A_806 : vector<16xi32>
    %swap3A_808 = arith.constant 2736 : index
    %swap3A_809 = tpu.vector_load %arg6[%swap3A_808] {strides = array<i32>} : memref<4096xi32, #tpu.memory_space<vmem>>, vector<16xi32>,
    %swap3A_810 = vector.shape_cast %swap3A_809 : vector<16xi32> to vector<16xi32>
    %swap3A_811 = vector.shape_cast %add3A_807 : vector<16xi32> to vector<16xi32>
    tpu.vector_store %arg6[%swap3A_808], %swap3A_811 {strides = array<i32>} : memref<4096xi32, #tpu.memory_space<vmem>>, vector<16xi32>,
    %add3A_812 = arith.constant 768 : i32
    %add3A_813 = vector.broadcast %add3A_812 : i32 to vector<16xi32>
    %add3A_814 = arith.addi %add3A_769, %add3A_813 : vector<16xi32>
    %swap3A_815 = arith.constant 3248 : index
    %swap3A_816 = tpu.vector_load %arg6[%swap3A_815] {strides = array<i32>} : memref<4096xi32, #tpu.memory_space<vmem>>, vector<16xi32>,
    %swap3A_817 = vector.shape_cast %swap3A_816 : vector<16xi32> to vector<16xi32>
    %swap3A_818 = vector.shape_cast %add3A_814 : vector<16xi32> to vector<16xi32>
    tpu.vector_store %arg6[%swap3A_815], %swap3A_818 {strides = array<i32>} : memref<4096xi32, #tpu.memory_space<vmem>>, vector<16xi32>,
    %add3A_819 = arith.constant 896 : i32
    %add3A_820 = vector.broadcast %add3A_819 : i32 to vector<16xi32>
    %add3A_821 = arith.addi %add3A_769, %add3A_820 : vector<16xi32>
    %swap3A_822 = arith.constant 3760 : index
    %swap3A_823 = tpu.vector_load %arg6[%swap3A_822] {strides = array<i32>} : memref<4096xi32, #tpu.memory_space<vmem>>, vector<16xi32>,
    %swap3A_824 = vector.shape_cast %swap3A_823 : vector<16xi32> to vector<16xi32>
    %swap3A_825 = vector.shape_cast %add3A_821 : vector<16xi32> to vector<16xi32>
    tpu.vector_store %arg6[%swap3A_822], %swap3A_825 {strides = array<i32>} : memref<4096xi32, #tpu.memory_space<vmem>>, vector<16xi32>,
    %get3A_826 = arith.constant 192 : index
    %get3A_827 = tpu.vector_load %arg5[%get3A_826] {strides = array<i32>} : memref<512xi32, #tpu.memory_space<vmem>>, vector<16xi32>,
    %get3A_828 = vector.shape_cast %get3A_827 : vector<16xi32> to vector<16xi32>
    %shift_right_logical3A_829 = arith.constant 7 : i32
    %shift_right_logical3A_830 = vector.broadcast %shift_right_logical3A_829 : i32 to vector<16xi32>
    %shift_right_logical3A_831 = arith.shrui %get3A_828, %shift_right_logical3A_830 : vector<16xi32>
    %shift_left3A_832 = arith.constant 10 : i32
    %shift_left3A_833 = vector.broadcast %shift_left3A_832 : i32 to vector<16xi32>
    %shift_left3A_834 = arith.shli %shift_right_logical3A_831, %shift_left3A_833 : vector<16xi32>
    %and3A_835 = arith.constant 127 : i32
    %and3A_836 = vector.broadcast %and3A_835 : i32 to vector<16xi32>
    %and3A_837 = arith.andi %get3A_828, %and3A_836 : vector<16xi32>
    %add3A_838 = arith.addi %shift_left3A_834, %and3A_837 : vector<16xi32>
    %add3A_839 = arith.constant 0 : i32
    %add3A_840 = vector.broadcast %add3A_839 : i32 to vector<16xi32>
    %add3A_841 = arith.addi %add3A_838, %add3A_840 : vector<16xi32>
    %swap3A_842 = arith.constant 192 : index
    %swap3A_843 = tpu.vector_load %arg6[%swap3A_842] {strides = array<i32>} : memref<4096xi32, #tpu.memory_space<vmem>>, vector<16xi32>,
    %swap3A_844 = vector.shape_cast %swap3A_843 : vector<16xi32> to vector<16xi32>
    %swap3A_845 = vector.shape_cast %add3A_841 : vector<16xi32> to vector<16xi32>
    tpu.vector_store %arg6[%swap3A_842], %swap3A_845 {strides = array<i32>} : memref<4096xi32, #tpu.memory_space<vmem>>, vector<16xi32>,
    %add3A_846 = arith.constant 128 : i32
    %add3A_847 = vector.broadcast %add3A_846 : i32 to vector<16xi32>
    %add3A_848 = arith.addi %add3A_838, %add3A_847 : vector<16xi32>
    %swap3A_849 = arith.constant 704 : index
    %swap3A_850 = tpu.vector_load %arg6[%swap3A_849] {strides = array<i32>} : memref<4096xi32, #tpu.memory_space<vmem>>, vector<16xi32>,
    %swap3A_851 = vector.shape_cast %swap3A_850 : vector<16xi32> to vector<16xi32>
    %swap3A_852 = vector.shape_cast %add3A_848 : vector<16xi32> to vector<16xi32>
    tpu.vector_store %arg6[%swap3A_849], %swap3A_852 {strides = array<i32>} : memref<4096xi32, #tpu.memory_space<vmem>>, vector<16xi32>,
    %add3A_853 = arith.constant 256 : i32
    %add3A_854 = vector.broadcast %add3A_853 : i32 to vector<16xi32>
    %add3A_855 = arith.addi %add3A_838, %add3A_854 : vector<16xi32>
    %swap3A_856 = arith.constant 1216 : index
    %swap3A_857 = tpu.vector_load %arg6[%swap3A_856] {strides = array<i32>} : memref<4096xi32, #tpu.memory_space<vmem>>, vector<16xi32>,
    %swap3A_858 = vector.shape_cast %swap3A_857 : vector<16xi32> to vector<16xi32>
    %swap3A_859 = vector.shape_cast %add3A_855 : vector<16xi32> to vector<16xi32>
    tpu.vector_store %arg6[%swap3A_856], %swap3A_859 {strides = array<i32>} : memref<4096xi32, #tpu.memory_space<vmem>>, vector<16xi32>,
    %add3A_860 = arith.constant 384 : i32
    %add3A_861 = vector.broadcast %add3A_860 : i32 to vector<16xi32>
    %add3A_862 = arith.addi %add3A_838, %add3A_861 : vector<16xi32>
    %swap3A_863 = arith.constant 1728 : index
    %swap3A_864 = tpu.vector_load %arg6[%swap3A_863] {strides = array<i32>} : memref<4096xi32, #tpu.memory_space<vmem>>, vector<16xi32>,
    %swap3A_865 = vector.shape_cast %swap3A_864 : vector<16xi32> to vector<16xi32>
    %swap3A_866 = vector.shape_cast %add3A_862 : vector<16xi32> to vector<16xi32>
    tpu.vector_store %arg6[%swap3A_863], %swap3A_866 {strides = array<i32>} : memref<4096xi32, #tpu.memory_space<vmem>>, vector<16xi32>,
    %add3A_867 = arith.constant 512 : i32
    %add3A_868 = vector.broadcast %add3A_867 : i32 to vector<16xi32>
    %add3A_869 = arith.addi %add3A_838, %add3A_868 : vector<16xi32>
    %swap3A_870 = arith.constant 2240 : index
    %swap3A_871 = tpu.vector_load %arg6[%swap3A_870] {strides = array<i32>} : memref<4096xi32, #tpu.memory_space<vmem>>, vector<16xi32>,
    %swap3A_872 = vector.shape_cast %swap3A_871 : vector<16xi32> to vector<16xi32>
    %swap3A_873 = vector.shape_cast %add3A_869 : vector<16xi32> to vector<16xi32>
    tpu.vector_store %arg6[%swap3A_870], %swap3A_873 {strides = array<i32>} : memref<4096xi32, #tpu.memory_space<vmem>>, vector<16xi32>,
    %add3A_874 = arith.constant 640 : i32
    %add3A_875 = vector.broadcast %add3A_874 : i32 to vector<16xi32>
    %add3A_876 = arith.addi %add3A_838, %add3A_875 : vector<16xi32>
    %swap3A_877 = arith.constant 2752 : index
    %swap3A_878 = tpu.vector_load %arg6[%swap3A_877] {strides = array<i32>} : memref<4096xi32, #tpu.memory_space<vmem>>, vector<16xi32>,
    %swap3A_879 = vector.shape_cast %swap3A_878 : vector<16xi32> to vector<16xi32>
    %swap3A_880 = vector.shape_cast %add3A_876 : vector<16xi32> to vector<16xi32>
    tpu.vector_store %arg6[%swap3A_877], %swap3A_880 {strides = array<i32>} : memref<4096xi32, #tpu.memory_space<vmem>>, vector<16xi32>,
    %add3A_881 = arith.constant 768 : i32
    %add3A_882 = vector.broadcast %add3A_881 : i32 to vector<16xi32>
    %add3A_883 = arith.addi %add3A_838, %add3A_882 : vector<16xi32>
    %swap3A_884 = arith.constant 3264 : index
    %swap3A_885 = tpu.vector_load %arg6[%swap3A_884] {strides = array<i32>} : memref<4096xi32, #tpu.memory_space<vmem>>, vector<16xi32>,
    %swap3A_886 = vector.shape_cast %swap3A_885 : vector<16xi32> to vector<16xi32>
    %swap3A_887 = vector.shape_cast %add3A_883 : vector<16xi32> to vector<16xi32>
    tpu.vector_store %arg6[%swap3A_884], %swap3A_887 {strides = array<i32>} : memref<4096xi32, #tpu.memory_space<vmem>>, vector<16xi32>,
    %add3A_888 = arith.constant 896 : i32
    %add3A_889 = vector.broadcast %add3A_888 : i32 to vector<16xi32>
    %add3A_890 = arith.addi %add3A_838, %add3A_889 : vector<16xi32>
    %swap3A_891 = arith.constant 3776 : index
    %swap3A_892 = tpu.vector_load %arg6[%swap3A_891] {strides = array<i32>} : memref<4096xi32, #tpu.memory_space<vmem>>, vector<16xi32>,
    %swap3A_893 = vector.shape_cast %swap3A_892 : vector<16xi32> to vector<16xi32>
    %swap3A_894 = vector.shape_cast %add3A_890 : vector<16xi32> to vector<16xi32>
    tpu.vector_store %arg6[%swap3A_891], %swap3A_894 {strides = array<i32>} : memref<4096xi32, #tpu.memory_space<vmem>>, vector<16xi32>,
    %get3A_895 = arith.constant 208 : index
    %get3A_896 = tpu.vector_load %arg5[%get3A_895] {strides = array<i32>} : memref<512xi32, #tpu.memory_space<vmem>>, vector<16xi32>,
    %get3A_897 = vector.shape_cast %get3A_896 : vector<16xi32> to vector<16xi32>
    %shift_right_logical3A_898 = arith.constant 7 : i32
    %shift_right_logical3A_899 = vector.broadcast %shift_right_logical3A_898 : i32 to vector<16xi32>
    %shift_right_logical3A_900 = arith.shrui %get3A_897, %shift_right_logical3A_899 : vector<16xi32>
    %shift_left3A_901 = arith.constant 10 : i32
    %shift_left3A_902 = vector.broadcast %shift_left3A_901 : i32 to vector<16xi32>
    %shift_left3A_903 = arith.shli %shift_right_logical3A_900, %shift_left3A_902 : vector<16xi32>
    %and3A_904 = arith.constant 127 : i32
    %and3A_905 = vector.broadcast %and3A_904 : i32 to vector<16xi32>
    %and3A_906 = arith.andi %get3A_897, %and3A_905 : vector<16xi32>
    %add3A_907 = arith.addi %shift_left3A_903, %and3A_906 : vector<16xi32>
    %add3A_908 = arith.constant 0 : i32
    %add3A_909 = vector.broadcast %add3A_908 : i32 to vector<16xi32>
    %add3A_910 = arith.addi %add3A_907, %add3A_909 : vector<16xi32>
    %swap3A_911 = arith.constant 208 : index
    %swap3A_912 = tpu.vector_load %arg6[%swap3A_911] {strides = array<i32>} : memref<4096xi32, #tpu.memory_space<vmem>>, vector<16xi32>,
    %swap3A_913 = vector.shape_cast %swap3A_912 : vector<16xi32> to vector<16xi32>
    %swap3A_914 = vector.shape_cast %add3A_910 : vector<16xi32> to vector<16xi32>
    tpu.vector_store %arg6[%swap3A_911], %swap3A_914 {strides = array<i32>} : memref<4096xi32, #tpu.memory_space<vmem>>, vector<16xi32>,
    %add3A_915 = arith.constant 128 : i32
    %add3A_916 = vector.broadcast %add3A_915 : i32 to vector<16xi32>
    %add3A_917 = arith.addi %add3A_907, %add3A_916 : vector<16xi32>
    %swap3A_918 = arith.constant 720 : index
    %swap3A_919 = tpu.vector_load %arg6[%swap3A_918] {strides = array<i32>} : memref<4096xi32, #tpu.memory_space<vmem>>, vector<16xi32>,
    %swap3A_920 = vector.shape_cast %swap3A_919 : vector<16xi32> to vector<16xi32>
    %swap3A_921 = vector.shape_cast %add3A_917 : vector<16xi32> to vector<16xi32>
    tpu.vector_store %arg6[%swap3A_918], %swap3A_921 {strides = array<i32>} : memref<4096xi32, #tpu.memory_space<vmem>>, vector<16xi32>,
    %add3A_922 = arith.constant 256 : i32
    %add3A_923 = vector.broadcast %add3A_922 : i32 to vector<16xi32>
    %add3A_924 = arith.addi %add3A_907, %add3A_923 : vector<16xi32>
    %swap3A_925 = arith.constant 1232 : index
    %swap3A_926 = tpu.vector_load %arg6[%swap3A_925] {strides = array<i32>} : memref<4096xi32, #tpu.memory_space<vmem>>, vector<16xi32>,
    %swap3A_927 = vector.shape_cast %swap3A_926 : vector<16xi32> to vector<16xi32>
    %swap3A_928 = vector.shape_cast %add3A_924 : vector<16xi32> to vector<16xi32>
    tpu.vector_store %arg6[%swap3A_925], %swap3A_928 {strides = array<i32>} : memref<4096xi32, #tpu.memory_space<vmem>>, vector<16xi32>,
    %add3A_929 = arith.constant 384 : i32
    %add3A_930 = vector.broadcast %add3A_929 : i32 to vector<16xi32>
    %add3A_931 = arith.addi %add3A_907, %add3A_930 : vector<16xi32>
    %swap3A_932 = arith.constant 1744 : index
    %swap3A_933 = tpu.vector_load %arg6[%swap3A_932] {strides = array<i32>} : memref<4096xi32, #tpu.memory_space<vmem>>, vector<16xi32>,
    %swap3A_934 = vector.shape_cast %swap3A_933 : vector<16xi32> to vector<16xi32>
    %swap3A_935 = vector.shape_cast %add3A_931 : vector<16xi32> to vector<16xi32>
    tpu.vector_store %arg6[%swap3A_932], %swap3A_935 {strides = array<i32>} : memref<4096xi32, #tpu.memory_space<vmem>>, vector<16xi32>,
    %add3A_936 = arith.constant 512 : i32
    %add3A_937 = vector.broadcast %add3A_936 : i32 to vector<16xi32>
    %add3A_938 = arith.addi %add3A_907, %add3A_937 : vector<16xi32>
    %swap3A_939 = arith.constant 2256 : index
    %swap3A_940 = tpu.vector_load %arg6[%swap3A_939] {strides = array<i32>} : memref<4096xi32, #tpu.memory_space<vmem>>, vector<16xi32>,
    %swap3A_941 = vector.shape_cast %swap3A_940 : vector<16xi32> to vector<16xi32>
    %swap3A_942 = vector.shape_cast %add3A_938 : vector<16xi32> to vector<16xi32>
    tpu.vector_store %arg6[%swap3A_939], %swap3A_942 {strides = array<i32>} : memref<4096xi32, #tpu.memory_space<vmem>>, vector<16xi32>,
    %add3A_943 = arith.constant 640 : i32
    %add3A_944 = vector.broadcast %add3A_943 : i32 to vector<16xi32>
    %add3A_945 = arith.addi %add3A_907, %add3A_944 : vector<16xi32>
    %swap3A_946 = arith.constant 2768 : index
    %swap3A_947 = tpu.vector_load %arg6[%swap3A_946] {strides = array<i32>} : memref<4096xi32, #tpu.memory_space<vmem>>, vector<16xi32>,
    %swap3A_948 = vector.shape_cast %swap3A_947 : vector<16xi32> to vector<16xi32>
    %swap3A_949 = vector.shape_cast %add3A_945 : vector<16xi32> to vector<16xi32>
    tpu.vector_store %arg6[%swap3A_946], %swap3A_949 {strides = array<i32>} : memref<4096xi32, #tpu.memory_space<vmem>>, vector<16xi32>,
    %add3A_950 = arith.constant 768 : i32
    %add3A_951 = vector.broadcast %add3A_950 : i32 to vector<16xi32>
    %add3A_952 = arith.addi %add3A_907, %add3A_951 : vector<16xi32>
    %swap3A_953 = arith.constant 3280 : index
    %swap3A_954 = tpu.vector_load %arg6[%swap3A_953] {strides = array<i32>} : memref<4096xi32, #tpu.memory_space<vmem>>, vector<16xi32>,
    %swap3A_955 = vector.shape_cast %swap3A_954 : vector<16xi32> to vector<16xi32>
    %swap3A_956 = vector.shape_cast %add3A_952 : vector<16xi32> to vector<16xi32>
    tpu.vector_store %arg6[%swap3A_953], %swap3A_956 {strides = array<i32>} : memref<4096xi32, #tpu.memory_space<vmem>>, vector<16xi32>,
    %add3A_957 = arith.constant 896 : i32
    %add3A_958 = vector.broadcast %add3A_957 : i32 to vector<16xi32>
    %add3A_959 = arith.addi %add3A_907, %add3A_958 : vector<16xi32>
    %swap3A_960 = arith.constant 3792 : index
    %swap3A_961 = tpu.vector_load %arg6[%swap3A_960] {strides = array<i32>} : memref<4096xi32, #tpu.memory_space<vmem>>, vector<16xi32>,
    %swap3A_962 = vector.shape_cast %swap3A_961 : vector<16xi32> to vector<16xi32>
    %swap3A_963 = vector.shape_cast %add3A_959 : vector<16xi32> to vector<16xi32>
    tpu.vector_store %arg6[%swap3A_960], %swap3A_963 {strides = array<i32>} : memref<4096xi32, #tpu.memory_space<vmem>>, vector<16xi32>,
    %get3A_964 = arith.constant 224 : index
    %get3A_965 = tpu.vector_load %arg5[%get3A_964] {strides = array<i32>} : memref<512xi32, #tpu.memory_space<vmem>>, vector<16xi32>,
    %get3A_966 = vector.shape_cast %get3A_965 : vector<16xi32> to vector<16xi32>
    %shift_right_logical3A_967 = arith.constant 7 : i32
    %shift_right_logical3A_968 = vector.broadcast %shift_right_logical3A_967 : i32 to vector<16xi32>
    %shift_right_logical3A_969 = arith.shrui %get3A_966, %shift_right_logical3A_968 : vector<16xi32>
    %shift_left3A_970 = arith.constant 10 : i32
    %shift_left3A_971 = vector.broadcast %shift_left3A_970 : i32 to vector<16xi32>
    %shift_left3A_972 = arith.shli %shift_right_logical3A_969, %shift_left3A_971 : vector<16xi32>
    %and3A_973 = arith.constant 127 : i32
    %and3A_974 = vector.broadcast %and3A_973 : i32 to vector<16xi32>
    %and3A_975 = arith.andi %get3A_966, %and3A_974 : vector<16xi32>
    %add3A_976 = arith.addi %shift_left3A_972, %and3A_975 : vector<16xi32>
    %add3A_977 = arith.constant 0 : i32
    %add3A_978 = vector.broadcast %add3A_977 : i32 to vector<16xi32>
    %add3A_979 = arith.addi %add3A_976, %add3A_978 : vector<16xi32>
    %swap3A_980 = arith.constant 224 : index
    %swap3A_981 = tpu.vector_load %arg6[%swap3A_980] {strides = array<i32>} : memref<4096xi32, #tpu.memory_space<vmem>>, vector<16xi32>,
    %swap3A_982 = vector.shape_cast %swap3A_981 : vector<16xi32> to vector<16xi32>
    %swap3A_983 = vector.shape_cast %add3A_979 : vector<16xi32> to vector<16xi32>
    tpu.vector_store %arg6[%swap3A_980], %swap3A_983 {strides = array<i32>} : memref<4096xi32, #tpu.memory_space<vmem>>, vector<16xi32>,
    %add3A_984 = arith.constant 128 : i32
    %add3A_985 = vector.broadcast %add3A_984 : i32 to vector<16xi32>
    %add3A_986 = arith.addi %add3A_976, %add3A_985 : vector<16xi32>
    %swap3A_987 = arith.constant 736 : index
    %swap3A_988 = tpu.vector_load %arg6[%swap3A_987] {strides = array<i32>} : memref<4096xi32, #tpu.memory_space<vmem>>, vector<16xi32>,
    %swap3A_989 = vector.shape_cast %swap3A_988 : vector<16xi32> to vector<16xi32>
    %swap3A_990 = vector.shape_cast %add3A_986 : vector<16xi32> to vector<16xi32>
    tpu.vector_store %arg6[%swap3A_987], %swap3A_990 {strides = array<i32>} : memref<4096xi32, #tpu.memory_space<vmem>>, vector<16xi32>,
    %add3A_991 = arith.constant 256 : i32
    %add3A_992 = vector.broadcast %add3A_991 : i32 to vector<16xi32>
    %add3A_993 = arith.addi %add3A_976, %add3A_992 : vector<16xi32>
    %swap3A_994 = arith.constant 1248 : index
    %swap3A_995 = tpu.vector_load %arg6[%swap3A_994] {strides = array<i32>} : memref<4096xi32, #tpu.memory_space<vmem>>, vector<16xi32>,
    %swap3A_996 = vector.shape_cast %swap3A_995 : vector<16xi32> to vector<16xi32>
    %swap3A_997 = vector.shape_cast %add3A_993 : vector<16xi32> to vector<16xi32>
    tpu.vector_store %arg6[%swap3A_994], %swap3A_997 {strides = array<i32>} : memref<4096xi32, #tpu.memory_space<vmem>>, vector<16xi32>,
    %add3A_998 = arith.constant 384 : i32
    %add3A_999 = vector.broadcast %add3A_998 : i32 to vector<16xi32>
    %add3A_1000 = arith.addi %add3A_976, %add3A_999 : vector<16xi32>
    %swap3A_1001 = arith.constant 1760 : index
    %swap3A_1002 = tpu.vector_load %arg6[%swap3A_1001] {strides = array<i32>} : memref<4096xi32, #tpu.memory_space<vmem>>, vector<16xi32>,
    %swap3A_1003 = vector.shape_cast %swap3A_1002 : vector<16xi32> to vector<16xi32>
    %swap3A_1004 = vector.shape_cast %add3A_1000 : vector<16xi32> to vector<16xi32>
    tpu.vector_store %arg6[%swap3A_1001], %swap3A_1004 {strides = array<i32>} : memref<4096xi32, #tpu.memory_space<vmem>>, vector<16xi32>,
    %add3A_1005 = arith.constant 512 : i32
    %add3A_1006 = vector.broadcast %add3A_1005 : i32 to vector<16xi32>
    %add3A_1007 = arith.addi %add3A_976, %add3A_1006 : vector<16xi32>
    %swap3A_1008 = arith.constant 2272 : index
    %swap3A_1009 = tpu.vector_load %arg6[%swap3A_1008] {strides = array<i32>} : memref<4096xi32, #tpu.memory_space<vmem>>, vector<16xi32>,
    %swap3A_1010 = vector.shape_cast %swap3A_1009 : vector<16xi32> to vector<16xi32>
    %swap3A_1011 = vector.shape_cast %add3A_1007 : vector<16xi32> to vector<16xi32>
    tpu.vector_store %arg6[%swap3A_1008], %swap3A_1011 {strides = array<i32>} : memref<4096xi32, #tpu.memory_space<vmem>>, vector<16xi32>,
    %add3A_1012 = arith.constant 640 : i32
    %add3A_1013 = vector.broadcast %add3A_1012 : i32 to vector<16xi32>
    %add3A_1014 = arith.addi %add3A_976, %add3A_1013 : vector<16xi32>
    %swap3A_1015 = arith.constant 2784 : index
    %swap3A_1016 = tpu.vector_load %arg6[%swap3A_1015] {strides = array<i32>} : memref<4096xi32, #tpu.memory_space<vmem>>, vector<16xi32>,
    %swap3A_1017 = vector.shape_cast %swap3A_1016 : vector<16xi32> to vector<16xi32>
    %swap3A_1018 = vector.shape_cast %add3A_1014 : vector<16xi32> to vector<16xi32>
    tpu.vector_store %arg6[%swap3A_1015], %swap3A_1018 {strides = array<i32>} : memref<4096xi32, #tpu.memory_space<vmem>>, vector<16xi32>,
    %add3A_1019 = arith.constant 768 : i32
    %add3A_1020 = vector.broadcast %add3A_1019 : i32 to vector<16xi32>
    %add3A_1021 = arith.addi %add3A_976, %add3A_1020 : vector<16xi32>
    %swap3A_1022 = arith.constant 3296 : index
    %swap3A_1023 = tpu.vector_load %arg6[%swap3A_1022] {strides = array<i32>} : memref<4096xi32, #tpu.memory_space<vmem>>, vector<16xi32>,
    %swap3A_1024 = vector.shape_cast %swap3A_1023 : vector<16xi32> to vector<16xi32>
    %swap3A_1025 = vector.shape_cast %add3A_1021 : vector<16xi32> to vector<16xi32>
    tpu.vector_store %arg6[%swap3A_1022], %swap3A_1025 {strides = array<i32>} : memref<4096xi32, #tpu.memory_space<vmem>>, vector<16xi32>,
    %add3A_1026 = arith.constant 896 : i32
    %add3A_1027 = vector.broadcast %add3A_1026 : i32 to vector<16xi32>
    %add3A_1028 = arith.addi %add3A_976, %add3A_1027 : vector<16xi32>
    %swap3A_1029 = arith.constant 3808 : index
    %swap3A_1030 = tpu.vector_load %arg6[%swap3A_1029] {strides = array<i32>} : memref<4096xi32, #tpu.memory_space<vmem>>, vector<16xi32>,
    %swap3A_1031 = vector.shape_cast %swap3A_1030 : vector<16xi32> to vector<16xi32>
    %swap3A_1032 = vector.shape_cast %add3A_1028 : vector<16xi32> to vector<16xi32>
    tpu.vector_store %arg6[%swap3A_1029], %swap3A_1032 {strides = array<i32>} : memref<4096xi32, #tpu.memory_space<vmem>>, vector<16xi32>,
    %get3A_1033 = arith.constant 240 : index
    %get3A_1034 = tpu.vector_load %arg5[%get3A_1033] {strides = array<i32>} : memref<512xi32, #tpu.memory_space<vmem>>, vector<16xi32>,
    %get3A_1035 = vector.shape_cast %get3A_1034 : vector<16xi32> to vector<16xi32>
    %shift_right_logical3A_1036 = arith.constant 7 : i32
    %shift_right_logical3A_1037 = vector.broadcast %shift_right_logical3A_1036 : i32 to vector<16xi32>
    %shift_right_logical3A_1038 = arith.shrui %get3A_1035, %shift_right_logical3A_1037 : vector<16xi32>
    %shift_left3A_1039 = arith.constant 10 : i32
    %shift_left3A_1040 = vector.broadcast %shift_left3A_1039 : i32 to vector<16xi32>
    %shift_left3A_1041 = arith.shli %shift_right_logical3A_1038, %shift_left3A_1040 : vector<16xi32>
    %and3A_1042 = arith.constant 127 : i32
    %and3A_1043 = vector.broadcast %and3A_1042 : i32 to vector<16xi32>
    %and3A_1044 = arith.andi %get3A_1035, %and3A_1043 : vector<16xi32>
    %add3A_1045 = arith.addi %shift_left3A_1041, %and3A_1044 : vector<16xi32>
    %add3A_1046 = arith.constant 0 : i32
    %add3A_1047 = vector.broadcast %add3A_1046 : i32 to vector<16xi32>
    %add3A_1048 = arith.addi %add3A_1045, %add3A_1047 : vector<16xi32>
    %swap3A_1049 = arith.constant 240 : index
    %swap3A_1050 = tpu.vector_load %arg6[%swap3A_1049] {strides = array<i32>} : memref<4096xi32, #tpu.memory_space<vmem>>, vector<16xi32>,
    %swap3A_1051 = vector.shape_cast %swap3A_1050 : vector<16xi32> to vector<16xi32>
    %swap3A_1052 = vector.shape_cast %add3A_1048 : vector<16xi32> to vector<16xi32>
    tpu.vector_store %arg6[%swap3A_1049], %swap3A_1052 {strides = array<i32>} : memref<4096xi32, #tpu.memory_space<vmem>>, vector<16xi32>,
    %add3A_1053 = arith.constant 128 : i32
    %add3A_1054 = vector.broadcast %add3A_1053 : i32 to vector<16xi32>
    %add3A_1055 = arith.addi %add3A_1045, %add3A_1054 : vector<16xi32>
    %swap3A_1056 = arith.constant 752 : index
    %swap3A_1057 = tpu.vector_load %arg6[%swap3A_1056] {strides = array<i32>} : memref<4096xi32, #tpu.memory_space<vmem>>, vector<16xi32>,
    %swap3A_1058 = vector.shape_cast %swap3A_1057 : vector<16xi32> to vector<16xi32>
    %swap3A_1059 = vector.shape_cast %add3A_1055 : vector<16xi32> to vector<16xi32>
    tpu.vector_store %arg6[%swap3A_1056], %swap3A_1059 {strides = array<i32>} : memref<4096xi32, #tpu.memory_space<vmem>>, vector<16xi32>,
    %add3A_1060 = arith.constant 256 : i32
    %add3A_1061 = vector.broadcast %add3A_1060 : i32 to vector<16xi32>
    %add3A_1062 = arith.addi %add3A_1045, %add3A_1061 : vector<16xi32>
    %swap3A_1063 = arith.constant 1264 : index
    %swap3A_1064 = tpu.vector_load %arg6[%swap3A_1063] {strides = array<i32>} : memref<4096xi32, #tpu.memory_space<vmem>>, vector<16xi32>,
    %swap3A_1065 = vector.shape_cast %swap3A_1064 : vector<16xi32> to vector<16xi32>
    %swap3A_1066 = vector.shape_cast %add3A_1062 : vector<16xi32> to vector<16xi32>
    tpu.vector_store %arg6[%swap3A_1063], %swap3A_1066 {strides = array<i32>} : memref<4096xi32, #tpu.memory_space<vmem>>, vector<16xi32>,
    %add3A_1067 = arith.constant 384 : i32
    %add3A_1068 = vector.broadcast %add3A_1067 : i32 to vector<16xi32>
    %add3A_1069 = arith.addi %add3A_1045, %add3A_1068 : vector<16xi32>
    %swap3A_1070 = arith.constant 1776 : index
    %swap3A_1071 = tpu.vector_load %arg6[%swap3A_1070] {strides = array<i32>} : memref<4096xi32, #tpu.memory_space<vmem>>, vector<16xi32>,
    %swap3A_1072 = vector.shape_cast %swap3A_1071 : vector<16xi32> to vector<16xi32>
    %swap3A_1073 = vector.shape_cast %add3A_1069 : vector<16xi32> to vector<16xi32>
    tpu.vector_store %arg6[%swap3A_1070], %swap3A_1073 {strides = array<i32>} : memref<4096xi32, #tpu.memory_space<vmem>>, vector<16xi32>,
    %add3A_1074 = arith.constant 512 : i32
    %add3A_1075 = vector.broadcast %add3A_1074 : i32 to vector<16xi32>
    %add3A_1076 = arith.addi %add3A_1045, %add3A_1075 : vector<16xi32>
    %swap3A_1077 = arith.constant 2288 : index
    %swap3A_1078 = tpu.vector_load %arg6[%swap3A_1077] {strides = array<i32>} : memref<4096xi32, #tpu.memory_space<vmem>>, vector<16xi32>,
    %swap3A_1079 = vector.shape_cast %swap3A_1078 : vector<16xi32> to vector<16xi32>
    %swap3A_1080 = vector.shape_cast %add3A_1076 : vector<16xi32> to vector<16xi32>
    tpu.vector_store %arg6[%swap3A_1077], %swap3A_1080 {strides = array<i32>} : memref<4096xi32, #tpu.memory_space<vmem>>, vector<16xi32>,
    %add3A_1081 = arith.constant 640 : i32
    %add3A_1082 = vector.broadcast %add3A_1081 : i32 to vector<16xi32>
    %add3A_1083 = arith.addi %add3A_1045, %add3A_1082 : vector<16xi32>
    %swap3A_1084 = arith.constant 2800 : index
    %swap3A_1085 = tpu.vector_load %arg6[%swap3A_1084] {strides = array<i32>} : memref<4096xi32, #tpu.memory_space<vmem>>, vector<16xi32>,
    %swap3A_1086 = vector.shape_cast %swap3A_1085 : vector<16xi32> to vector<16xi32>
    %swap3A_1087 = vector.shape_cast %add3A_1083 : vector<16xi32> to vector<16xi32>
    tpu.vector_store %arg6[%swap3A_1084], %swap3A_1087 {strides = array<i32>} : memref<4096xi32, #tpu.memory_space<vmem>>, vector<16xi32>,
    %add3A_1088 = arith.constant 768 : i32
    %add3A_1089 = vector.broadcast %add3A_1088 : i32 to vector<16xi32>
    %add3A_1090 = arith.addi %add3A_1045, %add3A_1089 : vector<16xi32>
    %swap3A_1091 = arith.constant 3312 : index
    %swap3A_1092 = tpu.vector_load %arg6[%swap3A_1091] {strides = array<i32>} : memref<4096xi32, #tpu.memory_space<vmem>>, vector<16xi32>,
    %swap3A_1093 = vector.shape_cast %swap3A_1092 : vector<16xi32> to vector<16xi32>
    %swap3A_1094 = vector.shape_cast %add3A_1090 : vector<16xi32> to vector<16xi32>
    tpu.vector_store %arg6[%swap3A_1091], %swap3A_1094 {strides = array<i32>} : memref<4096xi32, #tpu.memory_space<vmem>>, vector<16xi32>,
    %add3A_1095 = arith.constant 896 : i32
    %add3A_1096 = vector.broadcast %add3A_1095 : i32 to vector<16xi32>
    %add3A_1097 = arith.addi %add3A_1045, %add3A_1096 : vector<16xi32>
    %swap3A_1098 = arith.constant 3824 : index
    %swap3A_1099 = tpu.vector_load %arg6[%swap3A_1098] {strides = array<i32>} : memref<4096xi32, #tpu.memory_space<vmem>>, vector<16xi32>,
    %swap3A_1100 = vector.shape_cast %swap3A_1099 : vector<16xi32> to vector<16xi32>
    %swap3A_1101 = vector.shape_cast %add3A_1097 : vector<16xi32> to vector<16xi32>
    tpu.vector_store %arg6[%swap3A_1098], %swap3A_1101 {strides = array<i32>} : memref<4096xi32, #tpu.memory_space<vmem>>, vector<16xi32>,
    %get3A_1102 = arith.constant 256 : index
    %get3A_1103 = tpu.vector_load %arg5[%get3A_1102] {strides = array<i32>} : memref<512xi32, #tpu.memory_space<vmem>>, vector<16xi32>,
    %get3A_1104 = vector.shape_cast %get3A_1103 : vector<16xi32> to vector<16xi32>
    %shift_right_logical3A_1105 = arith.constant 7 : i32
    %shift_right_logical3A_1106 = vector.broadcast %shift_right_logical3A_1105 : i32 to vector<16xi32>
    %shift_right_logical3A_1107 = arith.shrui %get3A_1104, %shift_right_logical3A_1106 : vector<16xi32>
    %shift_left3A_1108 = arith.constant 10 : i32
    %shift_left3A_1109 = vector.broadcast %shift_left3A_1108 : i32 to vector<16xi32>
    %shift_left3A_1110 = arith.shli %shift_right_logical3A_1107, %shift_left3A_1109 : vector<16xi32>
    %and3A_1111 = arith.constant 127 : i32
    %and3A_1112 = vector.broadcast %and3A_1111 : i32 to vector<16xi32>
    %and3A_1113 = arith.andi %get3A_1104, %and3A_1112 : vector<16xi32>
    %add3A_1114 = arith.addi %shift_left3A_1110, %and3A_1113 : vector<16xi32>
    %add3A_1115 = arith.constant 0 : i32
    %add3A_1116 = vector.broadcast %add3A_1115 : i32 to vector<16xi32>
    %add3A_1117 = arith.addi %add3A_1114, %add3A_1116 : vector<16xi32>
    %swap3A_1118 = arith.constant 256 : index
    %swap3A_1119 = tpu.vector_load %arg6[%swap3A_1118] {strides = array<i32>} : memref<4096xi32, #tpu.memory_space<vmem>>, vector<16xi32>,
    %swap3A_1120 = vector.shape_cast %swap3A_1119 : vector<16xi32> to vector<16xi32>
    %swap3A_1121 = vector.shape_cast %add3A_1117 : vector<16xi32> to vector<16xi32>
    tpu.vector_store %arg6[%swap3A_1118], %swap3A_1121 {strides = array<i32>} : memref<4096xi32, #tpu.memory_space<vmem>>, vector<16xi32>,
    %add3A_1122 = arith.constant 128 : i32
    %add3A_1123 = vector.broadcast %add3A_1122 : i32 to vector<16xi32>
    %add3A_1124 = arith.addi %add3A_1114, %add3A_1123 : vector<16xi32>
    %swap3A_1125 = arith.constant 768 : index
    %swap3A_1126 = tpu.vector_load %arg6[%swap3A_1125] {strides = array<i32>} : memref<4096xi32, #tpu.memory_space<vmem>>, vector<16xi32>,
    %swap3A_1127 = vector.shape_cast %swap3A_1126 : vector<16xi32> to vector<16xi32>
    %swap3A_1128 = vector.shape_cast %add3A_1124 : vector<16xi32> to vector<16xi32>
    tpu.vector_store %arg6[%swap3A_1125], %swap3A_1128 {strides = array<i32>} : memref<4096xi32, #tpu.memory_space<vmem>>, vector<16xi32>,
    %add3A_1129 = arith.constant 256 : i32
    %add3A_1130 = vector.broadcast %add3A_1129 : i32 to vector<16xi32>
    %add3A_1131 = arith.addi %add3A_1114, %add3A_1130 : vector<16xi32>
    %swap3A_1132 = arith.constant 1280 : index
    %swap3A_1133 = tpu.vector_load %arg6[%swap3A_1132] {strides = array<i32>} : memref<4096xi32, #tpu.memory_space<vmem>>, vector<16xi32>,
    %swap3A_1134 = vector.shape_cast %swap3A_1133 : vector<16xi32> to vector<16xi32>
    %swap3A_1135 = vector.shape_cast %add3A_1131 : vector<16xi32> to vector<16xi32>
    tpu.vector_store %arg6[%swap3A_1132], %swap3A_1135 {strides = array<i32>} : memref<4096xi32, #tpu.memory_space<vmem>>, vector<16xi32>,
    %add3A_1136 = arith.constant 384 : i32
    %add3A_1137 = vector.broadcast %add3A_1136 : i32 to vector<16xi32>
    %add3A_1138 = arith.addi %add3A_1114, %add3A_1137 : vector<16xi32>
    %swap3A_1139 = arith.constant 1792 : index
    %swap3A_1140 = tpu.vector_load %arg6[%swap3A_1139] {strides = array<i32>} : memref<4096xi32, #tpu.memory_space<vmem>>, vector<16xi32>,
    %swap3A_1141 = vector.shape_cast %swap3A_1140 : vector<16xi32> to vector<16xi32>
    %swap3A_1142 = vector.shape_cast %add3A_1138 : vector<16xi32> to vector<16xi32>
    tpu.vector_store %arg6[%swap3A_1139], %swap3A_1142 {strides = array<i32>} : memref<4096xi32, #tpu.memory_space<vmem>>, vector<16xi32>,
    %add3A_1143 = arith.constant 512 : i32
    %add3A_1144 = vector.broadcast %add3A_1143 : i32 to vector<16xi32>
    %add3A_1145 = arith.addi %add3A_1114, %add3A_1144 : vector<16xi32>
    %swap3A_1146 = arith.constant 2304 : index
    %swap3A_1147 = tpu.vector_load %arg6[%swap3A_1146] {strides = array<i32>} : memref<4096xi32, #tpu.memory_space<vmem>>, vector<16xi32>,
    %swap3A_1148 = vector.shape_cast %swap3A_1147 : vector<16xi32> to vector<16xi32>
    %swap3A_1149 = vector.shape_cast %add3A_1145 : vector<16xi32> to vector<16xi32>
    tpu.vector_store %arg6[%swap3A_1146], %swap3A_1149 {strides = array<i32>} : memref<4096xi32, #tpu.memory_space<vmem>>, vector<16xi32>,
    %add3A_1150 = arith.constant 640 : i32
    %add3A_1151 = vector.broadcast %add3A_1150 : i32 to vector<16xi32>
    %add3A_1152 = arith.addi %add3A_1114, %add3A_1151 : vector<16xi32>
    %swap3A_1153 = arith.constant 2816 : index
    %swap3A_1154 = tpu.vector_load %arg6[%swap3A_1153] {strides = array<i32>} : memref<4096xi32, #tpu.memory_space<vmem>>, vector<16xi32>,
    %swap3A_1155 = vector.shape_cast %swap3A_1154 : vector<16xi32> to vector<16xi32>
    %swap3A_1156 = vector.shape_cast %add3A_1152 : vector<16xi32> to vector<16xi32>
    tpu.vector_store %arg6[%swap3A_1153], %swap3A_1156 {strides = array<i32>} : memref<4096xi32, #tpu.memory_space<vmem>>, vector<16xi32>,
    %add3A_1157 = arith.constant 768 : i32
    %add3A_1158 = vector.broadcast %add3A_1157 : i32 to vector<16xi32>
    %add3A_1159 = arith.addi %add3A_1114, %add3A_1158 : vector<16xi32>
    %swap3A_1160 = arith.constant 3328 : index
    %swap3A_1161 = tpu.vector_load %arg6[%swap3A_1160] {strides = array<i32>} : memref<4096xi32, #tpu.memory_space<vmem>>, vector<16xi32>,
    %swap3A_1162 = vector.shape_cast %swap3A_1161 : vector<16xi32> to vector<16xi32>
    %swap3A_1163 = vector.shape_cast %add3A_1159 : vector<16xi32> to vector<16xi32>
    tpu.vector_store %arg6[%swap3A_1160], %swap3A_1163 {strides = array<i32>} : memref<4096xi32, #tpu.memory_space<vmem>>, vector<16xi32>,
    %add3A_1164 = arith.constant 896 : i32
    %add3A_1165 = vector.broadcast %add3A_1164 : i32 to vector<16xi32>
    %add3A_1166 = arith.addi %add3A_1114, %add3A_1165 : vector<16xi32>
    %swap3A_1167 = arith.constant 3840 : index
    %swap3A_1168 = tpu.vector_load %arg6[%swap3A_1167] {strides = array<i32>} : memref<4096xi32, #tpu.memory_space<vmem>>, vector<16xi32>,
    %swap3A_1169 = vector.shape_cast %swap3A_1168 : vector<16xi32> to vector<16xi32>
    %swap3A_1170 = vector.shape_cast %add3A_1166 : vector<16xi32> to vector<16xi32>
    tpu.vector_store %arg6[%swap3A_1167], %swap3A_1170 {strides = array<i32>} : memref<4096xi32, #tpu.memory_space<vmem>>, vector<16xi32>,
    %get3A_1171 = arith.constant 272 : index
    %get3A_1172 = tpu.vector_load %arg5[%get3A_1171] {strides = array<i32>} : memref<512xi32, #tpu.memory_space<vmem>>, vector<16xi32>,
    %get3A_1173 = vector.shape_cast %get3A_1172 : vector<16xi32> to vector<16xi32>
    %shift_right_logical3A_1174 = arith.constant 7 : i32
    %shift_right_logical3A_1175 = vector.broadcast %shift_right_logical3A_1174 : i32 to vector<16xi32>
    %shift_right_logical3A_1176 = arith.shrui %get3A_1173, %shift_right_logical3A_1175 : vector<16xi32>
    %shift_left3A_1177 = arith.constant 10 : i32
    %shift_left3A_1178 = vector.broadcast %shift_left3A_1177 : i32 to vector<16xi32>
    %shift_left3A_1179 = arith.shli %shift_right_logical3A_1176, %shift_left3A_1178 : vector<16xi32>
    %and3A_1180 = arith.constant 127 : i32
    %and3A_1181 = vector.broadcast %and3A_1180 : i32 to vector<16xi32>
    %and3A_1182 = arith.andi %get3A_1173, %and3A_1181 : vector<16xi32>
    %add3A_1183 = arith.addi %shift_left3A_1179, %and3A_1182 : vector<16xi32>
    %add3A_1184 = arith.constant 0 : i32
    %add3A_1185 = vector.broadcast %add3A_1184 : i32 to vector<16xi32>
    %add3A_1186 = arith.addi %add3A_1183, %add3A_1185 : vector<16xi32>
    %swap3A_1187 = arith.constant 272 : index
    %swap3A_1188 = tpu.vector_load %arg6[%swap3A_1187] {strides = array<i32>} : memref<4096xi32, #tpu.memory_space<vmem>>, vector<16xi32>,
    %swap3A_1189 = vector.shape_cast %swap3A_1188 : vector<16xi32> to vector<16xi32>
    %swap3A_1190 = vector.shape_cast %add3A_1186 : vector<16xi32> to vector<16xi32>
    tpu.vector_store %arg6[%swap3A_1187], %swap3A_1190 {strides = array<i32>} : memref<4096xi32, #tpu.memory_space<vmem>>, vector<16xi32>,
    %add3A_1191 = arith.constant 128 : i32
    %add3A_1192 = vector.broadcast %add3A_1191 : i32 to vector<16xi32>
    %add3A_1193 = arith.addi %add3A_1183, %add3A_1192 : vector<16xi32>
    %swap3A_1194 = arith.constant 784 : index
    %swap3A_1195 = tpu.vector_load %arg6[%swap3A_1194] {strides = array<i32>} : memref<4096xi32, #tpu.memory_space<vmem>>, vector<16xi32>,
    %swap3A_1196 = vector.shape_cast %swap3A_1195 : vector<16xi32> to vector<16xi32>
    %swap3A_1197 = vector.shape_cast %add3A_1193 : vector<16xi32> to vector<16xi32>
    tpu.vector_store %arg6[%swap3A_1194], %swap3A_1197 {strides = array<i32>} : memref<4096xi32, #tpu.memory_space<vmem>>, vector<16xi32>,
    %add3A_1198 = arith.constant 256 : i32
    %add3A_1199 = vector.broadcast %add3A_1198 : i32 to vector<16xi32>
    %add3A_1200 = arith.addi %add3A_1183, %add3A_1199 : vector<16xi32>
    %swap3A_1201 = arith.constant 1296 : index
    %swap3A_1202 = tpu.vector_load %arg6[%swap3A_1201] {strides = array<i32>} : memref<4096xi32, #tpu.memory_space<vmem>>, vector<16xi32>,
    %swap3A_1203 = vector.shape_cast %swap3A_1202 : vector<16xi32> to vector<16xi32>
    %swap3A_1204 = vector.shape_cast %add3A_1200 : vector<16xi32> to vector<16xi32>
    tpu.vector_store %arg6[%swap3A_1201], %swap3A_1204 {strides = array<i32>} : memref<4096xi32, #tpu.memory_space<vmem>>, vector<16xi32>,
    %add3A_1205 = arith.constant 384 : i32
    %add3A_1206 = vector.broadcast %add3A_1205 : i32 to vector<16xi32>
    %add3A_1207 = arith.addi %add3A_1183, %add3A_1206 : vector<16xi32>
    %swap3A_1208 = arith.constant 1808 : index
    %swap3A_1209 = tpu.vector_load %arg6[%swap3A_1208] {strides = array<i32>} : memref<4096xi32, #tpu.memory_space<vmem>>, vector<16xi32>,
    %swap3A_1210 = vector.shape_cast %swap3A_1209 : vector<16xi32> to vector<16xi32>
    %swap3A_1211 = vector.shape_cast %add3A_1207 : vector<16xi32> to vector<16xi32>
    tpu.vector_store %arg6[%swap3A_1208], %swap3A_1211 {strides = array<i32>} : memref<4096xi32, #tpu.memory_space<vmem>>, vector<16xi32>,
    %add3A_1212 = arith.constant 512 : i32
    %add3A_1213 = vector.broadcast %add3A_1212 : i32 to vector<16xi32>
    %add3A_1214 = arith.addi %add3A_1183, %add3A_1213 : vector<16xi32>
    %swap3A_1215 = arith.constant 2320 : index
    %swap3A_1216 = tpu.vector_load %arg6[%swap3A_1215] {strides = array<i32>} : memref<4096xi32, #tpu.memory_space<vmem>>, vector<16xi32>,
    %swap3A_1217 = vector.shape_cast %swap3A_1216 : vector<16xi32> to vector<16xi32>
    %swap3A_1218 = vector.shape_cast %add3A_1214 : vector<16xi32> to vector<16xi32>
    tpu.vector_store %arg6[%swap3A_1215], %swap3A_1218 {strides = array<i32>} : memref<4096xi32, #tpu.memory_space<vmem>>, vector<16xi32>,
    %add3A_1219 = arith.constant 640 : i32
    %add3A_1220 = vector.broadcast %add3A_1219 : i32 to vector<16xi32>
    %add3A_1221 = arith.addi %add3A_1183, %add3A_1220 : vector<16xi32>
    %swap3A_1222 = arith.constant 2832 : index
    %swap3A_1223 = tpu.vector_load %arg6[%swap3A_1222] {strides = array<i32>} : memref<4096xi32, #tpu.memory_space<vmem>>, vector<16xi32>,
    %swap3A_1224 = vector.shape_cast %swap3A_1223 : vector<16xi32> to vector<16xi32>
    %swap3A_1225 = vector.shape_cast %add3A_1221 : vector<16xi32> to vector<16xi32>
    tpu.vector_store %arg6[%swap3A_1222], %swap3A_1225 {strides = array<i32>} : memref<4096xi32, #tpu.memory_space<vmem>>, vector<16xi32>,
    %add3A_1226 = arith.constant 768 : i32
    %add3A_1227 = vector.broadcast %add3A_1226 : i32 to vector<16xi32>
    %add3A_1228 = arith.addi %add3A_1183, %add3A_1227 : vector<16xi32>
    %swap3A_1229 = arith.constant 3344 : index
    %swap3A_1230 = tpu.vector_load %arg6[%swap3A_1229] {strides = array<i32>} : memref<4096xi32, #tpu.memory_space<vmem>>, vector<16xi32>,
    %swap3A_1231 = vector.shape_cast %swap3A_1230 : vector<16xi32> to vector<16xi32>
    %swap3A_1232 = vector.shape_cast %add3A_1228 : vector<16xi32> to vector<16xi32>
    tpu.vector_store %arg6[%swap3A_1229], %swap3A_1232 {strides = array<i32>} : memref<4096xi32, #tpu.memory_space<vmem>>, vector<16xi32>,
    %add3A_1233 = arith.constant 896 : i32
    %add3A_1234 = vector.broadcast %add3A_1233 : i32 to vector<16xi32>
    %add3A_1235 = arith.addi %add3A_1183, %add3A_1234 : vector<16xi32>
    %swap3A_1236 = arith.constant 3856 : index
    %swap3A_1237 = tpu.vector_load %arg6[%swap3A_1236] {strides = array<i32>} : memref<4096xi32, #tpu.memory_space<vmem>>, vector<16xi32>,
    %swap3A_1238 = vector.shape_cast %swap3A_1237 : vector<16xi32> to vector<16xi32>
    %swap3A_1239 = vector.shape_cast %add3A_1235 : vector<16xi32> to vector<16xi32>
    tpu.vector_store %arg6[%swap3A_1236], %swap3A_1239 {strides = array<i32>} : memref<4096xi32, #tpu.memory_space<vmem>>, vector<16xi32>,
    %get3A_1240 = arith.constant 288 : index
    %get3A_1241 = tpu.vector_load %arg5[%get3A_1240] {strides = array<i32>} : memref<512xi32, #tpu.memory_space<vmem>>, vector<16xi32>,
    %get3A_1242 = vector.shape_cast %get3A_1241 : vector<16xi32> to vector<16xi32>
    %shift_right_logical3A_1243 = arith.constant 7 : i32
    %shift_right_logical3A_1244 = vector.broadcast %shift_right_logical3A_1243 : i32 to vector<16xi32>
    %shift_right_logical3A_1245 = arith.shrui %get3A_1242, %shift_right_logical3A_1244 : vector<16xi32>
    %shift_left3A_1246 = arith.constant 10 : i32
    %shift_left3A_1247 = vector.broadcast %shift_left3A_1246 : i32 to vector<16xi32>
    %shift_left3A_1248 = arith.shli %shift_right_logical3A_1245, %shift_left3A_1247 : vector<16xi32>
    %and3A_1249 = arith.constant 127 : i32
    %and3A_1250 = vector.broadcast %and3A_1249 : i32 to vector<16xi32>
    %and3A_1251 = arith.andi %get3A_1242, %and3A_1250 : vector<16xi32>
    %add3A_1252 = arith.addi %shift_left3A_1248, %and3A_1251 : vector<16xi32>
    %add3A_1253 = arith.constant 0 : i32
    %add3A_1254 = vector.broadcast %add3A_1253 : i32 to vector<16xi32>
    %add3A_1255 = arith.addi %add3A_1252, %add3A_1254 : vector<16xi32>
    %swap3A_1256 = arith.constant 288 : index
    %swap3A_1257 = tpu.vector_load %arg6[%swap3A_1256] {strides = array<i32>} : memref<4096xi32, #tpu.memory_space<vmem>>, vector<16xi32>,
    %swap3A_1258 = vector.shape_cast %swap3A_1257 : vector<16xi32> to vector<16xi32>
    %swap3A_1259 = vector.shape_cast %add3A_1255 : vector<16xi32> to vector<16xi32>
    tpu.vector_store %arg6[%swap3A_1256], %swap3A_1259 {strides = array<i32>} : memref<4096xi32, #tpu.memory_space<vmem>>, vector<16xi32>,
    %add3A_1260 = arith.constant 128 : i32
    %add3A_1261 = vector.broadcast %add3A_1260 : i32 to vector<16xi32>
    %add3A_1262 = arith.addi %add3A_1252, %add3A_1261 : vector<16xi32>
    %swap3A_1263 = arith.constant 800 : index
    %swap3A_1264 = tpu.vector_load %arg6[%swap3A_1263] {strides = array<i32>} : memref<4096xi32, #tpu.memory_space<vmem>>, vector<16xi32>,
    %swap3A_1265 = vector.shape_cast %swap3A_1264 : vector<16xi32> to vector<16xi32>
    %swap3A_1266 = vector.shape_cast %add3A_1262 : vector<16xi32> to vector<16xi32>
    tpu.vector_store %arg6[%swap3A_1263], %swap3A_1266 {strides = array<i32>} : memref<4096xi32, #tpu.memory_space<vmem>>, vector<16xi32>,
    %add3A_1267 = arith.constant 256 : i32
    %add3A_1268 = vector.broadcast %add3A_1267 : i32 to vector<16xi32>
    %add3A_1269 = arith.addi %add3A_1252, %add3A_1268 : vector<16xi32>
    %swap3A_1270 = arith.constant 1312 : index
    %swap3A_1271 = tpu.vector_load %arg6[%swap3A_1270] {strides = array<i32>} : memref<4096xi32, #tpu.memory_space<vmem>>, vector<16xi32>,
    %swap3A_1272 = vector.shape_cast %swap3A_1271 : vector<16xi32> to vector<16xi32>
    %swap3A_1273 = vector.shape_cast %add3A_1269 : vector<16xi32> to vector<16xi32>
    tpu.vector_store %arg6[%swap3A_1270], %swap3A_1273 {strides = array<i32>} : memref<4096xi32, #tpu.memory_space<vmem>>, vector<16xi32>,
    %add3A_1274 = arith.constant 384 : i32
    %add3A_1275 = vector.broadcast %add3A_1274 : i32 to vector<16xi32>
    %add3A_1276 = arith.addi %add3A_1252, %add3A_1275 : vector<16xi32>
    %swap3A_1277 = arith.constant 1824 : index
    %swap3A_1278 = tpu.vector_load %arg6[%swap3A_1277] {strides = array<i32>} : memref<4096xi32, #tpu.memory_space<vmem>>, vector<16xi32>,
    %swap3A_1279 = vector.shape_cast %swap3A_1278 : vector<16xi32> to vector<16xi32>
    %swap3A_1280 = vector.shape_cast %add3A_1276 : vector<16xi32> to vector<16xi32>
    tpu.vector_store %arg6[%swap3A_1277], %swap3A_1280 {strides = array<i32>} : memref<4096xi32, #tpu.memory_space<vmem>>, vector<16xi32>,
    %add3A_1281 = arith.constant 512 : i32
    %add3A_1282 = vector.broadcast %add3A_1281 : i32 to vector<16xi32>
    %add3A_1283 = arith.addi %add3A_1252, %add3A_1282 : vector<16xi32>
    %swap3A_1284 = arith.constant 2336 : index
    %swap3A_1285 = tpu.vector_load %arg6[%swap3A_1284] {strides = array<i32>} : memref<4096xi32, #tpu.memory_space<vmem>>, vector<16xi32>,
    %swap3A_1286 = vector.shape_cast %swap3A_1285 : vector<16xi32> to vector<16xi32>
    %swap3A_1287 = vector.shape_cast %add3A_1283 : vector<16xi32> to vector<16xi32>
    tpu.vector_store %arg6[%swap3A_1284], %swap3A_1287 {strides = array<i32>} : memref<4096xi32, #tpu.memory_space<vmem>>, vector<16xi32>,
    %add3A_1288 = arith.constant 640 : i32
    %add3A_1289 = vector.broadcast %add3A_1288 : i32 to vector<16xi32>
    %add3A_1290 = arith.addi %add3A_1252, %add3A_1289 : vector<16xi32>
    %swap3A_1291 = arith.constant 2848 : index
    %swap3A_1292 = tpu.vector_load %arg6[%swap3A_1291] {strides = array<i32>} : memref<4096xi32, #tpu.memory_space<vmem>>, vector<16xi32>,
    %swap3A_1293 = vector.shape_cast %swap3A_1292 : vector<16xi32> to vector<16xi32>
    %swap3A_1294 = vector.shape_cast %add3A_1290 : vector<16xi32> to vector<16xi32>
    tpu.vector_store %arg6[%swap3A_1291], %swap3A_1294 {strides = array<i32>} : memref<4096xi32, #tpu.memory_space<vmem>>, vector<16xi32>,
    %add3A_1295 = arith.constant 768 : i32
    %add3A_1296 = vector.broadcast %add3A_1295 : i32 to vector<16xi32>
    %add3A_1297 = arith.addi %add3A_1252, %add3A_1296 : vector<16xi32>
    %swap3A_1298 = arith.constant 3360 : index
    %swap3A_1299 = tpu.vector_load %arg6[%swap3A_1298] {strides = array<i32>} : memref<4096xi32, #tpu.memory_space<vmem>>, vector<16xi32>,
    %swap3A_1300 = vector.shape_cast %swap3A_1299 : vector<16xi32> to vector<16xi32>
    %swap3A_1301 = vector.shape_cast %add3A_1297 : vector<16xi32> to vector<16xi32>
    tpu.vector_store %arg6[%swap3A_1298], %swap3A_1301 {strides = array<i32>} : memref<4096xi32, #tpu.memory_space<vmem>>, vector<16xi32>,
    %add3A_1302 = arith.constant 896 : i32
    %add3A_1303 = vector.broadcast %add3A_1302 : i32 to vector<16xi32>
    %add3A_1304 = arith.addi %add3A_1252, %add3A_1303 : vector<16xi32>
    %swap3A_1305 = arith.constant 3872 : index
    %swap3A_1306 = tpu.vector_load %arg6[%swap3A_1305] {strides = array<i32>} : memref<4096xi32, #tpu.memory_space<vmem>>, vector<16xi32>,
    %swap3A_1307 = vector.shape_cast %swap3A_1306 : vector<16xi32> to vector<16xi32>
    %swap3A_1308 = vector.shape_cast %add3A_1304 : vector<16xi32> to vector<16xi32>
    tpu.vector_store %arg6[%swap3A_1305], %swap3A_1308 {strides = array<i32>} : memref<4096xi32, #tpu.memory_space<vmem>>, vector<16xi32>,
    %get3A_1309 = arith.constant 304 : index
    %get3A_1310 = tpu.vector_load %arg5[%get3A_1309] {strides = array<i32>} : memref<512xi32, #tpu.memory_space<vmem>>, vector<16xi32>,
    %get3A_1311 = vector.shape_cast %get3A_1310 : vector<16xi32> to vector<16xi32>
    %shift_right_logical3A_1312 = arith.constant 7 : i32
    %shift_right_logical3A_1313 = vector.broadcast %shift_right_logical3A_1312 : i32 to vector<16xi32>
    %shift_right_logical3A_1314 = arith.shrui %get3A_1311, %shift_right_logical3A_1313 : vector<16xi32>
    %shift_left3A_1315 = arith.constant 10 : i32
    %shift_left3A_1316 = vector.broadcast %shift_left3A_1315 : i32 to vector<16xi32>
    %shift_left3A_1317 = arith.shli %shift_right_logical3A_1314, %shift_left3A_1316 : vector<16xi32>
    %and3A_1318 = arith.constant 127 : i32
    %and3A_1319 = vector.broadcast %and3A_1318 : i32 to vector<16xi32>
    %and3A_1320 = arith.andi %get3A_1311, %and3A_1319 : vector<16xi32>
    %add3A_1321 = arith.addi %shift_left3A_1317, %and3A_1320 : vector<16xi32>
    %add3A_1322 = arith.constant 0 : i32
    %add3A_1323 = vector.broadcast %add3A_1322 : i32 to vector<16xi32>
    %add3A_1324 = arith.addi %add3A_1321, %add3A_1323 : vector<16xi32>
    %swap3A_1325 = arith.constant 304 : index
    %swap3A_1326 = tpu.vector_load %arg6[%swap3A_1325] {strides = array<i32>} : memref<4096xi32, #tpu.memory_space<vmem>>, vector<16xi32>,
    %swap3A_1327 = vector.shape_cast %swap3A_1326 : vector<16xi32> to vector<16xi32>
    %swap3A_1328 = vector.shape_cast %add3A_1324 : vector<16xi32> to vector<16xi32>
    tpu.vector_store %arg6[%swap3A_1325], %swap3A_1328 {strides = array<i32>} : memref<4096xi32, #tpu.memory_space<vmem>>, vector<16xi32>,
    %add3A_1329 = arith.constant 128 : i32
    %add3A_1330 = vector.broadcast %add3A_1329 : i32 to vector<16xi32>
    %add3A_1331 = arith.addi %add3A_1321, %add3A_1330 : vector<16xi32>
    %swap3A_1332 = arith.constant 816 : index
    %swap3A_1333 = tpu.vector_load %arg6[%swap3A_1332] {strides = array<i32>} : memref<4096xi32, #tpu.memory_space<vmem>>, vector<16xi32>,
    %swap3A_1334 = vector.shape_cast %swap3A_1333 : vector<16xi32> to vector<16xi32>
    %swap3A_1335 = vector.shape_cast %add3A_1331 : vector<16xi32> to vector<16xi32>
    tpu.vector_store %arg6[%swap3A_1332], %swap3A_1335 {strides = array<i32>} : memref<4096xi32, #tpu.memory_space<vmem>>, vector<16xi32>,
    %add3A_1336 = arith.constant 256 : i32
    %add3A_1337 = vector.broadcast %add3A_1336 : i32 to vector<16xi32>
    %add3A_1338 = arith.addi %add3A_1321, %add3A_1337 : vector<16xi32>
    %swap3A_1339 = arith.constant 1328 : index
    %swap3A_1340 = tpu.vector_load %arg6[%swap3A_1339] {strides = array<i32>} : memref<4096xi32, #tpu.memory_space<vmem>>, vector<16xi32>,
    %swap3A_1341 = vector.shape_cast %swap3A_1340 : vector<16xi32> to vector<16xi32>
    %swap3A_1342 = vector.shape_cast %add3A_1338 : vector<16xi32> to vector<16xi32>
    tpu.vector_store %arg6[%swap3A_1339], %swap3A_1342 {strides = array<i32>} : memref<4096xi32, #tpu.memory_space<vmem>>, vector<16xi32>,
    %add3A_1343 = arith.constant 384 : i32
    %add3A_1344 = vector.broadcast %add3A_1343 : i32 to vector<16xi32>
    %add3A_1345 = arith.addi %add3A_1321, %add3A_1344 : vector<16xi32>
    %swap3A_1346 = arith.constant 1840 : index
    %swap3A_1347 = tpu.vector_load %arg6[%swap3A_1346] {strides = array<i32>} : memref<4096xi32, #tpu.memory_space<vmem>>, vector<16xi32>,
    %swap3A_1348 = vector.shape_cast %swap3A_1347 : vector<16xi32> to vector<16xi32>
    %swap3A_1349 = vector.shape_cast %add3A_1345 : vector<16xi32> to vector<16xi32>
    tpu.vector_store %arg6[%swap3A_1346], %swap3A_1349 {strides = array<i32>} : memref<4096xi32, #tpu.memory_space<vmem>>, vector<16xi32>,
    %add3A_1350 = arith.constant 512 : i32
    %add3A_1351 = vector.broadcast %add3A_1350 : i32 to vector<16xi32>
    %add3A_1352 = arith.addi %add3A_1321, %add3A_1351 : vector<16xi32>
    %swap3A_1353 = arith.constant 2352 : index
    %swap3A_1354 = tpu.vector_load %arg6[%swap3A_1353] {strides = array<i32>} : memref<4096xi32, #tpu.memory_space<vmem>>, vector<16xi32>,
    %swap3A_1355 = vector.shape_cast %swap3A_1354 : vector<16xi32> to vector<16xi32>
    %swap3A_1356 = vector.shape_cast %add3A_1352 : vector<16xi32> to vector<16xi32>
    tpu.vector_store %arg6[%swap3A_1353], %swap3A_1356 {strides = array<i32>} : memref<4096xi32, #tpu.memory_space<vmem>>, vector<16xi32>,
    %add3A_1357 = arith.constant 640 : i32
    %add3A_1358 = vector.broadcast %add3A_1357 : i32 to vector<16xi32>
    %add3A_1359 = arith.addi %add3A_1321, %add3A_1358 : vector<16xi32>
    %swap3A_1360 = arith.constant 2864 : index
    %swap3A_1361 = tpu.vector_load %arg6[%swap3A_1360] {strides = array<i32>} : memref<4096xi32, #tpu.memory_space<vmem>>, vector<16xi32>,
    %swap3A_1362 = vector.shape_cast %swap3A_1361 : vector<16xi32> to vector<16xi32>
    %swap3A_1363 = vector.shape_cast %add3A_1359 : vector<16xi32> to vector<16xi32>
    tpu.vector_store %arg6[%swap3A_1360], %swap3A_1363 {strides = array<i32>} : memref<4096xi32, #tpu.memory_space<vmem>>, vector<16xi32>,
    %add3A_1364 = arith.constant 768 : i32
    %add3A_1365 = vector.broadcast %add3A_1364 : i32 to vector<16xi32>
    %add3A_1366 = arith.addi %add3A_1321, %add3A_1365 : vector<16xi32>
    %swap3A_1367 = arith.constant 3376 : index
    %swap3A_1368 = tpu.vector_load %arg6[%swap3A_1367] {strides = array<i32>} : memref<4096xi32, #tpu.memory_space<vmem>>, vector<16xi32>,
    %swap3A_1369 = vector.shape_cast %swap3A_1368 : vector<16xi32> to vector<16xi32>
    %swap3A_1370 = vector.shape_cast %add3A_1366 : vector<16xi32> to vector<16xi32>
    tpu.vector_store %arg6[%swap3A_1367], %swap3A_1370 {strides = array<i32>} : memref<4096xi32, #tpu.memory_space<vmem>>, vector<16xi32>,
    %add3A_1371 = arith.constant 896 : i32
    %add3A_1372 = vector.broadcast %add3A_1371 : i32 to vector<16xi32>
    %add3A_1373 = arith.addi %add3A_1321, %add3A_1372 : vector<16xi32>
    %swap3A_1374 = arith.constant 3888 : index
    %swap3A_1375 = tpu.vector_load %arg6[%swap3A_1374] {strides = array<i32>} : memref<4096xi32, #tpu.memory_space<vmem>>, vector<16xi32>,
    %swap3A_1376 = vector.shape_cast %swap3A_1375 : vector<16xi32> to vector<16xi32>
    %swap3A_1377 = vector.shape_cast %add3A_1373 : vector<16xi32> to vector<16xi32>
    tpu.vector_store %arg6[%swap3A_1374], %swap3A_1377 {strides = array<i32>} : memref<4096xi32, #tpu.memory_space<vmem>>, vector<16xi32>,
    %get3A_1378 = arith.constant 320 : index
    %get3A_1379 = tpu.vector_load %arg5[%get3A_1378] {strides = array<i32>} : memref<512xi32, #tpu.memory_space<vmem>>, vector<16xi32>,
    %get3A_1380 = vector.shape_cast %get3A_1379 : vector<16xi32> to vector<16xi32>
    %shift_right_logical3A_1381 = arith.constant 7 : i32
    %shift_right_logical3A_1382 = vector.broadcast %shift_right_logical3A_1381 : i32 to vector<16xi32>
    %shift_right_logical3A_1383 = arith.shrui %get3A_1380, %shift_right_logical3A_1382 : vector<16xi32>
    %shift_left3A_1384 = arith.constant 10 : i32
    %shift_left3A_1385 = vector.broadcast %shift_left3A_1384 : i32 to vector<16xi32>
    %shift_left3A_1386 = arith.shli %shift_right_logical3A_1383, %shift_left3A_1385 : vector<16xi32>
    %and3A_1387 = arith.constant 127 : i32
    %and3A_1388 = vector.broadcast %and3A_1387 : i32 to vector<16xi32>
    %and3A_1389 = arith.andi %get3A_1380, %and3A_1388 : vector<16xi32>
    %add3A_1390 = arith.addi %shift_left3A_1386, %and3A_1389 : vector<16xi32>
    %add3A_1391 = arith.constant 0 : i32
    %add3A_1392 = vector.broadcast %add3A_1391 : i32 to vector<16xi32>
    %add3A_1393 = arith.addi %add3A_1390, %add3A_1392 : vector<16xi32>
    %swap3A_1394 = arith.constant 320 : index
    %swap3A_1395 = tpu.vector_load %arg6[%swap3A_1394] {strides = array<i32>} : memref<4096xi32, #tpu.memory_space<vmem>>, vector<16xi32>,
    %swap3A_1396 = vector.shape_cast %swap3A_1395 : vector<16xi32> to vector<16xi32>
    %swap3A_1397 = vector.shape_cast %add3A_1393 : vector<16xi32> to vector<16xi32>
    tpu.vector_store %arg6[%swap3A_1394], %swap3A_1397 {strides = array<i32>} : memref<4096xi32, #tpu.memory_space<vmem>>, vector<16xi32>,
    %add3A_1398 = arith.constant 128 : i32
    %add3A_1399 = vector.broadcast %add3A_1398 : i32 to vector<16xi32>
    %add3A_1400 = arith.addi %add3A_1390, %add3A_1399 : vector<16xi32>
    %swap3A_1401 = arith.constant 832 : index
    %swap3A_1402 = tpu.vector_load %arg6[%swap3A_1401] {strides = array<i32>} : memref<4096xi32, #tpu.memory_space<vmem>>, vector<16xi32>,
    %swap3A_1403 = vector.shape_cast %swap3A_1402 : vector<16xi32> to vector<16xi32>
    %swap3A_1404 = vector.shape_cast %add3A_1400 : vector<16xi32> to vector<16xi32>
    tpu.vector_store %arg6[%swap3A_1401], %swap3A_1404 {strides = array<i32>} : memref<4096xi32, #tpu.memory_space<vmem>>, vector<16xi32>,
    %add3A_1405 = arith.constant 256 : i32
    %add3A_1406 = vector.broadcast %add3A_1405 : i32 to vector<16xi32>
    %add3A_1407 = arith.addi %add3A_1390, %add3A_1406 : vector<16xi32>
    %swap3A_1408 = arith.constant 1344 : index
    %swap3A_1409 = tpu.vector_load %arg6[%swap3A_1408] {strides = array<i32>} : memref<4096xi32, #tpu.memory_space<vmem>>, vector<16xi32>,
    %swap3A_1410 = vector.shape_cast %swap3A_1409 : vector<16xi32> to vector<16xi32>
    %swap3A_1411 = vector.shape_cast %add3A_1407 : vector<16xi32> to vector<16xi32>
    tpu.vector_store %arg6[%swap3A_1408], %swap3A_1411 {strides = array<i32>} : memref<4096xi32, #tpu.memory_space<vmem>>, vector<16xi32>,
    %add3A_1412 = arith.constant 384 : i32
    %add3A_1413 = vector.broadcast %add3A_1412 : i32 to vector<16xi32>
    %add3A_1414 = arith.addi %add3A_1390, %add3A_1413 : vector<16xi32>
    %swap3A_1415 = arith.constant 1856 : index
    %swap3A_1416 = tpu.vector_load %arg6[%swap3A_1415] {strides = array<i32>} : memref<4096xi32, #tpu.memory_space<vmem>>, vector<16xi32>,
    %swap3A_1417 = vector.shape_cast %swap3A_1416 : vector<16xi32> to vector<16xi32>
    %swap3A_1418 = vector.shape_cast %add3A_1414 : vector<16xi32> to vector<16xi32>
    tpu.vector_store %arg6[%swap3A_1415], %swap3A_1418 {strides = array<i32>} : memref<4096xi32, #tpu.memory_space<vmem>>, vector<16xi32>,
    %add3A_1419 = arith.constant 512 : i32
    %add3A_1420 = vector.broadcast %add3A_1419 : i32 to vector<16xi32>
    %add3A_1421 = arith.addi %add3A_1390, %add3A_1420 : vector<16xi32>
    %swap3A_1422 = arith.constant 2368 : index
    %swap3A_1423 = tpu.vector_load %arg6[%swap3A_1422] {strides = array<i32>} : memref<4096xi32, #tpu.memory_space<vmem>>, vector<16xi32>,
    %swap3A_1424 = vector.shape_cast %swap3A_1423 : vector<16xi32> to vector<16xi32>
    %swap3A_1425 = vector.shape_cast %add3A_1421 : vector<16xi32> to vector<16xi32>
    tpu.vector_store %arg6[%swap3A_1422], %swap3A_1425 {strides = array<i32>} : memref<4096xi32, #tpu.memory_space<vmem>>, vector<16xi32>,
    %add3A_1426 = arith.constant 640 : i32
    %add3A_1427 = vector.broadcast %add3A_1426 : i32 to vector<16xi32>
    %add3A_1428 = arith.addi %add3A_1390, %add3A_1427 : vector<16xi32>
    %swap3A_1429 = arith.constant 2880 : index
    %swap3A_1430 = tpu.vector_load %arg6[%swap3A_1429] {strides = array<i32>} : memref<4096xi32, #tpu.memory_space<vmem>>, vector<16xi32>,
    %swap3A_1431 = vector.shape_cast %swap3A_1430 : vector<16xi32> to vector<16xi32>
    %swap3A_1432 = vector.shape_cast %add3A_1428 : vector<16xi32> to vector<16xi32>
    tpu.vector_store %arg6[%swap3A_1429], %swap3A_1432 {strides = array<i32>} : memref<4096xi32, #tpu.memory_space<vmem>>, vector<16xi32>,
    %add3A_1433 = arith.constant 768 : i32
    %add3A_1434 = vector.broadcast %add3A_1433 : i32 to vector<16xi32>
    %add3A_1435 = arith.addi %add3A_1390, %add3A_1434 : vector<16xi32>
    %swap3A_1436 = arith.constant 3392 : index
    %swap3A_1437 = tpu.vector_load %arg6[%swap3A_1436] {strides = array<i32>} : memref<4096xi32, #tpu.memory_space<vmem>>, vector<16xi32>,
    %swap3A_1438 = vector.shape_cast %swap3A_1437 : vector<16xi32> to vector<16xi32>
    %swap3A_1439 = vector.shape_cast %add3A_1435 : vector<16xi32> to vector<16xi32>
    tpu.vector_store %arg6[%swap3A_1436], %swap3A_1439 {strides = array<i32>} : memref<4096xi32, #tpu.memory_space<vmem>>, vector<16xi32>,
    %add3A_1440 = arith.constant 896 : i32
    %add3A_1441 = vector.broadcast %add3A_1440 : i32 to vector<16xi32>
    %add3A_1442 = arith.addi %add3A_1390, %add3A_1441 : vector<16xi32>
    %swap3A_1443 = arith.constant 3904 : index
    %swap3A_1444 = tpu.vector_load %arg6[%swap3A_1443] {strides = array<i32>} : memref<4096xi32, #tpu.memory_space<vmem>>, vector<16xi32>,
    %swap3A_1445 = vector.shape_cast %swap3A_1444 : vector<16xi32> to vector<16xi32>
    %swap3A_1446 = vector.shape_cast %add3A_1442 : vector<16xi32> to vector<16xi32>
    tpu.vector_store %arg6[%swap3A_1443], %swap3A_1446 {strides = array<i32>} : memref<4096xi32, #tpu.memory_space<vmem>>, vector<16xi32>,
    %get3A_1447 = arith.constant 336 : index
    %get3A_1448 = tpu.vector_load %arg5[%get3A_1447] {strides = array<i32>} : memref<512xi32, #tpu.memory_space<vmem>>, vector<16xi32>,
    %get3A_1449 = vector.shape_cast %get3A_1448 : vector<16xi32> to vector<16xi32>
    %shift_right_logical3A_1450 = arith.constant 7 : i32
    %shift_right_logical3A_1451 = vector.broadcast %shift_right_logical3A_1450 : i32 to vector<16xi32>
    %shift_right_logical3A_1452 = arith.shrui %get3A_1449, %shift_right_logical3A_1451 : vector<16xi32>
    %shift_left3A_1453 = arith.constant 10 : i32
    %shift_left3A_1454 = vector.broadcast %shift_left3A_1453 : i32 to vector<16xi32>
    %shift_left3A_1455 = arith.shli %shift_right_logical3A_1452, %shift_left3A_1454 : vector<16xi32>
    %and3A_1456 = arith.constant 127 : i32
    %and3A_1457 = vector.broadcast %and3A_1456 : i32 to vector<16xi32>
    %and3A_1458 = arith.andi %get3A_1449, %and3A_1457 : vector<16xi32>
    %add3A_1459 = arith.addi %shift_left3A_1455, %and3A_1458 : vector<16xi32>
    %add3A_1460 = arith.constant 0 : i32
    %add3A_1461 = vector.broadcast %add3A_1460 : i32 to vector<16xi32>
    %add3A_1462 = arith.addi %add3A_1459, %add3A_1461 : vector<16xi32>
    %swap3A_1463 = arith.constant 336 : index
    %swap3A_1464 = tpu.vector_load %arg6[%swap3A_1463] {strides = array<i32>} : memref<4096xi32, #tpu.memory_space<vmem>>, vector<16xi32>,
    %swap3A_1465 = vector.shape_cast %swap3A_1464 : vector<16xi32> to vector<16xi32>
    %swap3A_1466 = vector.shape_cast %add3A_1462 : vector<16xi32> to vector<16xi32>
    tpu.vector_store %arg6[%swap3A_1463], %swap3A_1466 {strides = array<i32>} : memref<4096xi32, #tpu.memory_space<vmem>>, vector<16xi32>,
    %add3A_1467 = arith.constant 128 : i32
    %add3A_1468 = vector.broadcast %add3A_1467 : i32 to vector<16xi32>
    %add3A_1469 = arith.addi %add3A_1459, %add3A_1468 : vector<16xi32>
    %swap3A_1470 = arith.constant 848 : index
    %swap3A_1471 = tpu.vector_load %arg6[%swap3A_1470] {strides = array<i32>} : memref<4096xi32, #tpu.memory_space<vmem>>, vector<16xi32>,
    %swap3A_1472 = vector.shape_cast %swap3A_1471 : vector<16xi32> to vector<16xi32>
    %swap3A_1473 = vector.shape_cast %add3A_1469 : vector<16xi32> to vector<16xi32>
    tpu.vector_store %arg6[%swap3A_1470], %swap3A_1473 {strides = array<i32>} : memref<4096xi32, #tpu.memory_space<vmem>>, vector<16xi32>,
    %add3A_1474 = arith.constant 256 : i32
    %add3A_1475 = vector.broadcast %add3A_1474 : i32 to vector<16xi32>
    %add3A_1476 = arith.addi %add3A_1459, %add3A_1475 : vector<16xi32>
    %swap3A_1477 = arith.constant 1360 : index
    %swap3A_1478 = tpu.vector_load %arg6[%swap3A_1477] {strides = array<i32>} : memref<4096xi32, #tpu.memory_space<vmem>>, vector<16xi32>,
    %swap3A_1479 = vector.shape_cast %swap3A_1478 : vector<16xi32> to vector<16xi32>
    %swap3A_1480 = vector.shape_cast %add3A_1476 : vector<16xi32> to vector<16xi32>
    tpu.vector_store %arg6[%swap3A_1477], %swap3A_1480 {strides = array<i32>} : memref<4096xi32, #tpu.memory_space<vmem>>, vector<16xi32>,
    %add3A_1481 = arith.constant 384 : i32
    %add3A_1482 = vector.broadcast %add3A_1481 : i32 to vector<16xi32>
    %add3A_1483 = arith.addi %add3A_1459, %add3A_1482 : vector<16xi32>
    %swap3A_1484 = arith.constant 1872 : index
    %swap3A_1485 = tpu.vector_load %arg6[%swap3A_1484] {strides = array<i32>} : memref<4096xi32, #tpu.memory_space<vmem>>, vector<16xi32>,
    %swap3A_1486 = vector.shape_cast %swap3A_1485 : vector<16xi32> to vector<16xi32>
    %swap3A_1487 = vector.shape_cast %add3A_1483 : vector<16xi32> to vector<16xi32>
    tpu.vector_store %arg6[%swap3A_1484], %swap3A_1487 {strides = array<i32>} : memref<4096xi32, #tpu.memory_space<vmem>>, vector<16xi32>,
    %add3A_1488 = arith.constant 512 : i32
    %add3A_1489 = vector.broadcast %add3A_1488 : i32 to vector<16xi32>
    %add3A_1490 = arith.addi %add3A_1459, %add3A_1489 : vector<16xi32>
    %swap3A_1491 = arith.constant 2384 : index
    %swap3A_1492 = tpu.vector_load %arg6[%swap3A_1491] {strides = array<i32>} : memref<4096xi32, #tpu.memory_space<vmem>>, vector<16xi32>,
    %swap3A_1493 = vector.shape_cast %swap3A_1492 : vector<16xi32> to vector<16xi32>
    %swap3A_1494 = vector.shape_cast %add3A_1490 : vector<16xi32> to vector<16xi32>
    tpu.vector_store %arg6[%swap3A_1491], %swap3A_1494 {strides = array<i32>} : memref<4096xi32, #tpu.memory_space<vmem>>, vector<16xi32>,
    %add3A_1495 = arith.constant 640 : i32
    %add3A_1496 = vector.broadcast %add3A_1495 : i32 to vector<16xi32>
    %add3A_1497 = arith.addi %add3A_1459, %add3A_1496 : vector<16xi32>
    %swap3A_1498 = arith.constant 2896 : index
    %swap3A_1499 = tpu.vector_load %arg6[%swap3A_1498] {strides = array<i32>} : memref<4096xi32, #tpu.memory_space<vmem>>, vector<16xi32>,
    %swap3A_1500 = vector.shape_cast %swap3A_1499 : vector<16xi32> to vector<16xi32>
    %swap3A_1501 = vector.shape_cast %add3A_1497 : vector<16xi32> to vector<16xi32>
    tpu.vector_store %arg6[%swap3A_1498], %swap3A_1501 {strides = array<i32>} : memref<4096xi32, #tpu.memory_space<vmem>>, vector<16xi32>,
    %add3A_1502 = arith.constant 768 : i32
    %add3A_1503 = vector.broadcast %add3A_1502 : i32 to vector<16xi32>
    %add3A_1504 = arith.addi %add3A_1459, %add3A_1503 : vector<16xi32>
    %swap3A_1505 = arith.constant 3408 : index
    %swap3A_1506 = tpu.vector_load %arg6[%swap3A_1505] {strides = array<i32>} : memref<4096xi32, #tpu.memory_space<vmem>>, vector<16xi32>,
    %swap3A_1507 = vector.shape_cast %swap3A_1506 : vector<16xi32> to vector<16xi32>
    %swap3A_1508 = vector.shape_cast %add3A_1504 : vector<16xi32> to vector<16xi32>
    tpu.vector_store %arg6[%swap3A_1505], %swap3A_1508 {strides = array<i32>} : memref<4096xi32, #tpu.memory_space<vmem>>, vector<16xi32>,
    %add3A_1509 = arith.constant 896 : i32
    %add3A_1510 = vector.broadcast %add3A_1509 : i32 to vector<16xi32>
    %add3A_1511 = arith.addi %add3A_1459, %add3A_1510 : vector<16xi32>
    %swap3A_1512 = arith.constant 3920 : index
    %swap3A_1513 = tpu.vector_load %arg6[%swap3A_1512] {strides = array<i32>} : memref<4096xi32, #tpu.memory_space<vmem>>, vector<16xi32>,
    %swap3A_1514 = vector.shape_cast %swap3A_1513 : vector<16xi32> to vector<16xi32>
    %swap3A_1515 = vector.shape_cast %add3A_1511 : vector<16xi32> to vector<16xi32>
    tpu.vector_store %arg6[%swap3A_1512], %swap3A_1515 {strides = array<i32>} : memref<4096xi32, #tpu.memory_space<vmem>>, vector<16xi32>,
    %get3A_1516 = arith.constant 352 : index
    %get3A_1517 = tpu.vector_load %arg5[%get3A_1516] {strides = array<i32>} : memref<512xi32, #tpu.memory_space<vmem>>, vector<16xi32>,
    %get3A_1518 = vector.shape_cast %get3A_1517 : vector<16xi32> to vector<16xi32>
    %shift_right_logical3A_1519 = arith.constant 7 : i32
    %shift_right_logical3A_1520 = vector.broadcast %shift_right_logical3A_1519 : i32 to vector<16xi32>
    %shift_right_logical3A_1521 = arith.shrui %get3A_1518, %shift_right_logical3A_1520 : vector<16xi32>
    %shift_left3A_1522 = arith.constant 10 : i32
    %shift_left3A_1523 = vector.broadcast %shift_left3A_1522 : i32 to vector<16xi32>
    %shift_left3A_1524 = arith.shli %shift_right_logical3A_1521, %shift_left3A_1523 : vector<16xi32>
    %and3A_1525 = arith.constant 127 : i32
    %and3A_1526 = vector.broadcast %and3A_1525 : i32 to vector<16xi32>
    %and3A_1527 = arith.andi %get3A_1518, %and3A_1526 : vector<16xi32>
    %add3A_1528 = arith.addi %shift_left3A_1524, %and3A_1527 : vector<16xi32>
    %add3A_1529 = arith.constant 0 : i32
    %add3A_1530 = vector.broadcast %add3A_1529 : i32 to vector<16xi32>
    %add3A_1531 = arith.addi %add3A_1528, %add3A_1530 : vector<16xi32>
    %swap3A_1532 = arith.constant 352 : index
    %swap3A_1533 = tpu.vector_load %arg6[%swap3A_1532] {strides = array<i32>} : memref<4096xi32, #tpu.memory_space<vmem>>, vector<16xi32>,
    %swap3A_1534 = vector.shape_cast %swap3A_1533 : vector<16xi32> to vector<16xi32>
    %swap3A_1535 = vector.shape_cast %add3A_1531 : vector<16xi32> to vector<16xi32>
    tpu.vector_store %arg6[%swap3A_1532], %swap3A_1535 {strides = array<i32>} : memref<4096xi32, #tpu.memory_space<vmem>>, vector<16xi32>,
    %add3A_1536 = arith.constant 128 : i32
    %add3A_1537 = vector.broadcast %add3A_1536 : i32 to vector<16xi32>
    %add3A_1538 = arith.addi %add3A_1528, %add3A_1537 : vector<16xi32>
    %swap3A_1539 = arith.constant 864 : index
    %swap3A_1540 = tpu.vector_load %arg6[%swap3A_1539] {strides = array<i32>} : memref<4096xi32, #tpu.memory_space<vmem>>, vector<16xi32>,
    %swap3A_1541 = vector.shape_cast %swap3A_1540 : vector<16xi32> to vector<16xi32>
    %swap3A_1542 = vector.shape_cast %add3A_1538 : vector<16xi32> to vector<16xi32>
    tpu.vector_store %arg6[%swap3A_1539], %swap3A_1542 {strides = array<i32>} : memref<4096xi32, #tpu.memory_space<vmem>>, vector<16xi32>,
    %add3A_1543 = arith.constant 256 : i32
    %add3A_1544 = vector.broadcast %add3A_1543 : i32 to vector<16xi32>
    %add3A_1545 = arith.addi %add3A_1528, %add3A_1544 : vector<16xi32>
    %swap3A_1546 = arith.constant 1376 : index
    %swap3A_1547 = tpu.vector_load %arg6[%swap3A_1546] {strides = array<i32>} : memref<4096xi32, #tpu.memory_space<vmem>>, vector<16xi32>,
    %swap3A_1548 = vector.shape_cast %swap3A_1547 : vector<16xi32> to vector<16xi32>
    %swap3A_1549 = vector.shape_cast %add3A_1545 : vector<16xi32> to vector<16xi32>
    tpu.vector_store %arg6[%swap3A_1546], %swap3A_1549 {strides = array<i32>} : memref<4096xi32, #tpu.memory_space<vmem>>, vector<16xi32>,
    %add3A_1550 = arith.constant 384 : i32
    %add3A_1551 = vector.broadcast %add3A_1550 : i32 to vector<16xi32>
    %add3A_1552 = arith.addi %add3A_1528, %add3A_1551 : vector<16xi32>
    %swap3A_1553 = arith.constant 1888 : index
    %swap3A_1554 = tpu.vector_load %arg6[%swap3A_1553] {strides = array<i32>} : memref<4096xi32, #tpu.memory_space<vmem>>, vector<16xi32>,
    %swap3A_1555 = vector.shape_cast %swap3A_1554 : vector<16xi32> to vector<16xi32>
    %swap3A_1556 = vector.shape_cast %add3A_1552 : vector<16xi32> to vector<16xi32>
    tpu.vector_store %arg6[%swap3A_1553], %swap3A_1556 {strides = array<i32>} : memref<4096xi32, #tpu.memory_space<vmem>>, vector<16xi32>,
    %add3A_1557 = arith.constant 512 : i32
    %add3A_1558 = vector.broadcast %add3A_1557 : i32 to vector<16xi32>
    %add3A_1559 = arith.addi %add3A_1528, %add3A_1558 : vector<16xi32>
    %swap3A_1560 = arith.constant 2400 : index
    %swap3A_1561 = tpu.vector_load %arg6[%swap3A_1560] {strides = array<i32>} : memref<4096xi32, #tpu.memory_space<vmem>>, vector<16xi32>,
    %swap3A_1562 = vector.shape_cast %swap3A_1561 : vector<16xi32> to vector<16xi32>
    %swap3A_1563 = vector.shape_cast %add3A_1559 : vector<16xi32> to vector<16xi32>
    tpu.vector_store %arg6[%swap3A_1560], %swap3A_1563 {strides = array<i32>} : memref<4096xi32, #tpu.memory_space<vmem>>, vector<16xi32>,
    %add3A_1564 = arith.constant 640 : i32
    %add3A_1565 = vector.broadcast %add3A_1564 : i32 to vector<16xi32>
    %add3A_1566 = arith.addi %add3A_1528, %add3A_1565 : vector<16xi32>
    %swap3A_1567 = arith.constant 2912 : index
    %swap3A_1568 = tpu.vector_load %arg6[%swap3A_1567] {strides = array<i32>} : memref<4096xi32, #tpu.memory_space<vmem>>, vector<16xi32>,
    %swap3A_1569 = vector.shape_cast %swap3A_1568 : vector<16xi32> to vector<16xi32>
    %swap3A_1570 = vector.shape_cast %add3A_1566 : vector<16xi32> to vector<16xi32>
    tpu.vector_store %arg6[%swap3A_1567], %swap3A_1570 {strides = array<i32>} : memref<4096xi32, #tpu.memory_space<vmem>>, vector<16xi32>,
    %add3A_1571 = arith.constant 768 : i32
    %add3A_1572 = vector.broadcast %add3A_1571 : i32 to vector<16xi32>
    %add3A_1573 = arith.addi %add3A_1528, %add3A_1572 : vector<16xi32>
    %swap3A_1574 = arith.constant 3424 : index
    %swap3A_1575 = tpu.vector_load %arg6[%swap3A_1574] {strides = array<i32>} : memref<4096xi32, #tpu.memory_space<vmem>>, vector<16xi32>,
    %swap3A_1576 = vector.shape_cast %swap3A_1575 : vector<16xi32> to vector<16xi32>
    %swap3A_1577 = vector.shape_cast %add3A_1573 : vector<16xi32> to vector<16xi32>
    tpu.vector_store %arg6[%swap3A_1574], %swap3A_1577 {strides = array<i32>} : memref<4096xi32, #tpu.memory_space<vmem>>, vector<16xi32>,
    %add3A_1578 = arith.constant 896 : i32
    %add3A_1579 = vector.broadcast %add3A_1578 : i32 to vector<16xi32>
    %add3A_1580 = arith.addi %add3A_1528, %add3A_1579 : vector<16xi32>
    %swap3A_1581 = arith.constant 3936 : index
    %swap3A_1582 = tpu.vector_load %arg6[%swap3A_1581] {strides = array<i32>} : memref<4096xi32, #tpu.memory_space<vmem>>, vector<16xi32>,
    %swap3A_1583 = vector.shape_cast %swap3A_1582 : vector<16xi32> to vector<16xi32>
    %swap3A_1584 = vector.shape_cast %add3A_1580 : vector<16xi32> to vector<16xi32>
    tpu.vector_store %arg6[%swap3A_1581], %swap3A_1584 {strides = array<i32>} : memref<4096xi32, #tpu.memory_space<vmem>>, vector<16xi32>,
    %get3A_1585 = arith.constant 368 : index
    %get3A_1586 = tpu.vector_load %arg5[%get3A_1585] {strides = array<i32>} : memref<512xi32, #tpu.memory_space<vmem>>, vector<16xi32>,
    %get3A_1587 = vector.shape_cast %get3A_1586 : vector<16xi32> to vector<16xi32>
    %shift_right_logical3A_1588 = arith.constant 7 : i32
    %shift_right_logical3A_1589 = vector.broadcast %shift_right_logical3A_1588 : i32 to vector<16xi32>
    %shift_right_logical3A_1590 = arith.shrui %get3A_1587, %shift_right_logical3A_1589 : vector<16xi32>
    %shift_left3A_1591 = arith.constant 10 : i32
    %shift_left3A_1592 = vector.broadcast %shift_left3A_1591 : i32 to vector<16xi32>
    %shift_left3A_1593 = arith.shli %shift_right_logical3A_1590, %shift_left3A_1592 : vector<16xi32>
    %and3A_1594 = arith.constant 127 : i32
    %and3A_1595 = vector.broadcast %and3A_1594 : i32 to vector<16xi32>
    %and3A_1596 = arith.andi %get3A_1587, %and3A_1595 : vector<16xi32>
    %add3A_1597 = arith.addi %shift_left3A_1593, %and3A_1596 : vector<16xi32>
    %add3A_1598 = arith.constant 0 : i32
    %add3A_1599 = vector.broadcast %add3A_1598 : i32 to vector<16xi32>
    %add3A_1600 = arith.addi %add3A_1597, %add3A_1599 : vector<16xi32>
    %swap3A_1601 = arith.constant 368 : index
    %swap3A_1602 = tpu.vector_load %arg6[%swap3A_1601] {strides = array<i32>} : memref<4096xi32, #tpu.memory_space<vmem>>, vector<16xi32>,
    %swap3A_1603 = vector.shape_cast %swap3A_1602 : vector<16xi32> to vector<16xi32>
    %swap3A_1604 = vector.shape_cast %add3A_1600 : vector<16xi32> to vector<16xi32>
    tpu.vector_store %arg6[%swap3A_1601], %swap3A_1604 {strides = array<i32>} : memref<4096xi32, #tpu.memory_space<vmem>>, vector<16xi32>,
    %add3A_1605 = arith.constant 128 : i32
    %add3A_1606 = vector.broadcast %add3A_1605 : i32 to vector<16xi32>
    %add3A_1607 = arith.addi %add3A_1597, %add3A_1606 : vector<16xi32>
    %swap3A_1608 = arith.constant 880 : index
    %swap3A_1609 = tpu.vector_load %arg6[%swap3A_1608] {strides = array<i32>} : memref<4096xi32, #tpu.memory_space<vmem>>, vector<16xi32>,
    %swap3A_1610 = vector.shape_cast %swap3A_1609 : vector<16xi32> to vector<16xi32>
    %swap3A_1611 = vector.shape_cast %add3A_1607 : vector<16xi32> to vector<16xi32>
    tpu.vector_store %arg6[%swap3A_1608], %swap3A_1611 {strides = array<i32>} : memref<4096xi32, #tpu.memory_space<vmem>>, vector<16xi32>,
    %add3A_1612 = arith.constant 256 : i32
    %add3A_1613 = vector.broadcast %add3A_1612 : i32 to vector<16xi32>
    %add3A_1614 = arith.addi %add3A_1597, %add3A_1613 : vector<16xi32>
    %swap3A_1615 = arith.constant 1392 : index
    %swap3A_1616 = tpu.vector_load %arg6[%swap3A_1615] {strides = array<i32>} : memref<4096xi32, #tpu.memory_space<vmem>>, vector<16xi32>,
    %swap3A_1617 = vector.shape_cast %swap3A_1616 : vector<16xi32> to vector<16xi32>
    %swap3A_1618 = vector.shape_cast %add3A_1614 : vector<16xi32> to vector<16xi32>
    tpu.vector_store %arg6[%swap3A_1615], %swap3A_1618 {strides = array<i32>} : memref<4096xi32, #tpu.memory_space<vmem>>, vector<16xi32>,
    %add3A_1619 = arith.constant 384 : i32
    %add3A_1620 = vector.broadcast %add3A_1619 : i32 to vector<16xi32>
    %add3A_1621 = arith.addi %add3A_1597, %add3A_1620 : vector<16xi32>
    %swap3A_1622 = arith.constant 1904 : index
    %swap3A_1623 = tpu.vector_load %arg6[%swap3A_1622] {strides = array<i32>} : memref<4096xi32, #tpu.memory_space<vmem>>, vector<16xi32>,
    %swap3A_1624 = vector.shape_cast %swap3A_1623 : vector<16xi32> to vector<16xi32>
    %swap3A_1625 = vector.shape_cast %add3A_1621 : vector<16xi32> to vector<16xi32>
    tpu.vector_store %arg6[%swap3A_1622], %swap3A_1625 {strides = array<i32>} : memref<4096xi32, #tpu.memory_space<vmem>>, vector<16xi32>,
    %add3A_1626 = arith.constant 512 : i32
    %add3A_1627 = vector.broadcast %add3A_1626 : i32 to vector<16xi32>
    %add3A_1628 = arith.addi %add3A_1597, %add3A_1627 : vector<16xi32>
    %swap3A_1629 = arith.constant 2416 : index
    %swap3A_1630 = tpu.vector_load %arg6[%swap3A_1629] {strides = array<i32>} : memref<4096xi32, #tpu.memory_space<vmem>>, vector<16xi32>,
    %swap3A_1631 = vector.shape_cast %swap3A_1630 : vector<16xi32> to vector<16xi32>
    %swap3A_1632 = vector.shape_cast %add3A_1628 : vector<16xi32> to vector<16xi32>
    tpu.vector_store %arg6[%swap3A_1629], %swap3A_1632 {strides = array<i32>} : memref<4096xi32, #tpu.memory_space<vmem>>, vector<16xi32>,
    %add3A_1633 = arith.constant 640 : i32
    %add3A_1634 = vector.broadcast %add3A_1633 : i32 to vector<16xi32>
    %add3A_1635 = arith.addi %add3A_1597, %add3A_1634 : vector<16xi32>
    %swap3A_1636 = arith.constant 2928 : index
    %swap3A_1637 = tpu.vector_load %arg6[%swap3A_1636] {strides = array<i32>} : memref<4096xi32, #tpu.memory_space<vmem>>, vector<16xi32>,
    %swap3A_1638 = vector.shape_cast %swap3A_1637 : vector<16xi32> to vector<16xi32>
    %swap3A_1639 = vector.shape_cast %add3A_1635 : vector<16xi32> to vector<16xi32>
    tpu.vector_store %arg6[%swap3A_1636], %swap3A_1639 {strides = array<i32>} : memref<4096xi32, #tpu.memory_space<vmem>>, vector<16xi32>,
    %add3A_1640 = arith.constant 768 : i32
    %add3A_1641 = vector.broadcast %add3A_1640 : i32 to vector<16xi32>
    %add3A_1642 = arith.addi %add3A_1597, %add3A_1641 : vector<16xi32>
    %swap3A_1643 = arith.constant 3440 : index
    %swap3A_1644 = tpu.vector_load %arg6[%swap3A_1643] {strides = array<i32>} : memref<4096xi32, #tpu.memory_space<vmem>>, vector<16xi32>,
    %swap3A_1645 = vector.shape_cast %swap3A_1644 : vector<16xi32> to vector<16xi32>
    %swap3A_1646 = vector.shape_cast %add3A_1642 : vector<16xi32> to vector<16xi32>
    tpu.vector_store %arg6[%swap3A_1643], %swap3A_1646 {strides = array<i32>} : memref<4096xi32, #tpu.memory_space<vmem>>, vector<16xi32>,
    %add3A_1647 = arith.constant 896 : i32
    %add3A_1648 = vector.broadcast %add3A_1647 : i32 to vector<16xi32>
    %add3A_1649 = arith.addi %add3A_1597, %add3A_1648 : vector<16xi32>
    %swap3A_1650 = arith.constant 3952 : index
    %swap3A_1651 = tpu.vector_load %arg6[%swap3A_1650] {strides = array<i32>} : memref<4096xi32, #tpu.memory_space<vmem>>, vector<16xi32>,
    %swap3A_1652 = vector.shape_cast %swap3A_1651 : vector<16xi32> to vector<16xi32>
    %swap3A_1653 = vector.shape_cast %add3A_1649 : vector<16xi32> to vector<16xi32>
    tpu.vector_store %arg6[%swap3A_1650], %swap3A_1653 {strides = array<i32>} : memref<4096xi32, #tpu.memory_space<vmem>>, vector<16xi32>,
    %get3A_1654 = arith.constant 384 : index
    %get3A_1655 = tpu.vector_load %arg5[%get3A_1654] {strides = array<i32>} : memref<512xi32, #tpu.memory_space<vmem>>, vector<16xi32>,
    %get3A_1656 = vector.shape_cast %get3A_1655 : vector<16xi32> to vector<16xi32>
    %shift_right_logical3A_1657 = arith.constant 7 : i32
    %shift_right_logical3A_1658 = vector.broadcast %shift_right_logical3A_1657 : i32 to vector<16xi32>
    %shift_right_logical3A_1659 = arith.shrui %get3A_1656, %shift_right_logical3A_1658 : vector<16xi32>
    %shift_left3A_1660 = arith.constant 10 : i32
    %shift_left3A_1661 = vector.broadcast %shift_left3A_1660 : i32 to vector<16xi32>
    %shift_left3A_1662 = arith.shli %shift_right_logical3A_1659, %shift_left3A_1661 : vector<16xi32>
    %and3A_1663 = arith.constant 127 : i32
    %and3A_1664 = vector.broadcast %and3A_1663 : i32 to vector<16xi32>
    %and3A_1665 = arith.andi %get3A_1656, %and3A_1664 : vector<16xi32>
    %add3A_1666 = arith.addi %shift_left3A_1662, %and3A_1665 : vector<16xi32>
    %add3A_1667 = arith.constant 0 : i32
    %add3A_1668 = vector.broadcast %add3A_1667 : i32 to vector<16xi32>
    %add3A_1669 = arith.addi %add3A_1666, %add3A_1668 : vector<16xi32>
    %swap3A_1670 = arith.constant 384 : index
    %swap3A_1671 = tpu.vector_load %arg6[%swap3A_1670] {strides = array<i32>} : memref<4096xi32, #tpu.memory_space<vmem>>, vector<16xi32>,
    %swap3A_1672 = vector.shape_cast %swap3A_1671 : vector<16xi32> to vector<16xi32>
    %swap3A_1673 = vector.shape_cast %add3A_1669 : vector<16xi32> to vector<16xi32>
    tpu.vector_store %arg6[%swap3A_1670], %swap3A_1673 {strides = array<i32>} : memref<4096xi32, #tpu.memory_space<vmem>>, vector<16xi32>,
    %add3A_1674 = arith.constant 128 : i32
    %add3A_1675 = vector.broadcast %add3A_1674 : i32 to vector<16xi32>
    %add3A_1676 = arith.addi %add3A_1666, %add3A_1675 : vector<16xi32>
    %swap3A_1677 = arith.constant 896 : index
    %swap3A_1678 = tpu.vector_load %arg6[%swap3A_1677] {strides = array<i32>} : memref<4096xi32, #tpu.memory_space<vmem>>, vector<16xi32>,
    %swap3A_1679 = vector.shape_cast %swap3A_1678 : vector<16xi32> to vector<16xi32>
    %swap3A_1680 = vector.shape_cast %add3A_1676 : vector<16xi32> to vector<16xi32>
    tpu.vector_store %arg6[%swap3A_1677], %swap3A_1680 {strides = array<i32>} : memref<4096xi32, #tpu.memory_space<vmem>>, vector<16xi32>,
    %add3A_1681 = arith.constant 256 : i32
    %add3A_1682 = vector.broadcast %add3A_1681 : i32 to vector<16xi32>
    %add3A_1683 = arith.addi %add3A_1666, %add3A_1682 : vector<16xi32>
    %swap3A_1684 = arith.constant 1408 : index
    %swap3A_1685 = tpu.vector_load %arg6[%swap3A_1684] {strides = array<i32>} : memref<4096xi32, #tpu.memory_space<vmem>>, vector<16xi32>,
    %swap3A_1686 = vector.shape_cast %swap3A_1685 : vector<16xi32> to vector<16xi32>
    %swap3A_1687 = vector.shape_cast %add3A_1683 : vector<16xi32> to vector<16xi32>
    tpu.vector_store %arg6[%swap3A_1684], %swap3A_1687 {strides = array<i32>} : memref<4096xi32, #tpu.memory_space<vmem>>, vector<16xi32>,
    %add3A_1688 = arith.constant 384 : i32
    %add3A_1689 = vector.broadcast %add3A_1688 : i32 to vector<16xi32>
    %add3A_1690 = arith.addi %add3A_1666, %add3A_1689 : vector<16xi32>
    %swap3A_1691 = arith.constant 1920 : index
    %swap3A_1692 = tpu.vector_load %arg6[%swap3A_1691] {strides = array<i32>} : memref<4096xi32, #tpu.memory_space<vmem>>, vector<16xi32>,
    %swap3A_1693 = vector.shape_cast %swap3A_1692 : vector<16xi32> to vector<16xi32>
    %swap3A_1694 = vector.shape_cast %add3A_1690 : vector<16xi32> to vector<16xi32>
    tpu.vector_store %arg6[%swap3A_1691], %swap3A_1694 {strides = array<i32>} : memref<4096xi32, #tpu.memory_space<vmem>>, vector<16xi32>,
    %add3A_1695 = arith.constant 512 : i32
    %add3A_1696 = vector.broadcast %add3A_1695 : i32 to vector<16xi32>
    %add3A_1697 = arith.addi %add3A_1666, %add3A_1696 : vector<16xi32>
    %swap3A_1698 = arith.constant 2432 : index
    %swap3A_1699 = tpu.vector_load %arg6[%swap3A_1698] {strides = array<i32>} : memref<4096xi32, #tpu.memory_space<vmem>>, vector<16xi32>,
    %swap3A_1700 = vector.shape_cast %swap3A_1699 : vector<16xi32> to vector<16xi32>
    %swap3A_1701 = vector.shape_cast %add3A_1697 : vector<16xi32> to vector<16xi32>
    tpu.vector_store %arg6[%swap3A_1698], %swap3A_1701 {strides = array<i32>} : memref<4096xi32, #tpu.memory_space<vmem>>, vector<16xi32>,
    %add3A_1702 = arith.constant 640 : i32
    %add3A_1703 = vector.broadcast %add3A_1702 : i32 to vector<16xi32>
    %add3A_1704 = arith.addi %add3A_1666, %add3A_1703 : vector<16xi32>
    %swap3A_1705 = arith.constant 2944 : index
    %swap3A_1706 = tpu.vector_load %arg6[%swap3A_1705] {strides = array<i32>} : memref<4096xi32, #tpu.memory_space<vmem>>, vector<16xi32>,
    %swap3A_1707 = vector.shape_cast %swap3A_1706 : vector<16xi32> to vector<16xi32>
    %swap3A_1708 = vector.shape_cast %add3A_1704 : vector<16xi32> to vector<16xi32>
    tpu.vector_store %arg6[%swap3A_1705], %swap3A_1708 {strides = array<i32>} : memref<4096xi32, #tpu.memory_space<vmem>>, vector<16xi32>,
    %add3A_1709 = arith.constant 768 : i32
    %add3A_1710 = vector.broadcast %add3A_1709 : i32 to vector<16xi32>
    %add3A_1711 = arith.addi %add3A_1666, %add3A_1710 : vector<16xi32>
    %swap3A_1712 = arith.constant 3456 : index
    %swap3A_1713 = tpu.vector_load %arg6[%swap3A_1712] {strides = array<i32>} : memref<4096xi32, #tpu.memory_space<vmem>>, vector<16xi32>,
    %swap3A_1714 = vector.shape_cast %swap3A_1713 : vector<16xi32> to vector<16xi32>
    %swap3A_1715 = vector.shape_cast %add3A_1711 : vector<16xi32> to vector<16xi32>
    tpu.vector_store %arg6[%swap3A_1712], %swap3A_1715 {strides = array<i32>} : memref<4096xi32, #tpu.memory_space<vmem>>, vector<16xi32>,
    %add3A_1716 = arith.constant 896 : i32
    %add3A_1717 = vector.broadcast %add3A_1716 : i32 to vector<16xi32>
    %add3A_1718 = arith.addi %add3A_1666, %add3A_1717 : vector<16xi32>
    %swap3A_1719 = arith.constant 3968 : index
    %swap3A_1720 = tpu.vector_load %arg6[%swap3A_1719] {strides = array<i32>} : memref<4096xi32, #tpu.memory_space<vmem>>, vector<16xi32>,
    %swap3A_1721 = vector.shape_cast %swap3A_1720 : vector<16xi32> to vector<16xi32>
    %swap3A_1722 = vector.shape_cast %add3A_1718 : vector<16xi32> to vector<16xi32>
    tpu.vector_store %arg6[%swap3A_1719], %swap3A_1722 {strides = array<i32>} : memref<4096xi32, #tpu.memory_space<vmem>>, vector<16xi32>,
    %get3A_1723 = arith.constant 400 : index
    %get3A_1724 = tpu.vector_load %arg5[%get3A_1723] {strides = array<i32>} : memref<512xi32, #tpu.memory_space<vmem>>, vector<16xi32>,
    %get3A_1725 = vector.shape_cast %get3A_1724 : vector<16xi32> to vector<16xi32>
    %shift_right_logical3A_1726 = arith.constant 7 : i32
    %shift_right_logical3A_1727 = vector.broadcast %shift_right_logical3A_1726 : i32 to vector<16xi32>
    %shift_right_logical3A_1728 = arith.shrui %get3A_1725, %shift_right_logical3A_1727 : vector<16xi32>
    %shift_left3A_1729 = arith.constant 10 : i32
    %shift_left3A_1730 = vector.broadcast %shift_left3A_1729 : i32 to vector<16xi32>
    %shift_left3A_1731 = arith.shli %shift_right_logical3A_1728, %shift_left3A_1730 : vector<16xi32>
    %and3A_1732 = arith.constant 127 : i32
    %and3A_1733 = vector.broadcast %and3A_1732 : i32 to vector<16xi32>
    %and3A_1734 = arith.andi %get3A_1725, %and3A_1733 : vector<16xi32>
    %add3A_1735 = arith.addi %shift_left3A_1731, %and3A_1734 : vector<16xi32>
    %add3A_1736 = arith.constant 0 : i32
    %add3A_1737 = vector.broadcast %add3A_1736 : i32 to vector<16xi32>
    %add3A_1738 = arith.addi %add3A_1735, %add3A_1737 : vector<16xi32>
    %swap3A_1739 = arith.constant 400 : index
    %swap3A_1740 = tpu.vector_load %arg6[%swap3A_1739] {strides = array<i32>} : memref<4096xi32, #tpu.memory_space<vmem>>, vector<16xi32>,
    %swap3A_1741 = vector.shape_cast %swap3A_1740 : vector<16xi32> to vector<16xi32>
    %swap3A_1742 = vector.shape_cast %add3A_1738 : vector<16xi32> to vector<16xi32>
    tpu.vector_store %arg6[%swap3A_1739], %swap3A_1742 {strides = array<i32>} : memref<4096xi32, #tpu.memory_space<vmem>>, vector<16xi32>,
    %add3A_1743 = arith.constant 128 : i32
    %add3A_1744 = vector.broadcast %add3A_1743 : i32 to vector<16xi32>
    %add3A_1745 = arith.addi %add3A_1735, %add3A_1744 : vector<16xi32>
    %swap3A_1746 = arith.constant 912 : index
    %swap3A_1747 = tpu.vector_load %arg6[%swap3A_1746] {strides = array<i32>} : memref<4096xi32, #tpu.memory_space<vmem>>, vector<16xi32>,
    %swap3A_1748 = vector.shape_cast %swap3A_1747 : vector<16xi32> to vector<16xi32>
    %swap3A_1749 = vector.shape_cast %add3A_1745 : vector<16xi32> to vector<16xi32>
    tpu.vector_store %arg6[%swap3A_1746], %swap3A_1749 {strides = array<i32>} : memref<4096xi32, #tpu.memory_space<vmem>>, vector<16xi32>,
    %add3A_1750 = arith.constant 256 : i32
    %add3A_1751 = vector.broadcast %add3A_1750 : i32 to vector<16xi32>
    %add3A_1752 = arith.addi %add3A_1735, %add3A_1751 : vector<16xi32>
    %swap3A_1753 = arith.constant 1424 : index
    %swap3A_1754 = tpu.vector_load %arg6[%swap3A_1753] {strides = array<i32>} : memref<4096xi32, #tpu.memory_space<vmem>>, vector<16xi32>,
    %swap3A_1755 = vector.shape_cast %swap3A_1754 : vector<16xi32> to vector<16xi32>
    %swap3A_1756 = vector.shape_cast %add3A_1752 : vector<16xi32> to vector<16xi32>
    tpu.vector_store %arg6[%swap3A_1753], %swap3A_1756 {strides = array<i32>} : memref<4096xi32, #tpu.memory_space<vmem>>, vector<16xi32>,
    %add3A_1757 = arith.constant 384 : i32
    %add3A_1758 = vector.broadcast %add3A_1757 : i32 to vector<16xi32>
    %add3A_1759 = arith.addi %add3A_1735, %add3A_1758 : vector<16xi32>
    %swap3A_1760 = arith.constant 1936 : index
    %swap3A_1761 = tpu.vector_load %arg6[%swap3A_1760] {strides = array<i32>} : memref<4096xi32, #tpu.memory_space<vmem>>, vector<16xi32>,
    %swap3A_1762 = vector.shape_cast %swap3A_1761 : vector<16xi32> to vector<16xi32>
    %swap3A_1763 = vector.shape_cast %add3A_1759 : vector<16xi32> to vector<16xi32>
    tpu.vector_store %arg6[%swap3A_1760], %swap3A_1763 {strides = array<i32>} : memref<4096xi32, #tpu.memory_space<vmem>>, vector<16xi32>,
    %add3A_1764 = arith.constant 512 : i32
    %add3A_1765 = vector.broadcast %add3A_1764 : i32 to vector<16xi32>
    %add3A_1766 = arith.addi %add3A_1735, %add3A_1765 : vector<16xi32>
    %swap3A_1767 = arith.constant 2448 : index
    %swap3A_1768 = tpu.vector_load %arg6[%swap3A_1767] {strides = array<i32>} : memref<4096xi32, #tpu.memory_space<vmem>>, vector<16xi32>,
    %swap3A_1769 = vector.shape_cast %swap3A_1768 : vector<16xi32> to vector<16xi32>
    %swap3A_1770 = vector.shape_cast %add3A_1766 : vector<16xi32> to vector<16xi32>
    tpu.vector_store %arg6[%swap3A_1767], %swap3A_1770 {strides = array<i32>} : memref<4096xi32, #tpu.memory_space<vmem>>, vector<16xi32>,
    %add3A_1771 = arith.constant 640 : i32
    %add3A_1772 = vector.broadcast %add3A_1771 : i32 to vector<16xi32>
    %add3A_1773 = arith.addi %add3A_1735, %add3A_1772 : vector<16xi32>
    %swap3A_1774 = arith.constant 2960 : index
    %swap3A_1775 = tpu.vector_load %arg6[%swap3A_1774] {strides = array<i32>} : memref<4096xi32, #tpu.memory_space<vmem>>, vector<16xi32>,
    %swap3A_1776 = vector.shape_cast %swap3A_1775 : vector<16xi32> to vector<16xi32>
    %swap3A_1777 = vector.shape_cast %add3A_1773 : vector<16xi32> to vector<16xi32>
    tpu.vector_store %arg6[%swap3A_1774], %swap3A_1777 {strides = array<i32>} : memref<4096xi32, #tpu.memory_space<vmem>>, vector<16xi32>,
    %add3A_1778 = arith.constant 768 : i32
    %add3A_1779 = vector.broadcast %add3A_1778 : i32 to vector<16xi32>
    %add3A_1780 = arith.addi %add3A_1735, %add3A_1779 : vector<16xi32>
    %swap3A_1781 = arith.constant 3472 : index
    %swap3A_1782 = tpu.vector_load %arg6[%swap3A_1781] {strides = array<i32>} : memref<4096xi32, #tpu.memory_space<vmem>>, vector<16xi32>,
    %swap3A_1783 = vector.shape_cast %swap3A_1782 : vector<16xi32> to vector<16xi32>
    %swap3A_1784 = vector.shape_cast %add3A_1780 : vector<16xi32> to vector<16xi32>
    tpu.vector_store %arg6[%swap3A_1781], %swap3A_1784 {strides = array<i32>} : memref<4096xi32, #tpu.memory_space<vmem>>, vector<16xi32>,
    %add3A_1785 = arith.constant 896 : i32
    %add3A_1786 = vector.broadcast %add3A_1785 : i32 to vector<16xi32>
    %add3A_1787 = arith.addi %add3A_1735, %add3A_1786 : vector<16xi32>
    %swap3A_1788 = arith.constant 3984 : index
    %swap3A_1789 = tpu.vector_load %arg6[%swap3A_1788] {strides = array<i32>} : memref<4096xi32, #tpu.memory_space<vmem>>, vector<16xi32>,
    %swap3A_1790 = vector.shape_cast %swap3A_1789 : vector<16xi32> to vector<16xi32>
    %swap3A_1791 = vector.shape_cast %add3A_1787 : vector<16xi32> to vector<16xi32>
    tpu.vector_store %arg6[%swap3A_1788], %swap3A_1791 {strides = array<i32>} : memref<4096xi32, #tpu.memory_space<vmem>>, vector<16xi32>,
    %get3A_1792 = arith.constant 416 : index
    %get3A_1793 = tpu.vector_load %arg5[%get3A_1792] {strides = array<i32>} : memref<512xi32, #tpu.memory_space<vmem>>, vector<16xi32>,
    %get3A_1794 = vector.shape_cast %get3A_1793 : vector<16xi32> to vector<16xi32>
    %shift_right_logical3A_1795 = arith.constant 7 : i32
    %shift_right_logical3A_1796 = vector.broadcast %shift_right_logical3A_1795 : i32 to vector<16xi32>
    %shift_right_logical3A_1797 = arith.shrui %get3A_1794, %shift_right_logical3A_1796 : vector<16xi32>
    %shift_left3A_1798 = arith.constant 10 : i32
    %shift_left3A_1799 = vector.broadcast %shift_left3A_1798 : i32 to vector<16xi32>
    %shift_left3A_1800 = arith.shli %shift_right_logical3A_1797, %shift_left3A_1799 : vector<16xi32>
    %and3A_1801 = arith.constant 127 : i32
    %and3A_1802 = vector.broadcast %and3A_1801 : i32 to vector<16xi32>
    %and3A_1803 = arith.andi %get3A_1794, %and3A_1802 : vector<16xi32>
    %add3A_1804 = arith.addi %shift_left3A_1800, %and3A_1803 : vector<16xi32>
    %add3A_1805 = arith.constant 0 : i32
    %add3A_1806 = vector.broadcast %add3A_1805 : i32 to vector<16xi32>
    %add3A_1807 = arith.addi %add3A_1804, %add3A_1806 : vector<16xi32>
    %swap3A_1808 = arith.constant 416 : index
    %swap3A_1809 = tpu.vector_load %arg6[%swap3A_1808] {strides = array<i32>} : memref<4096xi32, #tpu.memory_space<vmem>>, vector<16xi32>,
    %swap3A_1810 = vector.shape_cast %swap3A_1809 : vector<16xi32> to vector<16xi32>
    %swap3A_1811 = vector.shape_cast %add3A_1807 : vector<16xi32> to vector<16xi32>
    tpu.vector_store %arg6[%swap3A_1808], %swap3A_1811 {strides = array<i32>} : memref<4096xi32, #tpu.memory_space<vmem>>, vector<16xi32>,
    %add3A_1812 = arith.constant 128 : i32
    %add3A_1813 = vector.broadcast %add3A_1812 : i32 to vector<16xi32>
    %add3A_1814 = arith.addi %add3A_1804, %add3A_1813 : vector<16xi32>
    %swap3A_1815 = arith.constant 928 : index
    %swap3A_1816 = tpu.vector_load %arg6[%swap3A_1815] {strides = array<i32>} : memref<4096xi32, #tpu.memory_space<vmem>>, vector<16xi32>,
    %swap3A_1817 = vector.shape_cast %swap3A_1816 : vector<16xi32> to vector<16xi32>
    %swap3A_1818 = vector.shape_cast %add3A_1814 : vector<16xi32> to vector<16xi32>
    tpu.vector_store %arg6[%swap3A_1815], %swap3A_1818 {strides = array<i32>} : memref<4096xi32, #tpu.memory_space<vmem>>, vector<16xi32>,
    %add3A_1819 = arith.constant 256 : i32
    %add3A_1820 = vector.broadcast %add3A_1819 : i32 to vector<16xi32>
    %add3A_1821 = arith.addi %add3A_1804, %add3A_1820 : vector<16xi32>
    %swap3A_1822 = arith.constant 1440 : index
    %swap3A_1823 = tpu.vector_load %arg6[%swap3A_1822] {strides = array<i32>} : memref<4096xi32, #tpu.memory_space<vmem>>, vector<16xi32>,
    %swap3A_1824 = vector.shape_cast %swap3A_1823 : vector<16xi32> to vector<16xi32>
    %swap3A_1825 = vector.shape_cast %add3A_1821 : vector<16xi32> to vector<16xi32>
    tpu.vector_store %arg6[%swap3A_1822], %swap3A_1825 {strides = array<i32>} : memref<4096xi32, #tpu.memory_space<vmem>>, vector<16xi32>,
    %add3A_1826 = arith.constant 384 : i32
    %add3A_1827 = vector.broadcast %add3A_1826 : i32 to vector<16xi32>
    %add3A_1828 = arith.addi %add3A_1804, %add3A_1827 : vector<16xi32>
    %swap3A_1829 = arith.constant 1952 : index
    %swap3A_1830 = tpu.vector_load %arg6[%swap3A_1829] {strides = array<i32>} : memref<4096xi32, #tpu.memory_space<vmem>>, vector<16xi32>,
    %swap3A_1831 = vector.shape_cast %swap3A_1830 : vector<16xi32> to vector<16xi32>
    %swap3A_1832 = vector.shape_cast %add3A_1828 : vector<16xi32> to vector<16xi32>
    tpu.vector_store %arg6[%swap3A_1829], %swap3A_1832 {strides = array<i32>} : memref<4096xi32, #tpu.memory_space<vmem>>, vector<16xi32>,
    %add3A_1833 = arith.constant 512 : i32
    %add3A_1834 = vector.broadcast %add3A_1833 : i32 to vector<16xi32>
    %add3A_1835 = arith.addi %add3A_1804, %add3A_1834 : vector<16xi32>
    %swap3A_1836 = arith.constant 2464 : index
    %swap3A_1837 = tpu.vector_load %arg6[%swap3A_1836] {strides = array<i32>} : memref<4096xi32, #tpu.memory_space<vmem>>, vector<16xi32>,
    %swap3A_1838 = vector.shape_cast %swap3A_1837 : vector<16xi32> to vector<16xi32>
    %swap3A_1839 = vector.shape_cast %add3A_1835 : vector<16xi32> to vector<16xi32>
    tpu.vector_store %arg6[%swap3A_1836], %swap3A_1839 {strides = array<i32>} : memref<4096xi32, #tpu.memory_space<vmem>>, vector<16xi32>,
    %add3A_1840 = arith.constant 640 : i32
    %add3A_1841 = vector.broadcast %add3A_1840 : i32 to vector<16xi32>
    %add3A_1842 = arith.addi %add3A_1804, %add3A_1841 : vector<16xi32>
    %swap3A_1843 = arith.constant 2976 : index
    %swap3A_1844 = tpu.vector_load %arg6[%swap3A_1843] {strides = array<i32>} : memref<4096xi32, #tpu.memory_space<vmem>>, vector<16xi32>,
    %swap3A_1845 = vector.shape_cast %swap3A_1844 : vector<16xi32> to vector<16xi32>
    %swap3A_1846 = vector.shape_cast %add3A_1842 : vector<16xi32> to vector<16xi32>
    tpu.vector_store %arg6[%swap3A_1843], %swap3A_1846 {strides = array<i32>} : memref<4096xi32, #tpu.memory_space<vmem>>, vector<16xi32>,
    %add3A_1847 = arith.constant 768 : i32
    %add3A_1848 = vector.broadcast %add3A_1847 : i32 to vector<16xi32>
    %add3A_1849 = arith.addi %add3A_1804, %add3A_1848 : vector<16xi32>
    %swap3A_1850 = arith.constant 3488 : index
    %swap3A_1851 = tpu.vector_load %arg6[%swap3A_1850] {strides = array<i32>} : memref<4096xi32, #tpu.memory_space<vmem>>, vector<16xi32>,
    %swap3A_1852 = vector.shape_cast %swap3A_1851 : vector<16xi32> to vector<16xi32>
    %swap3A_1853 = vector.shape_cast %add3A_1849 : vector<16xi32> to vector<16xi32>
    tpu.vector_store %arg6[%swap3A_1850], %swap3A_1853 {strides = array<i32>} : memref<4096xi32, #tpu.memory_space<vmem>>, vector<16xi32>,
    %add3A_1854 = arith.constant 896 : i32
    %add3A_1855 = vector.broadcast %add3A_1854 : i32 to vector<16xi32>
    %add3A_1856 = arith.addi %add3A_1804, %add3A_1855 : vector<16xi32>
    %swap3A_1857 = arith.constant 4000 : index
    %swap3A_1858 = tpu.vector_load %arg6[%swap3A_1857] {strides = array<i32>} : memref<4096xi32, #tpu.memory_space<vmem>>, vector<16xi32>,
    %swap3A_1859 = vector.shape_cast %swap3A_1858 : vector<16xi32> to vector<16xi32>
    %swap3A_1860 = vector.shape_cast %add3A_1856 : vector<16xi32> to vector<16xi32>
    tpu.vector_store %arg6[%swap3A_1857], %swap3A_1860 {strides = array<i32>} : memref<4096xi32, #tpu.memory_space<vmem>>, vector<16xi32>,
    %get3A_1861 = arith.constant 432 : index
    %get3A_1862 = tpu.vector_load %arg5[%get3A_1861] {strides = array<i32>} : memref<512xi32, #tpu.memory_space<vmem>>, vector<16xi32>,
    %get3A_1863 = vector.shape_cast %get3A_1862 : vector<16xi32> to vector<16xi32>
    %shift_right_logical3A_1864 = arith.constant 7 : i32
    %shift_right_logical3A_1865 = vector.broadcast %shift_right_logical3A_1864 : i32 to vector<16xi32>
    %shift_right_logical3A_1866 = arith.shrui %get3A_1863, %shift_right_logical3A_1865 : vector<16xi32>
    %shift_left3A_1867 = arith.constant 10 : i32
    %shift_left3A_1868 = vector.broadcast %shift_left3A_1867 : i32 to vector<16xi32>
    %shift_left3A_1869 = arith.shli %shift_right_logical3A_1866, %shift_left3A_1868 : vector<16xi32>
    %and3A_1870 = arith.constant 127 : i32
    %and3A_1871 = vector.broadcast %and3A_1870 : i32 to vector<16xi32>
    %and3A_1872 = arith.andi %get3A_1863, %and3A_1871 : vector<16xi32>
    %add3A_1873 = arith.addi %shift_left3A_1869, %and3A_1872 : vector<16xi32>
    %add3A_1874 = arith.constant 0 : i32
    %add3A_1875 = vector.broadcast %add3A_1874 : i32 to vector<16xi32>
    %add3A_1876 = arith.addi %add3A_1873, %add3A_1875 : vector<16xi32>
    %swap3A_1877 = arith.constant 432 : index
    %swap3A_1878 = tpu.vector_load %arg6[%swap3A_1877] {strides = array<i32>} : memref<4096xi32, #tpu.memory_space<vmem>>, vector<16xi32>,
    %swap3A_1879 = vector.shape_cast %swap3A_1878 : vector<16xi32> to vector<16xi32>
    %swap3A_1880 = vector.shape_cast %add3A_1876 : vector<16xi32> to vector<16xi32>
    tpu.vector_store %arg6[%swap3A_1877], %swap3A_1880 {strides = array<i32>} : memref<4096xi32, #tpu.memory_space<vmem>>, vector<16xi32>,
    %add3A_1881 = arith.constant 128 : i32
    %add3A_1882 = vector.broadcast %add3A_1881 : i32 to vector<16xi32>
    %add3A_1883 = arith.addi %add3A_1873, %add3A_1882 : vector<16xi32>
    %swap3A_1884 = arith.constant 944 : index
    %swap3A_1885 = tpu.vector_load %arg6[%swap3A_1884] {strides = array<i32>} : memref<4096xi32, #tpu.memory_space<vmem>>, vector<16xi32>,
    %swap3A_1886 = vector.shape_cast %swap3A_1885 : vector<16xi32> to vector<16xi32>
    %swap3A_1887 = vector.shape_cast %add3A_1883 : vector<16xi32> to vector<16xi32>
    tpu.vector_store %arg6[%swap3A_1884], %swap3A_1887 {strides = array<i32>} : memref<4096xi32, #tpu.memory_space<vmem>>, vector<16xi32>,
    %add3A_1888 = arith.constant 256 : i32
    %add3A_1889 = vector.broadcast %add3A_1888 : i32 to vector<16xi32>
    %add3A_1890 = arith.addi %add3A_1873, %add3A_1889 : vector<16xi32>
    %swap3A_1891 = arith.constant 1456 : index
    %swap3A_1892 = tpu.vector_load %arg6[%swap3A_1891] {strides = array<i32>} : memref<4096xi32, #tpu.memory_space<vmem>>, vector<16xi32>,
    %swap3A_1893 = vector.shape_cast %swap3A_1892 : vector<16xi32> to vector<16xi32>
    %swap3A_1894 = vector.shape_cast %add3A_1890 : vector<16xi32> to vector<16xi32>
    tpu.vector_store %arg6[%swap3A_1891], %swap3A_1894 {strides = array<i32>} : memref<4096xi32, #tpu.memory_space<vmem>>, vector<16xi32>,
    %add3A_1895 = arith.constant 384 : i32
    %add3A_1896 = vector.broadcast %add3A_1895 : i32 to vector<16xi32>
    %add3A_1897 = arith.addi %add3A_1873, %add3A_1896 : vector<16xi32>
    %swap3A_1898 = arith.constant 1968 : index
    %swap3A_1899 = tpu.vector_load %arg6[%swap3A_1898] {strides = array<i32>} : memref<4096xi32, #tpu.memory_space<vmem>>, vector<16xi32>,
    %swap3A_1900 = vector.shape_cast %swap3A_1899 : vector<16xi32> to vector<16xi32>
    %swap3A_1901 = vector.shape_cast %add3A_1897 : vector<16xi32> to vector<16xi32>
    tpu.vector_store %arg6[%swap3A_1898], %swap3A_1901 {strides = array<i32>} : memref<4096xi32, #tpu.memory_space<vmem>>, vector<16xi32>,
    %add3A_1902 = arith.constant 512 : i32
    %add3A_1903 = vector.broadcast %add3A_1902 : i32 to vector<16xi32>
    %add3A_1904 = arith.addi %add3A_1873, %add3A_1903 : vector<16xi32>
    %swap3A_1905 = arith.constant 2480 : index
    %swap3A_1906 = tpu.vector_load %arg6[%swap3A_1905] {strides = array<i32>} : memref<4096xi32, #tpu.memory_space<vmem>>, vector<16xi32>,
    %swap3A_1907 = vector.shape_cast %swap3A_1906 : vector<16xi32> to vector<16xi32>
    %swap3A_1908 = vector.shape_cast %add3A_1904 : vector<16xi32> to vector<16xi32>
    tpu.vector_store %arg6[%swap3A_1905], %swap3A_1908 {strides = array<i32>} : memref<4096xi32, #tpu.memory_space<vmem>>, vector<16xi32>,
    %add3A_1909 = arith.constant 640 : i32
    %add3A_1910 = vector.broadcast %add3A_1909 : i32 to vector<16xi32>
    %add3A_1911 = arith.addi %add3A_1873, %add3A_1910 : vector<16xi32>
    %swap3A_1912 = arith.constant 2992 : index
    %swap3A_1913 = tpu.vector_load %arg6[%swap3A_1912] {strides = array<i32>} : memref<4096xi32, #tpu.memory_space<vmem>>, vector<16xi32>,
    %swap3A_1914 = vector.shape_cast %swap3A_1913 : vector<16xi32> to vector<16xi32>
    %swap3A_1915 = vector.shape_cast %add3A_1911 : vector<16xi32> to vector<16xi32>
    tpu.vector_store %arg6[%swap3A_1912], %swap3A_1915 {strides = array<i32>} : memref<4096xi32, #tpu.memory_space<vmem>>, vector<16xi32>,
    %add3A_1916 = arith.constant 768 : i32
    %add3A_1917 = vector.broadcast %add3A_1916 : i32 to vector<16xi32>
    %add3A_1918 = arith.addi %add3A_1873, %add3A_1917 : vector<16xi32>
    %swap3A_1919 = arith.constant 3504 : index
    %swap3A_1920 = tpu.vector_load %arg6[%swap3A_1919] {strides = array<i32>} : memref<4096xi32, #tpu.memory_space<vmem>>, vector<16xi32>,
    %swap3A_1921 = vector.shape_cast %swap3A_1920 : vector<16xi32> to vector<16xi32>
    %swap3A_1922 = vector.shape_cast %add3A_1918 : vector<16xi32> to vector<16xi32>
    tpu.vector_store %arg6[%swap3A_1919], %swap3A_1922 {strides = array<i32>} : memref<4096xi32, #tpu.memory_space<vmem>>, vector<16xi32>,
    %add3A_1923 = arith.constant 896 : i32
    %add3A_1924 = vector.broadcast %add3A_1923 : i32 to vector<16xi32>
    %add3A_1925 = arith.addi %add3A_1873, %add3A_1924 : vector<16xi32>
    %swap3A_1926 = arith.constant 4016 : index
    %swap3A_1927 = tpu.vector_load %arg6[%swap3A_1926] {strides = array<i32>} : memref<4096xi32, #tpu.memory_space<vmem>>, vector<16xi32>,
    %swap3A_1928 = vector.shape_cast %swap3A_1927 : vector<16xi32> to vector<16xi32>
    %swap3A_1929 = vector.shape_cast %add3A_1925 : vector<16xi32> to vector<16xi32>
    tpu.vector_store %arg6[%swap3A_1926], %swap3A_1929 {strides = array<i32>} : memref<4096xi32, #tpu.memory_space<vmem>>, vector<16xi32>,
    %get3A_1930 = arith.constant 448 : index
    %get3A_1931 = tpu.vector_load %arg5[%get3A_1930] {strides = array<i32>} : memref<512xi32, #tpu.memory_space<vmem>>, vector<16xi32>,
    %get3A_1932 = vector.shape_cast %get3A_1931 : vector<16xi32> to vector<16xi32>
    %shift_right_logical3A_1933 = arith.constant 7 : i32
    %shift_right_logical3A_1934 = vector.broadcast %shift_right_logical3A_1933 : i32 to vector<16xi32>
    %shift_right_logical3A_1935 = arith.shrui %get3A_1932, %shift_right_logical3A_1934 : vector<16xi32>
    %shift_left3A_1936 = arith.constant 10 : i32
    %shift_left3A_1937 = vector.broadcast %shift_left3A_1936 : i32 to vector<16xi32>
    %shift_left3A_1938 = arith.shli %shift_right_logical3A_1935, %shift_left3A_1937 : vector<16xi32>
    %and3A_1939 = arith.constant 127 : i32
    %and3A_1940 = vector.broadcast %and3A_1939 : i32 to vector<16xi32>
    %and3A_1941 = arith.andi %get3A_1932, %and3A_1940 : vector<16xi32>
    %add3A_1942 = arith.addi %shift_left3A_1938, %and3A_1941 : vector<16xi32>
    %add3A_1943 = arith.constant 0 : i32
    %add3A_1944 = vector.broadcast %add3A_1943 : i32 to vector<16xi32>
    %add3A_1945 = arith.addi %add3A_1942, %add3A_1944 : vector<16xi32>
    %swap3A_1946 = arith.constant 448 : index
    %swap3A_1947 = tpu.vector_load %arg6[%swap3A_1946] {strides = array<i32>} : memref<4096xi32, #tpu.memory_space<vmem>>, vector<16xi32>,
    %swap3A_1948 = vector.shape_cast %swap3A_1947 : vector<16xi32> to vector<16xi32>
    %swap3A_1949 = vector.shape_cast %add3A_1945 : vector<16xi32> to vector<16xi32>
    tpu.vector_store %arg6[%swap3A_1946], %swap3A_1949 {strides = array<i32>} : memref<4096xi32, #tpu.memory_space<vmem>>, vector<16xi32>,
    %add3A_1950 = arith.constant 128 : i32
    %add3A_1951 = vector.broadcast %add3A_1950 : i32 to vector<16xi32>
    %add3A_1952 = arith.addi %add3A_1942, %add3A_1951 : vector<16xi32>
    %swap3A_1953 = arith.constant 960 : index
    %swap3A_1954 = tpu.vector_load %arg6[%swap3A_1953] {strides = array<i32>} : memref<4096xi32, #tpu.memory_space<vmem>>, vector<16xi32>,
    %swap3A_1955 = vector.shape_cast %swap3A_1954 : vector<16xi32> to vector<16xi32>
    %swap3A_1956 = vector.shape_cast %add3A_1952 : vector<16xi32> to vector<16xi32>
    tpu.vector_store %arg6[%swap3A_1953], %swap3A_1956 {strides = array<i32>} : memref<4096xi32, #tpu.memory_space<vmem>>, vector<16xi32>,
    %add3A_1957 = arith.constant 256 : i32
    %add3A_1958 = vector.broadcast %add3A_1957 : i32 to vector<16xi32>
    %add3A_1959 = arith.addi %add3A_1942, %add3A_1958 : vector<16xi32>
    %swap3A_1960 = arith.constant 1472 : index
    %swap3A_1961 = tpu.vector_load %arg6[%swap3A_1960] {strides = array<i32>} : memref<4096xi32, #tpu.memory_space<vmem>>, vector<16xi32>,
    %swap3A_1962 = vector.shape_cast %swap3A_1961 : vector<16xi32> to vector<16xi32>
    %swap3A_1963 = vector.shape_cast %add3A_1959 : vector<16xi32> to vector<16xi32>
    tpu.vector_store %arg6[%swap3A_1960], %swap3A_1963 {strides = array<i32>} : memref<4096xi32, #tpu.memory_space<vmem>>, vector<16xi32>,
    %add3A_1964 = arith.constant 384 : i32
    %add3A_1965 = vector.broadcast %add3A_1964 : i32 to vector<16xi32>
    %add3A_1966 = arith.addi %add3A_1942, %add3A_1965 : vector<16xi32>
    %swap3A_1967 = arith.constant 1984 : index
    %swap3A_1968 = tpu.vector_load %arg6[%swap3A_1967] {strides = array<i32>} : memref<4096xi32, #tpu.memory_space<vmem>>, vector<16xi32>,
    %swap3A_1969 = vector.shape_cast %swap3A_1968 : vector<16xi32> to vector<16xi32>
    %swap3A_1970 = vector.shape_cast %add3A_1966 : vector<16xi32> to vector<16xi32>
    tpu.vector_store %arg6[%swap3A_1967], %swap3A_1970 {strides = array<i32>} : memref<4096xi32, #tpu.memory_space<vmem>>, vector<16xi32>,
    %add3A_1971 = arith.constant 512 : i32
    %add3A_1972 = vector.broadcast %add3A_1971 : i32 to vector<16xi32>
    %add3A_1973 = arith.addi %add3A_1942, %add3A_1972 : vector<16xi32>
    %swap3A_1974 = arith.constant 2496 : index
    %swap3A_1975 = tpu.vector_load %arg6[%swap3A_1974] {strides = array<i32>} : memref<4096xi32, #tpu.memory_space<vmem>>, vector<16xi32>,
    %swap3A_1976 = vector.shape_cast %swap3A_1975 : vector<16xi32> to vector<16xi32>
    %swap3A_1977 = vector.shape_cast %add3A_1973 : vector<16xi32> to vector<16xi32>
    tpu.vector_store %arg6[%swap3A_1974], %swap3A_1977 {strides = array<i32>} : memref<4096xi32, #tpu.memory_space<vmem>>, vector<16xi32>,
    %add3A_1978 = arith.constant 640 : i32
    %add3A_1979 = vector.broadcast %add3A_1978 : i32 to vector<16xi32>
    %add3A_1980 = arith.addi %add3A_1942, %add3A_1979 : vector<16xi32>
    %swap3A_1981 = arith.constant 3008 : index
    %swap3A_1982 = tpu.vector_load %arg6[%swap3A_1981] {strides = array<i32>} : memref<4096xi32, #tpu.memory_space<vmem>>, vector<16xi32>,
    %swap3A_1983 = vector.shape_cast %swap3A_1982 : vector<16xi32> to vector<16xi32>
    %swap3A_1984 = vector.shape_cast %add3A_1980 : vector<16xi32> to vector<16xi32>
    tpu.vector_store %arg6[%swap3A_1981], %swap3A_1984 {strides = array<i32>} : memref<4096xi32, #tpu.memory_space<vmem>>, vector<16xi32>,
    %add3A_1985 = arith.constant 768 : i32
    %add3A_1986 = vector.broadcast %add3A_1985 : i32 to vector<16xi32>
    %add3A_1987 = arith.addi %add3A_1942, %add3A_1986 : vector<16xi32>
    %swap3A_1988 = arith.constant 3520 : index
    %swap3A_1989 = tpu.vector_load %arg6[%swap3A_1988] {strides = array<i32>} : memref<4096xi32, #tpu.memory_space<vmem>>, vector<16xi32>,
    %swap3A_1990 = vector.shape_cast %swap3A_1989 : vector<16xi32> to vector<16xi32>
    %swap3A_1991 = vector.shape_cast %add3A_1987 : vector<16xi32> to vector<16xi32>
    tpu.vector_store %arg6[%swap3A_1988], %swap3A_1991 {strides = array<i32>} : memref<4096xi32, #tpu.memory_space<vmem>>, vector<16xi32>,
    %add3A_1992 = arith.constant 896 : i32
    %add3A_1993 = vector.broadcast %add3A_1992 : i32 to vector<16xi32>
    %add3A_1994 = arith.addi %add3A_1942, %add3A_1993 : vector<16xi32>
    %swap3A_1995 = arith.constant 4032 : index
    %swap3A_1996 = tpu.vector_load %arg6[%swap3A_1995] {strides = array<i32>} : memref<4096xi32, #tpu.memory_space<vmem>>, vector<16xi32>,
    %swap3A_1997 = vector.shape_cast %swap3A_1996 : vector<16xi32> to vector<16xi32>
    %swap3A_1998 = vector.shape_cast %add3A_1994 : vector<16xi32> to vector<16xi32>
    tpu.vector_store %arg6[%swap3A_1995], %swap3A_1998 {strides = array<i32>} : memref<4096xi32, #tpu.memory_space<vmem>>, vector<16xi32>,
    %get3A_1999 = arith.constant 464 : index
    %get3A_2000 = tpu.vector_load %arg5[%get3A_1999] {strides = array<i32>} : memref<512xi32, #tpu.memory_space<vmem>>, vector<16xi32>,
    %get3A_2001 = vector.shape_cast %get3A_2000 : vector<16xi32> to vector<16xi32>
    %shift_right_logical3A_2002 = arith.constant 7 : i32
    %shift_right_logical3A_2003 = vector.broadcast %shift_right_logical3A_2002 : i32 to vector<16xi32>
    %shift_right_logical3A_2004 = arith.shrui %get3A_2001, %shift_right_logical3A_2003 : vector<16xi32>
    %shift_left3A_2005 = arith.constant 10 : i32
    %shift_left3A_2006 = vector.broadcast %shift_left3A_2005 : i32 to vector<16xi32>
    %shift_left3A_2007 = arith.shli %shift_right_logical3A_2004, %shift_left3A_2006 : vector<16xi32>
    %and3A_2008 = arith.constant 127 : i32
    %and3A_2009 = vector.broadcast %and3A_2008 : i32 to vector<16xi32>
    %and3A_2010 = arith.andi %get3A_2001, %and3A_2009 : vector<16xi32>
    %add3A_2011 = arith.addi %shift_left3A_2007, %and3A_2010 : vector<16xi32>
    %add3A_2012 = arith.constant 0 : i32
    %add3A_2013 = vector.broadcast %add3A_2012 : i32 to vector<16xi32>
    %add3A_2014 = arith.addi %add3A_2011, %add3A_2013 : vector<16xi32>
    %swap3A_2015 = arith.constant 464 : index
    %swap3A_2016 = tpu.vector_load %arg6[%swap3A_2015] {strides = array<i32>} : memref<4096xi32, #tpu.memory_space<vmem>>, vector<16xi32>,
    %swap3A_2017 = vector.shape_cast %swap3A_2016 : vector<16xi32> to vector<16xi32>
    %swap3A_2018 = vector.shape_cast %add3A_2014 : vector<16xi32> to vector<16xi32>
    tpu.vector_store %arg6[%swap3A_2015], %swap3A_2018 {strides = array<i32>} : memref<4096xi32, #tpu.memory_space<vmem>>, vector<16xi32>,
    %add3A_2019 = arith.constant 128 : i32
    %add3A_2020 = vector.broadcast %add3A_2019 : i32 to vector<16xi32>
    %add3A_2021 = arith.addi %add3A_2011, %add3A_2020 : vector<16xi32>
    %swap3A_2022 = arith.constant 976 : index
    %swap3A_2023 = tpu.vector_load %arg6[%swap3A_2022] {strides = array<i32>} : memref<4096xi32, #tpu.memory_space<vmem>>, vector<16xi32>,
    %swap3A_2024 = vector.shape_cast %swap3A_2023 : vector<16xi32> to vector<16xi32>
    %swap3A_2025 = vector.shape_cast %add3A_2021 : vector<16xi32> to vector<16xi32>
    tpu.vector_store %arg6[%swap3A_2022], %swap3A_2025 {strides = array<i32>} : memref<4096xi32, #tpu.memory_space<vmem>>, vector<16xi32>,
    %add3A_2026 = arith.constant 256 : i32
    %add3A_2027 = vector.broadcast %add3A_2026 : i32 to vector<16xi32>
    %add3A_2028 = arith.addi %add3A_2011, %add3A_2027 : vector<16xi32>
    %swap3A_2029 = arith.constant 1488 : index
    %swap3A_2030 = tpu.vector_load %arg6[%swap3A_2029] {strides = array<i32>} : memref<4096xi32, #tpu.memory_space<vmem>>, vector<16xi32>,
    %swap3A_2031 = vector.shape_cast %swap3A_2030 : vector<16xi32> to vector<16xi32>
    %swap3A_2032 = vector.shape_cast %add3A_2028 : vector<16xi32> to vector<16xi32>
    tpu.vector_store %arg6[%swap3A_2029], %swap3A_2032 {strides = array<i32>} : memref<4096xi32, #tpu.memory_space<vmem>>, vector<16xi32>,
    %add3A_2033 = arith.constant 384 : i32
    %add3A_2034 = vector.broadcast %add3A_2033 : i32 to vector<16xi32>
    %add3A_2035 = arith.addi %add3A_2011, %add3A_2034 : vector<16xi32>
    %swap3A_2036 = arith.constant 2000 : index
    %swap3A_2037 = tpu.vector_load %arg6[%swap3A_2036] {strides = array<i32>} : memref<4096xi32, #tpu.memory_space<vmem>>, vector<16xi32>,
    %swap3A_2038 = vector.shape_cast %swap3A_2037 : vector<16xi32> to vector<16xi32>
    %swap3A_2039 = vector.shape_cast %add3A_2035 : vector<16xi32> to vector<16xi32>
    tpu.vector_store %arg6[%swap3A_2036], %swap3A_2039 {strides = array<i32>} : memref<4096xi32, #tpu.memory_space<vmem>>, vector<16xi32>,
    %add3A_2040 = arith.constant 512 : i32
    %add3A_2041 = vector.broadcast %add3A_2040 : i32 to vector<16xi32>
    %add3A_2042 = arith.addi %add3A_2011, %add3A_2041 : vector<16xi32>
    %swap3A_2043 = arith.constant 2512 : index
    %swap3A_2044 = tpu.vector_load %arg6[%swap3A_2043] {strides = array<i32>} : memref<4096xi32, #tpu.memory_space<vmem>>, vector<16xi32>,
    %swap3A_2045 = vector.shape_cast %swap3A_2044 : vector<16xi32> to vector<16xi32>
    %swap3A_2046 = vector.shape_cast %add3A_2042 : vector<16xi32> to vector<16xi32>
    tpu.vector_store %arg6[%swap3A_2043], %swap3A_2046 {strides = array<i32>} : memref<4096xi32, #tpu.memory_space<vmem>>, vector<16xi32>,
    %add3A_2047 = arith.constant 640 : i32
    %add3A_2048 = vector.broadcast %add3A_2047 : i32 to vector<16xi32>
    %add3A_2049 = arith.addi %add3A_2011, %add3A_2048 : vector<16xi32>
    %swap3A_2050 = arith.constant 3024 : index
    %swap3A_2051 = tpu.vector_load %arg6[%swap3A_2050] {strides = array<i32>} : memref<4096xi32, #tpu.memory_space<vmem>>, vector<16xi32>,
    %swap3A_2052 = vector.shape_cast %swap3A_2051 : vector<16xi32> to vector<16xi32>
    %swap3A_2053 = vector.shape_cast %add3A_2049 : vector<16xi32> to vector<16xi32>
    tpu.vector_store %arg6[%swap3A_2050], %swap3A_2053 {strides = array<i32>} : memref<4096xi32, #tpu.memory_space<vmem>>, vector<16xi32>,
    %add3A_2054 = arith.constant 768 : i32
    %add3A_2055 = vector.broadcast %add3A_2054 : i32 to vector<16xi32>
    %add3A_2056 = arith.addi %add3A_2011, %add3A_2055 : vector<16xi32>
    %swap3A_2057 = arith.constant 3536 : index
    %swap3A_2058 = tpu.vector_load %arg6[%swap3A_2057] {strides = array<i32>} : memref<4096xi32, #tpu.memory_space<vmem>>, vector<16xi32>,
    %swap3A_2059 = vector.shape_cast %swap3A_2058 : vector<16xi32> to vector<16xi32>
    %swap3A_2060 = vector.shape_cast %add3A_2056 : vector<16xi32> to vector<16xi32>
    tpu.vector_store %arg6[%swap3A_2057], %swap3A_2060 {strides = array<i32>} : memref<4096xi32, #tpu.memory_space<vmem>>, vector<16xi32>,
    %add3A_2061 = arith.constant 896 : i32
    %add3A_2062 = vector.broadcast %add3A_2061 : i32 to vector<16xi32>
    %add3A_2063 = arith.addi %add3A_2011, %add3A_2062 : vector<16xi32>
    %swap3A_2064 = arith.constant 4048 : index
    %swap3A_2065 = tpu.vector_load %arg6[%swap3A_2064] {strides = array<i32>} : memref<4096xi32, #tpu.memory_space<vmem>>, vector<16xi32>,
    %swap3A_2066 = vector.shape_cast %swap3A_2065 : vector<16xi32> to vector<16xi32>
    %swap3A_2067 = vector.shape_cast %add3A_2063 : vector<16xi32> to vector<16xi32>
    tpu.vector_store %arg6[%swap3A_2064], %swap3A_2067 {strides = array<i32>} : memref<4096xi32, #tpu.memory_space<vmem>>, vector<16xi32>,
    %get3A_2068 = arith.constant 480 : index
    %get3A_2069 = tpu.vector_load %arg5[%get3A_2068] {strides = array<i32>} : memref<512xi32, #tpu.memory_space<vmem>>, vector<16xi32>,
    %get3A_2070 = vector.shape_cast %get3A_2069 : vector<16xi32> to vector<16xi32>
    %shift_right_logical3A_2071 = arith.constant 7 : i32
    %shift_right_logical3A_2072 = vector.broadcast %shift_right_logical3A_2071 : i32 to vector<16xi32>
    %shift_right_logical3A_2073 = arith.shrui %get3A_2070, %shift_right_logical3A_2072 : vector<16xi32>
    %shift_left3A_2074 = arith.constant 10 : i32
    %shift_left3A_2075 = vector.broadcast %shift_left3A_2074 : i32 to vector<16xi32>
    %shift_left3A_2076 = arith.shli %shift_right_logical3A_2073, %shift_left3A_2075 : vector<16xi32>
    %and3A_2077 = arith.constant 127 : i32
    %and3A_2078 = vector.broadcast %and3A_2077 : i32 to vector<16xi32>
    %and3A_2079 = arith.andi %get3A_2070, %and3A_2078 : vector<16xi32>
    %add3A_2080 = arith.addi %shift_left3A_2076, %and3A_2079 : vector<16xi32>
    %add3A_2081 = arith.constant 0 : i32
    %add3A_2082 = vector.broadcast %add3A_2081 : i32 to vector<16xi32>
    %add3A_2083 = arith.addi %add3A_2080, %add3A_2082 : vector<16xi32>
    %swap3A_2084 = arith.constant 480 : index
    %swap3A_2085 = tpu.vector_load %arg6[%swap3A_2084] {strides = array<i32>} : memref<4096xi32, #tpu.memory_space<vmem>>, vector<16xi32>,
    %swap3A_2086 = vector.shape_cast %swap3A_2085 : vector<16xi32> to vector<16xi32>
    %swap3A_2087 = vector.shape_cast %add3A_2083 : vector<16xi32> to vector<16xi32>
    tpu.vector_store %arg6[%swap3A_2084], %swap3A_2087 {strides = array<i32>} : memref<4096xi32, #tpu.memory_space<vmem>>, vector<16xi32>,
    %add3A_2088 = arith.constant 128 : i32
    %add3A_2089 = vector.broadcast %add3A_2088 : i32 to vector<16xi32>
    %add3A_2090 = arith.addi %add3A_2080, %add3A_2089 : vector<16xi32>
    %swap3A_2091 = arith.constant 992 : index
    %swap3A_2092 = tpu.vector_load %arg6[%swap3A_2091] {strides = array<i32>} : memref<4096xi32, #tpu.memory_space<vmem>>, vector<16xi32>,
    %swap3A_2093 = vector.shape_cast %swap3A_2092 : vector<16xi32> to vector<16xi32>
    %swap3A_2094 = vector.shape_cast %add3A_2090 : vector<16xi32> to vector<16xi32>
    tpu.vector_store %arg6[%swap3A_2091], %swap3A_2094 {strides = array<i32>} : memref<4096xi32, #tpu.memory_space<vmem>>, vector<16xi32>,
    %add3A_2095 = arith.constant 256 : i32
    %add3A_2096 = vector.broadcast %add3A_2095 : i32 to vector<16xi32>
    %add3A_2097 = arith.addi %add3A_2080, %add3A_2096 : vector<16xi32>
    %swap3A_2098 = arith.constant 1504 : index
    %swap3A_2099 = tpu.vector_load %arg6[%swap3A_2098] {strides = array<i32>} : memref<4096xi32, #tpu.memory_space<vmem>>, vector<16xi32>,
    %swap3A_2100 = vector.shape_cast %swap3A_2099 : vector<16xi32> to vector<16xi32>
    %swap3A_2101 = vector.shape_cast %add3A_2097 : vector<16xi32> to vector<16xi32>
    tpu.vector_store %arg6[%swap3A_2098], %swap3A_2101 {strides = array<i32>} : memref<4096xi32, #tpu.memory_space<vmem>>, vector<16xi32>,
    %add3A_2102 = arith.constant 384 : i32
    %add3A_2103 = vector.broadcast %add3A_2102 : i32 to vector<16xi32>
    %add3A_2104 = arith.addi %add3A_2080, %add3A_2103 : vector<16xi32>
    %swap3A_2105 = arith.constant 2016 : index
    %swap3A_2106 = tpu.vector_load %arg6[%swap3A_2105] {strides = array<i32>} : memref<4096xi32, #tpu.memory_space<vmem>>, vector<16xi32>,
    %swap3A_2107 = vector.shape_cast %swap3A_2106 : vector<16xi32> to vector<16xi32>
    %swap3A_2108 = vector.shape_cast %add3A_2104 : vector<16xi32> to vector<16xi32>
    tpu.vector_store %arg6[%swap3A_2105], %swap3A_2108 {strides = array<i32>} : memref<4096xi32, #tpu.memory_space<vmem>>, vector<16xi32>,
    %add3A_2109 = arith.constant 512 : i32
    %add3A_2110 = vector.broadcast %add3A_2109 : i32 to vector<16xi32>
    %add3A_2111 = arith.addi %add3A_2080, %add3A_2110 : vector<16xi32>
    %swap3A_2112 = arith.constant 2528 : index
    %swap3A_2113 = tpu.vector_load %arg6[%swap3A_2112] {strides = array<i32>} : memref<4096xi32, #tpu.memory_space<vmem>>, vector<16xi32>,
    %swap3A_2114 = vector.shape_cast %swap3A_2113 : vector<16xi32> to vector<16xi32>
    %swap3A_2115 = vector.shape_cast %add3A_2111 : vector<16xi32> to vector<16xi32>
    tpu.vector_store %arg6[%swap3A_2112], %swap3A_2115 {strides = array<i32>} : memref<4096xi32, #tpu.memory_space<vmem>>, vector<16xi32>,
    %add3A_2116 = arith.constant 640 : i32
    %add3A_2117 = vector.broadcast %add3A_2116 : i32 to vector<16xi32>
    %add3A_2118 = arith.addi %add3A_2080, %add3A_2117 : vector<16xi32>
    %swap3A_2119 = arith.constant 3040 : index
    %swap3A_2120 = tpu.vector_load %arg6[%swap3A_2119] {strides = array<i32>} : memref<4096xi32, #tpu.memory_space<vmem>>, vector<16xi32>,
    %swap3A_2121 = vector.shape_cast %swap3A_2120 : vector<16xi32> to vector<16xi32>
    %swap3A_2122 = vector.shape_cast %add3A_2118 : vector<16xi32> to vector<16xi32>
    tpu.vector_store %arg6[%swap3A_2119], %swap3A_2122 {strides = array<i32>} : memref<4096xi32, #tpu.memory_space<vmem>>, vector<16xi32>,
    %add3A_2123 = arith.constant 768 : i32
    %add3A_2124 = vector.broadcast %add3A_2123 : i32 to vector<16xi32>
    %add3A_2125 = arith.addi %add3A_2080, %add3A_2124 : vector<16xi32>
    %swap3A_2126 = arith.constant 3552 : index
    %swap3A_2127 = tpu.vector_load %arg6[%swap3A_2126] {strides = array<i32>} : memref<4096xi32, #tpu.memory_space<vmem>>, vector<16xi32>,
    %swap3A_2128 = vector.shape_cast %swap3A_2127 : vector<16xi32> to vector<16xi32>
    %swap3A_2129 = vector.shape_cast %add3A_2125 : vector<16xi32> to vector<16xi32>
    tpu.vector_store %arg6[%swap3A_2126], %swap3A_2129 {strides = array<i32>} : memref<4096xi32, #tpu.memory_space<vmem>>, vector<16xi32>,
    %add3A_2130 = arith.constant 896 : i32
    %add3A_2131 = vector.broadcast %add3A_2130 : i32 to vector<16xi32>
    %add3A_2132 = arith.addi %add3A_2080, %add3A_2131 : vector<16xi32>
    %swap3A_2133 = arith.constant 4064 : index
    %swap3A_2134 = tpu.vector_load %arg6[%swap3A_2133] {strides = array<i32>} : memref<4096xi32, #tpu.memory_space<vmem>>, vector<16xi32>,
    %swap3A_2135 = vector.shape_cast %swap3A_2134 : vector<16xi32> to vector<16xi32>
    %swap3A_2136 = vector.shape_cast %add3A_2132 : vector<16xi32> to vector<16xi32>
    tpu.vector_store %arg6[%swap3A_2133], %swap3A_2136 {strides = array<i32>} : memref<4096xi32, #tpu.memory_space<vmem>>, vector<16xi32>,
    %get3A_2137 = arith.constant 496 : index
    %get3A_2138 = tpu.vector_load %arg5[%get3A_2137] {strides = array<i32>} : memref<512xi32, #tpu.memory_space<vmem>>, vector<16xi32>,
    %get3A_2139 = vector.shape_cast %get3A_2138 : vector<16xi32> to vector<16xi32>
    %shift_right_logical3A_2140 = arith.constant 7 : i32
    %shift_right_logical3A_2141 = vector.broadcast %shift_right_logical3A_2140 : i32 to vector<16xi32>
    %shift_right_logical3A_2142 = arith.shrui %get3A_2139, %shift_right_logical3A_2141 : vector<16xi32>
    %shift_left3A_2143 = arith.constant 10 : i32
    %shift_left3A_2144 = vector.broadcast %shift_left3A_2143 : i32 to vector<16xi32>
    %shift_left3A_2145 = arith.shli %shift_right_logical3A_2142, %shift_left3A_2144 : vector<16xi32>
    %and3A_2146 = arith.constant 127 : i32
    %and3A_2147 = vector.broadcast %and3A_2146 : i32 to vector<16xi32>
    %and3A_2148 = arith.andi %get3A_2139, %and3A_2147 : vector<16xi32>
    %add3A_2149 = arith.addi %shift_left3A_2145, %and3A_2148 : vector<16xi32>
    %add3A_2150 = arith.constant 0 : i32
    %add3A_2151 = vector.broadcast %add3A_2150 : i32 to vector<16xi32>
    %add3A_2152 = arith.addi %add3A_2149, %add3A_2151 : vector<16xi32>
    %swap3A_2153 = arith.constant 496 : index
    %swap3A_2154 = tpu.vector_load %arg6[%swap3A_2153] {strides = array<i32>} : memref<4096xi32, #tpu.memory_space<vmem>>, vector<16xi32>,
    %swap3A_2155 = vector.shape_cast %swap3A_2154 : vector<16xi32> to vector<16xi32>
    %swap3A_2156 = vector.shape_cast %add3A_2152 : vector<16xi32> to vector<16xi32>
    tpu.vector_store %arg6[%swap3A_2153], %swap3A_2156 {strides = array<i32>} : memref<4096xi32, #tpu.memory_space<vmem>>, vector<16xi32>,
    %add3A_2157 = arith.constant 128 : i32
    %add3A_2158 = vector.broadcast %add3A_2157 : i32 to vector<16xi32>
    %add3A_2159 = arith.addi %add3A_2149, %add3A_2158 : vector<16xi32>
    %swap3A_2160 = arith.constant 1008 : index
    %swap3A_2161 = tpu.vector_load %arg6[%swap3A_2160] {strides = array<i32>} : memref<4096xi32, #tpu.memory_space<vmem>>, vector<16xi32>,
    %swap3A_2162 = vector.shape_cast %swap3A_2161 : vector<16xi32> to vector<16xi32>
    %swap3A_2163 = vector.shape_cast %add3A_2159 : vector<16xi32> to vector<16xi32>
    tpu.vector_store %arg6[%swap3A_2160], %swap3A_2163 {strides = array<i32>} : memref<4096xi32, #tpu.memory_space<vmem>>, vector<16xi32>,
    %add3A_2164 = arith.constant 256 : i32
    %add3A_2165 = vector.broadcast %add3A_2164 : i32 to vector<16xi32>
    %add3A_2166 = arith.addi %add3A_2149, %add3A_2165 : vector<16xi32>
    %swap3A_2167 = arith.constant 1520 : index
    %swap3A_2168 = tpu.vector_load %arg6[%swap3A_2167] {strides = array<i32>} : memref<4096xi32, #tpu.memory_space<vmem>>, vector<16xi32>,
    %swap3A_2169 = vector.shape_cast %swap3A_2168 : vector<16xi32> to vector<16xi32>
    %swap3A_2170 = vector.shape_cast %add3A_2166 : vector<16xi32> to vector<16xi32>
    tpu.vector_store %arg6[%swap3A_2167], %swap3A_2170 {strides = array<i32>} : memref<4096xi32, #tpu.memory_space<vmem>>, vector<16xi32>,
    %add3A_2171 = arith.constant 384 : i32
    %add3A_2172 = vector.broadcast %add3A_2171 : i32 to vector<16xi32>
    %add3A_2173 = arith.addi %add3A_2149, %add3A_2172 : vector<16xi32>
    %swap3A_2174 = arith.constant 2032 : index
    %swap3A_2175 = tpu.vector_load %arg6[%swap3A_2174] {strides = array<i32>} : memref<4096xi32, #tpu.memory_space<vmem>>, vector<16xi32>,
    %swap3A_2176 = vector.shape_cast %swap3A_2175 : vector<16xi32> to vector<16xi32>
    %swap3A_2177 = vector.shape_cast %add3A_2173 : vector<16xi32> to vector<16xi32>
    tpu.vector_store %arg6[%swap3A_2174], %swap3A_2177 {strides = array<i32>} : memref<4096xi32, #tpu.memory_space<vmem>>, vector<16xi32>,
    %add3A_2178 = arith.constant 512 : i32
    %add3A_2179 = vector.broadcast %add3A_2178 : i32 to vector<16xi32>
    %add3A_2180 = arith.addi %add3A_2149, %add3A_2179 : vector<16xi32>
    %swap3A_2181 = arith.constant 2544 : index
    %swap3A_2182 = tpu.vector_load %arg6[%swap3A_2181] {strides = array<i32>} : memref<4096xi32, #tpu.memory_space<vmem>>, vector<16xi32>,
    %swap3A_2183 = vector.shape_cast %swap3A_2182 : vector<16xi32> to vector<16xi32>
    %swap3A_2184 = vector.shape_cast %add3A_2180 : vector<16xi32> to vector<16xi32>
    tpu.vector_store %arg6[%swap3A_2181], %swap3A_2184 {strides = array<i32>} : memref<4096xi32, #tpu.memory_space<vmem>>, vector<16xi32>,
    %add3A_2185 = arith.constant 640 : i32
    %add3A_2186 = vector.broadcast %add3A_2185 : i32 to vector<16xi32>
    %add3A_2187 = arith.addi %add3A_2149, %add3A_2186 : vector<16xi32>
    %swap3A_2188 = arith.constant 3056 : index
    %swap3A_2189 = tpu.vector_load %arg6[%swap3A_2188] {strides = array<i32>} : memref<4096xi32, #tpu.memory_space<vmem>>, vector<16xi32>,
    %swap3A_2190 = vector.shape_cast %swap3A_2189 : vector<16xi32> to vector<16xi32>
    %swap3A_2191 = vector.shape_cast %add3A_2187 : vector<16xi32> to vector<16xi32>
    tpu.vector_store %arg6[%swap3A_2188], %swap3A_2191 {strides = array<i32>} : memref<4096xi32, #tpu.memory_space<vmem>>, vector<16xi32>,
    %add3A_2192 = arith.constant 768 : i32
    %add3A_2193 = vector.broadcast %add3A_2192 : i32 to vector<16xi32>
    %add3A_2194 = arith.addi %add3A_2149, %add3A_2193 : vector<16xi32>
    %swap3A_2195 = arith.constant 3568 : index
    %swap3A_2196 = tpu.vector_load %arg6[%swap3A_2195] {strides = array<i32>} : memref<4096xi32, #tpu.memory_space<vmem>>, vector<16xi32>,
    %swap3A_2197 = vector.shape_cast %swap3A_2196 : vector<16xi32> to vector<16xi32>
    %swap3A_2198 = vector.shape_cast %add3A_2194 : vector<16xi32> to vector<16xi32>
    tpu.vector_store %arg6[%swap3A_2195], %swap3A_2198 {strides = array<i32>} : memref<4096xi32, #tpu.memory_space<vmem>>, vector<16xi32>,
    %add3A_2199 = arith.constant 896 : i32
    %add3A_2200 = vector.broadcast %add3A_2199 : i32 to vector<16xi32>
    %add3A_2201 = arith.addi %add3A_2149, %add3A_2200 : vector<16xi32>
    %swap3A_2202 = arith.constant 4080 : index
    %swap3A_2203 = tpu.vector_load %arg6[%swap3A_2202] {strides = array<i32>} : memref<4096xi32, #tpu.memory_space<vmem>>, vector<16xi32>,
    %swap3A_2204 = vector.shape_cast %swap3A_2203 : vector<16xi32> to vector<16xi32>
    %swap3A_2205 = vector.shape_cast %add3A_2201 : vector<16xi32> to vector<16xi32>
    tpu.vector_store %arg6[%swap3A_2202], %swap3A_2205 {strides = array<i32>} : memref<4096xi32, #tpu.memory_space<vmem>>, vector<16xi32>,
    %dma_start3A = arith.constant 0 : i32
    %dma_start3A_2206 = tpu.memref_slice %arg7[%dma_start3A] : memref<4096xf32, #tpu.memory_space<vmem>> -> memref<128xf32, #tpu.memory_space<vmem>>
    %dma_start3A_2207 = arith.constant 0 : i32
    %dma_start3A_2208 = tpu.memref_slice %arg6[%dma_start3A_2207] : memref<4096xi32, #tpu.memory_space<vmem>> -> memref<128xi32, #tpu.memory_space<vmem>>
    %dma_start3A_2209 = arith.constant 0 : i32
    %dma_start3A_2210 = tpu.memref_slice %arg3[%dma_start3A_2209] : memref<8388608xf32, #tpu.memory_space<hbm>> -> memref<8388608xf32, #tpu.memory_space<hbm>>
    tpu.enqueue_indirect_dma source(%dma_start3A_2210 : memref<8388608xf32, #tpu.memory_space<hbm>>) target(%dma_start3A_2206 : memref<128xf32, #tpu.memory_space<vmem>>) offsets(%dma_start3A_2208 : memref<128xi32, #tpu.memory_space<vmem>>) semaphore(%arg8 : memref<!tpu.dma_semaphore, #tpu.memory_space<semaphore_mem>>)
    %dma_start3A_2211 = arith.constant 128 : i32
    %dma_start3A_2212 = tpu.memref_slice %arg7[%dma_start3A_2211] : memref<4096xf32, #tpu.memory_space<vmem>> -> memref<128xf32, #tpu.memory_space<vmem>>
    %dma_start3A_2213 = arith.constant 128 : i32
    %dma_start3A_2214 = tpu.memref_slice %arg6[%dma_start3A_2213] : memref<4096xi32, #tpu.memory_space<vmem>> -> memref<128xi32, #tpu.memory_space<vmem>>
    %dma_start3A_2215 = arith.constant 0 : i32
    %dma_start3A_2216 = tpu.memref_slice %arg3[%dma_start3A_2215] : memref<8388608xf32, #tpu.memory_space<hbm>> -> memref<8388608xf32, #tpu.memory_space<hbm>>
    tpu.enqueue_indirect_dma source(%dma_start3A_2216 : memref<8388608xf32, #tpu.memory_space<hbm>>) target(%dma_start3A_2212 : memref<128xf32, #tpu.memory_space<vmem>>) offsets(%dma_start3A_2214 : memref<128xi32, #tpu.memory_space<vmem>>) semaphore(%arg8 : memref<!tpu.dma_semaphore, #tpu.memory_space<semaphore_mem>>)
    %dma_start3A_2217 = arith.constant 256 : i32
    %dma_start3A_2218 = tpu.memref_slice %arg7[%dma_start3A_2217] : memref<4096xf32, #tpu.memory_space<vmem>> -> memref<128xf32, #tpu.memory_space<vmem>>
    %dma_start3A_2219 = arith.constant 256 : i32
    %dma_start3A_2220 = tpu.memref_slice %arg6[%dma_start3A_2219] : memref<4096xi32, #tpu.memory_space<vmem>> -> memref<128xi32, #tpu.memory_space<vmem>>
    %dma_start3A_2221 = arith.constant 0 : i32
    %dma_start3A_2222 = tpu.memref_slice %arg3[%dma_start3A_2221] : memref<8388608xf32, #tpu.memory_space<hbm>> -> memref<8388608xf32, #tpu.memory_space<hbm>>
    tpu.enqueue_indirect_dma source(%dma_start3A_2222 : memref<8388608xf32, #tpu.memory_space<hbm>>) target(%dma_start3A_2218 : memref<128xf32, #tpu.memory_space<vmem>>) offsets(%dma_start3A_2220 : memref<128xi32, #tpu.memory_space<vmem>>) semaphore(%arg8 : memref<!tpu.dma_semaphore, #tpu.memory_space<semaphore_mem>>)
    %dma_start3A_2223 = arith.constant 384 : i32
    %dma_start3A_2224 = tpu.memref_slice %arg7[%dma_start3A_2223] : memref<4096xf32, #tpu.memory_space<vmem>> -> memref<128xf32, #tpu.memory_space<vmem>>
    %dma_start3A_2225 = arith.constant 384 : i32
    %dma_start3A_2226 = tpu.memref_slice %arg6[%dma_start3A_2225] : memref<4096xi32, #tpu.memory_space<vmem>> -> memref<128xi32, #tpu.memory_space<vmem>>
    %dma_start3A_2227 = arith.constant 0 : i32
    %dma_start3A_2228 = tpu.memref_slice %arg3[%dma_start3A_2227] : memref<8388608xf32, #tpu.memory_space<hbm>> -> memref<8388608xf32, #tpu.memory_space<hbm>>
    tpu.enqueue_indirect_dma source(%dma_start3A_2228 : memref<8388608xf32, #tpu.memory_space<hbm>>) target(%dma_start3A_2224 : memref<128xf32, #tpu.memory_space<vmem>>) offsets(%dma_start3A_2226 : memref<128xi32, #tpu.memory_space<vmem>>) semaphore(%arg8 : memref<!tpu.dma_semaphore, #tpu.memory_space<semaphore_mem>>)
    %dma_start3A_2229 = arith.constant 512 : i32
    %dma_start3A_2230 = tpu.memref_slice %arg7[%dma_start3A_2229] : memref<4096xf32, #tpu.memory_space<vmem>> -> memref<128xf32, #tpu.memory_space<vmem>>
    %dma_start3A_2231 = arith.constant 512 : i32
    %dma_start3A_2232 = tpu.memref_slice %arg6[%dma_start3A_2231] : memref<4096xi32, #tpu.memory_space<vmem>> -> memref<128xi32, #tpu.memory_space<vmem>>
    %dma_start3A_2233 = arith.constant 0 : i32
    %dma_start3A_2234 = tpu.memref_slice %arg3[%dma_start3A_2233] : memref<8388608xf32, #tpu.memory_space<hbm>> -> memref<8388608xf32, #tpu.memory_space<hbm>>
    tpu.enqueue_indirect_dma source(%dma_start3A_2234 : memref<8388608xf32, #tpu.memory_space<hbm>>) target(%dma_start3A_2230 : memref<128xf32, #tpu.memory_space<vmem>>) offsets(%dma_start3A_2232 : memref<128xi32, #tpu.memory_space<vmem>>) semaphore(%arg8 : memref<!tpu.dma_semaphore, #tpu.memory_space<semaphore_mem>>)
    %dma_start3A_2235 = arith.constant 640 : i32
    %dma_start3A_2236 = tpu.memref_slice %arg7[%dma_start3A_2235] : memref<4096xf32, #tpu.memory_space<vmem>> -> memref<128xf32, #tpu.memory_space<vmem>>
    %dma_start3A_2237 = arith.constant 640 : i32
    %dma_start3A_2238 = tpu.memref_slice %arg6[%dma_start3A_2237] : memref<4096xi32, #tpu.memory_space<vmem>> -> memref<128xi32, #tpu.memory_space<vmem>>
    %dma_start3A_2239 = arith.constant 0 : i32
    %dma_start3A_2240 = tpu.memref_slice %arg3[%dma_start3A_2239] : memref<8388608xf32, #tpu.memory_space<hbm>> -> memref<8388608xf32, #tpu.memory_space<hbm>>
    tpu.enqueue_indirect_dma source(%dma_start3A_2240 : memref<8388608xf32, #tpu.memory_space<hbm>>) target(%dma_start3A_2236 : memref<128xf32, #tpu.memory_space<vmem>>) offsets(%dma_start3A_2238 : memref<128xi32, #tpu.memory_space<vmem>>) semaphore(%arg8 : memref<!tpu.dma_semaphore, #tpu.memory_space<semaphore_mem>>)
    %dma_start3A_2241 = arith.constant 768 : i32
    %dma_start3A_2242 = tpu.memref_slice %arg7[%dma_start3A_2241] : memref<4096xf32, #tpu.memory_space<vmem>> -> memref<128xf32, #tpu.memory_space<vmem>>
    %dma_start3A_2243 = arith.constant 768 : i32
    %dma_start3A_2244 = tpu.memref_slice %arg6[%dma_start3A_2243] : memref<4096xi32, #tpu.memory_space<vmem>> -> memref<128xi32, #tpu.memory_space<vmem>>
    %dma_start3A_2245 = arith.constant 0 : i32
    %dma_start3A_2246 = tpu.memref_slice %arg3[%dma_start3A_2245] : memref<8388608xf32, #tpu.memory_space<hbm>> -> memref<8388608xf32, #tpu.memory_space<hbm>>
    tpu.enqueue_indirect_dma source(%dma_start3A_2246 : memref<8388608xf32, #tpu.memory_space<hbm>>) target(%dma_start3A_2242 : memref<128xf32, #tpu.memory_space<vmem>>) offsets(%dma_start3A_2244 : memref<128xi32, #tpu.memory_space<vmem>>) semaphore(%arg8 : memref<!tpu.dma_semaphore, #tpu.memory_space<semaphore_mem>>)
    %dma_start3A_2247 = arith.constant 896 : i32
    %dma_start3A_2248 = tpu.memref_slice %arg7[%dma_start3A_2247] : memref<4096xf32, #tpu.memory_space<vmem>> -> memref<128xf32, #tpu.memory_space<vmem>>
    %dma_start3A_2249 = arith.constant 896 : i32
    %dma_start3A_2250 = tpu.memref_slice %arg6[%dma_start3A_2249] : memref<4096xi32, #tpu.memory_space<vmem>> -> memref<128xi32, #tpu.memory_space<vmem>>
    %dma_start3A_2251 = arith.constant 0 : i32
    %dma_start3A_2252 = tpu.memref_slice %arg3[%dma_start3A_2251] : memref<8388608xf32, #tpu.memory_space<hbm>> -> memref<8388608xf32, #tpu.memory_space<hbm>>
    tpu.enqueue_indirect_dma source(%dma_start3A_2252 : memref<8388608xf32, #tpu.memory_space<hbm>>) target(%dma_start3A_2248 : memref<128xf32, #tpu.memory_space<vmem>>) offsets(%dma_start3A_2250 : memref<128xi32, #tpu.memory_space<vmem>>) semaphore(%arg8 : memref<!tpu.dma_semaphore, #tpu.memory_space<semaphore_mem>>)
    %dma_start3A_2253 = arith.constant 1024 : i32
    %dma_start3A_2254 = tpu.memref_slice %arg7[%dma_start3A_2253] : memref<4096xf32, #tpu.memory_space<vmem>> -> memref<128xf32, #tpu.memory_space<vmem>>
    %dma_start3A_2255 = arith.constant 1024 : i32
    %dma_start3A_2256 = tpu.memref_slice %arg6[%dma_start3A_2255] : memref<4096xi32, #tpu.memory_space<vmem>> -> memref<128xi32, #tpu.memory_space<vmem>>
    %dma_start3A_2257 = arith.constant 0 : i32
    %dma_start3A_2258 = tpu.memref_slice %arg3[%dma_start3A_2257] : memref<8388608xf32, #tpu.memory_space<hbm>> -> memref<8388608xf32, #tpu.memory_space<hbm>>
    tpu.enqueue_indirect_dma source(%dma_start3A_2258 : memref<8388608xf32, #tpu.memory_space<hbm>>) target(%dma_start3A_2254 : memref<128xf32, #tpu.memory_space<vmem>>) offsets(%dma_start3A_2256 : memref<128xi32, #tpu.memory_space<vmem>>) semaphore(%arg8 : memref<!tpu.dma_semaphore, #tpu.memory_space<semaphore_mem>>)
    %dma_start3A_2259 = arith.constant 1152 : i32
    %dma_start3A_2260 = tpu.memref_slice %arg7[%dma_start3A_2259] : memref<4096xf32, #tpu.memory_space<vmem>> -> memref<128xf32, #tpu.memory_space<vmem>>
    %dma_start3A_2261 = arith.constant 1152 : i32
    %dma_start3A_2262 = tpu.memref_slice %arg6[%dma_start3A_2261] : memref<4096xi32, #tpu.memory_space<vmem>> -> memref<128xi32, #tpu.memory_space<vmem>>
    %dma_start3A_2263 = arith.constant 0 : i32
    %dma_start3A_2264 = tpu.memref_slice %arg3[%dma_start3A_2263] : memref<8388608xf32, #tpu.memory_space<hbm>> -> memref<8388608xf32, #tpu.memory_space<hbm>>
    tpu.enqueue_indirect_dma source(%dma_start3A_2264 : memref<8388608xf32, #tpu.memory_space<hbm>>) target(%dma_start3A_2260 : memref<128xf32, #tpu.memory_space<vmem>>) offsets(%dma_start3A_2262 : memref<128xi32, #tpu.memory_space<vmem>>) semaphore(%arg8 : memref<!tpu.dma_semaphore, #tpu.memory_space<semaphore_mem>>)
    %dma_start3A_2265 = arith.constant 1280 : i32
    %dma_start3A_2266 = tpu.memref_slice %arg7[%dma_start3A_2265] : memref<4096xf32, #tpu.memory_space<vmem>> -> memref<128xf32, #tpu.memory_space<vmem>>
    %dma_start3A_2267 = arith.constant 1280 : i32
    %dma_start3A_2268 = tpu.memref_slice %arg6[%dma_start3A_2267] : memref<4096xi32, #tpu.memory_space<vmem>> -> memref<128xi32, #tpu.memory_space<vmem>>
    %dma_start3A_2269 = arith.constant 0 : i32
    %dma_start3A_2270 = tpu.memref_slice %arg3[%dma_start3A_2269] : memref<8388608xf32, #tpu.memory_space<hbm>> -> memref<8388608xf32, #tpu.memory_space<hbm>>
    tpu.enqueue_indirect_dma source(%dma_start3A_2270 : memref<8388608xf32, #tpu.memory_space<hbm>>) target(%dma_start3A_2266 : memref<128xf32, #tpu.memory_space<vmem>>) offsets(%dma_start3A_2268 : memref<128xi32, #tpu.memory_space<vmem>>) semaphore(%arg8 : memref<!tpu.dma_semaphore, #tpu.memory_space<semaphore_mem>>)
    %dma_start3A_2271 = arith.constant 1408 : i32
    %dma_start3A_2272 = tpu.memref_slice %arg7[%dma_start3A_2271] : memref<4096xf32, #tpu.memory_space<vmem>> -> memref<128xf32, #tpu.memory_space<vmem>>
    %dma_start3A_2273 = arith.constant 1408 : i32
    %dma_start3A_2274 = tpu.memref_slice %arg6[%dma_start3A_2273] : memref<4096xi32, #tpu.memory_space<vmem>> -> memref<128xi32, #tpu.memory_space<vmem>>
    %dma_start3A_2275 = arith.constant 0 : i32
    %dma_start3A_2276 = tpu.memref_slice %arg3[%dma_start3A_2275] : memref<8388608xf32, #tpu.memory_space<hbm>> -> memref<8388608xf32, #tpu.memory_space<hbm>>
    tpu.enqueue_indirect_dma source(%dma_start3A_2276 : memref<8388608xf32, #tpu.memory_space<hbm>>) target(%dma_start3A_2272 : memref<128xf32, #tpu.memory_space<vmem>>) offsets(%dma_start3A_2274 : memref<128xi32, #tpu.memory_space<vmem>>) semaphore(%arg8 : memref<!tpu.dma_semaphore, #tpu.memory_space<semaphore_mem>>)
    %dma_start3A_2277 = arith.constant 1536 : i32
    %dma_start3A_2278 = tpu.memref_slice %arg7[%dma_start3A_2277] : memref<4096xf32, #tpu.memory_space<vmem>> -> memref<128xf32, #tpu.memory_space<vmem>>
    %dma_start3A_2279 = arith.constant 1536 : i32
    %dma_start3A_2280 = tpu.memref_slice %arg6[%dma_start3A_2279] : memref<4096xi32, #tpu.memory_space<vmem>> -> memref<128xi32, #tpu.memory_space<vmem>>
    %dma_start3A_2281 = arith.constant 0 : i32
    %dma_start3A_2282 = tpu.memref_slice %arg3[%dma_start3A_2281] : memref<8388608xf32, #tpu.memory_space<hbm>> -> memref<8388608xf32, #tpu.memory_space<hbm>>
    tpu.enqueue_indirect_dma source(%dma_start3A_2282 : memref<8388608xf32, #tpu.memory_space<hbm>>) target(%dma_start3A_2278 : memref<128xf32, #tpu.memory_space<vmem>>) offsets(%dma_start3A_2280 : memref<128xi32, #tpu.memory_space<vmem>>) semaphore(%arg8 : memref<!tpu.dma_semaphore, #tpu.memory_space<semaphore_mem>>)
    %dma_start3A_2283 = arith.constant 1664 : i32
    %dma_start3A_2284 = tpu.memref_slice %arg7[%dma_start3A_2283] : memref<4096xf32, #tpu.memory_space<vmem>> -> memref<128xf32, #tpu.memory_space<vmem>>
    %dma_start3A_2285 = arith.constant 1664 : i32
    %dma_start3A_2286 = tpu.memref_slice %arg6[%dma_start3A_2285] : memref<4096xi32, #tpu.memory_space<vmem>> -> memref<128xi32, #tpu.memory_space<vmem>>
    %dma_start3A_2287 = arith.constant 0 : i32
    %dma_start3A_2288 = tpu.memref_slice %arg3[%dma_start3A_2287] : memref<8388608xf32, #tpu.memory_space<hbm>> -> memref<8388608xf32, #tpu.memory_space<hbm>>
    tpu.enqueue_indirect_dma source(%dma_start3A_2288 : memref<8388608xf32, #tpu.memory_space<hbm>>) target(%dma_start3A_2284 : memref<128xf32, #tpu.memory_space<vmem>>) offsets(%dma_start3A_2286 : memref<128xi32, #tpu.memory_space<vmem>>) semaphore(%arg8 : memref<!tpu.dma_semaphore, #tpu.memory_space<semaphore_mem>>)
    %dma_start3A_2289 = arith.constant 1792 : i32
    %dma_start3A_2290 = tpu.memref_slice %arg7[%dma_start3A_2289] : memref<4096xf32, #tpu.memory_space<vmem>> -> memref<128xf32, #tpu.memory_space<vmem>>
    %dma_start3A_2291 = arith.constant 1792 : i32
    %dma_start3A_2292 = tpu.memref_slice %arg6[%dma_start3A_2291] : memref<4096xi32, #tpu.memory_space<vmem>> -> memref<128xi32, #tpu.memory_space<vmem>>
    %dma_start3A_2293 = arith.constant 0 : i32
    %dma_start3A_2294 = tpu.memref_slice %arg3[%dma_start3A_2293] : memref<8388608xf32, #tpu.memory_space<hbm>> -> memref<8388608xf32, #tpu.memory_space<hbm>>
    tpu.enqueue_indirect_dma source(%dma_start3A_2294 : memref<8388608xf32, #tpu.memory_space<hbm>>) target(%dma_start3A_2290 : memref<128xf32, #tpu.memory_space<vmem>>) offsets(%dma_start3A_2292 : memref<128xi32, #tpu.memory_space<vmem>>) semaphore(%arg8 : memref<!tpu.dma_semaphore, #tpu.memory_space<semaphore_mem>>)
    %dma_start3A_2295 = arith.constant 1920 : i32
    %dma_start3A_2296 = tpu.memref_slice %arg7[%dma_start3A_2295] : memref<4096xf32, #tpu.memory_space<vmem>> -> memref<128xf32, #tpu.memory_space<vmem>>
    %dma_start3A_2297 = arith.constant 1920 : i32
    %dma_start3A_2298 = tpu.memref_slice %arg6[%dma_start3A_2297] : memref<4096xi32, #tpu.memory_space<vmem>> -> memref<128xi32, #tpu.memory_space<vmem>>
    %dma_start3A_2299 = arith.constant 0 : i32
    %dma_start3A_2300 = tpu.memref_slice %arg3[%dma_start3A_2299] : memref<8388608xf32, #tpu.memory_space<hbm>> -> memref<8388608xf32, #tpu.memory_space<hbm>>
    tpu.enqueue_indirect_dma source(%dma_start3A_2300 : memref<8388608xf32, #tpu.memory_space<hbm>>) target(%dma_start3A_2296 : memref<128xf32, #tpu.memory_space<vmem>>) offsets(%dma_start3A_2298 : memref<128xi32, #tpu.memory_space<vmem>>) semaphore(%arg8 : memref<!tpu.dma_semaphore, #tpu.memory_space<semaphore_mem>>)
    %dma_start3A_2301 = arith.constant 2048 : i32
    %dma_start3A_2302 = tpu.memref_slice %arg7[%dma_start3A_2301] : memref<4096xf32, #tpu.memory_space<vmem>> -> memref<128xf32, #tpu.memory_space<vmem>>
    %dma_start3A_2303 = arith.constant 2048 : i32
    %dma_start3A_2304 = tpu.memref_slice %arg6[%dma_start3A_2303] : memref<4096xi32, #tpu.memory_space<vmem>> -> memref<128xi32, #tpu.memory_space<vmem>>
    %dma_start3A_2305 = arith.constant 0 : i32
    %dma_start3A_2306 = tpu.memref_slice %arg3[%dma_start3A_2305] : memref<8388608xf32, #tpu.memory_space<hbm>> -> memref<8388608xf32, #tpu.memory_space<hbm>>
    tpu.enqueue_indirect_dma source(%dma_start3A_2306 : memref<8388608xf32, #tpu.memory_space<hbm>>) target(%dma_start3A_2302 : memref<128xf32, #tpu.memory_space<vmem>>) offsets(%dma_start3A_2304 : memref<128xi32, #tpu.memory_space<vmem>>) semaphore(%arg8 : memref<!tpu.dma_semaphore, #tpu.memory_space<semaphore_mem>>)
    %dma_start3A_2307 = arith.constant 2176 : i32
    %dma_start3A_2308 = tpu.memref_slice %arg7[%dma_start3A_2307] : memref<4096xf32, #tpu.memory_space<vmem>> -> memref<128xf32, #tpu.memory_space<vmem>>
    %dma_start3A_2309 = arith.constant 2176 : i32
    %dma_start3A_2310 = tpu.memref_slice %arg6[%dma_start3A_2309] : memref<4096xi32, #tpu.memory_space<vmem>> -> memref<128xi32, #tpu.memory_space<vmem>>
    %dma_start3A_2311 = arith.constant 0 : i32
    %dma_start3A_2312 = tpu.memref_slice %arg3[%dma_start3A_2311] : memref<8388608xf32, #tpu.memory_space<hbm>> -> memref<8388608xf32, #tpu.memory_space<hbm>>
    tpu.enqueue_indirect_dma source(%dma_start3A_2312 : memref<8388608xf32, #tpu.memory_space<hbm>>) target(%dma_start3A_2308 : memref<128xf32, #tpu.memory_space<vmem>>) offsets(%dma_start3A_2310 : memref<128xi32, #tpu.memory_space<vmem>>) semaphore(%arg8 : memref<!tpu.dma_semaphore, #tpu.memory_space<semaphore_mem>>)
    %dma_start3A_2313 = arith.constant 2304 : i32
    %dma_start3A_2314 = tpu.memref_slice %arg7[%dma_start3A_2313] : memref<4096xf32, #tpu.memory_space<vmem>> -> memref<128xf32, #tpu.memory_space<vmem>>
    %dma_start3A_2315 = arith.constant 2304 : i32
    %dma_start3A_2316 = tpu.memref_slice %arg6[%dma_start3A_2315] : memref<4096xi32, #tpu.memory_space<vmem>> -> memref<128xi32, #tpu.memory_space<vmem>>
    %dma_start3A_2317 = arith.constant 0 : i32
    %dma_start3A_2318 = tpu.memref_slice %arg3[%dma_start3A_2317] : memref<8388608xf32, #tpu.memory_space<hbm>> -> memref<8388608xf32, #tpu.memory_space<hbm>>
    tpu.enqueue_indirect_dma source(%dma_start3A_2318 : memref<8388608xf32, #tpu.memory_space<hbm>>) target(%dma_start3A_2314 : memref<128xf32, #tpu.memory_space<vmem>>) offsets(%dma_start3A_2316 : memref<128xi32, #tpu.memory_space<vmem>>) semaphore(%arg8 : memref<!tpu.dma_semaphore, #tpu.memory_space<semaphore_mem>>)
    %dma_start3A_2319 = arith.constant 2432 : i32
    %dma_start3A_2320 = tpu.memref_slice %arg7[%dma_start3A_2319] : memref<4096xf32, #tpu.memory_space<vmem>> -> memref<128xf32, #tpu.memory_space<vmem>>
    %dma_start3A_2321 = arith.constant 2432 : i32
    %dma_start3A_2322 = tpu.memref_slice %arg6[%dma_start3A_2321] : memref<4096xi32, #tpu.memory_space<vmem>> -> memref<128xi32, #tpu.memory_space<vmem>>
    %dma_start3A_2323 = arith.constant 0 : i32
    %dma_start3A_2324 = tpu.memref_slice %arg3[%dma_start3A_2323] : memref<8388608xf32, #tpu.memory_space<hbm>> -> memref<8388608xf32, #tpu.memory_space<hbm>>
    tpu.enqueue_indirect_dma source(%dma_start3A_2324 : memref<8388608xf32, #tpu.memory_space<hbm>>) target(%dma_start3A_2320 : memref<128xf32, #tpu.memory_space<vmem>>) offsets(%dma_start3A_2322 : memref<128xi32, #tpu.memory_space<vmem>>) semaphore(%arg8 : memref<!tpu.dma_semaphore, #tpu.memory_space<semaphore_mem>>)
    %dma_start3A_2325 = arith.constant 2560 : i32
    %dma_start3A_2326 = tpu.memref_slice %arg7[%dma_start3A_2325] : memref<4096xf32, #tpu.memory_space<vmem>> -> memref<128xf32, #tpu.memory_space<vmem>>
    %dma_start3A_2327 = arith.constant 2560 : i32
    %dma_start3A_2328 = tpu.memref_slice %arg6[%dma_start3A_2327] : memref<4096xi32, #tpu.memory_space<vmem>> -> memref<128xi32, #tpu.memory_space<vmem>>
    %dma_start3A_2329 = arith.constant 0 : i32
    %dma_start3A_2330 = tpu.memref_slice %arg3[%dma_start3A_2329] : memref<8388608xf32, #tpu.memory_space<hbm>> -> memref<8388608xf32, #tpu.memory_space<hbm>>
    tpu.enqueue_indirect_dma source(%dma_start3A_2330 : memref<8388608xf32, #tpu.memory_space<hbm>>) target(%dma_start3A_2326 : memref<128xf32, #tpu.memory_space<vmem>>) offsets(%dma_start3A_2328 : memref<128xi32, #tpu.memory_space<vmem>>) semaphore(%arg8 : memref<!tpu.dma_semaphore, #tpu.memory_space<semaphore_mem>>)
    %dma_start3A_2331 = arith.constant 2688 : i32
    %dma_start3A_2332 = tpu.memref_slice %arg7[%dma_start3A_2331] : memref<4096xf32, #tpu.memory_space<vmem>> -> memref<128xf32, #tpu.memory_space<vmem>>
    %dma_start3A_2333 = arith.constant 2688 : i32
    %dma_start3A_2334 = tpu.memref_slice %arg6[%dma_start3A_2333] : memref<4096xi32, #tpu.memory_space<vmem>> -> memref<128xi32, #tpu.memory_space<vmem>>
    %dma_start3A_2335 = arith.constant 0 : i32
    %dma_start3A_2336 = tpu.memref_slice %arg3[%dma_start3A_2335] : memref<8388608xf32, #tpu.memory_space<hbm>> -> memref<8388608xf32, #tpu.memory_space<hbm>>
    tpu.enqueue_indirect_dma source(%dma_start3A_2336 : memref<8388608xf32, #tpu.memory_space<hbm>>) target(%dma_start3A_2332 : memref<128xf32, #tpu.memory_space<vmem>>) offsets(%dma_start3A_2334 : memref<128xi32, #tpu.memory_space<vmem>>) semaphore(%arg8 : memref<!tpu.dma_semaphore, #tpu.memory_space<semaphore_mem>>)
    %dma_start3A_2337 = arith.constant 2816 : i32
    %dma_start3A_2338 = tpu.memref_slice %arg7[%dma_start3A_2337] : memref<4096xf32, #tpu.memory_space<vmem>> -> memref<128xf32, #tpu.memory_space<vmem>>
    %dma_start3A_2339 = arith.constant 2816 : i32
    %dma_start3A_2340 = tpu.memref_slice %arg6[%dma_start3A_2339] : memref<4096xi32, #tpu.memory_space<vmem>> -> memref<128xi32, #tpu.memory_space<vmem>>
    %dma_start3A_2341 = arith.constant 0 : i32
    %dma_start3A_2342 = tpu.memref_slice %arg3[%dma_start3A_2341] : memref<8388608xf32, #tpu.memory_space<hbm>> -> memref<8388608xf32, #tpu.memory_space<hbm>>
    tpu.enqueue_indirect_dma source(%dma_start3A_2342 : memref<8388608xf32, #tpu.memory_space<hbm>>) target(%dma_start3A_2338 : memref<128xf32, #tpu.memory_space<vmem>>) offsets(%dma_start3A_2340 : memref<128xi32, #tpu.memory_space<vmem>>) semaphore(%arg8 : memref<!tpu.dma_semaphore, #tpu.memory_space<semaphore_mem>>)
    %dma_start3A_2343 = arith.constant 2944 : i32
    %dma_start3A_2344 = tpu.memref_slice %arg7[%dma_start3A_2343] : memref<4096xf32, #tpu.memory_space<vmem>> -> memref<128xf32, #tpu.memory_space<vmem>>
    %dma_start3A_2345 = arith.constant 2944 : i32
    %dma_start3A_2346 = tpu.memref_slice %arg6[%dma_start3A_2345] : memref<4096xi32, #tpu.memory_space<vmem>> -> memref<128xi32, #tpu.memory_space<vmem>>
    %dma_start3A_2347 = arith.constant 0 : i32
    %dma_start3A_2348 = tpu.memref_slice %arg3[%dma_start3A_2347] : memref<8388608xf32, #tpu.memory_space<hbm>> -> memref<8388608xf32, #tpu.memory_space<hbm>>
    tpu.enqueue_indirect_dma source(%dma_start3A_2348 : memref<8388608xf32, #tpu.memory_space<hbm>>) target(%dma_start3A_2344 : memref<128xf32, #tpu.memory_space<vmem>>) offsets(%dma_start3A_2346 : memref<128xi32, #tpu.memory_space<vmem>>) semaphore(%arg8 : memref<!tpu.dma_semaphore, #tpu.memory_space<semaphore_mem>>)
    %dma_start3A_2349 = arith.constant 3072 : i32
    %dma_start3A_2350 = tpu.memref_slice %arg7[%dma_start3A_2349] : memref<4096xf32, #tpu.memory_space<vmem>> -> memref<128xf32, #tpu.memory_space<vmem>>
    %dma_start3A_2351 = arith.constant 3072 : i32
    %dma_start3A_2352 = tpu.memref_slice %arg6[%dma_start3A_2351] : memref<4096xi32, #tpu.memory_space<vmem>> -> memref<128xi32, #tpu.memory_space<vmem>>
    %dma_start3A_2353 = arith.constant 0 : i32
    %dma_start3A_2354 = tpu.memref_slice %arg3[%dma_start3A_2353] : memref<8388608xf32, #tpu.memory_space<hbm>> -> memref<8388608xf32, #tpu.memory_space<hbm>>
    tpu.enqueue_indirect_dma source(%dma_start3A_2354 : memref<8388608xf32, #tpu.memory_space<hbm>>) target(%dma_start3A_2350 : memref<128xf32, #tpu.memory_space<vmem>>) offsets(%dma_start3A_2352 : memref<128xi32, #tpu.memory_space<vmem>>) semaphore(%arg8 : memref<!tpu.dma_semaphore, #tpu.memory_space<semaphore_mem>>)
    %dma_start3A_2355 = arith.constant 3200 : i32
    %dma_start3A_2356 = tpu.memref_slice %arg7[%dma_start3A_2355] : memref<4096xf32, #tpu.memory_space<vmem>> -> memref<128xf32, #tpu.memory_space<vmem>>
    %dma_start3A_2357 = arith.constant 3200 : i32
    %dma_start3A_2358 = tpu.memref_slice %arg6[%dma_start3A_2357] : memref<4096xi32, #tpu.memory_space<vmem>> -> memref<128xi32, #tpu.memory_space<vmem>>
    %dma_start3A_2359 = arith.constant 0 : i32
    %dma_start3A_2360 = tpu.memref_slice %arg3[%dma_start3A_2359] : memref<8388608xf32, #tpu.memory_space<hbm>> -> memref<8388608xf32, #tpu.memory_space<hbm>>
    tpu.enqueue_indirect_dma source(%dma_start3A_2360 : memref<8388608xf32, #tpu.memory_space<hbm>>) target(%dma_start3A_2356 : memref<128xf32, #tpu.memory_space<vmem>>) offsets(%dma_start3A_2358 : memref<128xi32, #tpu.memory_space<vmem>>) semaphore(%arg8 : memref<!tpu.dma_semaphore, #tpu.memory_space<semaphore_mem>>)
    %dma_start3A_2361 = arith.constant 3328 : i32
    %dma_start3A_2362 = tpu.memref_slice %arg7[%dma_start3A_2361] : memref<4096xf32, #tpu.memory_space<vmem>> -> memref<128xf32, #tpu.memory_space<vmem>>
    %dma_start3A_2363 = arith.constant 3328 : i32
    %dma_start3A_2364 = tpu.memref_slice %arg6[%dma_start3A_2363] : memref<4096xi32, #tpu.memory_space<vmem>> -> memref<128xi32, #tpu.memory_space<vmem>>
    %dma_start3A_2365 = arith.constant 0 : i32
    %dma_start3A_2366 = tpu.memref_slice %arg3[%dma_start3A_2365] : memref<8388608xf32, #tpu.memory_space<hbm>> -> memref<8388608xf32, #tpu.memory_space<hbm>>
    tpu.enqueue_indirect_dma source(%dma_start3A_2366 : memref<8388608xf32, #tpu.memory_space<hbm>>) target(%dma_start3A_2362 : memref<128xf32, #tpu.memory_space<vmem>>) offsets(%dma_start3A_2364 : memref<128xi32, #tpu.memory_space<vmem>>) semaphore(%arg8 : memref<!tpu.dma_semaphore, #tpu.memory_space<semaphore_mem>>)
    %dma_start3A_2367 = arith.constant 3456 : i32
    %dma_start3A_2368 = tpu.memref_slice %arg7[%dma_start3A_2367] : memref<4096xf32, #tpu.memory_space<vmem>> -> memref<128xf32, #tpu.memory_space<vmem>>
    %dma_start3A_2369 = arith.constant 3456 : i32
    %dma_start3A_2370 = tpu.memref_slice %arg6[%dma_start3A_2369] : memref<4096xi32, #tpu.memory_space<vmem>> -> memref<128xi32, #tpu.memory_space<vmem>>
    %dma_start3A_2371 = arith.constant 0 : i32
    %dma_start3A_2372 = tpu.memref_slice %arg3[%dma_start3A_2371] : memref<8388608xf32, #tpu.memory_space<hbm>> -> memref<8388608xf32, #tpu.memory_space<hbm>>
    tpu.enqueue_indirect_dma source(%dma_start3A_2372 : memref<8388608xf32, #tpu.memory_space<hbm>>) target(%dma_start3A_2368 : memref<128xf32, #tpu.memory_space<vmem>>) offsets(%dma_start3A_2370 : memref<128xi32, #tpu.memory_space<vmem>>) semaphore(%arg8 : memref<!tpu.dma_semaphore, #tpu.memory_space<semaphore_mem>>)
    %dma_start3A_2373 = arith.constant 3584 : i32
    %dma_start3A_2374 = tpu.memref_slice %arg7[%dma_start3A_2373] : memref<4096xf32, #tpu.memory_space<vmem>> -> memref<128xf32, #tpu.memory_space<vmem>>
    %dma_start3A_2375 = arith.constant 3584 : i32
    %dma_start3A_2376 = tpu.memref_slice %arg6[%dma_start3A_2375] : memref<4096xi32, #tpu.memory_space<vmem>> -> memref<128xi32, #tpu.memory_space<vmem>>
    %dma_start3A_2377 = arith.constant 0 : i32
    %dma_start3A_2378 = tpu.memref_slice %arg3[%dma_start3A_2377] : memref<8388608xf32, #tpu.memory_space<hbm>> -> memref<8388608xf32, #tpu.memory_space<hbm>>
    tpu.enqueue_indirect_dma source(%dma_start3A_2378 : memref<8388608xf32, #tpu.memory_space<hbm>>) target(%dma_start3A_2374 : memref<128xf32, #tpu.memory_space<vmem>>) offsets(%dma_start3A_2376 : memref<128xi32, #tpu.memory_space<vmem>>) semaphore(%arg8 : memref<!tpu.dma_semaphore, #tpu.memory_space<semaphore_mem>>)
    %dma_start3A_2379 = arith.constant 3712 : i32
    %dma_start3A_2380 = tpu.memref_slice %arg7[%dma_start3A_2379] : memref<4096xf32, #tpu.memory_space<vmem>> -> memref<128xf32, #tpu.memory_space<vmem>>
    %dma_start3A_2381 = arith.constant 3712 : i32
    %dma_start3A_2382 = tpu.memref_slice %arg6[%dma_start3A_2381] : memref<4096xi32, #tpu.memory_space<vmem>> -> memref<128xi32, #tpu.memory_space<vmem>>
    %dma_start3A_2383 = arith.constant 0 : i32
    %dma_start3A_2384 = tpu.memref_slice %arg3[%dma_start3A_2383] : memref<8388608xf32, #tpu.memory_space<hbm>> -> memref<8388608xf32, #tpu.memory_space<hbm>>
    tpu.enqueue_indirect_dma source(%dma_start3A_2384 : memref<8388608xf32, #tpu.memory_space<hbm>>) target(%dma_start3A_2380 : memref<128xf32, #tpu.memory_space<vmem>>) offsets(%dma_start3A_2382 : memref<128xi32, #tpu.memory_space<vmem>>) semaphore(%arg8 : memref<!tpu.dma_semaphore, #tpu.memory_space<semaphore_mem>>)
    %dma_start3A_2385 = arith.constant 3840 : i32
    %dma_start3A_2386 = tpu.memref_slice %arg7[%dma_start3A_2385] : memref<4096xf32, #tpu.memory_space<vmem>> -> memref<128xf32, #tpu.memory_space<vmem>>
    %dma_start3A_2387 = arith.constant 3840 : i32
    %dma_start3A_2388 = tpu.memref_slice %arg6[%dma_start3A_2387] : memref<4096xi32, #tpu.memory_space<vmem>> -> memref<128xi32, #tpu.memory_space<vmem>>
    %dma_start3A_2389 = arith.constant 0 : i32
    %dma_start3A_2390 = tpu.memref_slice %arg3[%dma_start3A_2389] : memref<8388608xf32, #tpu.memory_space<hbm>> -> memref<8388608xf32, #tpu.memory_space<hbm>>
    tpu.enqueue_indirect_dma source(%dma_start3A_2390 : memref<8388608xf32, #tpu.memory_space<hbm>>) target(%dma_start3A_2386 : memref<128xf32, #tpu.memory_space<vmem>>) offsets(%dma_start3A_2388 : memref<128xi32, #tpu.memory_space<vmem>>) semaphore(%arg8 : memref<!tpu.dma_semaphore, #tpu.memory_space<semaphore_mem>>)
    %dma_start3A_2391 = arith.constant 3968 : i32
    %dma_start3A_2392 = tpu.memref_slice %arg7[%dma_start3A_2391] : memref<4096xf32, #tpu.memory_space<vmem>> -> memref<128xf32, #tpu.memory_space<vmem>>
    %dma_start3A_2393 = arith.constant 3968 : i32
    %dma_start3A_2394 = tpu.memref_slice %arg6[%dma_start3A_2393] : memref<4096xi32, #tpu.memory_space<vmem>> -> memref<128xi32, #tpu.memory_space<vmem>>
    %dma_start3A_2395 = arith.constant 0 : i32
    %dma_start3A_2396 = tpu.memref_slice %arg3[%dma_start3A_2395] : memref<8388608xf32, #tpu.memory_space<hbm>> -> memref<8388608xf32, #tpu.memory_space<hbm>>
    tpu.enqueue_indirect_dma source(%dma_start3A_2396 : memref<8388608xf32, #tpu.memory_space<hbm>>) target(%dma_start3A_2392 : memref<128xf32, #tpu.memory_space<vmem>>) offsets(%dma_start3A_2394 : memref<128xi32, #tpu.memory_space<vmem>>) semaphore(%arg8 : memref<!tpu.dma_semaphore, #tpu.memory_space<semaphore_mem>>)
    %dma_wait3A = arith.constant 0 : i32
    %dma_wait3A_2397 = tpu.memref_slice %arg7[%dma_wait3A] : memref<4096xf32, #tpu.memory_space<vmem>> -> memref<128xf32, #tpu.memory_space<vmem>>
    %dma_wait3A_2398 = arith.constant 0 : i32
    %dma_wait3A_2399 = tpu.memref_slice %arg6[%dma_wait3A_2398] : memref<4096xi32, #tpu.memory_space<vmem>> -> memref<128xi32, #tpu.memory_space<vmem>>
    %dma_wait3A_2400 = arith.constant 0 : i32
    %dma_wait3A_2401 = tpu.memref_slice %arg3[%dma_wait3A_2400] : memref<8388608xf32, #tpu.memory_space<hbm>> -> memref<8388608xf32, #tpu.memory_space<hbm>>
    tpu.wait_indirect_dma semaphore(%arg8 : memref<!tpu.dma_semaphore, #tpu.memory_space<semaphore_mem>>) src(%dma_wait3A_2401 : memref<8388608xf32, #tpu.memory_space<hbm>>) dst(%dma_wait3A_2397 : memref<128xf32, #tpu.memory_space<vmem>>)
    %dma_wait3A_2402 = arith.constant 128 : i32
    %dma_wait3A_2403 = tpu.memref_slice %arg7[%dma_wait3A_2402] : memref<4096xf32, #tpu.memory_space<vmem>> -> memref<128xf32, #tpu.memory_space<vmem>>
    %dma_wait3A_2404 = arith.constant 128 : i32
    %dma_wait3A_2405 = tpu.memref_slice %arg6[%dma_wait3A_2404] : memref<4096xi32, #tpu.memory_space<vmem>> -> memref<128xi32, #tpu.memory_space<vmem>>
    %dma_wait3A_2406 = arith.constant 0 : i32
    %dma_wait3A_2407 = tpu.memref_slice %arg3[%dma_wait3A_2406] : memref<8388608xf32, #tpu.memory_space<hbm>> -> memref<8388608xf32, #tpu.memory_space<hbm>>
    tpu.wait_indirect_dma semaphore(%arg8 : memref<!tpu.dma_semaphore, #tpu.memory_space<semaphore_mem>>) src(%dma_wait3A_2407 : memref<8388608xf32, #tpu.memory_space<hbm>>) dst(%dma_wait3A_2403 : memref<128xf32, #tpu.memory_space<vmem>>)
    %dma_wait3A_2408 = arith.constant 256 : i32
    %dma_wait3A_2409 = tpu.memref_slice %arg7[%dma_wait3A_2408] : memref<4096xf32, #tpu.memory_space<vmem>> -> memref<128xf32, #tpu.memory_space<vmem>>
    %dma_wait3A_2410 = arith.constant 256 : i32
    %dma_wait3A_2411 = tpu.memref_slice %arg6[%dma_wait3A_2410] : memref<4096xi32, #tpu.memory_space<vmem>> -> memref<128xi32, #tpu.memory_space<vmem>>
    %dma_wait3A_2412 = arith.constant 0 : i32
    %dma_wait3A_2413 = tpu.memref_slice %arg3[%dma_wait3A_2412] : memref<8388608xf32, #tpu.memory_space<hbm>> -> memref<8388608xf32, #tpu.memory_space<hbm>>
    tpu.wait_indirect_dma semaphore(%arg8 : memref<!tpu.dma_semaphore, #tpu.memory_space<semaphore_mem>>) src(%dma_wait3A_2413 : memref<8388608xf32, #tpu.memory_space<hbm>>) dst(%dma_wait3A_2409 : memref<128xf32, #tpu.memory_space<vmem>>)
    %dma_wait3A_2414 = arith.constant 384 : i32
    %dma_wait3A_2415 = tpu.memref_slice %arg7[%dma_wait3A_2414] : memref<4096xf32, #tpu.memory_space<vmem>> -> memref<128xf32, #tpu.memory_space<vmem>>
    %dma_wait3A_2416 = arith.constant 384 : i32
    %dma_wait3A_2417 = tpu.memref_slice %arg6[%dma_wait3A_2416] : memref<4096xi32, #tpu.memory_space<vmem>> -> memref<128xi32, #tpu.memory_space<vmem>>
    %dma_wait3A_2418 = arith.constant 0 : i32
    %dma_wait3A_2419 = tpu.memref_slice %arg3[%dma_wait3A_2418] : memref<8388608xf32, #tpu.memory_space<hbm>> -> memref<8388608xf32, #tpu.memory_space<hbm>>
    tpu.wait_indirect_dma semaphore(%arg8 : memref<!tpu.dma_semaphore, #tpu.memory_space<semaphore_mem>>) src(%dma_wait3A_2419 : memref<8388608xf32, #tpu.memory_space<hbm>>) dst(%dma_wait3A_2415 : memref<128xf32, #tpu.memory_space<vmem>>)
    %dma_wait3A_2420 = arith.constant 512 : i32
    %dma_wait3A_2421 = tpu.memref_slice %arg7[%dma_wait3A_2420] : memref<4096xf32, #tpu.memory_space<vmem>> -> memref<128xf32, #tpu.memory_space<vmem>>
    %dma_wait3A_2422 = arith.constant 512 : i32
    %dma_wait3A_2423 = tpu.memref_slice %arg6[%dma_wait3A_2422] : memref<4096xi32, #tpu.memory_space<vmem>> -> memref<128xi32, #tpu.memory_space<vmem>>
    %dma_wait3A_2424 = arith.constant 0 : i32
    %dma_wait3A_2425 = tpu.memref_slice %arg3[%dma_wait3A_2424] : memref<8388608xf32, #tpu.memory_space<hbm>> -> memref<8388608xf32, #tpu.memory_space<hbm>>
    tpu.wait_indirect_dma semaphore(%arg8 : memref<!tpu.dma_semaphore, #tpu.memory_space<semaphore_mem>>) src(%dma_wait3A_2425 : memref<8388608xf32, #tpu.memory_space<hbm>>) dst(%dma_wait3A_2421 : memref<128xf32, #tpu.memory_space<vmem>>)
    %dma_wait3A_2426 = arith.constant 640 : i32
    %dma_wait3A_2427 = tpu.memref_slice %arg7[%dma_wait3A_2426] : memref<4096xf32, #tpu.memory_space<vmem>> -> memref<128xf32, #tpu.memory_space<vmem>>
    %dma_wait3A_2428 = arith.constant 640 : i32
    %dma_wait3A_2429 = tpu.memref_slice %arg6[%dma_wait3A_2428] : memref<4096xi32, #tpu.memory_space<vmem>> -> memref<128xi32, #tpu.memory_space<vmem>>
    %dma_wait3A_2430 = arith.constant 0 : i32
    %dma_wait3A_2431 = tpu.memref_slice %arg3[%dma_wait3A_2430] : memref<8388608xf32, #tpu.memory_space<hbm>> -> memref<8388608xf32, #tpu.memory_space<hbm>>
    tpu.wait_indirect_dma semaphore(%arg8 : memref<!tpu.dma_semaphore, #tpu.memory_space<semaphore_mem>>) src(%dma_wait3A_2431 : memref<8388608xf32, #tpu.memory_space<hbm>>) dst(%dma_wait3A_2427 : memref<128xf32, #tpu.memory_space<vmem>>)
    %dma_wait3A_2432 = arith.constant 768 : i32
    %dma_wait3A_2433 = tpu.memref_slice %arg7[%dma_wait3A_2432] : memref<4096xf32, #tpu.memory_space<vmem>> -> memref<128xf32, #tpu.memory_space<vmem>>
    %dma_wait3A_2434 = arith.constant 768 : i32
    %dma_wait3A_2435 = tpu.memref_slice %arg6[%dma_wait3A_2434] : memref<4096xi32, #tpu.memory_space<vmem>> -> memref<128xi32, #tpu.memory_space<vmem>>
    %dma_wait3A_2436 = arith.constant 0 : i32
    %dma_wait3A_2437 = tpu.memref_slice %arg3[%dma_wait3A_2436] : memref<8388608xf32, #tpu.memory_space<hbm>> -> memref<8388608xf32, #tpu.memory_space<hbm>>
    tpu.wait_indirect_dma semaphore(%arg8 : memref<!tpu.dma_semaphore, #tpu.memory_space<semaphore_mem>>) src(%dma_wait3A_2437 : memref<8388608xf32, #tpu.memory_space<hbm>>) dst(%dma_wait3A_2433 : memref<128xf32, #tpu.memory_space<vmem>>)
    %dma_wait3A_2438 = arith.constant 896 : i32
    %dma_wait3A_2439 = tpu.memref_slice %arg7[%dma_wait3A_2438] : memref<4096xf32, #tpu.memory_space<vmem>> -> memref<128xf32, #tpu.memory_space<vmem>>
    %dma_wait3A_2440 = arith.constant 896 : i32
    %dma_wait3A_2441 = tpu.memref_slice %arg6[%dma_wait3A_2440] : memref<4096xi32, #tpu.memory_space<vmem>> -> memref<128xi32, #tpu.memory_space<vmem>>
    %dma_wait3A_2442 = arith.constant 0 : i32
    %dma_wait3A_2443 = tpu.memref_slice %arg3[%dma_wait3A_2442] : memref<8388608xf32, #tpu.memory_space<hbm>> -> memref<8388608xf32, #tpu.memory_space<hbm>>
    tpu.wait_indirect_dma semaphore(%arg8 : memref<!tpu.dma_semaphore, #tpu.memory_space<semaphore_mem>>) src(%dma_wait3A_2443 : memref<8388608xf32, #tpu.memory_space<hbm>>) dst(%dma_wait3A_2439 : memref<128xf32, #tpu.memory_space<vmem>>)
    %dma_wait3A_2444 = arith.constant 1024 : i32
    %dma_wait3A_2445 = tpu.memref_slice %arg7[%dma_wait3A_2444] : memref<4096xf32, #tpu.memory_space<vmem>> -> memref<128xf32, #tpu.memory_space<vmem>>
    %dma_wait3A_2446 = arith.constant 1024 : i32
    %dma_wait3A_2447 = tpu.memref_slice %arg6[%dma_wait3A_2446] : memref<4096xi32, #tpu.memory_space<vmem>> -> memref<128xi32, #tpu.memory_space<vmem>>
    %dma_wait3A_2448 = arith.constant 0 : i32
    %dma_wait3A_2449 = tpu.memref_slice %arg3[%dma_wait3A_2448] : memref<8388608xf32, #tpu.memory_space<hbm>> -> memref<8388608xf32, #tpu.memory_space<hbm>>
    tpu.wait_indirect_dma semaphore(%arg8 : memref<!tpu.dma_semaphore, #tpu.memory_space<semaphore_mem>>) src(%dma_wait3A_2449 : memref<8388608xf32, #tpu.memory_space<hbm>>) dst(%dma_wait3A_2445 : memref<128xf32, #tpu.memory_space<vmem>>)
    %dma_wait3A_2450 = arith.constant 1152 : i32
    %dma_wait3A_2451 = tpu.memref_slice %arg7[%dma_wait3A_2450] : memref<4096xf32, #tpu.memory_space<vmem>> -> memref<128xf32, #tpu.memory_space<vmem>>
    %dma_wait3A_2452 = arith.constant 1152 : i32
    %dma_wait3A_2453 = tpu.memref_slice %arg6[%dma_wait3A_2452] : memref<4096xi32, #tpu.memory_space<vmem>> -> memref<128xi32, #tpu.memory_space<vmem>>
    %dma_wait3A_2454 = arith.constant 0 : i32
    %dma_wait3A_2455 = tpu.memref_slice %arg3[%dma_wait3A_2454] : memref<8388608xf32, #tpu.memory_space<hbm>> -> memref<8388608xf32, #tpu.memory_space<hbm>>
    tpu.wait_indirect_dma semaphore(%arg8 : memref<!tpu.dma_semaphore, #tpu.memory_space<semaphore_mem>>) src(%dma_wait3A_2455 : memref<8388608xf32, #tpu.memory_space<hbm>>) dst(%dma_wait3A_2451 : memref<128xf32, #tpu.memory_space<vmem>>)
    %dma_wait3A_2456 = arith.constant 1280 : i32
    %dma_wait3A_2457 = tpu.memref_slice %arg7[%dma_wait3A_2456] : memref<4096xf32, #tpu.memory_space<vmem>> -> memref<128xf32, #tpu.memory_space<vmem>>
    %dma_wait3A_2458 = arith.constant 1280 : i32
    %dma_wait3A_2459 = tpu.memref_slice %arg6[%dma_wait3A_2458] : memref<4096xi32, #tpu.memory_space<vmem>> -> memref<128xi32, #tpu.memory_space<vmem>>
    %dma_wait3A_2460 = arith.constant 0 : i32
    %dma_wait3A_2461 = tpu.memref_slice %arg3[%dma_wait3A_2460] : memref<8388608xf32, #tpu.memory_space<hbm>> -> memref<8388608xf32, #tpu.memory_space<hbm>>
    tpu.wait_indirect_dma semaphore(%arg8 : memref<!tpu.dma_semaphore, #tpu.memory_space<semaphore_mem>>) src(%dma_wait3A_2461 : memref<8388608xf32, #tpu.memory_space<hbm>>) dst(%dma_wait3A_2457 : memref<128xf32, #tpu.memory_space<vmem>>)
    %dma_wait3A_2462 = arith.constant 1408 : i32
    %dma_wait3A_2463 = tpu.memref_slice %arg7[%dma_wait3A_2462] : memref<4096xf32, #tpu.memory_space<vmem>> -> memref<128xf32, #tpu.memory_space<vmem>>
    %dma_wait3A_2464 = arith.constant 1408 : i32
    %dma_wait3A_2465 = tpu.memref_slice %arg6[%dma_wait3A_2464] : memref<4096xi32, #tpu.memory_space<vmem>> -> memref<128xi32, #tpu.memory_space<vmem>>
    %dma_wait3A_2466 = arith.constant 0 : i32
    %dma_wait3A_2467 = tpu.memref_slice %arg3[%dma_wait3A_2466] : memref<8388608xf32, #tpu.memory_space<hbm>> -> memref<8388608xf32, #tpu.memory_space<hbm>>
    tpu.wait_indirect_dma semaphore(%arg8 : memref<!tpu.dma_semaphore, #tpu.memory_space<semaphore_mem>>) src(%dma_wait3A_2467 : memref<8388608xf32, #tpu.memory_space<hbm>>) dst(%dma_wait3A_2463 : memref<128xf32, #tpu.memory_space<vmem>>)
    %dma_wait3A_2468 = arith.constant 1536 : i32
    %dma_wait3A_2469 = tpu.memref_slice %arg7[%dma_wait3A_2468] : memref<4096xf32, #tpu.memory_space<vmem>> -> memref<128xf32, #tpu.memory_space<vmem>>
    %dma_wait3A_2470 = arith.constant 1536 : i32
    %dma_wait3A_2471 = tpu.memref_slice %arg6[%dma_wait3A_2470] : memref<4096xi32, #tpu.memory_space<vmem>> -> memref<128xi32, #tpu.memory_space<vmem>>
    %dma_wait3A_2472 = arith.constant 0 : i32
    %dma_wait3A_2473 = tpu.memref_slice %arg3[%dma_wait3A_2472] : memref<8388608xf32, #tpu.memory_space<hbm>> -> memref<8388608xf32, #tpu.memory_space<hbm>>
    tpu.wait_indirect_dma semaphore(%arg8 : memref<!tpu.dma_semaphore, #tpu.memory_space<semaphore_mem>>) src(%dma_wait3A_2473 : memref<8388608xf32, #tpu.memory_space<hbm>>) dst(%dma_wait3A_2469 : memref<128xf32, #tpu.memory_space<vmem>>)
    %dma_wait3A_2474 = arith.constant 1664 : i32
    %dma_wait3A_2475 = tpu.memref_slice %arg7[%dma_wait3A_2474] : memref<4096xf32, #tpu.memory_space<vmem>> -> memref<128xf32, #tpu.memory_space<vmem>>
    %dma_wait3A_2476 = arith.constant 1664 : i32
    %dma_wait3A_2477 = tpu.memref_slice %arg6[%dma_wait3A_2476] : memref<4096xi32, #tpu.memory_space<vmem>> -> memref<128xi32, #tpu.memory_space<vmem>>
    %dma_wait3A_2478 = arith.constant 0 : i32
    %dma_wait3A_2479 = tpu.memref_slice %arg3[%dma_wait3A_2478] : memref<8388608xf32, #tpu.memory_space<hbm>> -> memref<8388608xf32, #tpu.memory_space<hbm>>
    tpu.wait_indirect_dma semaphore(%arg8 : memref<!tpu.dma_semaphore, #tpu.memory_space<semaphore_mem>>) src(%dma_wait3A_2479 : memref<8388608xf32, #tpu.memory_space<hbm>>) dst(%dma_wait3A_2475 : memref<128xf32, #tpu.memory_space<vmem>>)
    %dma_wait3A_2480 = arith.constant 1792 : i32
    %dma_wait3A_2481 = tpu.memref_slice %arg7[%dma_wait3A_2480] : memref<4096xf32, #tpu.memory_space<vmem>> -> memref<128xf32, #tpu.memory_space<vmem>>
    %dma_wait3A_2482 = arith.constant 1792 : i32
    %dma_wait3A_2483 = tpu.memref_slice %arg6[%dma_wait3A_2482] : memref<4096xi32, #tpu.memory_space<vmem>> -> memref<128xi32, #tpu.memory_space<vmem>>
    %dma_wait3A_2484 = arith.constant 0 : i32
    %dma_wait3A_2485 = tpu.memref_slice %arg3[%dma_wait3A_2484] : memref<8388608xf32, #tpu.memory_space<hbm>> -> memref<8388608xf32, #tpu.memory_space<hbm>>
    tpu.wait_indirect_dma semaphore(%arg8 : memref<!tpu.dma_semaphore, #tpu.memory_space<semaphore_mem>>) src(%dma_wait3A_2485 : memref<8388608xf32, #tpu.memory_space<hbm>>) dst(%dma_wait3A_2481 : memref<128xf32, #tpu.memory_space<vmem>>)
    %dma_wait3A_2486 = arith.constant 1920 : i32
    %dma_wait3A_2487 = tpu.memref_slice %arg7[%dma_wait3A_2486] : memref<4096xf32, #tpu.memory_space<vmem>> -> memref<128xf32, #tpu.memory_space<vmem>>
    %dma_wait3A_2488 = arith.constant 1920 : i32
    %dma_wait3A_2489 = tpu.memref_slice %arg6[%dma_wait3A_2488] : memref<4096xi32, #tpu.memory_space<vmem>> -> memref<128xi32, #tpu.memory_space<vmem>>
    %dma_wait3A_2490 = arith.constant 0 : i32
    %dma_wait3A_2491 = tpu.memref_slice %arg3[%dma_wait3A_2490] : memref<8388608xf32, #tpu.memory_space<hbm>> -> memref<8388608xf32, #tpu.memory_space<hbm>>
    tpu.wait_indirect_dma semaphore(%arg8 : memref<!tpu.dma_semaphore, #tpu.memory_space<semaphore_mem>>) src(%dma_wait3A_2491 : memref<8388608xf32, #tpu.memory_space<hbm>>) dst(%dma_wait3A_2487 : memref<128xf32, #tpu.memory_space<vmem>>)
    %dma_wait3A_2492 = arith.constant 2048 : i32
    %dma_wait3A_2493 = tpu.memref_slice %arg7[%dma_wait3A_2492] : memref<4096xf32, #tpu.memory_space<vmem>> -> memref<128xf32, #tpu.memory_space<vmem>>
    %dma_wait3A_2494 = arith.constant 2048 : i32
    %dma_wait3A_2495 = tpu.memref_slice %arg6[%dma_wait3A_2494] : memref<4096xi32, #tpu.memory_space<vmem>> -> memref<128xi32, #tpu.memory_space<vmem>>
    %dma_wait3A_2496 = arith.constant 0 : i32
    %dma_wait3A_2497 = tpu.memref_slice %arg3[%dma_wait3A_2496] : memref<8388608xf32, #tpu.memory_space<hbm>> -> memref<8388608xf32, #tpu.memory_space<hbm>>
    tpu.wait_indirect_dma semaphore(%arg8 : memref<!tpu.dma_semaphore, #tpu.memory_space<semaphore_mem>>) src(%dma_wait3A_2497 : memref<8388608xf32, #tpu.memory_space<hbm>>) dst(%dma_wait3A_2493 : memref<128xf32, #tpu.memory_space<vmem>>)
    %dma_wait3A_2498 = arith.constant 2176 : i32
    %dma_wait3A_2499 = tpu.memref_slice %arg7[%dma_wait3A_2498] : memref<4096xf32, #tpu.memory_space<vmem>> -> memref<128xf32, #tpu.memory_space<vmem>>
    %dma_wait3A_2500 = arith.constant 2176 : i32
    %dma_wait3A_2501 = tpu.memref_slice %arg6[%dma_wait3A_2500] : memref<4096xi32, #tpu.memory_space<vmem>> -> memref<128xi32, #tpu.memory_space<vmem>>
    %dma_wait3A_2502 = arith.constant 0 : i32
    %dma_wait3A_2503 = tpu.memref_slice %arg3[%dma_wait3A_2502] : memref<8388608xf32, #tpu.memory_space<hbm>> -> memref<8388608xf32, #tpu.memory_space<hbm>>
    tpu.wait_indirect_dma semaphore(%arg8 : memref<!tpu.dma_semaphore, #tpu.memory_space<semaphore_mem>>) src(%dma_wait3A_2503 : memref<8388608xf32, #tpu.memory_space<hbm>>) dst(%dma_wait3A_2499 : memref<128xf32, #tpu.memory_space<vmem>>)
    %dma_wait3A_2504 = arith.constant 2304 : i32
    %dma_wait3A_2505 = tpu.memref_slice %arg7[%dma_wait3A_2504] : memref<4096xf32, #tpu.memory_space<vmem>> -> memref<128xf32, #tpu.memory_space<vmem>>
    %dma_wait3A_2506 = arith.constant 2304 : i32
    %dma_wait3A_2507 = tpu.memref_slice %arg6[%dma_wait3A_2506] : memref<4096xi32, #tpu.memory_space<vmem>> -> memref<128xi32, #tpu.memory_space<vmem>>
    %dma_wait3A_2508 = arith.constant 0 : i32
    %dma_wait3A_2509 = tpu.memref_slice %arg3[%dma_wait3A_2508] : memref<8388608xf32, #tpu.memory_space<hbm>> -> memref<8388608xf32, #tpu.memory_space<hbm>>
    tpu.wait_indirect_dma semaphore(%arg8 : memref<!tpu.dma_semaphore, #tpu.memory_space<semaphore_mem>>) src(%dma_wait3A_2509 : memref<8388608xf32, #tpu.memory_space<hbm>>) dst(%dma_wait3A_2505 : memref<128xf32, #tpu.memory_space<vmem>>)
    %dma_wait3A_2510 = arith.constant 2432 : i32
    %dma_wait3A_2511 = tpu.memref_slice %arg7[%dma_wait3A_2510] : memref<4096xf32, #tpu.memory_space<vmem>> -> memref<128xf32, #tpu.memory_space<vmem>>
    %dma_wait3A_2512 = arith.constant 2432 : i32
    %dma_wait3A_2513 = tpu.memref_slice %arg6[%dma_wait3A_2512] : memref<4096xi32, #tpu.memory_space<vmem>> -> memref<128xi32, #tpu.memory_space<vmem>>
    %dma_wait3A_2514 = arith.constant 0 : i32
    %dma_wait3A_2515 = tpu.memref_slice %arg3[%dma_wait3A_2514] : memref<8388608xf32, #tpu.memory_space<hbm>> -> memref<8388608xf32, #tpu.memory_space<hbm>>
    tpu.wait_indirect_dma semaphore(%arg8 : memref<!tpu.dma_semaphore, #tpu.memory_space<semaphore_mem>>) src(%dma_wait3A_2515 : memref<8388608xf32, #tpu.memory_space<hbm>>) dst(%dma_wait3A_2511 : memref<128xf32, #tpu.memory_space<vmem>>)
    %dma_wait3A_2516 = arith.constant 2560 : i32
    %dma_wait3A_2517 = tpu.memref_slice %arg7[%dma_wait3A_2516] : memref<4096xf32, #tpu.memory_space<vmem>> -> memref<128xf32, #tpu.memory_space<vmem>>
    %dma_wait3A_2518 = arith.constant 2560 : i32
    %dma_wait3A_2519 = tpu.memref_slice %arg6[%dma_wait3A_2518] : memref<4096xi32, #tpu.memory_space<vmem>> -> memref<128xi32, #tpu.memory_space<vmem>>
    %dma_wait3A_2520 = arith.constant 0 : i32
    %dma_wait3A_2521 = tpu.memref_slice %arg3[%dma_wait3A_2520] : memref<8388608xf32, #tpu.memory_space<hbm>> -> memref<8388608xf32, #tpu.memory_space<hbm>>
    tpu.wait_indirect_dma semaphore(%arg8 : memref<!tpu.dma_semaphore, #tpu.memory_space<semaphore_mem>>) src(%dma_wait3A_2521 : memref<8388608xf32, #tpu.memory_space<hbm>>) dst(%dma_wait3A_2517 : memref<128xf32, #tpu.memory_space<vmem>>)
    %dma_wait3A_2522 = arith.constant 2688 : i32
    %dma_wait3A_2523 = tpu.memref_slice %arg7[%dma_wait3A_2522] : memref<4096xf32, #tpu.memory_space<vmem>> -> memref<128xf32, #tpu.memory_space<vmem>>
    %dma_wait3A_2524 = arith.constant 2688 : i32
    %dma_wait3A_2525 = tpu.memref_slice %arg6[%dma_wait3A_2524] : memref<4096xi32, #tpu.memory_space<vmem>> -> memref<128xi32, #tpu.memory_space<vmem>>
    %dma_wait3A_2526 = arith.constant 0 : i32
    %dma_wait3A_2527 = tpu.memref_slice %arg3[%dma_wait3A_2526] : memref<8388608xf32, #tpu.memory_space<hbm>> -> memref<8388608xf32, #tpu.memory_space<hbm>>
    tpu.wait_indirect_dma semaphore(%arg8 : memref<!tpu.dma_semaphore, #tpu.memory_space<semaphore_mem>>) src(%dma_wait3A_2527 : memref<8388608xf32, #tpu.memory_space<hbm>>) dst(%dma_wait3A_2523 : memref<128xf32, #tpu.memory_space<vmem>>)
    %dma_wait3A_2528 = arith.constant 2816 : i32
    %dma_wait3A_2529 = tpu.memref_slice %arg7[%dma_wait3A_2528] : memref<4096xf32, #tpu.memory_space<vmem>> -> memref<128xf32, #tpu.memory_space<vmem>>
    %dma_wait3A_2530 = arith.constant 2816 : i32
    %dma_wait3A_2531 = tpu.memref_slice %arg6[%dma_wait3A_2530] : memref<4096xi32, #tpu.memory_space<vmem>> -> memref<128xi32, #tpu.memory_space<vmem>>
    %dma_wait3A_2532 = arith.constant 0 : i32
    %dma_wait3A_2533 = tpu.memref_slice %arg3[%dma_wait3A_2532] : memref<8388608xf32, #tpu.memory_space<hbm>> -> memref<8388608xf32, #tpu.memory_space<hbm>>
    tpu.wait_indirect_dma semaphore(%arg8 : memref<!tpu.dma_semaphore, #tpu.memory_space<semaphore_mem>>) src(%dma_wait3A_2533 : memref<8388608xf32, #tpu.memory_space<hbm>>) dst(%dma_wait3A_2529 : memref<128xf32, #tpu.memory_space<vmem>>)
    %dma_wait3A_2534 = arith.constant 2944 : i32
    %dma_wait3A_2535 = tpu.memref_slice %arg7[%dma_wait3A_2534] : memref<4096xf32, #tpu.memory_space<vmem>> -> memref<128xf32, #tpu.memory_space<vmem>>
    %dma_wait3A_2536 = arith.constant 2944 : i32
    %dma_wait3A_2537 = tpu.memref_slice %arg6[%dma_wait3A_2536] : memref<4096xi32, #tpu.memory_space<vmem>> -> memref<128xi32, #tpu.memory_space<vmem>>
    %dma_wait3A_2538 = arith.constant 0 : i32
    %dma_wait3A_2539 = tpu.memref_slice %arg3[%dma_wait3A_2538] : memref<8388608xf32, #tpu.memory_space<hbm>> -> memref<8388608xf32, #tpu.memory_space<hbm>>
    tpu.wait_indirect_dma semaphore(%arg8 : memref<!tpu.dma_semaphore, #tpu.memory_space<semaphore_mem>>) src(%dma_wait3A_2539 : memref<8388608xf32, #tpu.memory_space<hbm>>) dst(%dma_wait3A_2535 : memref<128xf32, #tpu.memory_space<vmem>>)
    %dma_wait3A_2540 = arith.constant 3072 : i32
    %dma_wait3A_2541 = tpu.memref_slice %arg7[%dma_wait3A_2540] : memref<4096xf32, #tpu.memory_space<vmem>> -> memref<128xf32, #tpu.memory_space<vmem>>
    %dma_wait3A_2542 = arith.constant 3072 : i32
    %dma_wait3A_2543 = tpu.memref_slice %arg6[%dma_wait3A_2542] : memref<4096xi32, #tpu.memory_space<vmem>> -> memref<128xi32, #tpu.memory_space<vmem>>
    %dma_wait3A_2544 = arith.constant 0 : i32
    %dma_wait3A_2545 = tpu.memref_slice %arg3[%dma_wait3A_2544] : memref<8388608xf32, #tpu.memory_space<hbm>> -> memref<8388608xf32, #tpu.memory_space<hbm>>
    tpu.wait_indirect_dma semaphore(%arg8 : memref<!tpu.dma_semaphore, #tpu.memory_space<semaphore_mem>>) src(%dma_wait3A_2545 : memref<8388608xf32, #tpu.memory_space<hbm>>) dst(%dma_wait3A_2541 : memref<128xf32, #tpu.memory_space<vmem>>)
    %dma_wait3A_2546 = arith.constant 3200 : i32
    %dma_wait3A_2547 = tpu.memref_slice %arg7[%dma_wait3A_2546] : memref<4096xf32, #tpu.memory_space<vmem>> -> memref<128xf32, #tpu.memory_space<vmem>>
    %dma_wait3A_2548 = arith.constant 3200 : i32
    %dma_wait3A_2549 = tpu.memref_slice %arg6[%dma_wait3A_2548] : memref<4096xi32, #tpu.memory_space<vmem>> -> memref<128xi32, #tpu.memory_space<vmem>>
    %dma_wait3A_2550 = arith.constant 0 : i32
    %dma_wait3A_2551 = tpu.memref_slice %arg3[%dma_wait3A_2550] : memref<8388608xf32, #tpu.memory_space<hbm>> -> memref<8388608xf32, #tpu.memory_space<hbm>>
    tpu.wait_indirect_dma semaphore(%arg8 : memref<!tpu.dma_semaphore, #tpu.memory_space<semaphore_mem>>) src(%dma_wait3A_2551 : memref<8388608xf32, #tpu.memory_space<hbm>>) dst(%dma_wait3A_2547 : memref<128xf32, #tpu.memory_space<vmem>>)
    %dma_wait3A_2552 = arith.constant 3328 : i32
    %dma_wait3A_2553 = tpu.memref_slice %arg7[%dma_wait3A_2552] : memref<4096xf32, #tpu.memory_space<vmem>> -> memref<128xf32, #tpu.memory_space<vmem>>
    %dma_wait3A_2554 = arith.constant 3328 : i32
    %dma_wait3A_2555 = tpu.memref_slice %arg6[%dma_wait3A_2554] : memref<4096xi32, #tpu.memory_space<vmem>> -> memref<128xi32, #tpu.memory_space<vmem>>
    %dma_wait3A_2556 = arith.constant 0 : i32
    %dma_wait3A_2557 = tpu.memref_slice %arg3[%dma_wait3A_2556] : memref<8388608xf32, #tpu.memory_space<hbm>> -> memref<8388608xf32, #tpu.memory_space<hbm>>
    tpu.wait_indirect_dma semaphore(%arg8 : memref<!tpu.dma_semaphore, #tpu.memory_space<semaphore_mem>>) src(%dma_wait3A_2557 : memref<8388608xf32, #tpu.memory_space<hbm>>) dst(%dma_wait3A_2553 : memref<128xf32, #tpu.memory_space<vmem>>)
    %dma_wait3A_2558 = arith.constant 3456 : i32
    %dma_wait3A_2559 = tpu.memref_slice %arg7[%dma_wait3A_2558] : memref<4096xf32, #tpu.memory_space<vmem>> -> memref<128xf32, #tpu.memory_space<vmem>>
    %dma_wait3A_2560 = arith.constant 3456 : i32
    %dma_wait3A_2561 = tpu.memref_slice %arg6[%dma_wait3A_2560] : memref<4096xi32, #tpu.memory_space<vmem>> -> memref<128xi32, #tpu.memory_space<vmem>>
    %dma_wait3A_2562 = arith.constant 0 : i32
    %dma_wait3A_2563 = tpu.memref_slice %arg3[%dma_wait3A_2562] : memref<8388608xf32, #tpu.memory_space<hbm>> -> memref<8388608xf32, #tpu.memory_space<hbm>>
    tpu.wait_indirect_dma semaphore(%arg8 : memref<!tpu.dma_semaphore, #tpu.memory_space<semaphore_mem>>) src(%dma_wait3A_2563 : memref<8388608xf32, #tpu.memory_space<hbm>>) dst(%dma_wait3A_2559 : memref<128xf32, #tpu.memory_space<vmem>>)
    %dma_wait3A_2564 = arith.constant 3584 : i32
    %dma_wait3A_2565 = tpu.memref_slice %arg7[%dma_wait3A_2564] : memref<4096xf32, #tpu.memory_space<vmem>> -> memref<128xf32, #tpu.memory_space<vmem>>
    %dma_wait3A_2566 = arith.constant 3584 : i32
    %dma_wait3A_2567 = tpu.memref_slice %arg6[%dma_wait3A_2566] : memref<4096xi32, #tpu.memory_space<vmem>> -> memref<128xi32, #tpu.memory_space<vmem>>
    %dma_wait3A_2568 = arith.constant 0 : i32
    %dma_wait3A_2569 = tpu.memref_slice %arg3[%dma_wait3A_2568] : memref<8388608xf32, #tpu.memory_space<hbm>> -> memref<8388608xf32, #tpu.memory_space<hbm>>
    tpu.wait_indirect_dma semaphore(%arg8 : memref<!tpu.dma_semaphore, #tpu.memory_space<semaphore_mem>>) src(%dma_wait3A_2569 : memref<8388608xf32, #tpu.memory_space<hbm>>) dst(%dma_wait3A_2565 : memref<128xf32, #tpu.memory_space<vmem>>)
    %dma_wait3A_2570 = arith.constant 3712 : i32
    %dma_wait3A_2571 = tpu.memref_slice %arg7[%dma_wait3A_2570] : memref<4096xf32, #tpu.memory_space<vmem>> -> memref<128xf32, #tpu.memory_space<vmem>>
    %dma_wait3A_2572 = arith.constant 3712 : i32
    %dma_wait3A_2573 = tpu.memref_slice %arg6[%dma_wait3A_2572] : memref<4096xi32, #tpu.memory_space<vmem>> -> memref<128xi32, #tpu.memory_space<vmem>>
    %dma_wait3A_2574 = arith.constant 0 : i32
    %dma_wait3A_2575 = tpu.memref_slice %arg3[%dma_wait3A_2574] : memref<8388608xf32, #tpu.memory_space<hbm>> -> memref<8388608xf32, #tpu.memory_space<hbm>>
    tpu.wait_indirect_dma semaphore(%arg8 : memref<!tpu.dma_semaphore, #tpu.memory_space<semaphore_mem>>) src(%dma_wait3A_2575 : memref<8388608xf32, #tpu.memory_space<hbm>>) dst(%dma_wait3A_2571 : memref<128xf32, #tpu.memory_space<vmem>>)
    %dma_wait3A_2576 = arith.constant 3840 : i32
    %dma_wait3A_2577 = tpu.memref_slice %arg7[%dma_wait3A_2576] : memref<4096xf32, #tpu.memory_space<vmem>> -> memref<128xf32, #tpu.memory_space<vmem>>
    %dma_wait3A_2578 = arith.constant 3840 : i32
    %dma_wait3A_2579 = tpu.memref_slice %arg6[%dma_wait3A_2578] : memref<4096xi32, #tpu.memory_space<vmem>> -> memref<128xi32, #tpu.memory_space<vmem>>
    %dma_wait3A_2580 = arith.constant 0 : i32
    %dma_wait3A_2581 = tpu.memref_slice %arg3[%dma_wait3A_2580] : memref<8388608xf32, #tpu.memory_space<hbm>> -> memref<8388608xf32, #tpu.memory_space<hbm>>
    tpu.wait_indirect_dma semaphore(%arg8 : memref<!tpu.dma_semaphore, #tpu.memory_space<semaphore_mem>>) src(%dma_wait3A_2581 : memref<8388608xf32, #tpu.memory_space<hbm>>) dst(%dma_wait3A_2577 : memref<128xf32, #tpu.memory_space<vmem>>)
    %dma_wait3A_2582 = arith.constant 3968 : i32
    %dma_wait3A_2583 = tpu.memref_slice %arg7[%dma_wait3A_2582] : memref<4096xf32, #tpu.memory_space<vmem>> -> memref<128xf32, #tpu.memory_space<vmem>>
    %dma_wait3A_2584 = arith.constant 3968 : i32
    %dma_wait3A_2585 = tpu.memref_slice %arg6[%dma_wait3A_2584] : memref<4096xi32, #tpu.memory_space<vmem>> -> memref<128xi32, #tpu.memory_space<vmem>>
    %dma_wait3A_2586 = arith.constant 0 : i32
    %dma_wait3A_2587 = tpu.memref_slice %arg3[%dma_wait3A_2586] : memref<8388608xf32, #tpu.memory_space<hbm>> -> memref<8388608xf32, #tpu.memory_space<hbm>>
    tpu.wait_indirect_dma semaphore(%arg8 : memref<!tpu.dma_semaphore, #tpu.memory_space<semaphore_mem>>) src(%dma_wait3A_2587 : memref<8388608xf32, #tpu.memory_space<hbm>>) dst(%dma_wait3A_2583 : memref<128xf32, #tpu.memory_space<vmem>>)
    %add3A_2588 = arith.constant 0 : i32
    %add3A_2589 = arith.addi %add3A_2588, %mul3A_2 : i32
    %dma_start3A_2590 = arith.constant 0 : i32
    %dma_start3A_2591 = tpu.memref_slice %arg7[%dma_start3A_2590] : memref<4096xf32, #tpu.memory_space<vmem>> -> memref<512xf32, #tpu.memory_space<vmem>>
    %dma_start3A_2592 = tpu.memref_slice %arg4[%add3A_2589] : memref<131072xf32, #tpu.memory_space<hbm>> -> memref<512xf32, #tpu.memory_space<hbm>>
    %dma_start3A_2593 = tpu.memref_slice %arg4[%add3A_2589] : memref<131072xf32, #tpu.memory_space<hbm>> -> memref<512xf32, #tpu.memory_space<hbm>>
    %dma_start3A_2594 = arith.constant 0 : i32
    %dma_start3A_2595 = tpu.memref_slice %arg7[%dma_start3A_2594] : memref<4096xf32, #tpu.memory_space<vmem>> -> memref<512xf32, #tpu.memory_space<vmem>>
    tpu.enqueue_dma source(%dma_start3A_2595 : memref<512xf32, #tpu.memory_space<vmem>>) target(%dma_start3A_2593 : memref<512xf32, #tpu.memory_space<hbm>>) target_semaphore(%arg8 : memref<!tpu.dma_semaphore, #tpu.memory_space<semaphore_mem>>)
    %add3A_2596 = arith.constant 16384 : i32
    %add3A_2597 = arith.addi %add3A_2596, %mul3A_2 : i32
    %dma_start3A_2598 = arith.constant 512 : i32
    %dma_start3A_2599 = tpu.memref_slice %arg7[%dma_start3A_2598] : memref<4096xf32, #tpu.memory_space<vmem>> -> memref<512xf32, #tpu.memory_space<vmem>>
    %dma_start3A_2600 = tpu.memref_slice %arg4[%add3A_2597] : memref<131072xf32, #tpu.memory_space<hbm>> -> memref<512xf32, #tpu.memory_space<hbm>>
    %dma_start3A_2601 = tpu.memref_slice %arg4[%add3A_2597] : memref<131072xf32, #tpu.memory_space<hbm>> -> memref<512xf32, #tpu.memory_space<hbm>>
    %dma_start3A_2602 = arith.constant 512 : i32
    %dma_start3A_2603 = tpu.memref_slice %arg7[%dma_start3A_2602] : memref<4096xf32, #tpu.memory_space<vmem>> -> memref<512xf32, #tpu.memory_space<vmem>>
    tpu.enqueue_dma source(%dma_start3A_2603 : memref<512xf32, #tpu.memory_space<vmem>>) target(%dma_start3A_2601 : memref<512xf32, #tpu.memory_space<hbm>>) target_semaphore(%arg8 : memref<!tpu.dma_semaphore, #tpu.memory_space<semaphore_mem>>)
    %add3A_2604 = arith.constant 32768 : i32
    %add3A_2605 = arith.addi %add3A_2604, %mul3A_2 : i32
    %dma_start3A_2606 = arith.constant 1024 : i32
    %dma_start3A_2607 = tpu.memref_slice %arg7[%dma_start3A_2606] : memref<4096xf32, #tpu.memory_space<vmem>> -> memref<512xf32, #tpu.memory_space<vmem>>
    %dma_start3A_2608 = tpu.memref_slice %arg4[%add3A_2605] : memref<131072xf32, #tpu.memory_space<hbm>> -> memref<512xf32, #tpu.memory_space<hbm>>
    %dma_start3A_2609 = tpu.memref_slice %arg4[%add3A_2605] : memref<131072xf32, #tpu.memory_space<hbm>> -> memref<512xf32, #tpu.memory_space<hbm>>
    %dma_start3A_2610 = arith.constant 1024 : i32
    %dma_start3A_2611 = tpu.memref_slice %arg7[%dma_start3A_2610] : memref<4096xf32, #tpu.memory_space<vmem>> -> memref<512xf32, #tpu.memory_space<vmem>>
    tpu.enqueue_dma source(%dma_start3A_2611 : memref<512xf32, #tpu.memory_space<vmem>>) target(%dma_start3A_2609 : memref<512xf32, #tpu.memory_space<hbm>>) target_semaphore(%arg8 : memref<!tpu.dma_semaphore, #tpu.memory_space<semaphore_mem>>)
    %add3A_2612 = arith.constant 49152 : i32
    %add3A_2613 = arith.addi %add3A_2612, %mul3A_2 : i32
    %dma_start3A_2614 = arith.constant 1536 : i32
    %dma_start3A_2615 = tpu.memref_slice %arg7[%dma_start3A_2614] : memref<4096xf32, #tpu.memory_space<vmem>> -> memref<512xf32, #tpu.memory_space<vmem>>
    %dma_start3A_2616 = tpu.memref_slice %arg4[%add3A_2613] : memref<131072xf32, #tpu.memory_space<hbm>> -> memref<512xf32, #tpu.memory_space<hbm>>
    %dma_start3A_2617 = tpu.memref_slice %arg4[%add3A_2613] : memref<131072xf32, #tpu.memory_space<hbm>> -> memref<512xf32, #tpu.memory_space<hbm>>
    %dma_start3A_2618 = arith.constant 1536 : i32
    %dma_start3A_2619 = tpu.memref_slice %arg7[%dma_start3A_2618] : memref<4096xf32, #tpu.memory_space<vmem>> -> memref<512xf32, #tpu.memory_space<vmem>>
    tpu.enqueue_dma source(%dma_start3A_2619 : memref<512xf32, #tpu.memory_space<vmem>>) target(%dma_start3A_2617 : memref<512xf32, #tpu.memory_space<hbm>>) target_semaphore(%arg8 : memref<!tpu.dma_semaphore, #tpu.memory_space<semaphore_mem>>)
    %add3A_2620 = arith.constant 65536 : i32
    %add3A_2621 = arith.addi %add3A_2620, %mul3A_2 : i32
    %dma_start3A_2622 = arith.constant 2048 : i32
    %dma_start3A_2623 = tpu.memref_slice %arg7[%dma_start3A_2622] : memref<4096xf32, #tpu.memory_space<vmem>> -> memref<512xf32, #tpu.memory_space<vmem>>
    %dma_start3A_2624 = tpu.memref_slice %arg4[%add3A_2621] : memref<131072xf32, #tpu.memory_space<hbm>> -> memref<512xf32, #tpu.memory_space<hbm>>
    %dma_start3A_2625 = tpu.memref_slice %arg4[%add3A_2621] : memref<131072xf32, #tpu.memory_space<hbm>> -> memref<512xf32, #tpu.memory_space<hbm>>
    %dma_start3A_2626 = arith.constant 2048 : i32
    %dma_start3A_2627 = tpu.memref_slice %arg7[%dma_start3A_2626] : memref<4096xf32, #tpu.memory_space<vmem>> -> memref<512xf32, #tpu.memory_space<vmem>>
    tpu.enqueue_dma source(%dma_start3A_2627 : memref<512xf32, #tpu.memory_space<vmem>>) target(%dma_start3A_2625 : memref<512xf32, #tpu.memory_space<hbm>>) target_semaphore(%arg8 : memref<!tpu.dma_semaphore, #tpu.memory_space<semaphore_mem>>)
    %add3A_2628 = arith.constant 81920 : i32
    %add3A_2629 = arith.addi %add3A_2628, %mul3A_2 : i32
    %dma_start3A_2630 = arith.constant 2560 : i32
    %dma_start3A_2631 = tpu.memref_slice %arg7[%dma_start3A_2630] : memref<4096xf32, #tpu.memory_space<vmem>> -> memref<512xf32, #tpu.memory_space<vmem>>
    %dma_start3A_2632 = tpu.memref_slice %arg4[%add3A_2629] : memref<131072xf32, #tpu.memory_space<hbm>> -> memref<512xf32, #tpu.memory_space<hbm>>
    %dma_start3A_2633 = tpu.memref_slice %arg4[%add3A_2629] : memref<131072xf32, #tpu.memory_space<hbm>> -> memref<512xf32, #tpu.memory_space<hbm>>
    %dma_start3A_2634 = arith.constant 2560 : i32
    %dma_start3A_2635 = tpu.memref_slice %arg7[%dma_start3A_2634] : memref<4096xf32, #tpu.memory_space<vmem>> -> memref<512xf32, #tpu.memory_space<vmem>>
    tpu.enqueue_dma source(%dma_start3A_2635 : memref<512xf32, #tpu.memory_space<vmem>>) target(%dma_start3A_2633 : memref<512xf32, #tpu.memory_space<hbm>>) target_semaphore(%arg8 : memref<!tpu.dma_semaphore, #tpu.memory_space<semaphore_mem>>)
    %add3A_2636 = arith.constant 98304 : i32
    %add3A_2637 = arith.addi %add3A_2636, %mul3A_2 : i32
    %dma_start3A_2638 = arith.constant 3072 : i32
    %dma_start3A_2639 = tpu.memref_slice %arg7[%dma_start3A_2638] : memref<4096xf32, #tpu.memory_space<vmem>> -> memref<512xf32, #tpu.memory_space<vmem>>
    %dma_start3A_2640 = tpu.memref_slice %arg4[%add3A_2637] : memref<131072xf32, #tpu.memory_space<hbm>> -> memref<512xf32, #tpu.memory_space<hbm>>
    %dma_start3A_2641 = tpu.memref_slice %arg4[%add3A_2637] : memref<131072xf32, #tpu.memory_space<hbm>> -> memref<512xf32, #tpu.memory_space<hbm>>
    %dma_start3A_2642 = arith.constant 3072 : i32
    %dma_start3A_2643 = tpu.memref_slice %arg7[%dma_start3A_2642] : memref<4096xf32, #tpu.memory_space<vmem>> -> memref<512xf32, #tpu.memory_space<vmem>>
    tpu.enqueue_dma source(%dma_start3A_2643 : memref<512xf32, #tpu.memory_space<vmem>>) target(%dma_start3A_2641 : memref<512xf32, #tpu.memory_space<hbm>>) target_semaphore(%arg8 : memref<!tpu.dma_semaphore, #tpu.memory_space<semaphore_mem>>)
    %add3A_2644 = arith.constant 114688 : i32
    %add3A_2645 = arith.addi %add3A_2644, %mul3A_2 : i32
    %dma_start3A_2646 = arith.constant 3584 : i32
    %dma_start3A_2647 = tpu.memref_slice %arg7[%dma_start3A_2646] : memref<4096xf32, #tpu.memory_space<vmem>> -> memref<512xf32, #tpu.memory_space<vmem>>
    %dma_start3A_2648 = tpu.memref_slice %arg4[%add3A_2645] : memref<131072xf32, #tpu.memory_space<hbm>> -> memref<512xf32, #tpu.memory_space<hbm>>
    %dma_start3A_2649 = tpu.memref_slice %arg4[%add3A_2645] : memref<131072xf32, #tpu.memory_space<hbm>> -> memref<512xf32, #tpu.memory_space<hbm>>
    %dma_start3A_2650 = arith.constant 3584 : i32
    %dma_start3A_2651 = tpu.memref_slice %arg7[%dma_start3A_2650] : memref<4096xf32, #tpu.memory_space<vmem>> -> memref<512xf32, #tpu.memory_space<vmem>>
    tpu.enqueue_dma source(%dma_start3A_2651 : memref<512xf32, #tpu.memory_space<vmem>>) target(%dma_start3A_2649 : memref<512xf32, #tpu.memory_space<hbm>>) target_semaphore(%arg8 : memref<!tpu.dma_semaphore, #tpu.memory_space<semaphore_mem>>)
    %dma_wait3A_2652 = arith.constant 0 : i32
    %dma_wait3A_2653 = tpu.memref_slice %arg7[%dma_wait3A_2652] : memref<4096xf32, #tpu.memory_space<vmem>> -> memref<512xf32, #tpu.memory_space<vmem>>
    %dma_wait3A_2654 = tpu.memref_slice %arg4[%add3A_2589] : memref<131072xf32, #tpu.memory_space<hbm>> -> memref<512xf32, #tpu.memory_space<hbm>>
    %dma_wait3A_2655 = tpu.memref_slice %arg4[%add3A_2589] : memref<131072xf32, #tpu.memory_space<hbm>> -> memref<512xf32, #tpu.memory_space<hbm>>
    %dma_wait3A_2656 = arith.constant 0 : i32
    %dma_wait3A_2657 = tpu.memref_slice %arg7[%dma_wait3A_2656] : memref<4096xf32, #tpu.memory_space<vmem>> -> memref<512xf32, #tpu.memory_space<vmem>>
    tpu.wait_dma2 semaphore(%arg8 : memref<!tpu.dma_semaphore, #tpu.memory_space<semaphore_mem>>) src(%dma_wait3A_2657 : memref<512xf32, #tpu.memory_space<vmem>>) dst(%dma_wait3A_2655 : memref<512xf32, #tpu.memory_space<hbm>>)
    %dma_wait3A_2658 = arith.constant 512 : i32
    %dma_wait3A_2659 = tpu.memref_slice %arg7[%dma_wait3A_2658] : memref<4096xf32, #tpu.memory_space<vmem>> -> memref<512xf32, #tpu.memory_space<vmem>>
    %dma_wait3A_2660 = tpu.memref_slice %arg4[%add3A_2597] : memref<131072xf32, #tpu.memory_space<hbm>> -> memref<512xf32, #tpu.memory_space<hbm>>
    %dma_wait3A_2661 = tpu.memref_slice %arg4[%add3A_2597] : memref<131072xf32, #tpu.memory_space<hbm>> -> memref<512xf32, #tpu.memory_space<hbm>>
    %dma_wait3A_2662 = arith.constant 512 : i32
    %dma_wait3A_2663 = tpu.memref_slice %arg7[%dma_wait3A_2662] : memref<4096xf32, #tpu.memory_space<vmem>> -> memref<512xf32, #tpu.memory_space<vmem>>
    tpu.wait_dma2 semaphore(%arg8 : memref<!tpu.dma_semaphore, #tpu.memory_space<semaphore_mem>>) src(%dma_wait3A_2663 : memref<512xf32, #tpu.memory_space<vmem>>) dst(%dma_wait3A_2661 : memref<512xf32, #tpu.memory_space<hbm>>)
    %dma_wait3A_2664 = arith.constant 1024 : i32
    %dma_wait3A_2665 = tpu.memref_slice %arg7[%dma_wait3A_2664] : memref<4096xf32, #tpu.memory_space<vmem>> -> memref<512xf32, #tpu.memory_space<vmem>>
    %dma_wait3A_2666 = tpu.memref_slice %arg4[%add3A_2605] : memref<131072xf32, #tpu.memory_space<hbm>> -> memref<512xf32, #tpu.memory_space<hbm>>
    %dma_wait3A_2667 = tpu.memref_slice %arg4[%add3A_2605] : memref<131072xf32, #tpu.memory_space<hbm>> -> memref<512xf32, #tpu.memory_space<hbm>>
    %dma_wait3A_2668 = arith.constant 1024 : i32
    %dma_wait3A_2669 = tpu.memref_slice %arg7[%dma_wait3A_2668] : memref<4096xf32, #tpu.memory_space<vmem>> -> memref<512xf32, #tpu.memory_space<vmem>>
    tpu.wait_dma2 semaphore(%arg8 : memref<!tpu.dma_semaphore, #tpu.memory_space<semaphore_mem>>) src(%dma_wait3A_2669 : memref<512xf32, #tpu.memory_space<vmem>>) dst(%dma_wait3A_2667 : memref<512xf32, #tpu.memory_space<hbm>>)
    %dma_wait3A_2670 = arith.constant 1536 : i32
    %dma_wait3A_2671 = tpu.memref_slice %arg7[%dma_wait3A_2670] : memref<4096xf32, #tpu.memory_space<vmem>> -> memref<512xf32, #tpu.memory_space<vmem>>
    %dma_wait3A_2672 = tpu.memref_slice %arg4[%add3A_2613] : memref<131072xf32, #tpu.memory_space<hbm>> -> memref<512xf32, #tpu.memory_space<hbm>>
    %dma_wait3A_2673 = tpu.memref_slice %arg4[%add3A_2613] : memref<131072xf32, #tpu.memory_space<hbm>> -> memref<512xf32, #tpu.memory_space<hbm>>
    %dma_wait3A_2674 = arith.constant 1536 : i32
    %dma_wait3A_2675 = tpu.memref_slice %arg7[%dma_wait3A_2674] : memref<4096xf32, #tpu.memory_space<vmem>> -> memref<512xf32, #tpu.memory_space<vmem>>
    tpu.wait_dma2 semaphore(%arg8 : memref<!tpu.dma_semaphore, #tpu.memory_space<semaphore_mem>>) src(%dma_wait3A_2675 : memref<512xf32, #tpu.memory_space<vmem>>) dst(%dma_wait3A_2673 : memref<512xf32, #tpu.memory_space<hbm>>)
    %dma_wait3A_2676 = arith.constant 2048 : i32
    %dma_wait3A_2677 = tpu.memref_slice %arg7[%dma_wait3A_2676] : memref<4096xf32, #tpu.memory_space<vmem>> -> memref<512xf32, #tpu.memory_space<vmem>>
    %dma_wait3A_2678 = tpu.memref_slice %arg4[%add3A_2621] : memref<131072xf32, #tpu.memory_space<hbm>> -> memref<512xf32, #tpu.memory_space<hbm>>
    %dma_wait3A_2679 = tpu.memref_slice %arg4[%add3A_2621] : memref<131072xf32, #tpu.memory_space<hbm>> -> memref<512xf32, #tpu.memory_space<hbm>>
    %dma_wait3A_2680 = arith.constant 2048 : i32
    %dma_wait3A_2681 = tpu.memref_slice %arg7[%dma_wait3A_2680] : memref<4096xf32, #tpu.memory_space<vmem>> -> memref<512xf32, #tpu.memory_space<vmem>>
    tpu.wait_dma2 semaphore(%arg8 : memref<!tpu.dma_semaphore, #tpu.memory_space<semaphore_mem>>) src(%dma_wait3A_2681 : memref<512xf32, #tpu.memory_space<vmem>>) dst(%dma_wait3A_2679 : memref<512xf32, #tpu.memory_space<hbm>>)
    %dma_wait3A_2682 = arith.constant 2560 : i32
    %dma_wait3A_2683 = tpu.memref_slice %arg7[%dma_wait3A_2682] : memref<4096xf32, #tpu.memory_space<vmem>> -> memref<512xf32, #tpu.memory_space<vmem>>
    %dma_wait3A_2684 = tpu.memref_slice %arg4[%add3A_2629] : memref<131072xf32, #tpu.memory_space<hbm>> -> memref<512xf32, #tpu.memory_space<hbm>>
    %dma_wait3A_2685 = tpu.memref_slice %arg4[%add3A_2629] : memref<131072xf32, #tpu.memory_space<hbm>> -> memref<512xf32, #tpu.memory_space<hbm>>
    %dma_wait3A_2686 = arith.constant 2560 : i32
    %dma_wait3A_2687 = tpu.memref_slice %arg7[%dma_wait3A_2686] : memref<4096xf32, #tpu.memory_space<vmem>> -> memref<512xf32, #tpu.memory_space<vmem>>
    tpu.wait_dma2 semaphore(%arg8 : memref<!tpu.dma_semaphore, #tpu.memory_space<semaphore_mem>>) src(%dma_wait3A_2687 : memref<512xf32, #tpu.memory_space<vmem>>) dst(%dma_wait3A_2685 : memref<512xf32, #tpu.memory_space<hbm>>)
    %dma_wait3A_2688 = arith.constant 3072 : i32
    %dma_wait3A_2689 = tpu.memref_slice %arg7[%dma_wait3A_2688] : memref<4096xf32, #tpu.memory_space<vmem>> -> memref<512xf32, #tpu.memory_space<vmem>>
    %dma_wait3A_2690 = tpu.memref_slice %arg4[%add3A_2637] : memref<131072xf32, #tpu.memory_space<hbm>> -> memref<512xf32, #tpu.memory_space<hbm>>
    %dma_wait3A_2691 = tpu.memref_slice %arg4[%add3A_2637] : memref<131072xf32, #tpu.memory_space<hbm>> -> memref<512xf32, #tpu.memory_space<hbm>>
    %dma_wait3A_2692 = arith.constant 3072 : i32
    %dma_wait3A_2693 = tpu.memref_slice %arg7[%dma_wait3A_2692] : memref<4096xf32, #tpu.memory_space<vmem>> -> memref<512xf32, #tpu.memory_space<vmem>>
    tpu.wait_dma2 semaphore(%arg8 : memref<!tpu.dma_semaphore, #tpu.memory_space<semaphore_mem>>) src(%dma_wait3A_2693 : memref<512xf32, #tpu.memory_space<vmem>>) dst(%dma_wait3A_2691 : memref<512xf32, #tpu.memory_space<hbm>>)
    %dma_wait3A_2694 = arith.constant 3584 : i32
    %dma_wait3A_2695 = tpu.memref_slice %arg7[%dma_wait3A_2694] : memref<4096xf32, #tpu.memory_space<vmem>> -> memref<512xf32, #tpu.memory_space<vmem>>
    %dma_wait3A_2696 = tpu.memref_slice %arg4[%add3A_2645] : memref<131072xf32, #tpu.memory_space<hbm>> -> memref<512xf32, #tpu.memory_space<hbm>>
    %dma_wait3A_2697 = tpu.memref_slice %arg4[%add3A_2645] : memref<131072xf32, #tpu.memory_space<hbm>> -> memref<512xf32, #tpu.memory_space<hbm>>
    %dma_wait3A_2698 = arith.constant 3584 : i32
    %dma_wait3A_2699 = tpu.memref_slice %arg7[%dma_wait3A_2698] : memref<4096xf32, #tpu.memory_space<vmem>> -> memref<512xf32, #tpu.memory_space<vmem>>
    tpu.wait_dma2 semaphore(%arg8 : memref<!tpu.dma_semaphore, #tpu.memory_space<semaphore_mem>>) src(%dma_wait3A_2699 : memref<512xf32, #tpu.memory_space<vmem>>) dst(%dma_wait3A_2697 : memref<512xf32, #tpu.memory_space<hbm>>)
    return
  }
}

module attributes {stable_mosaic.version = 14 : i64} {
  func.func @_mlp_body(%arg0: i32, %arg1: memref<8x2048xf32, #tpu.memory_space<vmem>>, %arg2: memref<64x8xf32, #tpu.memory_space<vmem>>, %arg3: memref<64x1xf32, #tpu.memory_space<vmem>>, %arg4: memref<32x64xf32, #tpu.memory_space<vmem>>, %arg5: memref<32x1xf32, #tpu.memory_space<vmem>>, %arg6: memref<32x2048xf32, #tpu.memory_space<vmem>>) attributes {dimension_semantics = [#tpu.dimension_semantics<arbitrary>], iteration_bounds = array<i64: 8>, scalar_prefetch = 0 : i64, scratch_operands = 0 : i64, tpu.core_type = #tpu.core_type<tc>, window_params = [{transform_indices = @transform_0, window_bounds = array<i64: 8, 2048>}, {pipeline_mode = #tpu.pipeline_mode<synchronous>, transform_indices = @transform_1, window_bounds = array<i64: 64, 8>}, {pipeline_mode = #tpu.pipeline_mode<synchronous>, transform_indices = @transform_2, window_bounds = array<i64: 64, 1>}, {pipeline_mode = #tpu.pipeline_mode<synchronous>, transform_indices = @transform_3, window_bounds = array<i64: 32, 64>}, {pipeline_mode = #tpu.pipeline_mode<synchronous>, transform_indices = @transform_4, window_bounds = array<i64: 32, 1>}, {transform_indices = @transform_5, window_bounds = array<i64: 32, 2048>}]} {
    %get3A = arith.constant 0 : index
    %get3A_0 = arith.constant 0 : index
    %get3A_1 = vector.load %arg1[%get3A, %get3A_0] : memref<8x2048xf32, #tpu.memory_space<vmem>>, vector<8x2048xf32>
    %get3A_2 = arith.constant 0 : index
    %get3A_3 = arith.constant 0 : index
    %get3A_4 = vector.load %arg2[%get3A_2, %get3A_3] : memref<64x8xf32, #tpu.memory_space<vmem>>, vector<64x8xf32>
    %dot_general3A = arith.constant dense<0.000000e+00> : vector<64x2048xf32>
    %dot_general3A_5 = tpu.matmul %get3A_4, %get3A_1, %dot_general3A {dimension_numbers = #tpu.dot_dimension_numbers<[1], [0], [0], [1], [0, 0, 1, 1], [], []>, transpose_lhs_hint = false} : vector<64x8xf32>, vector<8x2048xf32>, vector<64x2048xf32> -> vector<64x2048xf32>
    %get3A_6 = arith.constant 0 : index
    %get3A_7 = arith.constant 0 : index
    %get3A_8 = vector.load %arg3[%get3A_6, %get3A_7] : memref<64x1xf32, #tpu.memory_space<vmem>>, vector<64x1xf32>
    %add3A = vector.broadcast %get3A_8 : vector<64x1xf32> to vector<64x2048xf32>
    %add3A_9 = arith.addf %dot_general3A_5, %add3A : vector<64x2048xf32>
    %max3A = arith.constant 0.000000e+00 : f32
    %max3A_10 = vector.broadcast %max3A : f32 to vector<64x2048xf32>
    %max3A_11 = arith.maximumf %add3A_9, %max3A_10 : vector<64x2048xf32>
    %get3A_12 = arith.constant 0 : index
    %get3A_13 = arith.constant 0 : index
    %get3A_14 = vector.load %arg4[%get3A_12, %get3A_13] : memref<32x64xf32, #tpu.memory_space<vmem>>, vector<32x64xf32>
    %dot_general3A_15 = arith.constant dense<0.000000e+00> : vector<32x2048xf32>
    %dot_general3A_16 = tpu.matmul %get3A_14, %max3A_11, %dot_general3A_15 {dimension_numbers = #tpu.dot_dimension_numbers<[1], [0], [0], [1], [0, 0, 1, 1], [], []>, transpose_lhs_hint = false} : vector<32x64xf32>, vector<64x2048xf32>, vector<32x2048xf32> -> vector<32x2048xf32>
    %get3A_17 = arith.constant 0 : index
    %get3A_18 = arith.constant 0 : index
    %get3A_19 = vector.load %arg5[%get3A_17, %get3A_18] : memref<32x1xf32, #tpu.memory_space<vmem>>, vector<32x1xf32>
    %add3A_20 = vector.broadcast %get3A_19 : vector<32x1xf32> to vector<32x2048xf32>
    %add3A_21 = arith.addf %dot_general3A_16, %add3A_20 : vector<32x2048xf32>
    %swap3A = arith.constant 0 : index
    %swap3A_22 = arith.constant 0 : index
    %swap3A_23 = vector.load %arg6[%swap3A, %swap3A_22] : memref<32x2048xf32, #tpu.memory_space<vmem>>, vector<32x2048xf32>
    tpu.vector_store %arg6[%swap3A, %swap3A_22], %add3A_21 {strides = array<i32>} : memref<32x2048xf32, #tpu.memory_space<vmem>>, vector<32x2048xf32>,
    return
  }
  func.func @transform_0(%arg0: i32) -> (i32, i32) {
    %c0_i32 = arith.constant 0 : i32
    %c0_i32_0 = arith.constant 0 : i32
    return %c0_i32, %arg0 : i32, i32
  }
  func.func @transform_1(%arg0: i32) -> (i32, i32) {
    %c0_i32 = arith.constant 0 : i32
    %c0_i32_0 = arith.constant 0 : i32
    %c0_i32_1 = arith.constant 0 : i32
    return %c0_i32, %c0_i32_0 : i32, i32
  }
  func.func @transform_2(%arg0: i32) -> (i32, i32) {
    %c0_i32 = arith.constant 0 : i32
    %c0_i32_0 = arith.constant 0 : i32
    %c0_i32_1 = arith.constant 0 : i32
    return %c0_i32, %c0_i32_0 : i32, i32
  }
  func.func @transform_3(%arg0: i32) -> (i32, i32) {
    %c0_i32 = arith.constant 0 : i32
    %c0_i32_0 = arith.constant 0 : i32
    %c0_i32_1 = arith.constant 0 : i32
    return %c0_i32, %c0_i32_0 : i32, i32
  }
  func.func @transform_4(%arg0: i32) -> (i32, i32) {
    %c0_i32 = arith.constant 0 : i32
    %c0_i32_0 = arith.constant 0 : i32
    %c0_i32_1 = arith.constant 0 : i32
    return %c0_i32, %c0_i32_0 : i32, i32
  }
  func.func @transform_5(%arg0: i32) -> (i32, i32) {
    %c0_i32 = arith.constant 0 : i32
    %c0_i32_0 = arith.constant 0 : i32
    return %c0_i32, %arg0 : i32, i32
  }
}

module attributes {stable_mosaic.version = 14 : i64} {
  func.func @_reformat_body(%arg0: i32, %arg1: memref<8x131072xf32, #tpu.memory_space<vmem>>, %arg2: memref<1048576xf32, #tpu.memory_space<vmem>>) attributes {dimension_semantics = [#tpu.dimension_semantics<arbitrary>], iteration_bounds = array<i64: 8>, scalar_prefetch = 0 : i64, scratch_operands = 0 : i64, tpu.core_type = #tpu.core_type<tc>, window_params = [{transform_indices = @transform_0, window_bounds = array<i64: 8, 131072>}, {transform_indices = @transform_1, window_bounds = array<i64: 1048576>}]} {
    %get3A = arith.constant 0 : index
    %get3A_0 = arith.constant 0 : index
    %get3A_1 = vector.load %arg1[%get3A, %get3A_0] : memref<8x131072xf32, #tpu.memory_space<vmem>>, vector<8x131072xf32>
    %reshape3A = vector.shape_cast %get3A_1 : vector<8x131072xf32> to vector<8x1024x128xf32>
    %transpose3A = tpu.transpose %reshape3A, [1, 0, 2] : vector<8x1024x128xf32> -> vector<1024x8x128xf32>
    %reshape3A_2 = vector.shape_cast %transpose3A : vector<1024x8x128xf32> to vector<1048576xf32>
    %swap3A = arith.constant 0 : index
    %swap3A_3 = vector.load %arg2[%swap3A] : memref<1048576xf32, #tpu.memory_space<vmem>>, vector<1048576xf32>
    tpu.vector_store %arg2[%swap3A], %reshape3A_2 {strides = array<i32>} : memref<1048576xf32, #tpu.memory_space<vmem>>, vector<1048576xf32>,
    return
  }
  func.func @transform_0(%arg0: i32) -> (i32, i32) {
    %c0_i32 = arith.constant 0 : i32
    %c0_i32_0 = arith.constant 0 : i32
    return %c0_i32, %arg0 : i32, i32
  }
  func.func @transform_1(%arg0: i32) -> i32 {
    %c0_i32 = arith.constant 0 : i32
    return %arg0 : i32
  }
}

</mosaic_0001>

<sc_bundles>
// kernel: kernel.5.cloned.1.call-start
scs
__scs_entry_jumppad:
0x0: {  	(pc) =	sbr.rel $0x88, $3  }
0x1: {  	(tag) =	ssettag $0x0;
	lr =	simm.s32 $0x1  }
0x2: {  	[smem:$0x3F9B] =	sst lr;
	_ =	strace $0xD0000000  }
0x3: {  	_ = 	snop  }
0x4: {  	_ = 	snop  }
0x5: {  	_ = 	snop  }
0x6: {  	_ = 	snop  }
0x7: {  	_ = 	snop  }
__scs_overlays_trampoline_lowered:
0x8: {  	[smem:$0x3FAA] =	sst s0  }
0x9: {  	[smem:$0x3FAB] =	sst s1  }
0xa: {  	[smem:$0x3FAC] =	sst s2  }
0xb: {  	[smem:$0x3FAD] =	sst s3  }
0xc: {  	[smem:$0x3FAE] =	sst s4  }
0xd: {  	[smem:$0x3FAF] =	sst s5  }
0xe: {  	[smem:$0x3FB0] =	sst s6  }
0xf: {  	[smem:$0x3FB1] =	sst s7  }
0x10: {  	[smem:$0x3FB2] =	sst s8  }
0x11: {  	[smem:$0x3FB3] =	sst s9;
	s0 =	simm.s32 @!p0 $0x0  }
0x12: {  	s1 =	sld [smem:$0x3F99];
	s0 =	simm.s32 @p0 $0x1  }
0x13: {  	[smem:$0x3FB4] =	sst s0;
	s0 =	simm.s32 @!p1 $0x0  }
0x14: {  	s2 =	sld [smem:$0x3F98];
	s0 =	simm.s32 @p1 $0x1  }
0x15: {  	[smem:$0x3FB5] =	sst s0;
	s0 =	simm.s32 @!p2 $0x0  }
0x16: {  	s3 =	sld [smem:$0x3FDB];
	s0 =	simm.s32 @p2 $0x1  }
0x17: {  	s4 =	simm.s32 $0x1BF5;
	[smem:$0x3FB7] =	sst s0  }
0x18: {  	s0 =	sld [smem:$0x3F9A];
	_ =	swait.ge [sflag:s4], $0x0  }
0x19: {  	s7 =	sld [smem:$0x3F9B]  }
0x1a: {  	s8 =	sadd.s32 $0xFFFFE003, lr  }
0x1b: {  	s9 =	sadd.s32 $0xFFFFFEF7, lr;
	s5 =	simm.s32 $0xFFFFFFFF;
	p2 =	slt.u32 s8, $0xFFFFF086  }
0x1c: {  	p1 =	slt.u32 s9, $0xF7A;
	s5 =	simm.s32 @!p2 $0x0  }
0x1d: {  	s5 =	simm.s32 @p1 $0x1;
	p0 =	seq.s32 s7, s2  }
0x1e: {  	s7 =	smul.u32 @!p0 $0xF7A, s2;
	p2 =	seq.s32 @!p0 s5, $0x0  }
0x1f: {  	s9 =	smul.u32 $0xF7A, s1;
	s8 =	simm.s32 @!p0 $0x1BF5;
	p2 =	por !p2, p0  }
0x20: {  	[sflag:s8] =	ssyncset.s32 @!p0 $0xFFFFF086;
	s6 =	sadd.s32 @!p0 s3, s7;
	s7 =	simm.s32 @!p0 $0x108  }
0x21: {  	s3 =	sadd.s32 s3, s9;
	s6 =	sadd.s32 @!p0 $0x88, s6;
	s7 =	simm.s32 @p2 $0x1082  }
0x22: {  	[simem:s7], [sflag:s8] =	dma.local @!p0 [hbm:s6], $0xF7A  }
0x23: {  	s9 =	sor.u32 $0xD0000000, s2;
	s6 =	simm.s32 $0x108;
	_ =	swait.ge @!p0 [sflag:s8], $0x0  }
0x24: {  	s3 =	sadd.s32 $0x88, s3;
	s6 =	simm.s32 @!p1 $0x1082;
	[sflag:s4] =	ssyncset.s32 $0xFFFFF086  }
0x25: {  	[simem:s6], [sflag:s4] =	dma.local [hbm:s3], $0xF7A  }
0x26: {  	[smem:$0x3F9B] =	sst s1;
	(tag) =	ssettag s2;
	_ =	strace s9  }
0x27: {  	s1 =	sld [smem:$0x3FAB]  }
0x28: {  	s2 =	sld [smem:$0x3FAC]  }
0x29: {  	s4 =	sld [smem:$0x3FAE]  }
0x2a: {  	p0 =	seq.s32 s5, $0x0;
	s5 =	sld [smem:$0x3FAF]  }
0x2b: {  	s6 =	sld [smem:$0x3FB0]  }
0x2c: {  	s7 =	sld [smem:$0x3FB1]  }
0x2d: {  	s3 =	simm.s32 $0x108;
	s8 =	sld [smem:$0x3FB2]  }
0x2e: {  	s3 =	simm.s32 @!p0 $0x1082;
	s9 =	sld [smem:$0x3FB3]  }
0x2f: {  	lr =	sadd.s32 s0, s3;
	s0 =	sld [smem:$0x3FAA]  }
0x30: {  	s3 =	sld [smem:$0x3FAD]  }
0x31: {  	[smem:$0x3FB6] =	sst s10  }
0x32: {  	s10 =	sld [smem:$0x3FB4];
	_ =	sdelay $0x3  }
0x33: {  	p0 =	seq.s32 s10, $0x1;
	s10 =	sld [smem:$0x3FB6];
	_ =	sdelay $0x3  }
0x34: {  	[smem:$0x3FB6] =	sst s10  }
0x35: {  	s10 =	sld [smem:$0x3FB5];
	_ =	sdelay $0x3  }
0x36: {  	p1 =	seq.s32 s10, $0x1;
	s10 =	sld [smem:$0x3FB6];
	_ =	sdelay $0x3  }
0x37: {  	[smem:$0x3FB6] =	sst s10  }
0x38: {  	s10 =	sld [smem:$0x3FB7]  }
0x39: {  	_ = 	snop;
	(pc) =	sbr.ind lr, $3  }
0x3a: {  	_ = 	snop  }
0x3b: {  	_ = 	snop  }
0x3c: {  	p2 =	seq.s32 s10, $0x1;
	s10 =	sld [smem:$0x3FB6]  }
0x3d: {  	_ =	shalt  }
0x3e: {  	_ =	shalt  }
0x3f: {  	_ =	shalt  }
0x40: {  	_ =	shalt  }
0x41: {  	_ =	shalt  }
0x42: {  	_ =	shalt  }
0x43: {  	_ =	shalt  }
0x44: {  	_ =	shalt  }
0x45: {  	_ =	shalt  }
0x46: {  	_ =	shalt  }
0x47: {  	_ =	shalt  }
0x48: {  	_ =	shalt  }
0x49: {  	_ =	shalt  }
0x4a: {  	_ =	shalt  }
0x4b: {  	_ =	shalt  }
0x4c: {  	_ =	shalt  }
0x4d: {  	_ =	shalt  }
0x4e: {  	_ =	shalt  }
0x4f: {  	_ =	shalt  }
0x50: {  	_ =	shalt  }
0x51: {  	_ =	shalt  }
0x52: {  	_ =	shalt  }
0x53: {  	_ =	shalt  }
0x54: {  	_ =	shalt  }
0x55: {  	_ =	shalt  }
0x56: {  	_ =	shalt  }
0x57: {  	_ =	shalt  }
0x58: {  	_ =	shalt  }
0x59: {  	_ =	shalt  }
0x5a: {  	_ =	shalt  }
0x5b: {  	_ =	shalt  }
0x5c: {  	_ =	shalt  }
0x5d: {  	_ =	shalt  }
0x5e: {  	_ =	shalt  }
0x5f: {  	_ =	shalt  }
0x60: {  	_ =	shalt  }
0x61: {  	_ =	shalt  }
0x62: {  	_ =	shalt  }
0x63: {  	_ =	shalt  }
0x64: {  	_ =	shalt  }
0x65: {  	_ =	shalt  }
0x66: {  	_ =	shalt  }
0x67: {  	_ =	shalt  }
0x68: {  	_ =	shalt  }
0x69: {  	_ =	shalt  }
0x6a: {  	_ =	shalt  }
0x6b: {  	_ =	shalt  }
0x6c: {  	_ =	shalt  }
0x6d: {  	_ =	shalt  }
0x6e: {  	_ =	shalt  }
0x6f: {  	_ =	shalt  }
0x70: {  	_ =	shalt  }
0x71: {  	_ =	shalt  }
0x72: {  	_ =	shalt  }
0x73: {  	_ =	shalt  }
0x74: {  	_ =	shalt  }
0x75: {  	_ =	shalt  }
0x76: {  	_ =	shalt  }
0x77: {  	_ =	shalt  }
0x78: {  	_ =	shalt  }
0x79: {  	_ =	shalt  }
0x7a: {  	_ =	shalt  }
0x7b: {  	_ =	shalt  }
0x7c: {  	_ =	shalt  }
0x7d: {  	_ =	shalt  }
0x7e: {  	_ =	shalt  }
0x7f: {  	_ =	shalt  }
0x80: {  	_ =	shalt  }
0x81: {  	_ =	shalt  }
0x82: {  	_ =	shalt  }
0x83: {  	_ =	shalt  }
0x84: {  	_ =	shalt  }
0x85: {  	_ =	shalt  }
0x86: {  	_ =	shalt  }
0x87: {  	_ =	shalt  }
.Lfunc_end0:
.L_simem_size_0:
called_computation_lowered:
.L_overlay_start_0:
0x88: {  	s2 =	sld [smem:$0x3FD9]  }
0x89: {  	s3 =	sld [smem:$0x3FFE];
	_ =	sdelay $0x1  }
0x8a: {  	s1 =	srdreg.scid  }
0x8b: {  	s0 =	sand.u32 $0x1, s1  }
0x8c: {  	s17 =	sshll.u32 s0, $0xA;
	s2 =	sadd.s32 s3, s2  }
0x8d: {  	s2 =	sadd.s32 s2, s17  }
0x8e: {  	[smem:$0x3FC2] =	sst s2  }
0x8f: {  	_ = 	snop  }
0x90: {  	s2 =	sld [smem:$0x3FC9]  }
0x91: {  	s18 =	sld [smem:$0x3FD0];
	(tm) =	ssettm $0x1  }
0x92: {  	s4 =	sld [smem:$0x3FFB];
	_ =	sdelay $0x3  }
0x93: {  	_ =	strace s4  }
0x94: {  	s4 =	sld [smem:$0x3FFC];
	_ =	sdelay $0x3  }
0x95: {  	_ =	strace s4  }
0x96: {  	s4 =	sld [smem:$0x3FFD];
	_ =	sdelay $0x3  }
0x97: {  	_ =	strace s4  }
0x98: {  	_ =	strace $0x8FFFFFFF  }
0x99: {  	s19 =	sld [smem:$0x3FDB];
	_ =	sdelay $0x1  }
0x9a: {  	s5 =	simm.s32 $_scs_section_size  }
0x9b: {  	s6 =	simm.s32 $_size__tile_overlayer_lowered;
	s7 =	simm.s32 $_tile_overlayer_lowered  }
0x9c: {  	s22 =	simm.s32 $0x1BFF;
	s21 =	sshll.u32 s7, $0x1;
	s4 =	sadd.s32 s5, s19  }
0x9d: {  	s8 =	simm.s32 $0x0;
	s20 =	sshll.u32 s6, $0x1;
	s6 =	sadd.s32 s21, s4  }
0x9e: {  	[timem:s8], [sflag:s22] =	dma.local [hbm:s6], s20  }
0x9f: {  	_ =	swait.ge [sflag:s22], s20  }
0xa0: {  	s5 =	ssub.s32 $0x0, s20;
	[sflag:s22] =	ssyncset.done $0x0  }
0xa1: {  	[sflag:s22] =	ssyncadd.s32 s5;
	_ =	sdelay $0x1  }
0xa2: {  	s23 =	simm.s32 $0x1B8B  }
0xa3: {  	_ =	swait.ge [sflag:s23], $0x1  }
0xa4: {  	[sflag:s23] =	ssyncset.done $0x0  }
0xa5: {  	s25 =	simm.s32 $0x1B8E;
	s24 =	sld [smem:$0x3FFE];
	[sflag:s23] =	ssyncadd.s32 $0xFFFFFFFF  }
0xa6: {  	s26 =	simm.s32 $execute0_lowered;
	[smem:$0x3FD2] =	sst s25  }
0xa7: {  	s6 =	sshll.u32 s26, $0x1;
	_ =	strace $0x80000046;
	[dreg:$0x1] =	wrdreg $0xFFFFFFFF  }
0xa8: {  	s28 =	simm.s32 $_size_execute0_lowered;
	s4 =	sadd.s32 s4, s6;
	[dreg:$0x0] =	wrdreg $0x0  }
0xa9: {  	s6 =	sshll.u32 s28, $0x1;
	[dreg:$0x2] =	wrdreg s4  }
0xaa: {  	[dreg:$0x3] =	wrdreg s6  }
0xab: {  	[dreg:$0x4] =	wrdreg $0xC0  }
0xac: {  	_ =	task [dreg:s8], $0x5FFFF  }
0xad: {  	[dreg:$0x1] =	wrdreg $0xFFFFFFFF  }
0xae: {  	[dreg:$0x0] =	wrdreg $0x60  }
0xaf: {  	[dreg:$0x2] =	wrdreg s2  }
0xb0: {  	[dreg:$0x3] =	wrdreg s24  }
0xb1: {  	[dreg:$0x4] =	wrdreg s18  }
0xb2: {  	[dreg:$0x5] =	wrdreg $0x9  }
0xb3: {  	_ =	task.clear_ibuf [dreg:s8], $0x6FFFF;
	_ =	strace $0x90000046  }
0xb4: {  	s29 =	simm.s32 $0x9;
	_ =	strace $0x80000048  }
0xb5: {  	_ =	swait.ge [sflag:s29], $0x1  }
0xb6: {  	[sflag:s29] =	ssyncadd.s32 $0xFFFFFFFF  }
0xb7: {  	_ =	strace $0x90000048  }
0xb8: {  	_ =	sfence  }
0xb9: {  	s30 =	sld [smem:$0x0];
	_ =	sdelay $0x2  }
0xba: {  	s31 =	sshll.u32 s1, $0xD;
	s1 =	sshrl.u32 s1, $0x2  }
0xbb: {  	s3 =	sand.u32 $0x4000, s31;
	s1 =	sadd.s32 s1, s30  }
0xbc: {  	s0 =	sor.u32 s3, s0;
	s1 =	sshll.u32 s1, $0x11  }
0xbd: {  	s0 =	sor.u32 s1, s0  }
0xbe: {  	s0 =	sadd.s32 $0x8F2B, s0  }
0xbf: {  	[sflag:s0] =	ssyncadd.remote.s32 $0x1  }
0xc0: {  	_ =	sfence.sel $0xFFFF  }
0xc1: {  	[dreg:$0x0] =	wrdreg $0xFFFFFFFF;
	(pc) =	sbr.abs _section_cstart, $3  }
0xc2: {  	[dreg:$0x1] =	wrdreg $0xFFFFFFFF  }
0xc3: {  	_ =	task.clear_ibuf [dreg:s8], $0x2FFFF;
	_ =	strace $0x9FFFFFFF  }
0xc4: {  	(tm) =	ssettm $0x7FFFFFFF  }
0xc5: {  	_ =	shalt  }
tec
execute0_lowered:
.L_overlay_start_1:
0x0: {  	(tag) =	ssettag $0x1  }
0x1: {  	s3 =	rddreg [dreg:$0x0]  }
0x2: {  	s0 =	rddreg [dreg:$0x1];
	s2 =	srdreg.scid  }
0x3: {  	s4 =	rddreg [dreg:$0x2];
	s5 =	sand.u32 $0x1, s2;
	s2 =	simm.s32 $0x0  }
0x4: {  	s8 =	simm.s32 $0x280;
	[smem:$0x7FF] =	sst s2  }
0x5: {  	s9 =	simm.s32 $0x1280;
	_ =	strace $0x80000047;
	[dreg:$0xd] =	wrdreg s8  }
0x6: {  	s10 =	simm.s32 $0x300;
	[dreg:$0xe] =	wrdreg s9  }
0x7: {  	s11 =	simm.s32 $0x1300;
	[dreg:$0xf] =	wrdreg s10  }
0x8: {  	s12 =	simm.s32 $0x380;
	[dreg:$0x10] =	wrdreg s11  }
0x9: {  	s13 =	simm.s32 $0x1380;
	[dreg:$0x11] =	wrdreg s12  }
0xa: {  	s14 =	simm.s32 $0x400;
	[dreg:$0x12] =	wrdreg s13  }
0xb: {  	s15 =	simm.s32 $0x480;
	[dreg:$0x13] =	wrdreg s14  }
0xc: {  	s16 =	simm.s32 $0x1480;
	[dreg:$0x14] =	wrdreg s15  }
0xd: {  	s17 =	simm.s32 $0x500;
	[dreg:$0x15] =	wrdreg s16  }
0xe: {  	s18 =	simm.s32 $0x1500;
	[dreg:$0x16] =	wrdreg s17  }
0xf: {  	s19 =	simm.s32 $0x580;
	[dreg:$0x17] =	wrdreg s18  }
0x10: {  	s20 =	simm.s32 $0x1580;
	[dreg:$0x18] =	wrdreg s19  }
0x11: {  	s21 =	simm.s32 $0x600;
	[dreg:$0x19] =	wrdreg s20  }
0x12: {  	s22 =	simm.s32 $0x680;
	[dreg:$0x1a] =	wrdreg s21  }
0x13: {  	[dreg:$0x1b] =	wrdreg s22;
	s8 =	simm.s32 $0x1880  }
0x14: {  	s9 =	simm.s32 $0x900;
	[smem:$0x7EC] =	sst s8  }
0x15: {  	s10 =	simm.s32 $0x1900;
	[smem:$0x7ED] =	sst s9  }
0x16: {  	s11 =	simm.s32 $0x980;
	[smem:$0x7EE] =	sst s10  }
0x17: {  	s12 =	simm.s32 $0x1980;
	[smem:$0x7EF] =	sst s11  }
0x18: {  	s13 =	simm.s32 $0xA00;
	[smem:$0x7F0] =	sst s12  }
0x19: {  	s1 =	stileid.u32;
	s14 =	simm.s32 $0xA80;
	[smem:$0x7F1] =	sst s13  }
0x1a: {  	s28 =	simm.s32 $0x1100;
	s15 =	simm.s32 $0x1A80;
	[smem:$0x7F2] =	sst s14  }
0x1b: {  	s29 =	simm.s32 $0x2100;
	s16 =	simm.s32 $0xB00;
	[smem:$0x7F3] =	sst s15  }
0x1c: {  	s30 =	simm.s32 $0x1180;
	s18 =	simm.s32 $0x1B00;
	[smem:$0x7F4] =	sst s16  }
0x1d: {  	s31 =	simm.s32 $0x2180;
	s19 =	simm.s32 $0xB80;
	[smem:$0x7F5] =	sst s18  }
0x1e: {  	s6 =	sshll.u32 s1, $0x7;
	s20 =	simm.s32 $0x1B80;
	[smem:$0x7F6] =	sst s19  }
0x1f: {  	s7 =	sshll.u32 s5, $0x6;
	s21 =	simm.s32 $0xC00;
	[smem:$0x7F7] =	sst s20  }
0x20: {  	s6 =	sor.u32 s7, s6;
	s22 =	simm.s32 $0xC80;
	[smem:$0x7F8] =	sst s21  }
0x21: {  	s7 =	sadd.s32 s3, s6;
	s3 =	sadd.s32 s4, s6;
	[smem:$0x7F9] =	sst s22  }
0x22: {  	s5 =	ssub.s32 $0x2, s5;
	[dreg:$0x4] =	wrdreg s7;
	s4 =	sadd.s32 $0x800, s3  }
0x23: {  	s17 =	sshrl.u32 s5, $0x1;
	s23 =	sadd.s32 $0x1000, s3;
	[dreg:$0x5] =	wrdreg s4  }
0x24: {  	s5 =	ssub.s32 s5, s17;
	s24 =	sadd.s32 $0x1800, s3;
	[dreg:$0x6] =	wrdreg s23  }
0x25: {  	s8 =	simm.s32 $0x1200;
	s25 =	sadd.s32 $0x2000, s3;
	[dreg:$0x7] =	wrdreg s24  }
0x26: {  	s9 =	simm.s32 $0x1400;
	s26 =	sadd.s32 $0x2800, s3;
	[dreg:$0x8] =	wrdreg s25  }
0x27: {  	s10 =	simm.s32 $0x1600;
	s1 =	sadd.s32 $0x3000, s3;
	[dreg:$0x9] =	wrdreg s26  }
0x28: {  	s11 =	simm.s32 $0x1800;
	s6 =	sadd.s32 $0x3800, s3;
	[dreg:$0xa] =	wrdreg s1  }
0x29: {  	s12 =	simm.s32 $0x1A00;
	s7 =	simm.s32 $0x200;
	[dreg:$0xb] =	wrdreg s6  }
0x2a: {  	s13 =	simm.s32 $0x1C00;
	[dreg:$0xc] =	wrdreg s7;
	s23 =	simm.s32 $0x1680  }
0x2b: {  	s16 =	simm.s32 $0x1E00;
	s24 =	simm.s32 $0x700;
	[dreg:$0x1c] =	wrdreg s23  }
0x2c: {  	s18 =	simm.s32 $0x1E80;
	s25 =	simm.s32 $0x1700;
	[dreg:$0x1d] =	wrdreg s24  }
0x2d: {  	s19 =	simm.s32 $0xF00;
	s26 =	simm.s32 $0x780;
	[dreg:$0x1e] =	wrdreg s25  }
0x2e: {  	s20 =	simm.s32 $0x1F00;
	s1 =	simm.s32 $0x1780;
	[dreg:$0x1f] =	wrdreg s26  }
0x2f: {  	s21 =	simm.s32 $0xF80;
	s6 =	simm.s32 $0x800;
	[smem:$0x7E9] =	sst s1  }
0x30: {  	s22 =	simm.s32 $0x1F80;
	s7 =	simm.s32 $0x880;
	[smem:$0x7EA] =	sst s6  }
0x31: {  	s5 =	smax.u32 s5, $0x1;
	[smem:$0x7EB] =	sst s7;
	s23 =	simm.s32 $0x1C80  }
0x32: {  	s4 =	sadd.s32 $0xC00, s0;
	s24 =	simm.s32 $0xD00;
	[smem:$0x7FA] =	sst s23  }
0x33: {  	s0 =	simm.s32 $0x1;
	s25 =	simm.s32 $0x1D00;
	[smem:$0x7FB] =	sst s24  }
0x34: {  	s6 =	simm.s32 $0x2;
	s26 =	simm.s32 $0xD80;
	[smem:$0x7FC] =	sst s25  }
0x35: {  	s7 =	simm.s32 $0x80;
	[smem:$0x7FD] =	sst s26;
	s23 =	simm.s32 $0x1000  }
0x36: {  	s24 =	simm.s32 $0x2000;
	s25 =	simm.s32 $0x1080;
	s26 =	simm.s32 $0x2080  }
.LBB2_1:
0x37: {  	s1 =	rddreg [dreg:$0x4]  }
0x38: {  	[tilespmem:s2], [sflag:$0x2] =	stream.linear.gather [hbm4b:s1+s2], $0x200, $0x38;
	[tilespmem:$0x2200] =	vst v63  }
0x39: {  	_ =	swait.ge [sflag:s6], $0x200  }
0x3a: {  	[sflag:s6] =	ssyncset.done $0x0  }
0x3b: {  	[sflag:s6] =	ssyncadd.s32 $0xFFFFFE00  }
0x3c: {  	v0 =	vld [tilespmem:$0x0]  }
0x3d: {  	v2 =	vld [tilespmem:$0x10];
	_ =	sdelay $0x3  }
0x3e: {  	v1 =	vshll.u32 v0, $0x3  }
0x3f: {  	v0 =	vand.u32 $0x7F, v0;
	v3 =	vshll.u32 v2, $0x3;
	v1 =	vand.u32 $0xFFFFFC00, v1  }
0x40: {  	v2 =	vand.u32 $0x7F, v2;
	v25 =	vand.u32 $0xFFFFFC00, v3;
	v0 =	vor.u32 v0, v1  }
0x41: {  	v26 =	vor.u32 v2, v25;
	[tilespmem:$0x200] =	vst v0  }
0x42: {  	v1 =	vor.u32 $0x80, v0;
	[tilespmem:$0x210] =	vst v26  }
0x43: {  	v20 =	vor.u32 $0x100, v0;
	[tilespmem:$0x400] =	vst v1  }
0x44: {  	v21 =	vor.u32 $0x180, v0;
	[tilespmem:$0x600] =	vst v20  }
0x45: {  	v22 =	vor.u32 $0x200, v0;
	[tilespmem:$0x800] =	vst v21  }
0x46: {  	v23 =	vor.u32 $0x280, v0;
	[tilespmem:$0xA00] =	vst v22  }
0x47: {  	v27 =	vld [tilespmem:$0x20];
	v24 =	vor.u32 $0x300, v0;
	[tilespmem:$0xC00] =	vst v23  }
0x48: {  	v0 =	vor.u32 $0x380, v0;
	[tilespmem:$0xE00] =	vst v24  }
0x49: {  	v28 =	vor.u32 $0x100, v26;
	[tilespmem:$0x1000] =	vst v0  }
0x4a: {  	v29 =	vor.u32 $0x180, v26;
	[tilespmem:$0x610] =	vst v28  }
0x4b: {  	v30 =	vor.u32 $0x200, v26;
	[tilespmem:$0x810] =	vst v29  }
0x4c: {  	v33 =	vshll.u32 v27, $0x3;
	v31 =	vor.u32 $0x280, v26;
	[tilespmem:$0xA10] =	vst v30  }
0x4d: {  	v34 =	vand.u32 $0xFFFFFC00, v33;
	v2 =	vand.u32 $0x7F, v27;
	v32 =	vor.u32 $0x300, v26;
	[tilespmem:$0xC10] =	vst v31  }
0x4e: {  	v35 =	vor.u32 v2, v34;
	[tilespmem:$0xE10] =	vst v32  }
0x4f: {  	v36 =	vld [tilespmem:$0x30];
	v1 =	vor.u32 $0x80, v26;
	[tilespmem:$0x220] =	vst v35  }
0x50: {  	v0 =	vor.u32 $0x380, v26;
	[tilespmem:$0x410] =	vst v1  }
0x51: {  	v37 =	vor.u32 $0x100, v35;
	[tilespmem:$0x1010] =	vst v0  }
0x52: {  	v38 =	vor.u32 $0x180, v35;
	[tilespmem:$0x620] =	vst v37  }
0x53: {  	v39 =	vor.u32 $0x200, v35;
	[tilespmem:$0x820] =	vst v38  }
0x54: {  	v42 =	vshll.u32 v36, $0x3;
	v40 =	vor.u32 $0x280, v35;
	[tilespmem:$0xA20] =	vst v39  }
0x55: {  	v43 =	vand.u32 $0xFFFFFC00, v42;
	v2 =	vand.u32 $0x7F, v36;
	v41 =	vor.u32 $0x300, v35;
	[tilespmem:$0xC20] =	vst v40  }
0x56: {  	v44 =	vor.u32 v2, v43;
	[tilespmem:$0xE20] =	vst v41  }
0x57: {  	v45 =	vld [tilespmem:$0x40];
	v1 =	vor.u32 $0x80, v35;
	[tilespmem:$0x230] =	vst v44  }
0x58: {  	v0 =	vor.u32 $0x380, v35;
	[tilespmem:$0x420] =	vst v1  }
0x59: {  	v46 =	vor.u32 $0x100, v44;
	[tilespmem:$0x1020] =	vst v0  }
0x5a: {  	v47 =	vor.u32 $0x180, v44;
	[tilespmem:$0x630] =	vst v46  }
0x5b: {  	v48 =	vor.u32 $0x200, v44;
	[tilespmem:$0x830] =	vst v47  }
0x5c: {  	v51 =	vshll.u32 v45, $0x3;
	v49 =	vor.u32 $0x280, v44;
	[tilespmem:$0xA30] =	vst v48  }
0x5d: {  	v52 =	vand.u32 $0xFFFFFC00, v51;
	v2 =	vand.u32 $0x7F, v45;
	v50 =	vor.u32 $0x300, v44;
	[tilespmem:$0xC30] =	vst v49  }
0x5e: {  	v53 =	vor.u32 v2, v52;
	[tilespmem:$0xE30] =	vst v50  }
0x5f: {  	v54 =	vld [tilespmem:$0x50];
	v1 =	vor.u32 $0x80, v44;
	[tilespmem:$0x240] =	vst v53  }
0x60: {  	v0 =	vor.u32 $0x380, v44;
	[tilespmem:$0x430] =	vst v1  }
0x61: {  	v55 =	vor.u32 $0x100, v53;
	[tilespmem:$0x1030] =	vst v0  }
0x62: {  	v56 =	vor.u32 $0x180, v53;
	[tilespmem:$0x640] =	vst v55  }
0x63: {  	v57 =	vor.u32 $0x200, v53;
	[tilespmem:$0x840] =	vst v56  }
0x64: {  	v60 =	vshll.u32 v54, $0x3;
	v58 =	vor.u32 $0x280, v53;
	[tilespmem:$0xA40] =	vst v57  }
0x65: {  	v61 =	vand.u32 $0xFFFFFC00, v60;
	v2 =	vand.u32 $0x7F, v54;
	v59 =	vor.u32 $0x300, v53;
	[tilespmem:$0xC40] =	vst v58  }
0x66: {  	v62 =	vor.u32 v2, v61;
	[tilespmem:$0xE40] =	vst v59  }
0x67: {  	v63 =	vld [tilespmem:$0x60];
	v1 =	vor.u32 $0x80, v53;
	[tilespmem:$0x250] =	vst v62  }
0x68: {  	v0 =	vor.u32 $0x380, v53;
	[tilespmem:$0x440] =	vst v1  }
0x69: {  	v5 =	vor.u32 $0x100, v62;
	[tilespmem:$0x1040] =	vst v0  }
0x6a: {  	v6 =	vor.u32 $0x180, v62;
	[tilespmem:$0x650] =	vst v5  }
0x6b: {  	v7 =	vor.u32 $0x200, v62;
	[tilespmem:$0x850] =	vst v6  }
0x6c: {  	v10 =	vshll.u32 v63, $0x3;
	v8 =	vor.u32 $0x280, v62;
	[tilespmem:$0xA50] =	vst v7  }
0x6d: {  	v11 =	vand.u32 $0xFFFFFC00, v10;
	v2 =	vand.u32 $0x7F, v63;
	v9 =	vor.u32 $0x300, v62;
	[tilespmem:$0xC50] =	vst v8  }
0x6e: {  	v12 =	vor.u32 v2, v11;
	[tilespmem:$0xE50] =	vst v9  }
0x6f: {  	v13 =	vld [tilespmem:$0x70];
	v1 =	vor.u32 $0x80, v62;
	[tilespmem:$0x260] =	vst v12  }
0x70: {  	v0 =	vor.u32 $0x380, v62;
	[tilespmem:$0x450] =	vst v1  }
0x71: {  	v14 =	vor.u32 $0x100, v12;
	[tilespmem:$0x1050] =	vst v0  }
0x72: {  	v15 =	vor.u32 $0x180, v12;
	[tilespmem:$0x660] =	vst v14  }
0x73: {  	v16 =	vor.u32 $0x200, v12;
	[tilespmem:$0x860] =	vst v15  }
0x74: {  	v19 =	vshll.u32 v13, $0x3;
	v17 =	vor.u32 $0x280, v12;
	[tilespmem:$0xA60] =	vst v16  }
0x75: {  	v20 =	vand.u32 $0xFFFFFC00, v19;
	v2 =	vand.u32 $0x7F, v13;
	v18 =	vor.u32 $0x300, v12;
	[tilespmem:$0xC60] =	vst v17  }
0x76: {  	v21 =	vor.u32 v2, v20;
	[tilespmem:$0xE60] =	vst v18  }
0x77: {  	v1 =	vor.u32 $0x80, v12;
	[tilespmem:$0x270] =	vst v21  }
0x78: {  	v0 =	vor.u32 $0x380, v12;
	[tilespmem:$0x460] =	vst v1  }
0x79: {  	v22 =	vld [tilespmem:$0x80];
	v23 =	vor.u32 $0x100, v21;
	[tilespmem:$0x1060] =	vst v0  }
0x7a: {  	v24 =	vor.u32 $0x180, v21;
	[tilespmem:$0x670] =	vst v23  }
0x7b: {  	v25 =	vor.u32 $0x200, v21;
	[tilespmem:$0x870] =	vst v24  }
0x7c: {  	v26 =	vor.u32 $0x280, v21;
	[tilespmem:$0xA70] =	vst v25  }
0x7d: {  	v27 =	vor.u32 $0x300, v21;
	[tilespmem:$0xC70] =	vst v26  }
0x7e: {  	v28 =	vshll.u32 v22, $0x3;
	v1 =	vor.u32 $0x80, v21;
	[tilespmem:$0xE70] =	vst v27  }
0x7f: {  	v2 =	vand.u32 $0x7F, v22;
	v0 =	vor.u32 $0x380, v21;
	v29 =	vand.u32 $0xFFFFFC00, v28;
	[tilespmem:$0x470] =	vst v1  }
0x80: {  	[tilespmem:$0x1070] =	vst v0;
	v30 =	vor.u32 v2, v29  }
0x81: {  	v31 =	vld [tilespmem:$0x90];
	[tilespmem:$0x280] =	vst v30;
	v1 =	vor.u32 $0x80, v30  }
0x82: {  	v32 =	vor.u32 $0x100, v30;
	[tilespmem:$0x480] =	vst v1  }
0x83: {  	v33 =	vor.u32 $0x180, v30;
	[tilespmem:$0x680] =	vst v32  }
0x84: {  	v34 =	vor.u32 $0x200, v30;
	[tilespmem:$0x880] =	vst v33  }
0x85: {  	v35 =	vor.u32 $0x280, v30;
	[tilespmem:$0xA80] =	vst v34  }
0x86: {  	v37 =	vshll.u32 v31, $0x3;
	v36 =	vor.u32 $0x300, v30;
	[tilespmem:$0xC80] =	vst v35  }
0x87: {  	v38 =	vand.u32 $0xFFFFFC00, v37;
	v2 =	vand.u32 $0x7F, v31;
	v0 =	vor.u32 $0x380, v30;
	[tilespmem:$0xE80] =	vst v36  }
0x88: {  	v39 =	vor.u32 v2, v38;
	[tilespmem:$0x1080] =	vst v0  }
0x89: {  	v40 =	vld [tilespmem:$0xA0];
	[tilespmem:$0x290] =	vst v39;
	v1 =	vor.u32 $0x80, v39  }
0x8a: {  	v41 =	vor.u32 $0x100, v39;
	[tilespmem:$0x490] =	vst v1  }
0x8b: {  	v42 =	vor.u32 $0x180, v39;
	[tilespmem:$0x690] =	vst v41  }
0x8c: {  	v43 =	vor.u32 $0x200, v39;
	[tilespmem:$0x890] =	vst v42  }
0x8d: {  	v44 =	vor.u32 $0x280, v39;
	[tilespmem:$0xA90] =	vst v43  }
0x8e: {  	v46 =	vshll.u32 v40, $0x3;
	v45 =	vor.u32 $0x300, v39;
	[tilespmem:$0xC90] =	vst v44  }
0x8f: {  	v47 =	vand.u32 $0xFFFFFC00, v46;
	v2 =	vand.u32 $0x7F, v40;
	v0 =	vor.u32 $0x380, v39;
	[tilespmem:$0xE90] =	vst v45  }
0x90: {  	v48 =	vor.u32 v2, v47;
	[tilespmem:$0x1090] =	vst v0  }
0x91: {  	v49 =	vld [tilespmem:$0xB0];
	[tilespmem:$0x2A0] =	vst v48;
	v1 =	vor.u32 $0x80, v48  }
0x92: {  	v50 =	vor.u32 $0x100, v48;
	[tilespmem:$0x4A0] =	vst v1  }
0x93: {  	v51 =	vor.u32 $0x180, v48;
	[tilespmem:$0x6A0] =	vst v50  }
0x94: {  	v52 =	vor.u32 $0x200, v48;
	[tilespmem:$0x8A0] =	vst v51  }
0x95: {  	v53 =	vor.u32 $0x280, v48;
	[tilespmem:$0xAA0] =	vst v52  }
0x96: {  	v55 =	vshll.u32 v49, $0x3;
	v54 =	vor.u32 $0x300, v48;
	[tilespmem:$0xCA0] =	vst v53  }
0x97: {  	v56 =	vand.u32 $0xFFFFFC00, v55;
	v2 =	vand.u32 $0x7F, v49;
	v0 =	vor.u32 $0x380, v48;
	[tilespmem:$0xEA0] =	vst v54  }
0x98: {  	v57 =	vor.u32 v2, v56;
	[tilespmem:$0x10A0] =	vst v0  }
0x99: {  	v58 =	vld [tilespmem:$0xC0];
	[tilespmem:$0x2B0] =	vst v57;
	v1 =	vor.u32 $0x80, v57  }
0x9a: {  	v59 =	vor.u32 $0x100, v57;
	[tilespmem:$0x4B0] =	vst v1  }
0x9b: {  	v60 =	vor.u32 $0x180, v57;
	[tilespmem:$0x6B0] =	vst v59  }
0x9c: {  	v61 =	vor.u32 $0x200, v57;
	[tilespmem:$0x8B0] =	vst v60  }
0x9d: {  	v62 =	vor.u32 $0x280, v57;
	[tilespmem:$0xAB0] =	vst v61  }
0x9e: {  	v6 =	vshll.u32 v58, $0x3;
	v63 =	vor.u32 $0x300, v57;
	[tilespmem:$0xCB0] =	vst v62  }
0x9f: {  	v7 =	vand.u32 $0xFFFFFC00, v6;
	v2 =	vand.u32 $0x7F, v58;
	v0 =	vor.u32 $0x380, v57;
	[tilespmem:$0xEB0] =	vst v63  }
0xa0: {  	v8 =	vor.u32 v2, v7;
	[tilespmem:$0x10B0] =	vst v0  }
0xa1: {  	v9 =	vld [tilespmem:$0xD0];
	[tilespmem:$0x2C0] =	vst v8;
	v1 =	vor.u32 $0x80, v8  }
0xa2: {  	v10 =	vor.u32 $0x100, v8;
	[tilespmem:$0x4C0] =	vst v1  }
0xa3: {  	v11 =	vor.u32 $0x180, v8;
	[tilespmem:$0x6C0] =	vst v10  }
0xa4: {  	v12 =	vor.u32 $0x200, v8;
	[tilespmem:$0x8C0] =	vst v11  }
0xa5: {  	v13 =	vor.u32 $0x280, v8;
	[tilespmem:$0xAC0] =	vst v12  }
0xa6: {  	v15 =	vshll.u32 v9, $0x3;
	v14 =	vor.u32 $0x300, v8;
	[tilespmem:$0xCC0] =	vst v13  }
0xa7: {  	v16 =	vand.u32 $0xFFFFFC00, v15;
	v2 =	vand.u32 $0x7F, v9;
	v0 =	vor.u32 $0x380, v8;
	[tilespmem:$0xEC0] =	vst v14  }
0xa8: {  	v17 =	vor.u32 v2, v16;
	[tilespmem:$0x10C0] =	vst v0  }
0xa9: {  	v18 =	vld [tilespmem:$0xE0];
	[tilespmem:$0x2D0] =	vst v17;
	v1 =	vor.u32 $0x80, v17  }
0xaa: {  	v19 =	vor.u32 $0x100, v17;
	[tilespmem:$0x4D0] =	vst v1  }
0xab: {  	v20 =	vor.u32 $0x180, v17;
	[tilespmem:$0x6D0] =	vst v19  }
0xac: {  	v21 =	vor.u32 $0x200, v17;
	[tilespmem:$0x8D0] =	vst v20  }
0xad: {  	v22 =	vor.u32 $0x280, v17;
	[tilespmem:$0xAD0] =	vst v21  }
0xae: {  	v24 =	vshll.u32 v18, $0x3;
	v23 =	vor.u32 $0x300, v17;
	[tilespmem:$0xCD0] =	vst v22  }
0xaf: {  	v25 =	vand.u32 $0xFFFFFC00, v24;
	v2 =	vand.u32 $0x7F, v18;
	v0 =	vor.u32 $0x380, v17;
	[tilespmem:$0xED0] =	vst v23  }
0xb0: {  	v26 =	vor.u32 v2, v25;
	[tilespmem:$0x10D0] =	vst v0  }
0xb1: {  	v27 =	vld [tilespmem:$0xF0];
	[tilespmem:$0x2E0] =	vst v26;
	v1 =	vor.u32 $0x80, v26  }
0xb2: {  	v28 =	vor.u32 $0x100, v26;
	[tilespmem:$0x4E0] =	vst v1  }
0xb3: {  	v29 =	vor.u32 $0x180, v26;
	[tilespmem:$0x6E0] =	vst v28  }
0xb4: {  	v30 =	vor.u32 $0x200, v26;
	[tilespmem:$0x8E0] =	vst v29  }
0xb5: {  	v31 =	vor.u32 $0x280, v26;
	[tilespmem:$0xAE0] =	vst v30  }
0xb6: {  	v33 =	vshll.u32 v27, $0x3;
	v32 =	vor.u32 $0x300, v26;
	[tilespmem:$0xCE0] =	vst v31  }
0xb7: {  	v34 =	vand.u32 $0xFFFFFC00, v33;
	v2 =	vand.u32 $0x7F, v27;
	v0 =	vor.u32 $0x380, v26;
	[tilespmem:$0xEE0] =	vst v32  }
0xb8: {  	v35 =	vor.u32 v2, v34;
	[tilespmem:$0x10E0] =	vst v0  }
0xb9: {  	v36 =	vld [tilespmem:$0x100];
	[tilespmem:$0x2F0] =	vst v35;
	v1 =	vor.u32 $0x80, v35  }
0xba: {  	v37 =	vor.u32 $0x100, v35;
	[tilespmem:$0x4F0] =	vst v1  }
0xbb: {  	v38 =	vor.u32 $0x180, v35;
	[tilespmem:$0x6F0] =	vst v37  }
0xbc: {  	v39 =	vor.u32 $0x200, v35;
	[tilespmem:$0x8F0] =	vst v38  }
0xbd: {  	v40 =	vor.u32 $0x280, v35;
	[tilespmem:$0xAF0] =	vst v39  }
0xbe: {  	v42 =	vshll.u32 v36, $0x3;
	v41 =	vor.u32 $0x300, v35;
	[tilespmem:$0xCF0] =	vst v40  }
0xbf: {  	v2 =	vand.u32 $0x7F, v36;
	v0 =	vor.u32 $0x380, v35;
	v43 =	vand.u32 $0xFFFFFC00, v42;
	[tilespmem:$0xEF0] =	vst v41  }
0xc0: {  	[tilespmem:$0x10F0] =	vst v0;
	v44 =	vor.u32 v2, v43  }
0xc1: {  	v45 =	vld [tilespmem:$0x110];
	[tilespmem:$0x300] =	vst v44;
	v1 =	vor.u32 $0x80, v44  }
0xc2: {  	v46 =	vor.u32 $0x100, v44;
	[tilespmem:$0x500] =	vst v1  }
0xc3: {  	v47 =	vor.u32 $0x180, v44;
	[tilespmem:$0x700] =	vst v46  }
0xc4: {  	v48 =	vor.u32 $0x200, v44;
	[tilespmem:$0x900] =	vst v47  }
0xc5: {  	v49 =	vor.u32 $0x280, v44;
	[tilespmem:$0xB00] =	vst v48  }
0xc6: {  	v51 =	vshll.u32 v45, $0x3;
	v50 =	vor.u32 $0x300, v44;
	[tilespmem:$0xD00] =	vst v49  }
0xc7: {  	v52 =	vand.u32 $0xFFFFFC00, v51;
	v2 =	vand.u32 $0x7F, v45;
	v0 =	vor.u32 $0x380, v44;
	[tilespmem:$0xF00] =	vst v50  }
0xc8: {  	v53 =	vor.u32 v2, v52;
	[tilespmem:$0x1100] =	vst v0  }
0xc9: {  	v54 =	vld [tilespmem:$0x120];
	[tilespmem:$0x310] =	vst v53;
	v1 =	vor.u32 $0x80, v53  }
0xca: {  	v55 =	vor.u32 $0x100, v53;
	[tilespmem:$0x510] =	vst v1  }
0xcb: {  	v56 =	vor.u32 $0x180, v53;
	[tilespmem:$0x710] =	vst v55  }
0xcc: {  	v57 =	vor.u32 $0x200, v53;
	[tilespmem:$0x910] =	vst v56  }
0xcd: {  	v58 =	vor.u32 $0x280, v53;
	[tilespmem:$0xB10] =	vst v57  }
0xce: {  	v60 =	vshll.u32 v54, $0x3;
	v59 =	vor.u32 $0x300, v53;
	[tilespmem:$0xD10] =	vst v58  }
0xcf: {  	v61 =	vand.u32 $0xFFFFFC00, v60;
	v2 =	vand.u32 $0x7F, v54;
	v0 =	vor.u32 $0x380, v53;
	[tilespmem:$0xF10] =	vst v59  }
0xd0: {  	v62 =	vor.u32 v2, v61;
	[tilespmem:$0x1110] =	vst v0  }
0xd1: {  	v63 =	vld [tilespmem:$0x130];
	[tilespmem:$0x320] =	vst v62;
	v1 =	vor.u32 $0x80, v62  }
0xd2: {  	v4 =	vor.u32 $0x100, v62;
	[tilespmem:$0x520] =	vst v1  }
0xd3: {  	v5 =	vor.u32 $0x180, v62;
	[tilespmem:$0x720] =	vst v4  }
0xd4: {  	v6 =	vor.u32 $0x200, v62;
	[tilespmem:$0x920] =	vst v5  }
0xd5: {  	v7 =	vor.u32 $0x280, v62;
	[tilespmem:$0xB20] =	vst v6  }
0xd6: {  	v9 =	vshll.u32 v63, $0x3;
	v8 =	vor.u32 $0x300, v62;
	[tilespmem:$0xD20] =	vst v7  }
0xd7: {  	v10 =	vand.u32 $0xFFFFFC00, v9;
	v2 =	vand.u32 $0x7F, v63;
	v0 =	vor.u32 $0x380, v62;
	[tilespmem:$0xF20] =	vst v8  }
0xd8: {  	v11 =	vor.u32 v2, v10;
	[tilespmem:$0x1120] =	vst v0  }
0xd9: {  	v12 =	vld [tilespmem:$0x140];
	[tilespmem:$0x330] =	vst v11;
	v1 =	vor.u32 $0x80, v11  }
0xda: {  	v13 =	vor.u32 $0x100, v11;
	[tilespmem:$0x530] =	vst v1  }
0xdb: {  	v14 =	vor.u32 $0x180, v11;
	[tilespmem:$0x730] =	vst v13  }
0xdc: {  	v15 =	vor.u32 $0x200, v11;
	[tilespmem:$0x930] =	vst v14  }
0xdd: {  	v16 =	vor.u32 $0x280, v11;
	[tilespmem:$0xB30] =	vst v15  }
0xde: {  	v18 =	vshll.u32 v12, $0x3;
	v17 =	vor.u32 $0x300, v11;
	[tilespmem:$0xD30] =	vst v16  }
0xdf: {  	v19 =	vand.u32 $0xFFFFFC00, v18;
	v2 =	vand.u32 $0x7F, v12;
	v0 =	vor.u32 $0x380, v11;
	[tilespmem:$0xF30] =	vst v17  }
0xe0: {  	v20 =	vor.u32 v2, v19;
	[tilespmem:$0x1130] =	vst v0  }
0xe1: {  	v21 =	vld [tilespmem:$0x150];
	[tilespmem:$0x340] =	vst v20;
	v1 =	vor.u32 $0x80, v20  }
0xe2: {  	v22 =	vor.u32 $0x100, v20;
	[tilespmem:$0x540] =	vst v1  }
0xe3: {  	v23 =	vor.u32 $0x180, v20;
	[tilespmem:$0x740] =	vst v22  }
0xe4: {  	v24 =	vor.u32 $0x200, v20;
	[tilespmem:$0x940] =	vst v23  }
0xe5: {  	v25 =	vor.u32 $0x280, v20;
	[tilespmem:$0xB40] =	vst v24  }
0xe6: {  	v27 =	vshll.u32 v21, $0x3;
	v26 =	vor.u32 $0x300, v20;
	[tilespmem:$0xD40] =	vst v25  }
0xe7: {  	v28 =	vand.u32 $0xFFFFFC00, v27;
	v2 =	vand.u32 $0x7F, v21;
	v0 =	vor.u32 $0x380, v20;
	[tilespmem:$0xF40] =	vst v26  }
0xe8: {  	v29 =	vor.u32 v2, v28;
	[tilespmem:$0x1140] =	vst v0  }
0xe9: {  	v30 =	vld [tilespmem:$0x160];
	[tilespmem:$0x350] =	vst v29;
	v1 =	vor.u32 $0x80, v29  }
0xea: {  	v31 =	vor.u32 $0x100, v29;
	[tilespmem:$0x550] =	vst v1  }
0xeb: {  	v32 =	vor.u32 $0x180, v29;
	[tilespmem:$0x750] =	vst v31  }
0xec: {  	v33 =	vor.u32 $0x200, v29;
	[tilespmem:$0x950] =	vst v32  }
0xed: {  	v34 =	vor.u32 $0x280, v29;
	[tilespmem:$0xB50] =	vst v33  }
0xee: {  	v36 =	vshll.u32 v30, $0x3;
	v35 =	vor.u32 $0x300, v29;
	[tilespmem:$0xD50] =	vst v34  }
0xef: {  	v37 =	vand.u32 $0xFFFFFC00, v36;
	v2 =	vand.u32 $0x7F, v30;
	v0 =	vor.u32 $0x380, v29;
	[tilespmem:$0xF50] =	vst v35  }
0xf0: {  	v38 =	vor.u32 v2, v37;
	[tilespmem:$0x1150] =	vst v0  }
0xf1: {  	v39 =	vld [tilespmem:$0x170];
	[tilespmem:$0x360] =	vst v38;
	v1 =	vor.u32 $0x80, v38  }
0xf2: {  	v40 =	vor.u32 $0x100, v38;
	[tilespmem:$0x560] =	vst v1  }
0xf3: {  	v41 =	vor.u32 $0x180, v38;
	[tilespmem:$0x760] =	vst v40  }
0xf4: {  	v42 =	vor.u32 $0x200, v38;
	[tilespmem:$0x960] =	vst v41  }
0xf5: {  	v43 =	vor.u32 $0x280, v38;
	[tilespmem:$0xB60] =	vst v42  }
0xf6: {  	v45 =	vshll.u32 v39, $0x3;
	v44 =	vor.u32 $0x300, v38;
	[tilespmem:$0xD60] =	vst v43  }
0xf7: {  	v46 =	vand.u32 $0xFFFFFC00, v45;
	v2 =	vand.u32 $0x7F, v39;
	v0 =	vor.u32 $0x380, v38;
	[tilespmem:$0xF60] =	vst v44  }
0xf8: {  	v47 =	vor.u32 v2, v46;
	[tilespmem:$0x1160] =	vst v0  }
0xf9: {  	v48 =	vld [tilespmem:$0x180];
	[tilespmem:$0x370] =	vst v47;
	v1 =	vor.u32 $0x80, v47  }
0xfa: {  	v49 =	vor.u32 $0x100, v47;
	[tilespmem:$0x570] =	vst v1  }
0xfb: {  	v50 =	vor.u32 $0x180, v47;
	[tilespmem:$0x770] =	vst v49  }
0xfc: {  	v51 =	vor.u32 $0x200, v47;
	[tilespmem:$0x970] =	vst v50  }
0xfd: {  	v52 =	vor.u32 $0x280, v47;
	[tilespmem:$0xB70] =	vst v51  }
0xfe: {  	v54 =	vshll.u32 v48, $0x3;
	v53 =	vor.u32 $0x300, v47;
	[tilespmem:$0xD70] =	vst v52  }
0xff: {  	v2 =	vand.u32 $0x7F, v48;
	v0 =	vor.u32 $0x380, v47;
	v55 =	vand.u32 $0xFFFFFC00, v54;
	[tilespmem:$0xF70] =	vst v53  }
0x100: {  	[tilespmem:$0x1170] =	vst v0;
	v56 =	vor.u32 v2, v55  }
0x101: {  	v57 =	vld [tilespmem:$0x190];
	[tilespmem:$0x380] =	vst v56;
	v1 =	vor.u32 $0x80, v56  }
0x102: {  	v58 =	vor.u32 $0x100, v56;
	[tilespmem:$0x580] =	vst v1  }
0x103: {  	v59 =	vor.u32 $0x180, v56;
	[tilespmem:$0x780] =	vst v58  }
0x104: {  	v60 =	vor.u32 $0x200, v56;
	[tilespmem:$0x980] =	vst v59  }
0x105: {  	v61 =	vor.u32 $0x280, v56;
	[tilespmem:$0xB80] =	vst v60  }
0x106: {  	v63 =	vshll.u32 v57, $0x3;
	v62 =	vor.u32 $0x300, v56;
	[tilespmem:$0xD80] =	vst v61  }
0x107: {  	v5 =	vand.u32 $0xFFFFFC00, v63;
	v2 =	vand.u32 $0x7F, v57;
	v0 =	vor.u32 $0x380, v56;
	[tilespmem:$0xF80] =	vst v62  }
0x108: {  	v6 =	vor.u32 v2, v5;
	[tilespmem:$0x1180] =	vst v0  }
0x109: {  	v7 =	vld [tilespmem:$0x1A0];
	[tilespmem:$0x390] =	vst v6;
	v1 =	vor.u32 $0x80, v6  }
0x10a: {  	v8 =	vor.u32 $0x100, v6;
	[tilespmem:$0x590] =	vst v1  }
0x10b: {  	v9 =	vor.u32 $0x180, v6;
	[tilespmem:$0x790] =	vst v8  }
0x10c: {  	v10 =	vor.u32 $0x200, v6;
	[tilespmem:$0x990] =	vst v9  }
0x10d: {  	v11 =	vor.u32 $0x280, v6;
	[tilespmem:$0xB90] =	vst v10  }
0x10e: {  	v13 =	vshll.u32 v7, $0x3;
	v12 =	vor.u32 $0x300, v6;
	[tilespmem:$0xD90] =	vst v11  }
0x10f: {  	v14 =	vand.u32 $0xFFFFFC00, v13;
	v2 =	vand.u32 $0x7F, v7;
	v0 =	vor.u32 $0x380, v6;
	[tilespmem:$0xF90] =	vst v12  }
0x110: {  	v15 =	vor.u32 v2, v14;
	[tilespmem:$0x1190] =	vst v0  }
0x111: {  	v16 =	vld [tilespmem:$0x1B0];
	[tilespmem:$0x3A0] =	vst v15;
	v1 =	vor.u32 $0x80, v15  }
0x112: {  	v17 =	vor.u32 $0x100, v15;
	[tilespmem:$0x5A0] =	vst v1  }
0x113: {  	v18 =	vor.u32 $0x180, v15;
	[tilespmem:$0x7A0] =	vst v17  }
0x114: {  	v19 =	vor.u32 $0x200, v15;
	[tilespmem:$0x9A0] =	vst v18  }
0x115: {  	v20 =	vor.u32 $0x280, v15;
	[tilespmem:$0xBA0] =	vst v19  }
0x116: {  	v22 =	vshll.u32 v16, $0x3;
	v21 =	vor.u32 $0x300, v15;
	[tilespmem:$0xDA0] =	vst v20  }
0x117: {  	v23 =	vand.u32 $0xFFFFFC00, v22;
	v2 =	vand.u32 $0x7F, v16;
	v0 =	vor.u32 $0x380, v15;
	[tilespmem:$0xFA0] =	vst v21  }
0x118: {  	v24 =	vor.u32 v2, v23;
	[tilespmem:$0x11A0] =	vst v0  }
0x119: {  	v25 =	vld [tilespmem:$0x1C0];
	[tilespmem:$0x3B0] =	vst v24;
	v1 =	vor.u32 $0x80, v24  }
0x11a: {  	v26 =	vor.u32 $0x100, v24;
	[tilespmem:$0x5B0] =	vst v1  }
0x11b: {  	v27 =	vor.u32 $0x180, v24;
	[tilespmem:$0x7B0] =	vst v26  }
0x11c: {  	v28 =	vor.u32 $0x200, v24;
	[tilespmem:$0x9B0] =	vst v27  }
0x11d: {  	v29 =	vor.u32 $0x280, v24;
	[tilespmem:$0xBB0] =	vst v28  }
0x11e: {  	v31 =	vshll.u32 v25, $0x3;
	v30 =	vor.u32 $0x300, v24;
	[tilespmem:$0xDB0] =	vst v29  }
0x11f: {  	v32 =	vand.u32 $0xFFFFFC00, v31;
	v2 =	vand.u32 $0x7F, v25;
	v0 =	vor.u32 $0x380, v24;
	[tilespmem:$0xFB0] =	vst v30  }
0x120: {  	v33 =	vor.u32 v2, v32;
	[tilespmem:$0x11B0] =	vst v0  }
0x121: {  	v34 =	vld [tilespmem:$0x1D0];
	[tilespmem:$0x3C0] =	vst v33;
	v2 =	vor.u32 $0x80, v33  }
0x122: {  	v35 =	vor.u32 $0x100, v33;
	[tilespmem:$0x5C0] =	vst v2  }
0x123: {  	v36 =	vor.u32 $0x180, v33;
	[tilespmem:$0x7C0] =	vst v35  }
0x124: {  	v37 =	vor.u32 $0x200, v33;
	[tilespmem:$0x9C0] =	vst v36  }
0x125: {  	v38 =	vor.u32 $0x280, v33;
	[tilespmem:$0xBC0] =	vst v37  }
0x126: {  	v39 =	vshll.u32 v34, $0x3;
	v40 =	vor.u32 $0x300, v33;
	[tilespmem:$0xDC0] =	vst v38  }
0x127: {  	v3 =	vand.u32 $0xFFFFFC00, v39;
	v1 =	vand.u32 $0x7F, v34;
	v0 =	vor.u32 $0x380, v33;
	[tilespmem:$0xFC0] =	vst v40  }
0x128: {  	v1 =	vor.u32 v1, v3;
	[tilespmem:$0x11C0] =	vst v0  }
0x129: {  	v42 =	vld [tilespmem:$0x1E0];
	v41 =	vor.u32 $0x80, v1;
	[tilespmem:$0x3D0] =	vst v1  }
0x12a: {  	v43 =	vor.u32 $0x100, v1;
	[tilespmem:$0x5D0] =	vst v41  }
0x12b: {  	v44 =	vor.u32 $0x180, v1;
	[tilespmem:$0x7D0] =	vst v43  }
0x12c: {  	v45 =	vor.u32 $0x200, v1;
	[tilespmem:$0x9D0] =	vst v44  }
0x12d: {  	v46 =	vor.u32 $0x280, v1;
	[tilespmem:$0xBD0] =	vst v45  }
0x12e: {  	v48 =	vshll.u32 v42, $0x3;
	v47 =	vor.u32 $0x300, v1;
	[tilespmem:$0xDD0] =	vst v46  }
0x12f: {  	v49 =	vand.u32 $0xFFFFFC00, v48;
	v2 =	vand.u32 $0x7F, v42;
	v1 =	vor.u32 $0x380, v1;
	[tilespmem:$0xFD0] =	vst v47  }
0x130: {  	v0 =	vor.u32 v2, v49;
	[tilespmem:$0x11D0] =	vst v1  }
0x131: {  	v52 =	vld [tilespmem:$0x1F0];
	v50 =	vor.u32 $0x80, v0;
	[tilespmem:$0x3E0] =	vst v0  }
0x132: {  	v51 =	vor.u32 $0x100, v0;
	[tilespmem:$0x5E0] =	vst v50  }
0x133: {  	v53 =	vor.u32 $0x180, v0;
	[tilespmem:$0x7E0] =	vst v51  }
0x134: {  	v54 =	vor.u32 $0x200, v0;
	[tilespmem:$0x9E0] =	vst v53  }
0x135: {  	v55 =	vor.u32 $0x280, v0;
	[tilespmem:$0xBE0] =	vst v54  }
0x136: {  	v57 =	vshll.u32 v52, $0x3;
	v56 =	vor.u32 $0x300, v0;
	[tilespmem:$0xDE0] =	vst v55  }
0x137: {  	v2 =	vand.u32 $0x7F, v52;
	v0 =	vor.u32 $0x380, v0;
	v1 =	vand.u32 $0xFFFFFC00, v57;
	[tilespmem:$0xFE0] =	vst v56  }
0x138: {  	[tilespmem:$0x11E0] =	vst v0;
	v58 =	vor.u32 v2, v1  }
0x139: {  	[tilespmem:$0x3F0] =	vst v58;
	v1 =	vor.u32 $0x80, v58  }
0x13a: {  	v59 =	vor.u32 $0x100, v58;
	[tilespmem:$0x5F0] =	vst v1  }
0x13b: {  	v60 =	vor.u32 $0x180, v58;
	[tilespmem:$0x7F0] =	vst v59  }
0x13c: {  	v61 =	vor.u32 $0x200, v58;
	[tilespmem:$0x9F0] =	vst v60  }
0x13d: {  	s17 =	rddreg [dreg:$0xc];
	v62 =	vor.u32 $0x280, v58;
	[tilespmem:$0xBF0] =	vst v61  }
0x13e: {  	s14 =	rddreg [dreg:$0xe];
	v63 =	vor.u32 $0x300, v58;
	[tilespmem:$0xDF0] =	vst v62  }
0x13f: {  	s15 =	rddreg [dreg:$0xd];
	v0 =	vor.u32 $0x380, v58;
	[tilespmem:$0xFF0] =	vst v63  }
0x140: {  	s1 =	rddreg [dreg:$0xf];
	[tilespmem:$0x11F0] =	vst v0  }
0x141: {  	[tilespmem:s8], [sflag:$0x1] =	stream.indirect.gather [hbm4b:s4+s7], $0x1, s17, s7, $0xb8;
	[tilespmem:$0x2200] =	vst v63  }
0x142: {  	s17 =	rddreg [dreg:$0x12]  }
0x143: {  	[tilespmem:s14], [sflag:$0x1] =	stream.indirect.gather [hbm4b:s4+s7], $0x1, s15, s7, $0xb8;
	[tilespmem:$0x2200] =	vst v63  }
0x144: {  	s14 =	rddreg [dreg:$0x10]  }
0x145: {  	s15 =	rddreg [dreg:$0x11]  }
0x146: {  	[tilespmem:s14], [sflag:$0x1] =	stream.indirect.gather [hbm4b:s4+s7], $0x1, s1, s7, $0xb8;
	[tilespmem:$0x2200] =	vst v63  }
0x147: {  	s14 =	rddreg [dreg:$0x13]  }
0x148: {  	s1 =	rddreg [dreg:$0x16]  }
0x149: {  	[tilespmem:s17], [sflag:$0x1] =	stream.indirect.gather [hbm4b:s4+s7], $0x1, s15, s7, $0xb8;
	[tilespmem:$0x2200] =	vst v63  }
0x14a: {  	s15 =	rddreg [dreg:$0x14]  }
0x14b: {  	s17 =	rddreg [dreg:$0x15]  }
0x14c: {  	[tilespmem:s9], [sflag:$0x1] =	stream.indirect.gather [hbm4b:s4+s7], $0x1, s14, s7, $0xb8;
	[tilespmem:$0x2200] =	vst v63  }
0x14d: {  	s14 =	rddreg [dreg:$0x17]  }
0x14e: {  	[tilespmem:s17], [sflag:$0x1] =	stream.indirect.gather [hbm4b:s4+s7], $0x1, s15, s7, $0xb8;
	[tilespmem:$0x2200] =	vst v63  }
0x14f: {  	s15 =	rddreg [dreg:$0x18]  }
0x150: {  	s17 =	rddreg [dreg:$0x19]  }
0x151: {  	[tilespmem:s14], [sflag:$0x1] =	stream.indirect.gather [hbm4b:s4+s7], $0x1, s1, s7, $0xb8;
	[tilespmem:$0x2200] =	vst v63  }
0x152: {  	s14 =	rddreg [dreg:$0x1a]  }
0x153: {  	s1 =	rddreg [dreg:$0x1d]  }
0x154: {  	[tilespmem:s17], [sflag:$0x1] =	stream.indirect.gather [hbm4b:s4+s7], $0x1, s15, s7, $0xb8;
	[tilespmem:$0x2200] =	vst v63  }
0x155: {  	s15 =	rddreg [dreg:$0x1b]  }
0x156: {  	s17 =	rddreg [dreg:$0x1c]  }
0x157: {  	[tilespmem:s10], [sflag:$0x1] =	stream.indirect.gather [hbm4b:s4+s7], $0x1, s14, s7, $0xb8;
	[tilespmem:$0x2200] =	vst v63  }
0x158: {  	s14 =	rddreg [dreg:$0x1e]  }
0x159: {  	[tilespmem:s17], [sflag:$0x1] =	stream.indirect.gather [hbm4b:s4+s7], $0x1, s15, s7, $0xb8;
	[tilespmem:$0x2200] =	vst v63  }
0x15a: {  	s15 =	rddreg [dreg:$0x1f]  }
0x15b: {  	s17 =	sld [smem:$0x7E9]  }
0x15c: {  	[tilespmem:s14], [sflag:$0x1] =	stream.indirect.gather [hbm4b:s4+s7], $0x1, s1, s7, $0xb8;
	[tilespmem:$0x2200] =	vst v63  }
0x15d: {  	s14 =	sld [smem:$0x7EA]  }
0x15e: {  	s1 =	sld [smem:$0x7ED]  }
0x15f: {  	[tilespmem:s17], [sflag:$0x1] =	stream.indirect.gather [hbm4b:s4+s7], $0x1, s15, s7, $0xb8;
	[tilespmem:$0x2200] =	vst v63  }
0x160: {  	s15 =	sld [smem:$0x7EB]  }
0x161: {  	s17 =	sld [smem:$0x7EC]  }
0x162: {  	[tilespmem:s11], [sflag:$0x1] =	stream.indirect.gather [hbm4b:s4+s7], $0x1, s14, s7, $0xb8;
	[tilespmem:$0x2200] =	vst v63  }
0x163: {  	s14 =	sld [smem:$0x7EE]  }
0x164: {  	[tilespmem:s17], [sflag:$0x1] =	stream.indirect.gather [hbm4b:s4+s7], $0x1, s15, s7, $0xb8;
	[tilespmem:$0x2200] =	vst v63  }
0x165: {  	s15 =	sld [smem:$0x7EF]  }
0x166: {  	s17 =	sld [smem:$0x7F0]  }
0x167: {  	[tilespmem:s14], [sflag:$0x1] =	stream.indirect.gather [hbm4b:s4+s7], $0x1, s1, s7, $0xb8;
	[tilespmem:$0x2200] =	vst v63  }
0x168: {  	s14 =	sld [smem:$0x7F1]  }
0x169: {  	s1 =	sld [smem:$0x7F4]  }
0x16a: {  	[tilespmem:s17], [sflag:$0x1] =	stream.indirect.gather [hbm4b:s4+s7], $0x1, s15, s7, $0xb8;
	[tilespmem:$0x2200] =	vst v63  }
0x16b: {  	s15 =	sld [smem:$0x7F2]  }
0x16c: {  	s17 =	sld [smem:$0x7F3]  }
0x16d: {  	[tilespmem:s12], [sflag:$0x1] =	stream.indirect.gather [hbm4b:s4+s7], $0x1, s14, s7, $0xb8;
	[tilespmem:$0x2200] =	vst v63  }
0x16e: {  	s14 =	sld [smem:$0x7F5]  }
0x16f: {  	[tilespmem:s17], [sflag:$0x1] =	stream.indirect.gather [hbm4b:s4+s7], $0x1, s15, s7, $0xb8;
	[tilespmem:$0x2200] =	vst v63  }
0x170: {  	s15 =	sld [smem:$0x7F6]  }
0x171: {  	s17 =	sld [smem:$0x7F7]  }
0x172: {  	[tilespmem:s14], [sflag:$0x1] =	stream.indirect.gather [hbm4b:s4+s7], $0x1, s1, s7, $0xb8;
	[tilespmem:$0x2200] =	vst v63  }
0x173: {  	s14 =	sld [smem:$0x7F8]  }
0x174: {  	[tilespmem:s17], [sflag:$0x1] =	stream.indirect.gather [hbm4b:s4+s7], $0x1, s15, s7, $0xb8;
	[tilespmem:$0x2200] =	vst v63  }
0x175: {  	s1 =	sld [smem:$0x7F9]  }
0x176: {  	[tilespmem:s13], [sflag:$0x1] =	stream.indirect.gather [hbm4b:s4+s7], $0x1, s14, s7, $0xb8;
	[tilespmem:$0x2200] =	vst v63  }
0x177: {  	s14 =	sld [smem:$0x7FA]  }
0x178: {  	s15 =	sld [smem:$0x7FB]  }
0x179: {  	s17 =	sld [smem:$0x7FC]  }
0x17a: {  	[tilespmem:s14], [sflag:$0x1] =	stream.indirect.gather [hbm4b:s4+s7], $0x1, s1, s7, $0xb8;
	[tilespmem:$0x2200] =	vst v63  }
0x17b: {  	s14 =	sld [smem:$0x7FD]  }
0x17c: {  	[tilespmem:s17], [sflag:$0x1] =	stream.indirect.gather [hbm4b:s4+s7], $0x1, s15, s7, $0xb8;
	[tilespmem:$0x2200] =	vst v63  }
0x17d: {  	s17 =	simm.s32 $0x1D80  }
0x17e: {  	[tilespmem:s17], [sflag:$0x1] =	stream.indirect.gather [hbm4b:s4+s7], $0x1, s14, s7, $0xb8;
	[tilespmem:$0x2200] =	vst v63  }
0x17f: {  	s15 =	simm.s32 $0xE00  }
0x180: {  	[tilespmem:s16], [sflag:$0x1] =	stream.indirect.gather [hbm4b:s4+s7], $0x1, s15, s7, $0xb8;
	[tilespmem:$0x2200] =	vst v63  }
0x181: {  	s17 =	simm.s32 $0xE80  }
0x182: {  	[tilespmem:s18], [sflag:$0x1] =	stream.indirect.gather [hbm4b:s4+s7], $0x1, s17, s7, $0xb8;
	[tilespmem:$0x2200] =	vst v63  }
0x183: {  	_ = 	snop  }
0x184: {  	[tilespmem:s20], [sflag:$0x1] =	stream.indirect.gather [hbm4b:s4+s7], $0x1, s19, s7, $0xb8;
	[tilespmem:$0x2200] =	vst v63  }
0x185: {  	_ = 	snop  }
0x186: {  	[tilespmem:s22], [sflag:$0x1] =	stream.indirect.gather [hbm4b:s4+s7], $0x1, s21, s7, $0xb8;
	[tilespmem:$0x2200] =	vst v63  }
0x187: {  	_ = 	snop  }
0x188: {  	[tilespmem:s24], [sflag:$0x1] =	stream.indirect.gather [hbm4b:s4+s7], $0x1, s23, s7, $0xb8;
	[tilespmem:$0x2200] =	vst v63  }
0x189: {  	_ = 	snop  }
0x18a: {  	[tilespmem:s26], [sflag:$0x1] =	stream.indirect.gather [hbm4b:s4+s7], $0x1, s25, s7, $0xb8;
	[tilespmem:$0x2200] =	vst v63  }
0x18b: {  	_ = 	snop  }
0x18c: {  	[tilespmem:s29], [sflag:$0x1] =	stream.indirect.gather [hbm4b:s4+s7], $0x1, s28, s7, $0xb8;
	[tilespmem:$0x2200] =	vst v63  }
0x18d: {  	_ = 	snop  }
0x18e: {  	[tilespmem:s31], [sflag:$0x1] =	stream.indirect.gather [hbm4b:s4+s7], $0x1, s30, s7, $0xb8;
	[tilespmem:$0x2200] =	vst v63  }
0x18f: {  	_ =	swait.ge [sflag:s0], $0x80  }
0x190: {  	[sflag:s0] =	ssyncset.done $0x0  }
0x191: {  	[sflag:s0] =	ssyncadd.s32 $0xFFFFFF80  }
0x192: {  	_ =	swait.ge [sflag:s0], $0x80  }
0x193: {  	[sflag:s0] =	ssyncset.done $0x0  }
0x194: {  	[sflag:s0] =	ssyncadd.s32 $0xFFFFFF80  }
0x195: {  	_ =	swait.ge [sflag:s0], $0x80  }
0x196: {  	[sflag:s0] =	ssyncset.done $0x0  }
0x197: {  	[sflag:s0] =	ssyncadd.s32 $0xFFFFFF80  }
0x198: {  	_ =	swait.ge [sflag:s0], $0x80  }
0x199: {  	[sflag:s0] =	ssyncset.done $0x0  }
0x19a: {  	[sflag:s0] =	ssyncadd.s32 $0xFFFFFF80  }
0x19b: {  	_ =	swait.ge [sflag:s0], $0x80  }
0x19c: {  	[sflag:s0] =	ssyncset.done $0x0  }
0x19d: {  	[sflag:s0] =	ssyncadd.s32 $0xFFFFFF80  }
0x19e: {  	_ =	swait.ge [sflag:s0], $0x80  }
0x19f: {  	[sflag:s0] =	ssyncset.done $0x0  }
0x1a0: {  	[sflag:s0] =	ssyncadd.s32 $0xFFFFFF80  }
0x1a1: {  	_ =	swait.ge [sflag:s0], $0x80  }
0x1a2: {  	[sflag:s0] =	ssyncset.done $0x0  }
0x1a3: {  	[sflag:s0] =	ssyncadd.s32 $0xFFFFFF80  }
0x1a4: {  	_ =	swait.ge [sflag:s0], $0x80  }
0x1a5: {  	[sflag:s0] =	ssyncset.done $0x0  }
0x1a6: {  	[sflag:s0] =	ssyncadd.s32 $0xFFFFFF80  }
0x1a7: {  	_ =	swait.ge [sflag:s0], $0x80  }
0x1a8: {  	[sflag:s0] =	ssyncset.done $0x0  }
0x1a9: {  	[sflag:s0] =	ssyncadd.s32 $0xFFFFFF80  }
0x1aa: {  	_ =	swait.ge [sflag:s0], $0x80  }
0x1ab: {  	[sflag:s0] =	ssyncset.done $0x0  }
0x1ac: {  	[sflag:s0] =	ssyncadd.s32 $0xFFFFFF80  }
0x1ad: {  	_ =	swait.ge [sflag:s0], $0x80  }
0x1ae: {  	[sflag:s0] =	ssyncset.done $0x0  }
0x1af: {  	[sflag:s0] =	ssyncadd.s32 $0xFFFFFF80  }
0x1b0: {  	_ =	swait.ge [sflag:s0], $0x80  }
0x1b1: {  	[sflag:s0] =	ssyncset.done $0x0  }
0x1b2: {  	[sflag:s0] =	ssyncadd.s32 $0xFFFFFF80  }
0x1b3: {  	_ =	swait.ge [sflag:s0], $0x80  }
0x1b4: {  	[sflag:s0] =	ssyncset.done $0x0  }
0x1b5: {  	[sflag:s0] =	ssyncadd.s32 $0xFFFFFF80  }
0x1b6: {  	_ =	swait.ge [sflag:s0], $0x80  }
0x1b7: {  	[sflag:s0] =	ssyncset.done $0x0  }
0x1b8: {  	[sflag:s0] =	ssyncadd.s32 $0xFFFFFF80  }
0x1b9: {  	_ =	swait.ge [sflag:s0], $0x80  }
0x1ba: {  	[sflag:s0] =	ssyncset.done $0x0  }
0x1bb: {  	[sflag:s0] =	ssyncadd.s32 $0xFFFFFF80  }
0x1bc: {  	_ =	swait.ge [sflag:s0], $0x80  }
0x1bd: {  	[sflag:s0] =	ssyncset.done $0x0  }
0x1be: {  	[sflag:s0] =	ssyncadd.s32 $0xFFFFFF80  }
0x1bf: {  	_ =	swait.ge [sflag:s0], $0x80  }
0x1c0: {  	[sflag:s0] =	ssyncset.done $0x0  }
0x1c1: {  	[sflag:s0] =	ssyncadd.s32 $0xFFFFFF80  }
0x1c2: {  	_ =	swait.ge [sflag:s0], $0x80  }
0x1c3: {  	[sflag:s0] =	ssyncset.done $0x0  }
0x1c4: {  	[sflag:s0] =	ssyncadd.s32 $0xFFFFFF80  }
0x1c5: {  	_ =	swait.ge [sflag:s0], $0x80  }
0x1c6: {  	[sflag:s0] =	ssyncset.done $0x0  }
0x1c7: {  	[sflag:s0] =	ssyncadd.s32 $0xFFFFFF80  }
0x1c8: {  	_ =	swait.ge [sflag:s0], $0x80  }
0x1c9: {  	[sflag:s0] =	ssyncset.done $0x0  }
0x1ca: {  	[sflag:s0] =	ssyncadd.s32 $0xFFFFFF80  }
0x1cb: {  	_ =	swait.ge [sflag:s0], $0x80  }
0x1cc: {  	[sflag:s0] =	ssyncset.done $0x0  }
0x1cd: {  	[sflag:s0] =	ssyncadd.s32 $0xFFFFFF80  }
0x1ce: {  	_ =	swait.ge [sflag:s0], $0x80  }
0x1cf: {  	[sflag:s0] =	ssyncset.done $0x0  }
0x1d0: {  	[sflag:s0] =	ssyncadd.s32 $0xFFFFFF80  }
0x1d1: {  	_ =	swait.ge [sflag:s0], $0x80  }
0x1d2: {  	[sflag:s0] =	ssyncset.done $0x0  }
0x1d3: {  	[sflag:s0] =	ssyncadd.s32 $0xFFFFFF80  }
0x1d4: {  	_ =	swait.ge [sflag:s0], $0x80  }
0x1d5: {  	[sflag:s0] =	ssyncset.done $0x0  }
0x1d6: {  	[sflag:s0] =	ssyncadd.s32 $0xFFFFFF80  }
0x1d7: {  	_ =	swait.ge [sflag:s0], $0x80  }
0x1d8: {  	[sflag:s0] =	ssyncset.done $0x0  }
0x1d9: {  	[sflag:s0] =	ssyncadd.s32 $0xFFFFFF80  }
0x1da: {  	_ =	swait.ge [sflag:s0], $0x80  }
0x1db: {  	[sflag:s0] =	ssyncset.done $0x0  }
0x1dc: {  	[sflag:s0] =	ssyncadd.s32 $0xFFFFFF80  }
0x1dd: {  	_ =	swait.ge [sflag:s0], $0x80  }
0x1de: {  	[sflag:s0] =	ssyncset.done $0x0  }
0x1df: {  	[sflag:s0] =	ssyncadd.s32 $0xFFFFFF80  }
0x1e0: {  	_ =	swait.ge [sflag:s0], $0x80  }
0x1e1: {  	[sflag:s0] =	ssyncset.done $0x0  }
0x1e2: {  	[sflag:s0] =	ssyncadd.s32 $0xFFFFFF80  }
0x1e3: {  	_ =	swait.ge [sflag:s0], $0x80  }
0x1e4: {  	[sflag:s0] =	ssyncset.done $0x0  }
0x1e5: {  	[sflag:s0] =	ssyncadd.s32 $0xFFFFFF80  }
0x1e6: {  	_ =	swait.ge [sflag:s0], $0x80  }
0x1e7: {  	[sflag:s0] =	ssyncset.done $0x0  }
0x1e8: {  	[sflag:s0] =	ssyncadd.s32 $0xFFFFFF80  }
0x1e9: {  	_ =	swait.ge [sflag:s0], $0x80  }
0x1ea: {  	[sflag:s0] =	ssyncset.done $0x0  }
0x1eb: {  	[sflag:s0] =	ssyncadd.s32 $0xFFFFFF80  }
0x1ec: {  	_ =	swait.ge [sflag:s0], $0x80  }
0x1ed: {  	[sflag:s0] =	ssyncset.done $0x0  }
0x1ee: {  	[sflag:s0] =	ssyncadd.s32 $0xFFFFFF80  }
0x1ef: {  	[hbm4b:s3+s2] =	stream.linear.scatter [tilespmem:s8], [sflag:$0x1], $0x200, $0x38;
	[tilespmem:$0x2200] =	vst v63  }
0x1f0: {  	s14 =	rddreg [dreg:$0x5]  }
0x1f1: {  	[hbm4b:s14+s2] =	stream.linear.scatter [tilespmem:s9], [sflag:$0x1], $0x200, $0x38;
	[tilespmem:$0x2200] =	vst v63  }
0x1f2: {  	s15 =	rddreg [dreg:$0x6]  }
0x1f3: {  	[hbm4b:s15+s2] =	stream.linear.scatter [tilespmem:s10], [sflag:$0x1], $0x200, $0x38;
	[tilespmem:$0x2200] =	vst v63  }
0x1f4: {  	s17 =	rddreg [dreg:$0x7]  }
0x1f5: {  	[hbm4b:s17+s2] =	stream.linear.scatter [tilespmem:s11], [sflag:$0x1], $0x200, $0x38;
	[tilespmem:$0x2200] =	vst v63  }
0x1f6: {  	s15 =	rddreg [dreg:$0x8]  }
0x1f7: {  	[hbm4b:s15+s2] =	stream.linear.scatter [tilespmem:s12], [sflag:$0x1], $0x200, $0x38;
	[tilespmem:$0x2200] =	vst v63  }
0x1f8: {  	s17 =	rddreg [dreg:$0x9]  }
0x1f9: {  	[hbm4b:s17+s2] =	stream.linear.scatter [tilespmem:s13], [sflag:$0x1], $0x200, $0x38;
	[tilespmem:$0x2200] =	vst v63  }
0x1fa: {  	s15 =	rddreg [dreg:$0xa]  }
0x1fb: {  	[hbm4b:s15+s2] =	stream.linear.scatter [tilespmem:s16], [sflag:$0x1], $0x200, $0x38;
	[tilespmem:$0x2200] =	vst v63  }
0x1fc: {  	s17 =	rddreg [dreg:$0xb]  }
0x1fd: {  	[hbm4b:s17+s2] =	stream.linear.scatter [tilespmem:s24], [sflag:$0x1], $0x200, $0x38;
	[tilespmem:$0x2200] =	vst v63  }
0x1fe: {  	_ =	swait.ge [sflag:s0], $0x200  }
0x1ff: {  	[sflag:s0] =	ssyncset.done $0x0  }
0x200: {  	[sflag:s0] =	ssyncadd.s32 $0xFFFFFE00  }
0x201: {  	_ =	swait.ge [sflag:s0], $0x200  }
0x202: {  	[sflag:s0] =	ssyncset.done $0x0  }
0x203: {  	[sflag:s0] =	ssyncadd.s32 $0xFFFFFE00  }
0x204: {  	_ =	swait.ge [sflag:s0], $0x200  }
0x205: {  	[sflag:s0] =	ssyncset.done $0x0  }
0x206: {  	[sflag:s0] =	ssyncadd.s32 $0xFFFFFE00  }
0x207: {  	_ =	swait.ge [sflag:s0], $0x200  }
0x208: {  	[sflag:s0] =	ssyncset.done $0x0  }
0x209: {  	[sflag:s0] =	ssyncadd.s32 $0xFFFFFE00  }
0x20a: {  	_ =	swait.ge [sflag:s0], $0x200  }
0x20b: {  	[sflag:s0] =	ssyncset.done $0x0  }
0x20c: {  	[sflag:s0] =	ssyncadd.s32 $0xFFFFFE00  }
0x20d: {  	_ =	swait.ge [sflag:s0], $0x200  }
0x20e: {  	[sflag:s0] =	ssyncset.done $0x0  }
0x20f: {  	[sflag:s0] =	ssyncadd.s32 $0xFFFFFE00  }
0x210: {  	p0 =	sne.s32 s5, $0x1;
	_ =	swait.ge [sflag:s0], $0x200  }
.Ltmp0:
0x211: {  	[sflag:s0] =	ssyncset.done $0x0;
	(pc) =	sbr.rel @p0 .LBB2_1-.Ltmp0, $4  }
0x212: {  	[sflag:s0] =	ssyncadd.s32 $0xFFFFFE00  }
0x213: {  	_ =	swait.ge [sflag:s0], $0x200  }
0x214: {  	[sflag:s0] =	ssyncset.done $0x0  }
0x215: {  	s5 =	sadd.s32 $0xFFFFFFFF, s5;
	[sflag:s0] =	ssyncadd.s32 $0xFFFFFE00  }
0x216: {  	_ =	sfence.sel $0x180000  }
0x217: {  	[bflag:$0x0] =	sbarrier.arrive $0xFFFF  }
0x218: {  	_ =	strace $0x90000047  }
0x219: {  	s0 =	stileid.u32;
	[bflag:$0x2] =	sbarrier.arrive $0xFFFF  }
0x21a: {  	p0 =	sne.s32 s0, $0x0;
	s0 =	rddreg [dreg:$0x3]  }
0x21b: {  	s0 =	sadd.s32 @!p0 $0x100000, s0  }
0x21c: {  	[sflag:s0] =	ssyncadd.tile.s32 @!p0 $0x1;
	_ =	shalt  }
.Lfunc_end2:
_tile_overlayer_lowered:
.L_overlay_start_2:
0x21d: {  	(tag) =	ssettag $0x2  }
0x21e: {  	s0 =	rddreg [dreg:$0x0];
	s2 =	stileid.u32  }
0x21f: {  	s1 =	rddreg [dreg:$0x1];
	p0 =	sne.s32 s2, $0x0  }
0x220: {  	s3 =	rddreg [dreg:$0x2];
	[bflag:$0x3] =	sbarrier.arrive $0xFFFF;
	s2 =	simm.s32 @!p0 $0x1C02  }
0x221: {  	[timem:s3], [sflag:s2] =	dma.local @!p0 [hbm:s0], s1  }
0x222: {  	s0 =	simm.s32 @!p0 $0x2  }
0x223: {  	_ =	swait.ge @!p0 [sflag:s0], s1  }
0x224: {  	s1 =	ssub.s32 @!p0 $0x0, s1;
	[sflag:s0] =	ssyncset.done @!p0 $0x0  }
0x225: {  	[sflag:s0] =	ssyncadd.s32 @!p0 s1  }
0x226: {  	[bflag:$0x3] =	sbarrier.arrive $0xFFFF  }
0x227: {  	_ =	shalt  }

</sc_bundles>
